<compile_context>
chip_gen: v7x
topology: tpu7x:2x2x1
jax: 0.10.2.dev20260603
libtpu: 0.0.44.dev20260713+nightly
codegen_flags: <defaults>
</compile_context>

<pallas_src>
import jax
import jax.numpy as jnp
from jax import lax
from jax.experimental import pallas as pl
from jax.experimental.pallas import tpu as pltpu
from jax.experimental.pallas import tpu_sc as plsc

_NC, _NS = 2, 16
_NW = _NC * _NS
_LANES = 16
_CR = 8
_NBUF = 7


def _sc_body(S_part, D):
    rows_per_w = S_part // _NW
    n_chunks = rows_per_w // _CR

    def body(x_hbm, p_hbm, o_hbm, *rest):
        bufx = rest[:_NBUF]
        bufp = rest[_NBUF:2 * _NBUF]
        ldsem, stsem = rest[2 * _NBUF], rest[2 * _NBUF + 1]
        wid = lax.axis_index("s") * _NC + lax.axis_index("c")
        base = wid * rows_per_w

        def load_descs(j):
            b = j % _NBUF
            off = base + j * _CR
            return (
                pltpu.make_async_copy(
                    x_hbm.at[pl.ds(off, _CR)], bufx[b], ldsem.at[b]),
                pltpu.make_async_copy(
                    p_hbm.at[pl.ds(off, _CR)], bufp[b], ldsem.at[b]),
            )

        def store_desc(j):
            b = j % _NBUF
            off = base + j * _CR
            return pltpu.make_async_copy(
                bufx[b], o_hbm.at[pl.ds(off, _CR)], stsem.at[b])

        for j in range(min(_NBUF - 1, n_chunks)):
            for d in load_descs(j):
                d.start()

        stores_waited = set()
        for j in range(n_chunks):
            b = j % _NBUF
            for d in load_descs(j):
                d.wait()

            @plsc.parallel_loop(0, _CR, step=1)
            def _(r):
                @plsc.parallel_loop(0, D, step=_LANES, unroll=8)
                def _(c):
                    plsc.addupdate(bufx[b].at[r, pl.ds(c, _LANES)],
                                   bufp[b][r, pl.ds(c, _LANES)])

            nxt = j + _NBUF - 1
            if nxt < n_chunks:
                if j >= 1:
                    store_desc(j - 1).wait()
                    stores_waited.add(j - 1)
                for d in load_descs(nxt):
                    d.start()
            store_desc(j).start()

        for j in range(n_chunks):
            if j not in stores_waited:
                store_desc(j).wait()

    return body


def _sc_add_rows(x, pos_emb, s_part):
    S, D = x.shape
    mesh = plsc.VectorSubcoreMesh(core_axis_name="c", subcore_axis_name="s")
    run = pl.kernel(
        _sc_body(s_part, D),
        out_type=jax.ShapeDtypeStruct((s_part, D), jnp.float32),
        mesh=mesh,
        scratch_types=(
            [pltpu.VMEM((_CR, D), jnp.float32) for _ in range(2 * _NBUF)]
            + [pltpu.SemaphoreType.DMA((_NBUF,)),
               pltpu.SemaphoreType.DMA((_NBUF,))]
        ),
    )
    return run(x, pos_emb)


def kernel(x, pos_emb):
    S, D = x.shape
    out = _sc_add_rows(x, pos_emb, S)
    return out.reshape(1, S, D)

# --- scband reference (transcript-rebuilt; emitter-appended) ---
"""Pipeline reference for scband-positional-encoding-87900800680449 (READ-ONLY COPY).

The authoritative reference and input builder live on the scoring server;
editing this copy changes nothing except your own understanding.
"""

import jax, jax.numpy as jnp
import numpy as np

SEQ_LEN = 8192
D_MODEL = 1024

def setup_inputs(seed: int = 0) -> dict:
    key = jax.random.key(seed)
    k1, k2 = jax.random.split(key)
    x = jax.random.normal(k1, (SEQ_LEN, D_MODEL), dtype=jnp.float32)
    # The torch module recreates nn.Embedding(seq_len, d_model) inside forward;
    # nn.Embedding weights are N(0, 1). We materialize it as a fixed param here.
    pos_emb = jax.random.normal(k2, (SEQ_LEN, D_MODEL), dtype=jnp.float32)
    return {"x": x, "pos_emb": pos_emb}

def reference(x, pos_emb):
    seq_len = x.shape[0]
    positions = jnp.arange(seq_len)[None, :]          # [1, S]
    pos = jnp.take(pos_emb, positions, axis=0)         # [1, S, D] embedding gather
    return x + pos                                     # broadcast: [S, D] + [1, S, D] -> [1, S, D]

if __name__ == "__main__":
    import jax
    _d = setup_inputs()
    print(jax.jit(kernel)(*tuple(_d.values())))

</pallas_src>

<mosaic_0001>
#map = affine_map<(d0, d1) -> (0, 0)>
module attributes {stable_mosaic.version = 14 : i64} {
  func.func @body(%arg0: i32, %arg1: i32, %arg2: memref<8192x1024xf32, #tpu.memory_space<hbm>>, %arg3: memref<8192x1024xf32, #tpu.memory_space<hbm>>, %arg4: memref<8192x1024xf32, #tpu.memory_space<hbm>>, %arg5: memref<8x1024xf32, #tpu.memory_space<vmem>>, %arg6: memref<8x1024xf32, #tpu.memory_space<vmem>>, %arg7: memref<8x1024xf32, #tpu.memory_space<vmem>>, %arg8: memref<8x1024xf32, #tpu.memory_space<vmem>>, %arg9: memref<8x1024xf32, #tpu.memory_space<vmem>>, %arg10: memref<8x1024xf32, #tpu.memory_space<vmem>>, %arg11: memref<8x1024xf32, #tpu.memory_space<vmem>>, %arg12: memref<8x1024xf32, #tpu.memory_space<vmem>>, %arg13: memref<8x1024xf32, #tpu.memory_space<vmem>>, %arg14: memref<8x1024xf32, #tpu.memory_space<vmem>>, %arg15: memref<8x1024xf32, #tpu.memory_space<vmem>>, %arg16: memref<8x1024xf32, #tpu.memory_space<vmem>>, %arg17: memref<8x1024xf32, #tpu.memory_space<vmem>>, %arg18: memref<8x1024xf32, #tpu.memory_space<vmem>>, %arg19: memref<7x!tpu.dma_semaphore, #tpu.memory_space<semaphore_mem>>, %arg20: memref<7x!tpu.dma_semaphore, #tpu.memory_space<semaphore_mem>>) attributes {dimension_semantics = [#tpu.dimension_semantics<core_parallel>, #tpu.dimension_semantics<subcore_parallel>], iteration_bounds = array<i64: 2, 16>, scalar_prefetch = 0 : i64, scratch_operands = 16 : i64, tpu.core_type = #tpu.core_type<sc_vector_subcore>, window_params = [{transform_indices = #map}, {transform_indices = #map}, {transform_indices = #map}]} {
    %mul3A = arith.constant 2 : i32
    %mul3A_0 = arith.muli %arg1, %mul3A : i32
    %add3A = arith.addi %mul3A_0, %arg0 : i32
    %mul3A_1 = arith.constant 256 : i32
    %mul3A_2 = arith.muli %add3A, %mul3A_1 : i32
    %add3A_3 = arith.constant 0 : i32
    %add3A_4 = arith.addi %mul3A_2, %add3A_3 : i32
    %dma_start3A = arith.constant 0 : i32
    %dma_start3A_5 = arith.constant 0 : i32
    %dma_start3A_6 = tpu.memref_slice %arg2[%add3A_4, %dma_start3A_5] : memref<8192x1024xf32, #tpu.memory_space<hbm>> -> memref<8x1024xf32, #tpu.memory_space<hbm>>
    %dma_start3A_7 = tpu.memref_slice %arg19[%dma_start3A] : memref<7x!tpu.dma_semaphore, #tpu.memory_space<semaphore_mem>> -> memref<1x!tpu.dma_semaphore, #tpu.memory_space<semaphore_mem>>
    %dma_start3A_8 = tpu.memref_squeeze %dma_start3A_7 : memref<1x!tpu.dma_semaphore, #tpu.memory_space<semaphore_mem>> -> memref<!tpu.dma_semaphore, #tpu.memory_space<semaphore_mem>>
    %dma_start3A_9 = arith.constant 0 : i32
    %dma_start3A_10 = tpu.memref_slice %arg2[%add3A_4, %dma_start3A_9] : memref<8192x1024xf32, #tpu.memory_space<hbm>> -> memref<8x1024xf32, #tpu.memory_space<hbm>>
    tpu.enqueue_dma source(%dma_start3A_10 : memref<8x1024xf32, #tpu.memory_space<hbm>>) target(%arg5 : memref<8x1024xf32, #tpu.memory_space<vmem>>) target_semaphore(%dma_start3A_8 : memref<!tpu.dma_semaphore, #tpu.memory_space<semaphore_mem>>)
    %dma_start3A_11 = arith.constant 0 : i32
    %dma_start3A_12 = arith.constant 0 : i32
    %dma_start3A_13 = tpu.memref_slice %arg3[%add3A_4, %dma_start3A_12] : memref<8192x1024xf32, #tpu.memory_space<hbm>> -> memref<8x1024xf32, #tpu.memory_space<hbm>>
    %dma_start3A_14 = tpu.memref_slice %arg19[%dma_start3A_11] : memref<7x!tpu.dma_semaphore, #tpu.memory_space<semaphore_mem>> -> memref<1x!tpu.dma_semaphore, #tpu.memory_space<semaphore_mem>>
    %dma_start3A_15 = tpu.memref_squeeze %dma_start3A_14 : memref<1x!tpu.dma_semaphore, #tpu.memory_space<semaphore_mem>> -> memref<!tpu.dma_semaphore, #tpu.memory_space<semaphore_mem>>
    %dma_start3A_16 = arith.constant 0 : i32
    %dma_start3A_17 = tpu.memref_slice %arg3[%add3A_4, %dma_start3A_16] : memref<8192x1024xf32, #tpu.memory_space<hbm>> -> memref<8x1024xf32, #tpu.memory_space<hbm>>
    tpu.enqueue_dma source(%dma_start3A_17 : memref<8x1024xf32, #tpu.memory_space<hbm>>) target(%arg12 : memref<8x1024xf32, #tpu.memory_space<vmem>>) target_semaphore(%dma_start3A_15 : memref<!tpu.dma_semaphore, #tpu.memory_space<semaphore_mem>>)
    %add3A_18 = arith.constant 8 : i32
    %add3A_19 = arith.addi %mul3A_2, %add3A_18 : i32
    %dma_start3A_20 = arith.constant 1 : i32
    %dma_start3A_21 = arith.constant 0 : i32
    %dma_start3A_22 = tpu.memref_slice %arg2[%add3A_19, %dma_start3A_21] : memref<8192x1024xf32, #tpu.memory_space<hbm>> -> memref<8x1024xf32, #tpu.memory_space<hbm>>
    %dma_start3A_23 = tpu.memref_slice %arg19[%dma_start3A_20] : memref<7x!tpu.dma_semaphore, #tpu.memory_space<semaphore_mem>> -> memref<1x!tpu.dma_semaphore, #tpu.memory_space<semaphore_mem>>
    %dma_start3A_24 = tpu.memref_squeeze %dma_start3A_23 : memref<1x!tpu.dma_semaphore, #tpu.memory_space<semaphore_mem>> -> memref<!tpu.dma_semaphore, #tpu.memory_space<semaphore_mem>>
    %dma_start3A_25 = arith.constant 0 : i32
    %dma_start3A_26 = tpu.memref_slice %arg2[%add3A_19, %dma_start3A_25] : memref<8192x1024xf32, #tpu.memory_space<hbm>> -> memref<8x1024xf32, #tpu.memory_space<hbm>>
    tpu.enqueue_dma source(%dma_start3A_26 : memref<8x1024xf32, #tpu.memory_space<hbm>>) target(%arg6 : memref<8x1024xf32, #tpu.memory_space<vmem>>) target_semaphore(%dma_start3A_24 : memref<!tpu.dma_semaphore, #tpu.memory_space<semaphore_mem>>)
    %dma_start3A_27 = arith.constant 1 : i32
    %dma_start3A_28 = arith.constant 0 : i32
    %dma_start3A_29 = tpu.memref_slice %arg3[%add3A_19, %dma_start3A_28] : memref<8192x1024xf32, #tpu.memory_space<hbm>> -> memref<8x1024xf32, #tpu.memory_space<hbm>>
    %dma_start3A_30 = tpu.memref_slice %arg19[%dma_start3A_27] : memref<7x!tpu.dma_semaphore, #tpu.memory_space<semaphore_mem>> -> memref<1x!tpu.dma_semaphore, #tpu.memory_space<semaphore_mem>>
    %dma_start3A_31 = tpu.memref_squeeze %dma_start3A_30 : memref<1x!tpu.dma_semaphore, #tpu.memory_space<semaphore_mem>> -> memref<!tpu.dma_semaphore, #tpu.memory_space<semaphore_mem>>
    %dma_start3A_32 = arith.constant 0 : i32
    %dma_start3A_33 = tpu.memref_slice %arg3[%add3A_19, %dma_start3A_32] : memref<8192x1024xf32, #tpu.memory_space<hbm>> -> memref<8x1024xf32, #tpu.memory_space<hbm>>
    tpu.enqueue_dma source(%dma_start3A_33 : memref<8x1024xf32, #tpu.memory_space<hbm>>) target(%arg13 : memref<8x1024xf32, #tpu.memory_space<vmem>>) target_semaphore(%dma_start3A_31 : memref<!tpu.dma_semaphore, #tpu.memory_space<semaphore_mem>>)
    %add3A_34 = arith.constant 16 : i32
    %add3A_35 = arith.addi %mul3A_2, %add3A_34 : i32
    %dma_start3A_36 = arith.constant 2 : i32
    %dma_start3A_37 = arith.constant 0 : i32
    %dma_start3A_38 = tpu.memref_slice %arg2[%add3A_35, %dma_start3A_37] : memref<8192x1024xf32, #tpu.memory_space<hbm>> -> memref<8x1024xf32, #tpu.memory_space<hbm>>
    %dma_start3A_39 = tpu.memref_slice %arg19[%dma_start3A_36] : memref<7x!tpu.dma_semaphore, #tpu.memory_space<semaphore_mem>> -> memref<1x!tpu.dma_semaphore, #tpu.memory_space<semaphore_mem>>
    %dma_start3A_40 = tpu.memref_squeeze %dma_start3A_39 : memref<1x!tpu.dma_semaphore, #tpu.memory_space<semaphore_mem>> -> memref<!tpu.dma_semaphore, #tpu.memory_space<semaphore_mem>>
    %dma_start3A_41 = arith.constant 0 : i32
    %dma_start3A_42 = tpu.memref_slice %arg2[%add3A_35, %dma_start3A_41] : memref<8192x1024xf32, #tpu.memory_space<hbm>> -> memref<8x1024xf32, #tpu.memory_space<hbm>>
    tpu.enqueue_dma source(%dma_start3A_42 : memref<8x1024xf32, #tpu.memory_space<hbm>>) target(%arg7 : memref<8x1024xf32, #tpu.memory_space<vmem>>) target_semaphore(%dma_start3A_40 : memref<!tpu.dma_semaphore, #tpu.memory_space<semaphore_mem>>)
    %dma_start3A_43 = arith.constant 2 : i32
    %dma_start3A_44 = arith.constant 0 : i32
    %dma_start3A_45 = tpu.memref_slice %arg3[%add3A_35, %dma_start3A_44] : memref<8192x1024xf32, #tpu.memory_space<hbm>> -> memref<8x1024xf32, #tpu.memory_space<hbm>>
    %dma_start3A_46 = tpu.memref_slice %arg19[%dma_start3A_43] : memref<7x!tpu.dma_semaphore, #tpu.memory_space<semaphore_mem>> -> memref<1x!tpu.dma_semaphore, #tpu.memory_space<semaphore_mem>>
    %dma_start3A_47 = tpu.memref_squeeze %dma_start3A_46 : memref<1x!tpu.dma_semaphore, #tpu.memory_space<semaphore_mem>> -> memref<!tpu.dma_semaphore, #tpu.memory_space<semaphore_mem>>
    %dma_start3A_48 = arith.constant 0 : i32
    %dma_start3A_49 = tpu.memref_slice %arg3[%add3A_35, %dma_start3A_48] : memref<8192x1024xf32, #tpu.memory_space<hbm>> -> memref<8x1024xf32, #tpu.memory_space<hbm>>
    tpu.enqueue_dma source(%dma_start3A_49 : memref<8x1024xf32, #tpu.memory_space<hbm>>) target(%arg14 : memref<8x1024xf32, #tpu.memory_space<vmem>>) target_semaphore(%dma_start3A_47 : memref<!tpu.dma_semaphore, #tpu.memory_space<semaphore_mem>>)
    %add3A_50 = arith.constant 24 : i32
    %add3A_51 = arith.addi %mul3A_2, %add3A_50 : i32
    %dma_start3A_52 = arith.constant 3 : i32
    %dma_start3A_53 = arith.constant 0 : i32
    %dma_start3A_54 = tpu.memref_slice %arg2[%add3A_51, %dma_start3A_53] : memref<8192x1024xf32, #tpu.memory_space<hbm>> -> memref<8x1024xf32, #tpu.memory_space<hbm>>
    %dma_start3A_55 = tpu.memref_slice %arg19[%dma_start3A_52] : memref<7x!tpu.dma_semaphore, #tpu.memory_space<semaphore_mem>> -> memref<1x!tpu.dma_semaphore, #tpu.memory_space<semaphore_mem>>
    %dma_start3A_56 = tpu.memref_squeeze %dma_start3A_55 : memref<1x!tpu.dma_semaphore, #tpu.memory_space<semaphore_mem>> -> memref<!tpu.dma_semaphore, #tpu.memory_space<semaphore_mem>>
    %dma_start3A_57 = arith.constant 0 : i32
    %dma_start3A_58 = tpu.memref_slice %arg2[%add3A_51, %dma_start3A_57] : memref<8192x1024xf32, #tpu.memory_space<hbm>> -> memref<8x1024xf32, #tpu.memory_space<hbm>>
    tpu.enqueue_dma source(%dma_start3A_58 : memref<8x1024xf32, #tpu.memory_space<hbm>>) target(%arg8 : memref<8x1024xf32, #tpu.memory_space<vmem>>) target_semaphore(%dma_start3A_56 : memref<!tpu.dma_semaphore, #tpu.memory_space<semaphore_mem>>)
    %dma_start3A_59 = arith.constant 3 : i32
    %dma_start3A_60 = arith.constant 0 : i32
    %dma_start3A_61 = tpu.memref_slice %arg3[%add3A_51, %dma_start3A_60] : memref<8192x1024xf32, #tpu.memory_space<hbm>> -> memref<8x1024xf32, #tpu.memory_space<hbm>>
    %dma_start3A_62 = tpu.memref_slice %arg19[%dma_start3A_59] : memref<7x!tpu.dma_semaphore, #tpu.memory_space<semaphore_mem>> -> memref<1x!tpu.dma_semaphore, #tpu.memory_space<semaphore_mem>>
    %dma_start3A_63 = tpu.memref_squeeze %dma_start3A_62 : memref<1x!tpu.dma_semaphore, #tpu.memory_space<semaphore_mem>> -> memref<!tpu.dma_semaphore, #tpu.memory_space<semaphore_mem>>
    %dma_start3A_64 = arith.constant 0 : i32
    %dma_start3A_65 = tpu.memref_slice %arg3[%add3A_51, %dma_start3A_64] : memref<8192x1024xf32, #tpu.memory_space<hbm>> -> memref<8x1024xf32, #tpu.memory_space<hbm>>
    tpu.enqueue_dma source(%dma_start3A_65 : memref<8x1024xf32, #tpu.memory_space<hbm>>) target(%arg15 : memref<8x1024xf32, #tpu.memory_space<vmem>>) target_semaphore(%dma_start3A_63 : memref<!tpu.dma_semaphore, #tpu.memory_space<semaphore_mem>>)
    %add3A_66 = arith.constant 32 : i32
    %add3A_67 = arith.addi %mul3A_2, %add3A_66 : i32
    %dma_start3A_68 = arith.constant 4 : i32
    %dma_start3A_69 = arith.constant 0 : i32
    %dma_start3A_70 = tpu.memref_slice %arg2[%add3A_67, %dma_start3A_69] : memref<8192x1024xf32, #tpu.memory_space<hbm>> -> memref<8x1024xf32, #tpu.memory_space<hbm>>
    %dma_start3A_71 = tpu.memref_slice %arg19[%dma_start3A_68] : memref<7x!tpu.dma_semaphore, #tpu.memory_space<semaphore_mem>> -> memref<1x!tpu.dma_semaphore, #tpu.memory_space<semaphore_mem>>
    %dma_start3A_72 = tpu.memref_squeeze %dma_start3A_71 : memref<1x!tpu.dma_semaphore, #tpu.memory_space<semaphore_mem>> -> memref<!tpu.dma_semaphore, #tpu.memory_space<semaphore_mem>>
    %dma_start3A_73 = arith.constant 0 : i32
    %dma_start3A_74 = tpu.memref_slice %arg2[%add3A_67, %dma_start3A_73] : memref<8192x1024xf32, #tpu.memory_space<hbm>> -> memref<8x1024xf32, #tpu.memory_space<hbm>>
    tpu.enqueue_dma source(%dma_start3A_74 : memref<8x1024xf32, #tpu.memory_space<hbm>>) target(%arg9 : memref<8x1024xf32, #tpu.memory_space<vmem>>) target_semaphore(%dma_start3A_72 : memref<!tpu.dma_semaphore, #tpu.memory_space<semaphore_mem>>)
    %dma_start3A_75 = arith.constant 4 : i32
    %dma_start3A_76 = arith.constant 0 : i32
    %dma_start3A_77 = tpu.memref_slice %arg3[%add3A_67, %dma_start3A_76] : memref<8192x1024xf32, #tpu.memory_space<hbm>> -> memref<8x1024xf32, #tpu.memory_space<hbm>>
    %dma_start3A_78 = tpu.memref_slice %arg19[%dma_start3A_75] : memref<7x!tpu.dma_semaphore, #tpu.memory_space<semaphore_mem>> -> memref<1x!tpu.dma_semaphore, #tpu.memory_space<semaphore_mem>>
    %dma_start3A_79 = tpu.memref_squeeze %dma_start3A_78 : memref<1x!tpu.dma_semaphore, #tpu.memory_space<semaphore_mem>> -> memref<!tpu.dma_semaphore, #tpu.memory_space<semaphore_mem>>
    %dma_start3A_80 = arith.constant 0 : i32
    %dma_start3A_81 = tpu.memref_slice %arg3[%add3A_67, %dma_start3A_80] : memref<8192x1024xf32, #tpu.memory_space<hbm>> -> memref<8x1024xf32, #tpu.memory_space<hbm>>
    tpu.enqueue_dma source(%dma_start3A_81 : memref<8x1024xf32, #tpu.memory_space<hbm>>) target(%arg16 : memref<8x1024xf32, #tpu.memory_space<vmem>>) target_semaphore(%dma_start3A_79 : memref<!tpu.dma_semaphore, #tpu.memory_space<semaphore_mem>>)
    %add3A_82 = arith.constant 40 : i32
    %add3A_83 = arith.addi %mul3A_2, %add3A_82 : i32
    %dma_start3A_84 = arith.constant 5 : i32
    %dma_start3A_85 = arith.constant 0 : i32
    %dma_start3A_86 = tpu.memref_slice %arg2[%add3A_83, %dma_start3A_85] : memref<8192x1024xf32, #tpu.memory_space<hbm>> -> memref<8x1024xf32, #tpu.memory_space<hbm>>
    %dma_start3A_87 = tpu.memref_slice %arg19[%dma_start3A_84] : memref<7x!tpu.dma_semaphore, #tpu.memory_space<semaphore_mem>> -> memref<1x!tpu.dma_semaphore, #tpu.memory_space<semaphore_mem>>
    %dma_start3A_88 = tpu.memref_squeeze %dma_start3A_87 : memref<1x!tpu.dma_semaphore, #tpu.memory_space<semaphore_mem>> -> memref<!tpu.dma_semaphore, #tpu.memory_space<semaphore_mem>>
    %dma_start3A_89 = arith.constant 0 : i32
    %dma_start3A_90 = tpu.memref_slice %arg2[%add3A_83, %dma_start3A_89] : memref<8192x1024xf32, #tpu.memory_space<hbm>> -> memref<8x1024xf32, #tpu.memory_space<hbm>>
    tpu.enqueue_dma source(%dma_start3A_90 : memref<8x1024xf32, #tpu.memory_space<hbm>>) target(%arg10 : memref<8x1024xf32, #tpu.memory_space<vmem>>) target_semaphore(%dma_start3A_88 : memref<!tpu.dma_semaphore, #tpu.memory_space<semaphore_mem>>)
    %dma_start3A_91 = arith.constant 5 : i32
    %dma_start3A_92 = arith.constant 0 : i32
    %dma_start3A_93 = tpu.memref_slice %arg3[%add3A_83, %dma_start3A_92] : memref<8192x1024xf32, #tpu.memory_space<hbm>> -> memref<8x1024xf32, #tpu.memory_space<hbm>>
    %dma_start3A_94 = tpu.memref_slice %arg19[%dma_start3A_91] : memref<7x!tpu.dma_semaphore, #tpu.memory_space<semaphore_mem>> -> memref<1x!tpu.dma_semaphore, #tpu.memory_space<semaphore_mem>>
    %dma_start3A_95 = tpu.memref_squeeze %dma_start3A_94 : memref<1x!tpu.dma_semaphore, #tpu.memory_space<semaphore_mem>> -> memref<!tpu.dma_semaphore, #tpu.memory_space<semaphore_mem>>
    %dma_start3A_96 = arith.constant 0 : i32
    %dma_start3A_97 = tpu.memref_slice %arg3[%add3A_83, %dma_start3A_96] : memref<8192x1024xf32, #tpu.memory_space<hbm>> -> memref<8x1024xf32, #tpu.memory_space<hbm>>
    tpu.enqueue_dma source(%dma_start3A_97 : memref<8x1024xf32, #tpu.memory_space<hbm>>) target(%arg17 : memref<8x1024xf32, #tpu.memory_space<vmem>>) target_semaphore(%dma_start3A_95 : memref<!tpu.dma_semaphore, #tpu.memory_space<semaphore_mem>>)
    %add3A_98 = arith.constant 0 : i32
    %add3A_99 = arith.addi %mul3A_2, %add3A_98 : i32
    %dma_wait3A = arith.constant 0 : i32
    %dma_wait3A_100 = arith.constant 0 : i32
    %dma_wait3A_101 = tpu.memref_slice %arg2[%add3A_99, %dma_wait3A_100] : memref<8192x1024xf32, #tpu.memory_space<hbm>> -> memref<8x1024xf32, #tpu.memory_space<hbm>>
    %dma_wait3A_102 = tpu.memref_slice %arg19[%dma_wait3A] : memref<7x!tpu.dma_semaphore, #tpu.memory_space<semaphore_mem>> -> memref<1x!tpu.dma_semaphore, #tpu.memory_space<semaphore_mem>>
    %dma_wait3A_103 = tpu.memref_squeeze %dma_wait3A_102 : memref<1x!tpu.dma_semaphore, #tpu.memory_space<semaphore_mem>> -> memref<!tpu.dma_semaphore, #tpu.memory_space<semaphore_mem>>
    %dma_wait3A_104 = arith.constant 0 : i32
    %dma_wait3A_105 = tpu.memref_slice %arg2[%add3A_99, %dma_wait3A_104] : memref<8192x1024xf32, #tpu.memory_space<hbm>> -> memref<8x1024xf32, #tpu.memory_space<hbm>>
    tpu.wait_dma2 semaphore(%dma_wait3A_103 : memref<!tpu.dma_semaphore, #tpu.memory_space<semaphore_mem>>) src(%dma_wait3A_105 : memref<8x1024xf32, #tpu.memory_space<hbm>>) dst(%arg5 : memref<8x1024xf32, #tpu.memory_space<vmem>>)
    %dma_wait3A_106 = arith.constant 0 : i32
    %dma_wait3A_107 = arith.constant 0 : i32
    %dma_wait3A_108 = tpu.memref_slice %arg3[%add3A_99, %dma_wait3A_107] : memref<8192x1024xf32, #tpu.memory_space<hbm>> -> memref<8x1024xf32, #tpu.memory_space<hbm>>
    %dma_wait3A_109 = tpu.memref_slice %arg19[%dma_wait3A_106] : memref<7x!tpu.dma_semaphore, #tpu.memory_space<semaphore_mem>> -> memref<1x!tpu.dma_semaphore, #tpu.memory_space<semaphore_mem>>
    %dma_wait3A_110 = tpu.memref_squeeze %dma_wait3A_109 : memref<1x!tpu.dma_semaphore, #tpu.memory_space<semaphore_mem>> -> memref<!tpu.dma_semaphore, #tpu.memory_space<semaphore_mem>>
    %dma_wait3A_111 = arith.constant 0 : i32
    %dma_wait3A_112 = tpu.memref_slice %arg3[%add3A_99, %dma_wait3A_111] : memref<8192x1024xf32, #tpu.memory_space<hbm>> -> memref<8x1024xf32, #tpu.memory_space<hbm>>
    tpu.wait_dma2 semaphore(%dma_wait3A_110 : memref<!tpu.dma_semaphore, #tpu.memory_space<semaphore_mem>>) src(%dma_wait3A_112 : memref<8x1024xf32, #tpu.memory_space<hbm>>) dst(%arg12 : memref<8x1024xf32, #tpu.memory_space<vmem>>)
    %parallel_loop3A = arith.constant 0 : i32
    %parallel_loop3A_113 = arith.constant 8 : i32
    %parallel_loop3A_114 = arith.constant 1 : i32
    scf.for %parallel_loop3A_1696 = %parallel_loop3A to %parallel_loop3A_113 step %parallel_loop3A_114  : i32 {
      %parallel_loop3A_1697 = arith.constant 0 : i32
      %parallel_loop3A_1698 = arith.constant 1024 : i32
      %parallel_loop3A_1699 = arith.constant 16 : i32
      scf.for %parallel_loop3A_1700 = %parallel_loop3A_1697 to %parallel_loop3A_1698 step %parallel_loop3A_1699  : i32 {
        %parallel_loop3A_1701 = arith.index_cast %parallel_loop3A_1696 : i32 to index
        %parallel_loop3A_1702 = arith.index_cast %parallel_loop3A_1700 : i32 to index
        %parallel_loop3A_1703 = tpu.vector_load %arg12[%parallel_loop3A_1701, %parallel_loop3A_1702] {strides = array<i32>} : memref<8x1024xf32, #tpu.memory_space<vmem>>, vector<1x16xf32>,
        %parallel_loop3A_1704 = vector.shape_cast %parallel_loop3A_1703 : vector<1x16xf32> to vector<16xf32>
        %parallel_loop3A_1705 = arith.index_cast %parallel_loop3A_1696 : i32 to index
        %parallel_loop3A_1706 = arith.index_cast %parallel_loop3A_1700 : i32 to index
        %parallel_loop3A_1707 = tpu.vector_load %arg5[%parallel_loop3A_1705, %parallel_loop3A_1706] {strides = array<i32>} : memref<8x1024xf32, #tpu.memory_space<vmem>>, vector<1x16xf32>,
        %parallel_loop3A_1708 = vector.shape_cast %parallel_loop3A_1707 : vector<1x16xf32> to vector<16xf32>
        %parallel_loop3A_1709 = vector.shape_cast %parallel_loop3A_1704 : vector<16xf32> to vector<1x16xf32>
        tpu.vector_store %arg5[%parallel_loop3A_1705, %parallel_loop3A_1706], %parallel_loop3A_1709 {add = true, strides = array<i32>} : memref<8x1024xf32, #tpu.memory_space<vmem>>, vector<1x16xf32>,
      } {sc.loop_unroll_factor = 8 : i64, sc.parallel_access}
    } {sc.loop_unroll_factor = 1 : i64, sc.parallel_access}
    %add3A_115 = arith.constant 48 : i32
    %add3A_116 = arith.addi %mul3A_2, %add3A_115 : i32
    %dma_start3A_117 = arith.constant 6 : i32
    %dma_start3A_118 = arith.constant 0 : i32
    %dma_start3A_119 = tpu.memref_slice %arg2[%add3A_116, %dma_start3A_118] : memref<8192x1024xf32, #tpu.memory_space<hbm>> -> memref<8x1024xf32, #tpu.memory_space<hbm>>
    %dma_start3A_120 = tpu.memref_slice %arg19[%dma_start3A_117] : memref<7x!tpu.dma_semaphore, #tpu.memory_space<semaphore_mem>> -> memref<1x!tpu.dma_semaphore, #tpu.memory_space<semaphore_mem>>
    %dma_start3A_121 = tpu.memref_squeeze %dma_start3A_120 : memref<1x!tpu.dma_semaphore, #tpu.memory_space<semaphore_mem>> -> memref<!tpu.dma_semaphore, #tpu.memory_space<semaphore_mem>>
    %dma_start3A_122 = arith.constant 0 : i32
    %dma_start3A_123 = tpu.memref_slice %arg2[%add3A_116, %dma_start3A_122] : memref<8192x1024xf32, #tpu.memory_space<hbm>> -> memref<8x1024xf32, #tpu.memory_space<hbm>>
    tpu.enqueue_dma source(%dma_start3A_123 : memref<8x1024xf32, #tpu.memory_space<hbm>>) target(%arg11 : memref<8x1024xf32, #tpu.memory_space<vmem>>) target_semaphore(%dma_start3A_121 : memref<!tpu.dma_semaphore, #tpu.memory_space<semaphore_mem>>)
    %dma_start3A_124 = arith.constant 6 : i32
    %dma_start3A_125 = arith.constant 0 : i32
    %dma_start3A_126 = tpu.memref_slice %arg3[%add3A_116, %dma_start3A_125] : memref<8192x1024xf32, #tpu.memory_space<hbm>> -> memref<8x1024xf32, #tpu.memory_space<hbm>>
    %dma_start3A_127 = tpu.memref_slice %arg19[%dma_start3A_124] : memref<7x!tpu.dma_semaphore, #tpu.memory_space<semaphore_mem>> -> memref<1x!tpu.dma_semaphore, #tpu.memory_space<semaphore_mem>>
    %dma_start3A_128 = tpu.memref_squeeze %dma_start3A_127 : memref<1x!tpu.dma_semaphore, #tpu.memory_space<semaphore_mem>> -> memref<!tpu.dma_semaphore, #tpu.memory_space<semaphore_mem>>
    %dma_start3A_129 = arith.constant 0 : i32
    %dma_start3A_130 = tpu.memref_slice %arg3[%add3A_116, %dma_start3A_129] : memref<8192x1024xf32, #tpu.memory_space<hbm>> -> memref<8x1024xf32, #tpu.memory_space<hbm>>
    tpu.enqueue_dma source(%dma_start3A_130 : memref<8x1024xf32, #tpu.memory_space<hbm>>) target(%arg18 : memref<8x1024xf32, #tpu.memory_space<vmem>>) target_semaphore(%dma_start3A_128 : memref<!tpu.dma_semaphore, #tpu.memory_space<semaphore_mem>>)
    %add3A_131 = arith.constant 0 : i32
    %add3A_132 = arith.addi %mul3A_2, %add3A_131 : i32
    %dma_start3A_133 = arith.constant 0 : i32
    %dma_start3A_134 = arith.constant 0 : i32
    %dma_start3A_135 = tpu.memref_slice %arg4[%add3A_132, %dma_start3A_134] : memref<8192x1024xf32, #tpu.memory_space<hbm>> -> memref<8x1024xf32, #tpu.memory_space<hbm>>
    %dma_start3A_136 = tpu.memref_slice %arg20[%dma_start3A_133] : memref<7x!tpu.dma_semaphore, #tpu.memory_space<semaphore_mem>> -> memref<1x!tpu.dma_semaphore, #tpu.memory_space<semaphore_mem>>
    %dma_start3A_137 = tpu.memref_squeeze %dma_start3A_136 : memref<1x!tpu.dma_semaphore, #tpu.memory_space<semaphore_mem>> -> memref<!tpu.dma_semaphore, #tpu.memory_space<semaphore_mem>>
    %dma_start3A_138 = arith.constant 0 : i32
    %dma_start3A_139 = tpu.memref_slice %arg4[%add3A_132, %dma_start3A_138] : memref<8192x1024xf32, #tpu.memory_space<hbm>> -> memref<8x1024xf32, #tpu.memory_space<hbm>>
    tpu.enqueue_dma source(%arg5 : memref<8x1024xf32, #tpu.memory_space<vmem>>) target(%dma_start3A_139 : memref<8x1024xf32, #tpu.memory_space<hbm>>) target_semaphore(%dma_start3A_137 : memref<!tpu.dma_semaphore, #tpu.memory_space<semaphore_mem>>)
    %add3A_140 = arith.constant 8 : i32
    %add3A_141 = arith.addi %mul3A_2, %add3A_140 : i32
    %dma_wait3A_142 = arith.constant 1 : i32
    %dma_wait3A_143 = arith.constant 0 : i32
    %dma_wait3A_144 = tpu.memref_slice %arg2[%add3A_141, %dma_wait3A_143] : memref<8192x1024xf32, #tpu.memory_space<hbm>> -> memref<8x1024xf32, #tpu.memory_space<hbm>>
    %dma_wait3A_145 = tpu.memref_slice %arg19[%dma_wait3A_142] : memref<7x!tpu.dma_semaphore, #tpu.memory_space<semaphore_mem>> -> memref<1x!tpu.dma_semaphore, #tpu.memory_space<semaphore_mem>>
    %dma_wait3A_146 = tpu.memref_squeeze %dma_wait3A_145 : memref<1x!tpu.dma_semaphore, #tpu.memory_space<semaphore_mem>> -> memref<!tpu.dma_semaphore, #tpu.memory_space<semaphore_mem>>
    %dma_wait3A_147 = arith.constant 0 : i32
    %dma_wait3A_148 = tpu.memref_slice %arg2[%add3A_141, %dma_wait3A_147] : memref<8192x1024xf32, #tpu.memory_space<hbm>> -> memref<8x1024xf32, #tpu.memory_space<hbm>>
    tpu.wait_dma2 semaphore(%dma_wait3A_146 : memref<!tpu.dma_semaphore, #tpu.memory_space<semaphore_mem>>) src(%dma_wait3A_148 : memref<8x1024xf32, #tpu.memory_space<hbm>>) dst(%arg6 : memref<8x1024xf32, #tpu.memory_space<vmem>>)
    %dma_wait3A_149 = arith.constant 1 : i32
    %dma_wait3A_150 = arith.constant 0 : i32
    %dma_wait3A_151 = tpu.memref_slice %arg3[%add3A_141, %dma_wait3A_150] : memref<8192x1024xf32, #tpu.memory_space<hbm>> -> memref<8x1024xf32, #tpu.memory_space<hbm>>
    %dma_wait3A_152 = tpu.memref_slice %arg19[%dma_wait3A_149] : memref<7x!tpu.dma_semaphore, #tpu.memory_space<semaphore_mem>> -> memref<1x!tpu.dma_semaphore, #tpu.memory_space<semaphore_mem>>
    %dma_wait3A_153 = tpu.memref_squeeze %dma_wait3A_152 : memref<1x!tpu.dma_semaphore, #tpu.memory_space<semaphore_mem>> -> memref<!tpu.dma_semaphore, #tpu.memory_space<semaphore_mem>>
    %dma_wait3A_154 = arith.constant 0 : i32
    %dma_wait3A_155 = tpu.memref_slice %arg3[%add3A_141, %dma_wait3A_154] : memref<8192x1024xf32, #tpu.memory_space<hbm>> -> memref<8x1024xf32, #tpu.memory_space<hbm>>
    tpu.wait_dma2 semaphore(%dma_wait3A_153 : memref<!tpu.dma_semaphore, #tpu.memory_space<semaphore_mem>>) src(%dma_wait3A_155 : memref<8x1024xf32, #tpu.memory_space<hbm>>) dst(%arg13 : memref<8x1024xf32, #tpu.memory_space<vmem>>)
    %parallel_loop3A_156 = arith.constant 0 : i32
    %parallel_loop3A_157 = arith.constant 8 : i32
    %parallel_loop3A_158 = arith.constant 1 : i32
    scf.for %parallel_loop3A_1696 = %parallel_loop3A_156 to %parallel_loop3A_157 step %parallel_loop3A_158  : i32 {
      %parallel_loop3A_1697 = arith.constant 0 : i32
      %parallel_loop3A_1698 = arith.constant 1024 : i32
      %parallel_loop3A_1699 = arith.constant 16 : i32
      scf.for %parallel_loop3A_1700 = %parallel_loop3A_1697 to %parallel_loop3A_1698 step %parallel_loop3A_1699  : i32 {
        %parallel_loop3A_1701 = arith.index_cast %parallel_loop3A_1696 : i32 to index
        %parallel_loop3A_1702 = arith.index_cast %parallel_loop3A_1700 : i32 to index
        %parallel_loop3A_1703 = tpu.vector_load %arg13[%parallel_loop3A_1701, %parallel_loop3A_1702] {strides = array<i32>} : memref<8x1024xf32, #tpu.memory_space<vmem>>, vector<1x16xf32>,
        %parallel_loop3A_1704 = vector.shape_cast %parallel_loop3A_1703 : vector<1x16xf32> to vector<16xf32>
        %parallel_loop3A_1705 = arith.index_cast %parallel_loop3A_1696 : i32 to index
        %parallel_loop3A_1706 = arith.index_cast %parallel_loop3A_1700 : i32 to index
        %parallel_loop3A_1707 = tpu.vector_load %arg6[%parallel_loop3A_1705, %parallel_loop3A_1706] {strides = array<i32>} : memref<8x1024xf32, #tpu.memory_space<vmem>>, vector<1x16xf32>,
        %parallel_loop3A_1708 = vector.shape_cast %parallel_loop3A_1707 : vector<1x16xf32> to vector<16xf32>
        %parallel_loop3A_1709 = vector.shape_cast %parallel_loop3A_1704 : vector<16xf32> to vector<1x16xf32>
        tpu.vector_store %arg6[%parallel_loop3A_1705, %parallel_loop3A_1706], %parallel_loop3A_1709 {add = true, strides = array<i32>} : memref<8x1024xf32, #tpu.memory_space<vmem>>, vector<1x16xf32>,
      } {sc.loop_unroll_factor = 8 : i64, sc.parallel_access}
    } {sc.loop_unroll_factor = 1 : i64, sc.parallel_access}
    %add3A_159 = arith.constant 0 : i32
    %add3A_160 = arith.addi %mul3A_2, %add3A_159 : i32
    %dma_wait3A_161 = arith.constant 0 : i32
    %dma_wait3A_162 = arith.constant 0 : i32
    %dma_wait3A_163 = tpu.memref_slice %arg4[%add3A_160, %dma_wait3A_162] : memref<8192x1024xf32, #tpu.memory_space<hbm>> -> memref<8x1024xf32, #tpu.memory_space<hbm>>
    %dma_wait3A_164 = tpu.memref_slice %arg20[%dma_wait3A_161] : memref<7x!tpu.dma_semaphore, #tpu.memory_space<semaphore_mem>> -> memref<1x!tpu.dma_semaphore, #tpu.memory_space<semaphore_mem>>
    %dma_wait3A_165 = tpu.memref_squeeze %dma_wait3A_164 : memref<1x!tpu.dma_semaphore, #tpu.memory_space<semaphore_mem>> -> memref<!tpu.dma_semaphore, #tpu.memory_space<semaphore_mem>>
    %dma_wait3A_166 = arith.constant 0 : i32
    %dma_wait3A_167 = tpu.memref_slice %arg4[%add3A_160, %dma_wait3A_166] : memref<8192x1024xf32, #tpu.memory_space<hbm>> -> memref<8x1024xf32, #tpu.memory_space<hbm>>
    tpu.wait_dma2 semaphore(%dma_wait3A_165 : memref<!tpu.dma_semaphore, #tpu.memory_space<semaphore_mem>>) src(%arg5 : memref<8x1024xf32, #tpu.memory_space<vmem>>) dst(%dma_wait3A_167 : memref<8x1024xf32, #tpu.memory_space<hbm>>)
    %add3A_168 = arith.constant 56 : i32
    %add3A_169 = arith.addi %mul3A_2, %add3A_168 : i32
    %dma_start3A_170 = arith.constant 0 : i32
    %dma_start3A_171 = arith.constant 0 : i32
    %dma_start3A_172 = tpu.memref_slice %arg2[%add3A_169, %dma_start3A_171] : memref<8192x1024xf32, #tpu.memory_space<hbm>> -> memref<8x1024xf32, #tpu.memory_space<hbm>>
    %dma_start3A_173 = tpu.memref_slice %arg19[%dma_start3A_170] : memref<7x!tpu.dma_semaphore, #tpu.memory_space<semaphore_mem>> -> memref<1x!tpu.dma_semaphore, #tpu.memory_space<semaphore_mem>>
    %dma_start3A_174 = tpu.memref_squeeze %dma_start3A_173 : memref<1x!tpu.dma_semaphore, #tpu.memory_space<semaphore_mem>> -> memref<!tpu.dma_semaphore, #tpu.memory_space<semaphore_mem>>
    %dma_start3A_175 = arith.constant 0 : i32
    %dma_start3A_176 = tpu.memref_slice %arg2[%add3A_169, %dma_start3A_175] : memref<8192x1024xf32, #tpu.memory_space<hbm>> -> memref<8x1024xf32, #tpu.memory_space<hbm>>
    tpu.enqueue_dma source(%dma_start3A_176 : memref<8x1024xf32, #tpu.memory_space<hbm>>) target(%arg5 : memref<8x1024xf32, #tpu.memory_space<vmem>>) target_semaphore(%dma_start3A_174 : memref<!tpu.dma_semaphore, #tpu.memory_space<semaphore_mem>>)
    %dma_start3A_177 = arith.constant 0 : i32
    %dma_start3A_178 = arith.constant 0 : i32
    %dma_start3A_179 = tpu.memref_slice %arg3[%add3A_169, %dma_start3A_178] : memref<8192x1024xf32, #tpu.memory_space<hbm>> -> memref<8x1024xf32, #tpu.memory_space<hbm>>
    %dma_start3A_180 = tpu.memref_slice %arg19[%dma_start3A_177] : memref<7x!tpu.dma_semaphore, #tpu.memory_space<semaphore_mem>> -> memref<1x!tpu.dma_semaphore, #tpu.memory_space<semaphore_mem>>
    %dma_start3A_181 = tpu.memref_squeeze %dma_start3A_180 : memref<1x!tpu.dma_semaphore, #tpu.memory_space<semaphore_mem>> -> memref<!tpu.dma_semaphore, #tpu.memory_space<semaphore_mem>>
    %dma_start3A_182 = arith.constant 0 : i32
    %dma_start3A_183 = tpu.memref_slice %arg3[%add3A_169, %dma_start3A_182] : memref<8192x1024xf32, #tpu.memory_space<hbm>> -> memref<8x1024xf32, #tpu.memory_space<hbm>>
    tpu.enqueue_dma source(%dma_start3A_183 : memref<8x1024xf32, #tpu.memory_space<hbm>>) target(%arg12 : memref<8x1024xf32, #tpu.memory_space<vmem>>) target_semaphore(%dma_start3A_181 : memref<!tpu.dma_semaphore, #tpu.memory_space<semaphore_mem>>)
    %add3A_184 = arith.constant 8 : i32
    %add3A_185 = arith.addi %mul3A_2, %add3A_184 : i32
    %dma_start3A_186 = arith.constant 1 : i32
    %dma_start3A_187 = arith.constant 0 : i32
    %dma_start3A_188 = tpu.memref_slice %arg4[%add3A_185, %dma_start3A_187] : memref<8192x1024xf32, #tpu.memory_space<hbm>> -> memref<8x1024xf32, #tpu.memory_space<hbm>>
    %dma_start3A_189 = tpu.memref_slice %arg20[%dma_start3A_186] : memref<7x!tpu.dma_semaphore, #tpu.memory_space<semaphore_mem>> -> memref<1x!tpu.dma_semaphore, #tpu.memory_space<semaphore_mem>>
    %dma_start3A_190 = tpu.memref_squeeze %dma_start3A_189 : memref<1x!tpu.dma_semaphore, #tpu.memory_space<semaphore_mem>> -> memref<!tpu.dma_semaphore, #tpu.memory_space<semaphore_mem>>
    %dma_start3A_191 = arith.constant 0 : i32
    %dma_start3A_192 = tpu.memref_slice %arg4[%add3A_185, %dma_start3A_191] : memref<8192x1024xf32, #tpu.memory_space<hbm>> -> memref<8x1024xf32, #tpu.memory_space<hbm>>
    tpu.enqueue_dma source(%arg6 : memref<8x1024xf32, #tpu.memory_space<vmem>>) target(%dma_start3A_192 : memref<8x1024xf32, #tpu.memory_space<hbm>>) target_semaphore(%dma_start3A_190 : memref<!tpu.dma_semaphore, #tpu.memory_space<semaphore_mem>>)
    %add3A_193 = arith.constant 16 : i32
    %add3A_194 = arith.addi %mul3A_2, %add3A_193 : i32
    %dma_wait3A_195 = arith.constant 2 : i32
    %dma_wait3A_196 = arith.constant 0 : i32
    %dma_wait3A_197 = tpu.memref_slice %arg2[%add3A_194, %dma_wait3A_196] : memref<8192x1024xf32, #tpu.memory_space<hbm>> -> memref<8x1024xf32, #tpu.memory_space<hbm>>
    %dma_wait3A_198 = tpu.memref_slice %arg19[%dma_wait3A_195] : memref<7x!tpu.dma_semaphore, #tpu.memory_space<semaphore_mem>> -> memref<1x!tpu.dma_semaphore, #tpu.memory_space<semaphore_mem>>
    %dma_wait3A_199 = tpu.memref_squeeze %dma_wait3A_198 : memref<1x!tpu.dma_semaphore, #tpu.memory_space<semaphore_mem>> -> memref<!tpu.dma_semaphore, #tpu.memory_space<semaphore_mem>>
    %dma_wait3A_200 = arith.constant 0 : i32
    %dma_wait3A_201 = tpu.memref_slice %arg2[%add3A_194, %dma_wait3A_200] : memref<8192x1024xf32, #tpu.memory_space<hbm>> -> memref<8x1024xf32, #tpu.memory_space<hbm>>
    tpu.wait_dma2 semaphore(%dma_wait3A_199 : memref<!tpu.dma_semaphore, #tpu.memory_space<semaphore_mem>>) src(%dma_wait3A_201 : memref<8x1024xf32, #tpu.memory_space<hbm>>) dst(%arg7 : memref<8x1024xf32, #tpu.memory_space<vmem>>)
    %dma_wait3A_202 = arith.constant 2 : i32
    %dma_wait3A_203 = arith.constant 0 : i32
    %dma_wait3A_204 = tpu.memref_slice %arg3[%add3A_194, %dma_wait3A_203] : memref<8192x1024xf32, #tpu.memory_space<hbm>> -> memref<8x1024xf32, #tpu.memory_space<hbm>>
    %dma_wait3A_205 = tpu.memref_slice %arg19[%dma_wait3A_202] : memref<7x!tpu.dma_semaphore, #tpu.memory_space<semaphore_mem>> -> memref<1x!tpu.dma_semaphore, #tpu.memory_space<semaphore_mem>>
    %dma_wait3A_206 = tpu.memref_squeeze %dma_wait3A_205 : memref<1x!tpu.dma_semaphore, #tpu.memory_space<semaphore_mem>> -> memref<!tpu.dma_semaphore, #tpu.memory_space<semaphore_mem>>
    %dma_wait3A_207 = arith.constant 0 : i32
    %dma_wait3A_208 = tpu.memref_slice %arg3[%add3A_194, %dma_wait3A_207] : memref<8192x1024xf32, #tpu.memory_space<hbm>> -> memref<8x1024xf32, #tpu.memory_space<hbm>>
    tpu.wait_dma2 semaphore(%dma_wait3A_206 : memref<!tpu.dma_semaphore, #tpu.memory_space<semaphore_mem>>) src(%dma_wait3A_208 : memref<8x1024xf32, #tpu.memory_space<hbm>>) dst(%arg14 : memref<8x1024xf32, #tpu.memory_space<vmem>>)
    %parallel_loop3A_209 = arith.constant 0 : i32
    %parallel_loop3A_210 = arith.constant 8 : i32
    %parallel_loop3A_211 = arith.constant 1 : i32
    scf.for %parallel_loop3A_1696 = %parallel_loop3A_209 to %parallel_loop3A_210 step %parallel_loop3A_211  : i32 {
      %parallel_loop3A_1697 = arith.constant 0 : i32
      %parallel_loop3A_1698 = arith.constant 1024 : i32
      %parallel_loop3A_1699 = arith.constant 16 : i32
      scf.for %parallel_loop3A_1700 = %parallel_loop3A_1697 to %parallel_loop3A_1698 step %parallel_loop3A_1699  : i32 {
        %parallel_loop3A_1701 = arith.index_cast %parallel_loop3A_1696 : i32 to index
        %parallel_loop3A_1702 = arith.index_cast %parallel_loop3A_1700 : i32 to index
        %parallel_loop3A_1703 = tpu.vector_load %arg14[%parallel_loop3A_1701, %parallel_loop3A_1702] {strides = array<i32>} : memref<8x1024xf32, #tpu.memory_space<vmem>>, vector<1x16xf32>,
        %parallel_loop3A_1704 = vector.shape_cast %parallel_loop3A_1703 : vector<1x16xf32> to vector<16xf32>
        %parallel_loop3A_1705 = arith.index_cast %parallel_loop3A_1696 : i32 to index
        %parallel_loop3A_1706 = arith.index_cast %parallel_loop3A_1700 : i32 to index
        %parallel_loop3A_1707 = tpu.vector_load %arg7[%parallel_loop3A_1705, %parallel_loop3A_1706] {strides = array<i32>} : memref<8x1024xf32, #tpu.memory_space<vmem>>, vector<1x16xf32>,
        %parallel_loop3A_1708 = vector.shape_cast %parallel_loop3A_1707 : vector<1x16xf32> to vector<16xf32>
        %parallel_loop3A_1709 = vector.shape_cast %parallel_loop3A_1704 : vector<16xf32> to vector<1x16xf32>
        tpu.vector_store %arg7[%parallel_loop3A_1705, %parallel_loop3A_1706], %parallel_loop3A_1709 {add = true, strides = array<i32>} : memref<8x1024xf32, #tpu.memory_space<vmem>>, vector<1x16xf32>,
      } {sc.loop_unroll_factor = 8 : i64, sc.parallel_access}
    } {sc.loop_unroll_factor = 1 : i64, sc.parallel_access}
    %add3A_212 = arith.constant 8 : i32
    %add3A_213 = arith.addi %mul3A_2, %add3A_212 : i32
    %dma_wait3A_214 = arith.constant 1 : i32
    %dma_wait3A_215 = arith.constant 0 : i32
    %dma_wait3A_216 = tpu.memref_slice %arg4[%add3A_213, %dma_wait3A_215] : memref<8192x1024xf32, #tpu.memory_space<hbm>> -> memref<8x1024xf32, #tpu.memory_space<hbm>>
    %dma_wait3A_217 = tpu.memref_slice %arg20[%dma_wait3A_214] : memref<7x!tpu.dma_semaphore, #tpu.memory_space<semaphore_mem>> -> memref<1x!tpu.dma_semaphore, #tpu.memory_space<semaphore_mem>>
    %dma_wait3A_218 = tpu.memref_squeeze %dma_wait3A_217 : memref<1x!tpu.dma_semaphore, #tpu.memory_space<semaphore_mem>> -> memref<!tpu.dma_semaphore, #tpu.memory_space<semaphore_mem>>
    %dma_wait3A_219 = arith.constant 0 : i32
    %dma_wait3A_220 = tpu.memref_slice %arg4[%add3A_213, %dma_wait3A_219] : memref<8192x1024xf32, #tpu.memory_space<hbm>> -> memref<8x1024xf32, #tpu.memory_space<hbm>>
    tpu.wait_dma2 semaphore(%dma_wait3A_218 : memref<!tpu.dma_semaphore, #tpu.memory_space<semaphore_mem>>) src(%arg6 : memref<8x1024xf32, #tpu.memory_space<vmem>>) dst(%dma_wait3A_220 : memref<8x1024xf32, #tpu.memory_space<hbm>>)
    %add3A_221 = arith.constant 64 : i32
    %add3A_222 = arith.addi %mul3A_2, %add3A_221 : i32
    %dma_start3A_223 = arith.constant 1 : i32
    %dma_start3A_224 = arith.constant 0 : i32
    %dma_start3A_225 = tpu.memref_slice %arg2[%add3A_222, %dma_start3A_224] : memref<8192x1024xf32, #tpu.memory_space<hbm>> -> memref<8x1024xf32, #tpu.memory_space<hbm>>
    %dma_start3A_226 = tpu.memref_slice %arg19[%dma_start3A_223] : memref<7x!tpu.dma_semaphore, #tpu.memory_space<semaphore_mem>> -> memref<1x!tpu.dma_semaphore, #tpu.memory_space<semaphore_mem>>
    %dma_start3A_227 = tpu.memref_squeeze %dma_start3A_226 : memref<1x!tpu.dma_semaphore, #tpu.memory_space<semaphore_mem>> -> memref<!tpu.dma_semaphore, #tpu.memory_space<semaphore_mem>>
    %dma_start3A_228 = arith.constant 0 : i32
    %dma_start3A_229 = tpu.memref_slice %arg2[%add3A_222, %dma_start3A_228] : memref<8192x1024xf32, #tpu.memory_space<hbm>> -> memref<8x1024xf32, #tpu.memory_space<hbm>>
    tpu.enqueue_dma source(%dma_start3A_229 : memref<8x1024xf32, #tpu.memory_space<hbm>>) target(%arg6 : memref<8x1024xf32, #tpu.memory_space<vmem>>) target_semaphore(%dma_start3A_227 : memref<!tpu.dma_semaphore, #tpu.memory_space<semaphore_mem>>)
    %dma_start3A_230 = arith.constant 1 : i32
    %dma_start3A_231 = arith.constant 0 : i32
    %dma_start3A_232 = tpu.memref_slice %arg3[%add3A_222, %dma_start3A_231] : memref<8192x1024xf32, #tpu.memory_space<hbm>> -> memref<8x1024xf32, #tpu.memory_space<hbm>>
    %dma_start3A_233 = tpu.memref_slice %arg19[%dma_start3A_230] : memref<7x!tpu.dma_semaphore, #tpu.memory_space<semaphore_mem>> -> memref<1x!tpu.dma_semaphore, #tpu.memory_space<semaphore_mem>>
    %dma_start3A_234 = tpu.memref_squeeze %dma_start3A_233 : memref<1x!tpu.dma_semaphore, #tpu.memory_space<semaphore_mem>> -> memref<!tpu.dma_semaphore, #tpu.memory_space<semaphore_mem>>
    %dma_start3A_235 = arith.constant 0 : i32
    %dma_start3A_236 = tpu.memref_slice %arg3[%add3A_222, %dma_start3A_235] : memref<8192x1024xf32, #tpu.memory_space<hbm>> -> memref<8x1024xf32, #tpu.memory_space<hbm>>
    tpu.enqueue_dma source(%dma_start3A_236 : memref<8x1024xf32, #tpu.memory_space<hbm>>) target(%arg13 : memref<8x1024xf32, #tpu.memory_space<vmem>>) target_semaphore(%dma_start3A_234 : memref<!tpu.dma_semaphore, #tpu.memory_space<semaphore_mem>>)
    %add3A_237 = arith.constant 16 : i32
    %add3A_238 = arith.addi %mul3A_2, %add3A_237 : i32
    %dma_start3A_239 = arith.constant 2 : i32
    %dma_start3A_240 = arith.constant 0 : i32
    %dma_start3A_241 = tpu.memref_slice %arg4[%add3A_238, %dma_start3A_240] : memref<8192x1024xf32, #tpu.memory_space<hbm>> -> memref<8x1024xf32, #tpu.memory_space<hbm>>
    %dma_start3A_242 = tpu.memref_slice %arg20[%dma_start3A_239] : memref<7x!tpu.dma_semaphore, #tpu.memory_space<semaphore_mem>> -> memref<1x!tpu.dma_semaphore, #tpu.memory_space<semaphore_mem>>
    %dma_start3A_243 = tpu.memref_squeeze %dma_start3A_242 : memref<1x!tpu.dma_semaphore, #tpu.memory_space<semaphore_mem>> -> memref<!tpu.dma_semaphore, #tpu.memory_space<semaphore_mem>>
    %dma_start3A_244 = arith.constant 0 : i32
    %dma_start3A_245 = tpu.memref_slice %arg4[%add3A_238, %dma_start3A_244] : memref<8192x1024xf32, #tpu.memory_space<hbm>> -> memref<8x1024xf32, #tpu.memory_space<hbm>>
    tpu.enqueue_dma source(%arg7 : memref<8x1024xf32, #tpu.memory_space<vmem>>) target(%dma_start3A_245 : memref<8x1024xf32, #tpu.memory_space<hbm>>) target_semaphore(%dma_start3A_243 : memref<!tpu.dma_semaphore, #tpu.memory_space<semaphore_mem>>)
    %add3A_246 = arith.constant 24 : i32
    %add3A_247 = arith.addi %mul3A_2, %add3A_246 : i32
    %dma_wait3A_248 = arith.constant 3 : i32
    %dma_wait3A_249 = arith.constant 0 : i32
    %dma_wait3A_250 = tpu.memref_slice %arg2[%add3A_247, %dma_wait3A_249] : memref<8192x1024xf32, #tpu.memory_space<hbm>> -> memref<8x1024xf32, #tpu.memory_space<hbm>>
    %dma_wait3A_251 = tpu.memref_slice %arg19[%dma_wait3A_248] : memref<7x!tpu.dma_semaphore, #tpu.memory_space<semaphore_mem>> -> memref<1x!tpu.dma_semaphore, #tpu.memory_space<semaphore_mem>>
    %dma_wait3A_252 = tpu.memref_squeeze %dma_wait3A_251 : memref<1x!tpu.dma_semaphore, #tpu.memory_space<semaphore_mem>> -> memref<!tpu.dma_semaphore, #tpu.memory_space<semaphore_mem>>
    %dma_wait3A_253 = arith.constant 0 : i32
    %dma_wait3A_254 = tpu.memref_slice %arg2[%add3A_247, %dma_wait3A_253] : memref<8192x1024xf32, #tpu.memory_space<hbm>> -> memref<8x1024xf32, #tpu.memory_space<hbm>>
    tpu.wait_dma2 semaphore(%dma_wait3A_252 : memref<!tpu.dma_semaphore, #tpu.memory_space<semaphore_mem>>) src(%dma_wait3A_254 : memref<8x1024xf32, #tpu.memory_space<hbm>>) dst(%arg8 : memref<8x1024xf32, #tpu.memory_space<vmem>>)
    %dma_wait3A_255 = arith.constant 3 : i32
    %dma_wait3A_256 = arith.constant 0 : i32
    %dma_wait3A_257 = tpu.memref_slice %arg3[%add3A_247, %dma_wait3A_256] : memref<8192x1024xf32, #tpu.memory_space<hbm>> -> memref<8x1024xf32, #tpu.memory_space<hbm>>
    %dma_wait3A_258 = tpu.memref_slice %arg19[%dma_wait3A_255] : memref<7x!tpu.dma_semaphore, #tpu.memory_space<semaphore_mem>> -> memref<1x!tpu.dma_semaphore, #tpu.memory_space<semaphore_mem>>
    %dma_wait3A_259 = tpu.memref_squeeze %dma_wait3A_258 : memref<1x!tpu.dma_semaphore, #tpu.memory_space<semaphore_mem>> -> memref<!tpu.dma_semaphore, #tpu.memory_space<semaphore_mem>>
    %dma_wait3A_260 = arith.constant 0 : i32
    %dma_wait3A_261 = tpu.memref_slice %arg3[%add3A_247, %dma_wait3A_260] : memref<8192x1024xf32, #tpu.memory_space<hbm>> -> memref<8x1024xf32, #tpu.memory_space<hbm>>
    tpu.wait_dma2 semaphore(%dma_wait3A_259 : memref<!tpu.dma_semaphore, #tpu.memory_space<semaphore_mem>>) src(%dma_wait3A_261 : memref<8x1024xf32, #tpu.memory_space<hbm>>) dst(%arg15 : memref<8x1024xf32, #tpu.memory_space<vmem>>)
    %parallel_loop3A_262 = arith.constant 0 : i32
    %parallel_loop3A_263 = arith.constant 8 : i32
    %parallel_loop3A_264 = arith.constant 1 : i32
    scf.for %parallel_loop3A_1696 = %parallel_loop3A_262 to %parallel_loop3A_263 step %parallel_loop3A_264  : i32 {
      %parallel_loop3A_1697 = arith.constant 0 : i32
      %parallel_loop3A_1698 = arith.constant 1024 : i32
      %parallel_loop3A_1699 = arith.constant 16 : i32
      scf.for %parallel_loop3A_1700 = %parallel_loop3A_1697 to %parallel_loop3A_1698 step %parallel_loop3A_1699  : i32 {
        %parallel_loop3A_1701 = arith.index_cast %parallel_loop3A_1696 : i32 to index
        %parallel_loop3A_1702 = arith.index_cast %parallel_loop3A_1700 : i32 to index
        %parallel_loop3A_1703 = tpu.vector_load %arg15[%parallel_loop3A_1701, %parallel_loop3A_1702] {strides = array<i32>} : memref<8x1024xf32, #tpu.memory_space<vmem>>, vector<1x16xf32>,
        %parallel_loop3A_1704 = vector.shape_cast %parallel_loop3A_1703 : vector<1x16xf32> to vector<16xf32>
        %parallel_loop3A_1705 = arith.index_cast %parallel_loop3A_1696 : i32 to index
        %parallel_loop3A_1706 = arith.index_cast %parallel_loop3A_1700 : i32 to index
        %parallel_loop3A_1707 = tpu.vector_load %arg8[%parallel_loop3A_1705, %parallel_loop3A_1706] {strides = array<i32>} : memref<8x1024xf32, #tpu.memory_space<vmem>>, vector<1x16xf32>,
        %parallel_loop3A_1708 = vector.shape_cast %parallel_loop3A_1707 : vector<1x16xf32> to vector<16xf32>
        %parallel_loop3A_1709 = vector.shape_cast %parallel_loop3A_1704 : vector<16xf32> to vector<1x16xf32>
        tpu.vector_store %arg8[%parallel_loop3A_1705, %parallel_loop3A_1706], %parallel_loop3A_1709 {add = true, strides = array<i32>} : memref<8x1024xf32, #tpu.memory_space<vmem>>, vector<1x16xf32>,
      } {sc.loop_unroll_factor = 8 : i64, sc.parallel_access}
    } {sc.loop_unroll_factor = 1 : i64, sc.parallel_access}
    %add3A_265 = arith.constant 16 : i32
    %add3A_266 = arith.addi %mul3A_2, %add3A_265 : i32
    %dma_wait3A_267 = arith.constant 2 : i32
    %dma_wait3A_268 = arith.constant 0 : i32
    %dma_wait3A_269 = tpu.memref_slice %arg4[%add3A_266, %dma_wait3A_268] : memref<8192x1024xf32, #tpu.memory_space<hbm>> -> memref<8x1024xf32, #tpu.memory_space<hbm>>
    %dma_wait3A_270 = tpu.memref_slice %arg20[%dma_wait3A_267] : memref<7x!tpu.dma_semaphore, #tpu.memory_space<semaphore_mem>> -> memref<1x!tpu.dma_semaphore, #tpu.memory_space<semaphore_mem>>
    %dma_wait3A_271 = tpu.memref_squeeze %dma_wait3A_270 : memref<1x!tpu.dma_semaphore, #tpu.memory_space<semaphore_mem>> -> memref<!tpu.dma_semaphore, #tpu.memory_space<semaphore_mem>>
    %dma_wait3A_272 = arith.constant 0 : i32
    %dma_wait3A_273 = tpu.memref_slice %arg4[%add3A_266, %dma_wait3A_272] : memref<8192x1024xf32, #tpu.memory_space<hbm>> -> memref<8x1024xf32, #tpu.memory_space<hbm>>
    tpu.wait_dma2 semaphore(%dma_wait3A_271 : memref<!tpu.dma_semaphore, #tpu.memory_space<semaphore_mem>>) src(%arg7 : memref<8x1024xf32, #tpu.memory_space<vmem>>) dst(%dma_wait3A_273 : memref<8x1024xf32, #tpu.memory_space<hbm>>)
    %add3A_274 = arith.constant 72 : i32
    %add3A_275 = arith.addi %mul3A_2, %add3A_274 : i32
    %dma_start3A_276 = arith.constant 2 : i32
    %dma_start3A_277 = arith.constant 0 : i32
    %dma_start3A_278 = tpu.memref_slice %arg2[%add3A_275, %dma_start3A_277] : memref<8192x1024xf32, #tpu.memory_space<hbm>> -> memref<8x1024xf32, #tpu.memory_space<hbm>>
    %dma_start3A_279 = tpu.memref_slice %arg19[%dma_start3A_276] : memref<7x!tpu.dma_semaphore, #tpu.memory_space<semaphore_mem>> -> memref<1x!tpu.dma_semaphore, #tpu.memory_space<semaphore_mem>>
    %dma_start3A_280 = tpu.memref_squeeze %dma_start3A_279 : memref<1x!tpu.dma_semaphore, #tpu.memory_space<semaphore_mem>> -> memref<!tpu.dma_semaphore, #tpu.memory_space<semaphore_mem>>
    %dma_start3A_281 = arith.constant 0 : i32
    %dma_start3A_282 = tpu.memref_slice %arg2[%add3A_275, %dma_start3A_281] : memref<8192x1024xf32, #tpu.memory_space<hbm>> -> memref<8x1024xf32, #tpu.memory_space<hbm>>
    tpu.enqueue_dma source(%dma_start3A_282 : memref<8x1024xf32, #tpu.memory_space<hbm>>) target(%arg7 : memref<8x1024xf32, #tpu.memory_space<vmem>>) target_semaphore(%dma_start3A_280 : memref<!tpu.dma_semaphore, #tpu.memory_space<semaphore_mem>>)
    %dma_start3A_283 = arith.constant 2 : i32
    %dma_start3A_284 = arith.constant 0 : i32
    %dma_start3A_285 = tpu.memref_slice %arg3[%add3A_275, %dma_start3A_284] : memref<8192x1024xf32, #tpu.memory_space<hbm>> -> memref<8x1024xf32, #tpu.memory_space<hbm>>
    %dma_start3A_286 = tpu.memref_slice %arg19[%dma_start3A_283] : memref<7x!tpu.dma_semaphore, #tpu.memory_space<semaphore_mem>> -> memref<1x!tpu.dma_semaphore, #tpu.memory_space<semaphore_mem>>
    %dma_start3A_287 = tpu.memref_squeeze %dma_start3A_286 : memref<1x!tpu.dma_semaphore, #tpu.memory_space<semaphore_mem>> -> memref<!tpu.dma_semaphore, #tpu.memory_space<semaphore_mem>>
    %dma_start3A_288 = arith.constant 0 : i32
    %dma_start3A_289 = tpu.memref_slice %arg3[%add3A_275, %dma_start3A_288] : memref<8192x1024xf32, #tpu.memory_space<hbm>> -> memref<8x1024xf32, #tpu.memory_space<hbm>>
    tpu.enqueue_dma source(%dma_start3A_289 : memref<8x1024xf32, #tpu.memory_space<hbm>>) target(%arg14 : memref<8x1024xf32, #tpu.memory_space<vmem>>) target_semaphore(%dma_start3A_287 : memref<!tpu.dma_semaphore, #tpu.memory_space<semaphore_mem>>)
    %add3A_290 = arith.constant 24 : i32
    %add3A_291 = arith.addi %mul3A_2, %add3A_290 : i32
    %dma_start3A_292 = arith.constant 3 : i32
    %dma_start3A_293 = arith.constant 0 : i32
    %dma_start3A_294 = tpu.memref_slice %arg4[%add3A_291, %dma_start3A_293] : memref<8192x1024xf32, #tpu.memory_space<hbm>> -> memref<8x1024xf32, #tpu.memory_space<hbm>>
    %dma_start3A_295 = tpu.memref_slice %arg20[%dma_start3A_292] : memref<7x!tpu.dma_semaphore, #tpu.memory_space<semaphore_mem>> -> memref<1x!tpu.dma_semaphore, #tpu.memory_space<semaphore_mem>>
    %dma_start3A_296 = tpu.memref_squeeze %dma_start3A_295 : memref<1x!tpu.dma_semaphore, #tpu.memory_space<semaphore_mem>> -> memref<!tpu.dma_semaphore, #tpu.memory_space<semaphore_mem>>
    %dma_start3A_297 = arith.constant 0 : i32
    %dma_start3A_298 = tpu.memref_slice %arg4[%add3A_291, %dma_start3A_297] : memref<8192x1024xf32, #tpu.memory_space<hbm>> -> memref<8x1024xf32, #tpu.memory_space<hbm>>
    tpu.enqueue_dma source(%arg8 : memref<8x1024xf32, #tpu.memory_space<vmem>>) target(%dma_start3A_298 : memref<8x1024xf32, #tpu.memory_space<hbm>>) target_semaphore(%dma_start3A_296 : memref<!tpu.dma_semaphore, #tpu.memory_space<semaphore_mem>>)
    %add3A_299 = arith.constant 32 : i32
    %add3A_300 = arith.addi %mul3A_2, %add3A_299 : i32
    %dma_wait3A_301 = arith.constant 4 : i32
    %dma_wait3A_302 = arith.constant 0 : i32
    %dma_wait3A_303 = tpu.memref_slice %arg2[%add3A_300, %dma_wait3A_302] : memref<8192x1024xf32, #tpu.memory_space<hbm>> -> memref<8x1024xf32, #tpu.memory_space<hbm>>
    %dma_wait3A_304 = tpu.memref_slice %arg19[%dma_wait3A_301] : memref<7x!tpu.dma_semaphore, #tpu.memory_space<semaphore_mem>> -> memref<1x!tpu.dma_semaphore, #tpu.memory_space<semaphore_mem>>
    %dma_wait3A_305 = tpu.memref_squeeze %dma_wait3A_304 : memref<1x!tpu.dma_semaphore, #tpu.memory_space<semaphore_mem>> -> memref<!tpu.dma_semaphore, #tpu.memory_space<semaphore_mem>>
    %dma_wait3A_306 = arith.constant 0 : i32
    %dma_wait3A_307 = tpu.memref_slice %arg2[%add3A_300, %dma_wait3A_306] : memref<8192x1024xf32, #tpu.memory_space<hbm>> -> memref<8x1024xf32, #tpu.memory_space<hbm>>
    tpu.wait_dma2 semaphore(%dma_wait3A_305 : memref<!tpu.dma_semaphore, #tpu.memory_space<semaphore_mem>>) src(%dma_wait3A_307 : memref<8x1024xf32, #tpu.memory_space<hbm>>) dst(%arg9 : memref<8x1024xf32, #tpu.memory_space<vmem>>)
    %dma_wait3A_308 = arith.constant 4 : i32
    %dma_wait3A_309 = arith.constant 0 : i32
    %dma_wait3A_310 = tpu.memref_slice %arg3[%add3A_300, %dma_wait3A_309] : memref<8192x1024xf32, #tpu.memory_space<hbm>> -> memref<8x1024xf32, #tpu.memory_space<hbm>>
    %dma_wait3A_311 = tpu.memref_slice %arg19[%dma_wait3A_308] : memref<7x!tpu.dma_semaphore, #tpu.memory_space<semaphore_mem>> -> memref<1x!tpu.dma_semaphore, #tpu.memory_space<semaphore_mem>>
    %dma_wait3A_312 = tpu.memref_squeeze %dma_wait3A_311 : memref<1x!tpu.dma_semaphore, #tpu.memory_space<semaphore_mem>> -> memref<!tpu.dma_semaphore, #tpu.memory_space<semaphore_mem>>
    %dma_wait3A_313 = arith.constant 0 : i32
    %dma_wait3A_314 = tpu.memref_slice %arg3[%add3A_300, %dma_wait3A_313] : memref<8192x1024xf32, #tpu.memory_space<hbm>> -> memref<8x1024xf32, #tpu.memory_space<hbm>>
    tpu.wait_dma2 semaphore(%dma_wait3A_312 : memref<!tpu.dma_semaphore, #tpu.memory_space<semaphore_mem>>) src(%dma_wait3A_314 : memref<8x1024xf32, #tpu.memory_space<hbm>>) dst(%arg16 : memref<8x1024xf32, #tpu.memory_space<vmem>>)
    %parallel_loop3A_315 = arith.constant 0 : i32
    %parallel_loop3A_316 = arith.constant 8 : i32
    %parallel_loop3A_317 = arith.constant 1 : i32
    scf.for %parallel_loop3A_1696 = %parallel_loop3A_315 to %parallel_loop3A_316 step %parallel_loop3A_317  : i32 {
      %parallel_loop3A_1697 = arith.constant 0 : i32
      %parallel_loop3A_1698 = arith.constant 1024 : i32
      %parallel_loop3A_1699 = arith.constant 16 : i32
      scf.for %parallel_loop3A_1700 = %parallel_loop3A_1697 to %parallel_loop3A_1698 step %parallel_loop3A_1699  : i32 {
        %parallel_loop3A_1701 = arith.index_cast %parallel_loop3A_1696 : i32 to index
        %parallel_loop3A_1702 = arith.index_cast %parallel_loop3A_1700 : i32 to index
        %parallel_loop3A_1703 = tpu.vector_load %arg16[%parallel_loop3A_1701, %parallel_loop3A_1702] {strides = array<i32>} : memref<8x1024xf32, #tpu.memory_space<vmem>>, vector<1x16xf32>,
        %parallel_loop3A_1704 = vector.shape_cast %parallel_loop3A_1703 : vector<1x16xf32> to vector<16xf32>
        %parallel_loop3A_1705 = arith.index_cast %parallel_loop3A_1696 : i32 to index
        %parallel_loop3A_1706 = arith.index_cast %parallel_loop3A_1700 : i32 to index
        %parallel_loop3A_1707 = tpu.vector_load %arg9[%parallel_loop3A_1705, %parallel_loop3A_1706] {strides = array<i32>} : memref<8x1024xf32, #tpu.memory_space<vmem>>, vector<1x16xf32>,
        %parallel_loop3A_1708 = vector.shape_cast %parallel_loop3A_1707 : vector<1x16xf32> to vector<16xf32>
        %parallel_loop3A_1709 = vector.shape_cast %parallel_loop3A_1704 : vector<16xf32> to vector<1x16xf32>
        tpu.vector_store %arg9[%parallel_loop3A_1705, %parallel_loop3A_1706], %parallel_loop3A_1709 {add = true, strides = array<i32>} : memref<8x1024xf32, #tpu.memory_space<vmem>>, vector<1x16xf32>,
      } {sc.loop_unroll_factor = 8 : i64, sc.parallel_access}
    } {sc.loop_unroll_factor = 1 : i64, sc.parallel_access}
    %add3A_318 = arith.constant 24 : i32
    %add3A_319 = arith.addi %mul3A_2, %add3A_318 : i32
    %dma_wait3A_320 = arith.constant 3 : i32
    %dma_wait3A_321 = arith.constant 0 : i32
    %dma_wait3A_322 = tpu.memref_slice %arg4[%add3A_319, %dma_wait3A_321] : memref<8192x1024xf32, #tpu.memory_space<hbm>> -> memref<8x1024xf32, #tpu.memory_space<hbm>>
    %dma_wait3A_323 = tpu.memref_slice %arg20[%dma_wait3A_320] : memref<7x!tpu.dma_semaphore, #tpu.memory_space<semaphore_mem>> -> memref<1x!tpu.dma_semaphore, #tpu.memory_space<semaphore_mem>>
    %dma_wait3A_324 = tpu.memref_squeeze %dma_wait3A_323 : memref<1x!tpu.dma_semaphore, #tpu.memory_space<semaphore_mem>> -> memref<!tpu.dma_semaphore, #tpu.memory_space<semaphore_mem>>
    %dma_wait3A_325 = arith.constant 0 : i32
    %dma_wait3A_326 = tpu.memref_slice %arg4[%add3A_319, %dma_wait3A_325] : memref<8192x1024xf32, #tpu.memory_space<hbm>> -> memref<8x1024xf32, #tpu.memory_space<hbm>>
    tpu.wait_dma2 semaphore(%dma_wait3A_324 : memref<!tpu.dma_semaphore, #tpu.memory_space<semaphore_mem>>) src(%arg8 : memref<8x1024xf32, #tpu.memory_space<vmem>>) dst(%dma_wait3A_326 : memref<8x1024xf32, #tpu.memory_space<hbm>>)
    %add3A_327 = arith.constant 80 : i32
    %add3A_328 = arith.addi %mul3A_2, %add3A_327 : i32
    %dma_start3A_329 = arith.constant 3 : i32
    %dma_start3A_330 = arith.constant 0 : i32
    %dma_start3A_331 = tpu.memref_slice %arg2[%add3A_328, %dma_start3A_330] : memref<8192x1024xf32, #tpu.memory_space<hbm>> -> memref<8x1024xf32, #tpu.memory_space<hbm>>
    %dma_start3A_332 = tpu.memref_slice %arg19[%dma_start3A_329] : memref<7x!tpu.dma_semaphore, #tpu.memory_space<semaphore_mem>> -> memref<1x!tpu.dma_semaphore, #tpu.memory_space<semaphore_mem>>
    %dma_start3A_333 = tpu.memref_squeeze %dma_start3A_332 : memref<1x!tpu.dma_semaphore, #tpu.memory_space<semaphore_mem>> -> memref<!tpu.dma_semaphore, #tpu.memory_space<semaphore_mem>>
    %dma_start3A_334 = arith.constant 0 : i32
    %dma_start3A_335 = tpu.memref_slice %arg2[%add3A_328, %dma_start3A_334] : memref<8192x1024xf32, #tpu.memory_space<hbm>> -> memref<8x1024xf32, #tpu.memory_space<hbm>>
    tpu.enqueue_dma source(%dma_start3A_335 : memref<8x1024xf32, #tpu.memory_space<hbm>>) target(%arg8 : memref<8x1024xf32, #tpu.memory_space<vmem>>) target_semaphore(%dma_start3A_333 : memref<!tpu.dma_semaphore, #tpu.memory_space<semaphore_mem>>)
    %dma_start3A_336 = arith.constant 3 : i32
    %dma_start3A_337 = arith.constant 0 : i32
    %dma_start3A_338 = tpu.memref_slice %arg3[%add3A_328, %dma_start3A_337] : memref<8192x1024xf32, #tpu.memory_space<hbm>> -> memref<8x1024xf32, #tpu.memory_space<hbm>>
    %dma_start3A_339 = tpu.memref_slice %arg19[%dma_start3A_336] : memref<7x!tpu.dma_semaphore, #tpu.memory_space<semaphore_mem>> -> memref<1x!tpu.dma_semaphore, #tpu.memory_space<semaphore_mem>>
    %dma_start3A_340 = tpu.memref_squeeze %dma_start3A_339 : memref<1x!tpu.dma_semaphore, #tpu.memory_space<semaphore_mem>> -> memref<!tpu.dma_semaphore, #tpu.memory_space<semaphore_mem>>
    %dma_start3A_341 = arith.constant 0 : i32
    %dma_start3A_342 = tpu.memref_slice %arg3[%add3A_328, %dma_start3A_341] : memref<8192x1024xf32, #tpu.memory_space<hbm>> -> memref<8x1024xf32, #tpu.memory_space<hbm>>
    tpu.enqueue_dma source(%dma_start3A_342 : memref<8x1024xf32, #tpu.memory_space<hbm>>) target(%arg15 : memref<8x1024xf32, #tpu.memory_space<vmem>>) target_semaphore(%dma_start3A_340 : memref<!tpu.dma_semaphore, #tpu.memory_space<semaphore_mem>>)
    %add3A_343 = arith.constant 32 : i32
    %add3A_344 = arith.addi %mul3A_2, %add3A_343 : i32
    %dma_start3A_345 = arith.constant 4 : i32
    %dma_start3A_346 = arith.constant 0 : i32
    %dma_start3A_347 = tpu.memref_slice %arg4[%add3A_344, %dma_start3A_346] : memref<8192x1024xf32, #tpu.memory_space<hbm>> -> memref<8x1024xf32, #tpu.memory_space<hbm>>
    %dma_start3A_348 = tpu.memref_slice %arg20[%dma_start3A_345] : memref<7x!tpu.dma_semaphore, #tpu.memory_space<semaphore_mem>> -> memref<1x!tpu.dma_semaphore, #tpu.memory_space<semaphore_mem>>
    %dma_start3A_349 = tpu.memref_squeeze %dma_start3A_348 : memref<1x!tpu.dma_semaphore, #tpu.memory_space<semaphore_mem>> -> memref<!tpu.dma_semaphore, #tpu.memory_space<semaphore_mem>>
    %dma_start3A_350 = arith.constant 0 : i32
    %dma_start3A_351 = tpu.memref_slice %arg4[%add3A_344, %dma_start3A_350] : memref<8192x1024xf32, #tpu.memory_space<hbm>> -> memref<8x1024xf32, #tpu.memory_space<hbm>>
    tpu.enqueue_dma source(%arg9 : memref<8x1024xf32, #tpu.memory_space<vmem>>) target(%dma_start3A_351 : memref<8x1024xf32, #tpu.memory_space<hbm>>) target_semaphore(%dma_start3A_349 : memref<!tpu.dma_semaphore, #tpu.memory_space<semaphore_mem>>)
    %add3A_352 = arith.constant 40 : i32
    %add3A_353 = arith.addi %mul3A_2, %add3A_352 : i32
    %dma_wait3A_354 = arith.constant 5 : i32
    %dma_wait3A_355 = arith.constant 0 : i32
    %dma_wait3A_356 = tpu.memref_slice %arg2[%add3A_353, %dma_wait3A_355] : memref<8192x1024xf32, #tpu.memory_space<hbm>> -> memref<8x1024xf32, #tpu.memory_space<hbm>>
    %dma_wait3A_357 = tpu.memref_slice %arg19[%dma_wait3A_354] : memref<7x!tpu.dma_semaphore, #tpu.memory_space<semaphore_mem>> -> memref<1x!tpu.dma_semaphore, #tpu.memory_space<semaphore_mem>>
    %dma_wait3A_358 = tpu.memref_squeeze %dma_wait3A_357 : memref<1x!tpu.dma_semaphore, #tpu.memory_space<semaphore_mem>> -> memref<!tpu.dma_semaphore, #tpu.memory_space<semaphore_mem>>
    %dma_wait3A_359 = arith.constant 0 : i32
    %dma_wait3A_360 = tpu.memref_slice %arg2[%add3A_353, %dma_wait3A_359] : memref<8192x1024xf32, #tpu.memory_space<hbm>> -> memref<8x1024xf32, #tpu.memory_space<hbm>>
    tpu.wait_dma2 semaphore(%dma_wait3A_358 : memref<!tpu.dma_semaphore, #tpu.memory_space<semaphore_mem>>) src(%dma_wait3A_360 : memref<8x1024xf32, #tpu.memory_space<hbm>>) dst(%arg10 : memref<8x1024xf32, #tpu.memory_space<vmem>>)
    %dma_wait3A_361 = arith.constant 5 : i32
    %dma_wait3A_362 = arith.constant 0 : i32
    %dma_wait3A_363 = tpu.memref_slice %arg3[%add3A_353, %dma_wait3A_362] : memref<8192x1024xf32, #tpu.memory_space<hbm>> -> memref<8x1024xf32, #tpu.memory_space<hbm>>
    %dma_wait3A_364 = tpu.memref_slice %arg19[%dma_wait3A_361] : memref<7x!tpu.dma_semaphore, #tpu.memory_space<semaphore_mem>> -> memref<1x!tpu.dma_semaphore, #tpu.memory_space<semaphore_mem>>
    %dma_wait3A_365 = tpu.memref_squeeze %dma_wait3A_364 : memref<1x!tpu.dma_semaphore, #tpu.memory_space<semaphore_mem>> -> memref<!tpu.dma_semaphore, #tpu.memory_space<semaphore_mem>>
    %dma_wait3A_366 = arith.constant 0 : i32
    %dma_wait3A_367 = tpu.memref_slice %arg3[%add3A_353, %dma_wait3A_366] : memref<8192x1024xf32, #tpu.memory_space<hbm>> -> memref<8x1024xf32, #tpu.memory_space<hbm>>
    tpu.wait_dma2 semaphore(%dma_wait3A_365 : memref<!tpu.dma_semaphore, #tpu.memory_space<semaphore_mem>>) src(%dma_wait3A_367 : memref<8x1024xf32, #tpu.memory_space<hbm>>) dst(%arg17 : memref<8x1024xf32, #tpu.memory_space<vmem>>)
    %parallel_loop3A_368 = arith.constant 0 : i32
    %parallel_loop3A_369 = arith.constant 8 : i32
    %parallel_loop3A_370 = arith.constant 1 : i32
    scf.for %parallel_loop3A_1696 = %parallel_loop3A_368 to %parallel_loop3A_369 step %parallel_loop3A_370  : i32 {
      %parallel_loop3A_1697 = arith.constant 0 : i32
      %parallel_loop3A_1698 = arith.constant 1024 : i32
      %parallel_loop3A_1699 = arith.constant 16 : i32
      scf.for %parallel_loop3A_1700 = %parallel_loop3A_1697 to %parallel_loop3A_1698 step %parallel_loop3A_1699  : i32 {
        %parallel_loop3A_1701 = arith.index_cast %parallel_loop3A_1696 : i32 to index
        %parallel_loop3A_1702 = arith.index_cast %parallel_loop3A_1700 : i32 to index
        %parallel_loop3A_1703 = tpu.vector_load %arg17[%parallel_loop3A_1701, %parallel_loop3A_1702] {strides = array<i32>} : memref<8x1024xf32, #tpu.memory_space<vmem>>, vector<1x16xf32>,
        %parallel_loop3A_1704 = vector.shape_cast %parallel_loop3A_1703 : vector<1x16xf32> to vector<16xf32>
        %parallel_loop3A_1705 = arith.index_cast %parallel_loop3A_1696 : i32 to index
        %parallel_loop3A_1706 = arith.index_cast %parallel_loop3A_1700 : i32 to index
        %parallel_loop3A_1707 = tpu.vector_load %arg10[%parallel_loop3A_1705, %parallel_loop3A_1706] {strides = array<i32>} : memref<8x1024xf32, #tpu.memory_space<vmem>>, vector<1x16xf32>,
        %parallel_loop3A_1708 = vector.shape_cast %parallel_loop3A_1707 : vector<1x16xf32> to vector<16xf32>
        %parallel_loop3A_1709 = vector.shape_cast %parallel_loop3A_1704 : vector<16xf32> to vector<1x16xf32>
        tpu.vector_store %arg10[%parallel_loop3A_1705, %parallel_loop3A_1706], %parallel_loop3A_1709 {add = true, strides = array<i32>} : memref<8x1024xf32, #tpu.memory_space<vmem>>, vector<1x16xf32>,
      } {sc.loop_unroll_factor = 8 : i64, sc.parallel_access}
    } {sc.loop_unroll_factor = 1 : i64, sc.parallel_access}
    %add3A_371 = arith.constant 32 : i32
    %add3A_372 = arith.addi %mul3A_2, %add3A_371 : i32
    %dma_wait3A_373 = arith.constant 4 : i32
    %dma_wait3A_374 = arith.constant 0 : i32
    %dma_wait3A_375 = tpu.memref_slice %arg4[%add3A_372, %dma_wait3A_374] : memref<8192x1024xf32, #tpu.memory_space<hbm>> -> memref<8x1024xf32, #tpu.memory_space<hbm>>
    %dma_wait3A_376 = tpu.memref_slice %arg20[%dma_wait3A_373] : memref<7x!tpu.dma_semaphore, #tpu.memory_space<semaphore_mem>> -> memref<1x!tpu.dma_semaphore, #tpu.memory_space<semaphore_mem>>
    %dma_wait3A_377 = tpu.memref_squeeze %dma_wait3A_376 : memref<1x!tpu.dma_semaphore, #tpu.memory_space<semaphore_mem>> -> memref<!tpu.dma_semaphore, #tpu.memory_space<semaphore_mem>>
    %dma_wait3A_378 = arith.constant 0 : i32
    %dma_wait3A_379 = tpu.memref_slice %arg4[%add3A_372, %dma_wait3A_378] : memref<8192x1024xf32, #tpu.memory_space<hbm>> -> memref<8x1024xf32, #tpu.memory_space<hbm>>
    tpu.wait_dma2 semaphore(%dma_wait3A_377 : memref<!tpu.dma_semaphore, #tpu.memory_space<semaphore_mem>>) src(%arg9 : memref<8x1024xf32, #tpu.memory_space<vmem>>) dst(%dma_wait3A_379 : memref<8x1024xf32, #tpu.memory_space<hbm>>)
    %add3A_380 = arith.constant 88 : i32
    %add3A_381 = arith.addi %mul3A_2, %add3A_380 : i32
    %dma_start3A_382 = arith.constant 4 : i32
    %dma_start3A_383 = arith.constant 0 : i32
    %dma_start3A_384 = tpu.memref_slice %arg2[%add3A_381, %dma_start3A_383] : memref<8192x1024xf32, #tpu.memory_space<hbm>> -> memref<8x1024xf32, #tpu.memory_space<hbm>>
    %dma_start3A_385 = tpu.memref_slice %arg19[%dma_start3A_382] : memref<7x!tpu.dma_semaphore, #tpu.memory_space<semaphore_mem>> -> memref<1x!tpu.dma_semaphore, #tpu.memory_space<semaphore_mem>>
    %dma_start3A_386 = tpu.memref_squeeze %dma_start3A_385 : memref<1x!tpu.dma_semaphore, #tpu.memory_space<semaphore_mem>> -> memref<!tpu.dma_semaphore, #tpu.memory_space<semaphore_mem>>
    %dma_start3A_387 = arith.constant 0 : i32
    %dma_start3A_388 = tpu.memref_slice %arg2[%add3A_381, %dma_start3A_387] : memref<8192x1024xf32, #tpu.memory_space<hbm>> -> memref<8x1024xf32, #tpu.memory_space<hbm>>
    tpu.enqueue_dma source(%dma_start3A_388 : memref<8x1024xf32, #tpu.memory_space<hbm>>) target(%arg9 : memref<8x1024xf32, #tpu.memory_space<vmem>>) target_semaphore(%dma_start3A_386 : memref<!tpu.dma_semaphore, #tpu.memory_space<semaphore_mem>>)
    %dma_start3A_389 = arith.constant 4 : i32
    %dma_start3A_390 = arith.constant 0 : i32
    %dma_start3A_391 = tpu.memref_slice %arg3[%add3A_381, %dma_start3A_390] : memref<8192x1024xf32, #tpu.memory_space<hbm>> -> memref<8x1024xf32, #tpu.memory_space<hbm>>
    %dma_start3A_392 = tpu.memref_slice %arg19[%dma_start3A_389] : memref<7x!tpu.dma_semaphore, #tpu.memory_space<semaphore_mem>> -> memref<1x!tpu.dma_semaphore, #tpu.memory_space<semaphore_mem>>
    %dma_start3A_393 = tpu.memref_squeeze %dma_start3A_392 : memref<1x!tpu.dma_semaphore, #tpu.memory_space<semaphore_mem>> -> memref<!tpu.dma_semaphore, #tpu.memory_space<semaphore_mem>>
    %dma_start3A_394 = arith.constant 0 : i32
    %dma_start3A_395 = tpu.memref_slice %arg3[%add3A_381, %dma_start3A_394] : memref<8192x1024xf32, #tpu.memory_space<hbm>> -> memref<8x1024xf32, #tpu.memory_space<hbm>>
    tpu.enqueue_dma source(%dma_start3A_395 : memref<8x1024xf32, #tpu.memory_space<hbm>>) target(%arg16 : memref<8x1024xf32, #tpu.memory_space<vmem>>) target_semaphore(%dma_start3A_393 : memref<!tpu.dma_semaphore, #tpu.memory_space<semaphore_mem>>)
    %add3A_396 = arith.constant 40 : i32
    %add3A_397 = arith.addi %mul3A_2, %add3A_396 : i32
    %dma_start3A_398 = arith.constant 5 : i32
    %dma_start3A_399 = arith.constant 0 : i32
    %dma_start3A_400 = tpu.memref_slice %arg4[%add3A_397, %dma_start3A_399] : memref<8192x1024xf32, #tpu.memory_space<hbm>> -> memref<8x1024xf32, #tpu.memory_space<hbm>>
    %dma_start3A_401 = tpu.memref_slice %arg20[%dma_start3A_398] : memref<7x!tpu.dma_semaphore, #tpu.memory_space<semaphore_mem>> -> memref<1x!tpu.dma_semaphore, #tpu.memory_space<semaphore_mem>>
    %dma_start3A_402 = tpu.memref_squeeze %dma_start3A_401 : memref<1x!tpu.dma_semaphore, #tpu.memory_space<semaphore_mem>> -> memref<!tpu.dma_semaphore, #tpu.memory_space<semaphore_mem>>
    %dma_start3A_403 = arith.constant 0 : i32
    %dma_start3A_404 = tpu.memref_slice %arg4[%add3A_397, %dma_start3A_403] : memref<8192x1024xf32, #tpu.memory_space<hbm>> -> memref<8x1024xf32, #tpu.memory_space<hbm>>
    tpu.enqueue_dma source(%arg10 : memref<8x1024xf32, #tpu.memory_space<vmem>>) target(%dma_start3A_404 : memref<8x1024xf32, #tpu.memory_space<hbm>>) target_semaphore(%dma_start3A_402 : memref<!tpu.dma_semaphore, #tpu.memory_space<semaphore_mem>>)
    %add3A_405 = arith.constant 48 : i32
    %add3A_406 = arith.addi %mul3A_2, %add3A_405 : i32
    %dma_wait3A_407 = arith.constant 6 : i32
    %dma_wait3A_408 = arith.constant 0 : i32
    %dma_wait3A_409 = tpu.memref_slice %arg2[%add3A_406, %dma_wait3A_408] : memref<8192x1024xf32, #tpu.memory_space<hbm>> -> memref<8x1024xf32, #tpu.memory_space<hbm>>
    %dma_wait3A_410 = tpu.memref_slice %arg19[%dma_wait3A_407] : memref<7x!tpu.dma_semaphore, #tpu.memory_space<semaphore_mem>> -> memref<1x!tpu.dma_semaphore, #tpu.memory_space<semaphore_mem>>
    %dma_wait3A_411 = tpu.memref_squeeze %dma_wait3A_410 : memref<1x!tpu.dma_semaphore, #tpu.memory_space<semaphore_mem>> -> memref<!tpu.dma_semaphore, #tpu.memory_space<semaphore_mem>>
    %dma_wait3A_412 = arith.constant 0 : i32
    %dma_wait3A_413 = tpu.memref_slice %arg2[%add3A_406, %dma_wait3A_412] : memref<8192x1024xf32, #tpu.memory_space<hbm>> -> memref<8x1024xf32, #tpu.memory_space<hbm>>
    tpu.wait_dma2 semaphore(%dma_wait3A_411 : memref<!tpu.dma_semaphore, #tpu.memory_space<semaphore_mem>>) src(%dma_wait3A_413 : memref<8x1024xf32, #tpu.memory_space<hbm>>) dst(%arg11 : memref<8x1024xf32, #tpu.memory_space<vmem>>)
    %dma_wait3A_414 = arith.constant 6 : i32
    %dma_wait3A_415 = arith.constant 0 : i32
    %dma_wait3A_416 = tpu.memref_slice %arg3[%add3A_406, %dma_wait3A_415] : memref<8192x1024xf32, #tpu.memory_space<hbm>> -> memref<8x1024xf32, #tpu.memory_space<hbm>>
    %dma_wait3A_417 = tpu.memref_slice %arg19[%dma_wait3A_414] : memref<7x!tpu.dma_semaphore, #tpu.memory_space<semaphore_mem>> -> memref<1x!tpu.dma_semaphore, #tpu.memory_space<semaphore_mem>>
    %dma_wait3A_418 = tpu.memref_squeeze %dma_wait3A_417 : memref<1x!tpu.dma_semaphore, #tpu.memory_space<semaphore_mem>> -> memref<!tpu.dma_semaphore, #tpu.memory_space<semaphore_mem>>
    %dma_wait3A_419 = arith.constant 0 : i32
    %dma_wait3A_420 = tpu.memref_slice %arg3[%add3A_406, %dma_wait3A_419] : memref<8192x1024xf32, #tpu.memory_space<hbm>> -> memref<8x1024xf32, #tpu.memory_space<hbm>>
    tpu.wait_dma2 semaphore(%dma_wait3A_418 : memref<!tpu.dma_semaphore, #tpu.memory_space<semaphore_mem>>) src(%dma_wait3A_420 : memref<8x1024xf32, #tpu.memory_space<hbm>>) dst(%arg18 : memref<8x1024xf32, #tpu.memory_space<vmem>>)
    %parallel_loop3A_421 = arith.constant 0 : i32
    %parallel_loop3A_422 = arith.constant 8 : i32
    %parallel_loop3A_423 = arith.constant 1 : i32
    scf.for %parallel_loop3A_1696 = %parallel_loop3A_421 to %parallel_loop3A_422 step %parallel_loop3A_423  : i32 {
      %parallel_loop3A_1697 = arith.constant 0 : i32
      %parallel_loop3A_1698 = arith.constant 1024 : i32
      %parallel_loop3A_1699 = arith.constant 16 : i32
      scf.for %parallel_loop3A_1700 = %parallel_loop3A_1697 to %parallel_loop3A_1698 step %parallel_loop3A_1699  : i32 {
        %parallel_loop3A_1701 = arith.index_cast %parallel_loop3A_1696 : i32 to index
        %parallel_loop3A_1702 = arith.index_cast %parallel_loop3A_1700 : i32 to index
        %parallel_loop3A_1703 = tpu.vector_load %arg18[%parallel_loop3A_1701, %parallel_loop3A_1702] {strides = array<i32>} : memref<8x1024xf32, #tpu.memory_space<vmem>>, vector<1x16xf32>,
        %parallel_loop3A_1704 = vector.shape_cast %parallel_loop3A_1703 : vector<1x16xf32> to vector<16xf32>
        %parallel_loop3A_1705 = arith.index_cast %parallel_loop3A_1696 : i32 to index
        %parallel_loop3A_1706 = arith.index_cast %parallel_loop3A_1700 : i32 to index
        %parallel_loop3A_1707 = tpu.vector_load %arg11[%parallel_loop3A_1705, %parallel_loop3A_1706] {strides = array<i32>} : memref<8x1024xf32, #tpu.memory_space<vmem>>, vector<1x16xf32>,
        %parallel_loop3A_1708 = vector.shape_cast %parallel_loop3A_1707 : vector<1x16xf32> to vector<16xf32>
        %parallel_loop3A_1709 = vector.shape_cast %parallel_loop3A_1704 : vector<16xf32> to vector<1x16xf32>
        tpu.vector_store %arg11[%parallel_loop3A_1705, %parallel_loop3A_1706], %parallel_loop3A_1709 {add = true, strides = array<i32>} : memref<8x1024xf32, #tpu.memory_space<vmem>>, vector<1x16xf32>,
      } {sc.loop_unroll_factor = 8 : i64, sc.parallel_access}
    } {sc.loop_unroll_factor = 1 : i64, sc.parallel_access}
    %add3A_424 = arith.constant 40 : i32
    %add3A_425 = arith.addi %mul3A_2, %add3A_424 : i32
    %dma_wait3A_426 = arith.constant 5 : i32
    %dma_wait3A_427 = arith.constant 0 : i32
    %dma_wait3A_428 = tpu.memref_slice %arg4[%add3A_425, %dma_wait3A_427] : memref<8192x1024xf32, #tpu.memory_space<hbm>> -> memref<8x1024xf32, #tpu.memory_space<hbm>>
    %dma_wait3A_429 = tpu.memref_slice %arg20[%dma_wait3A_426] : memref<7x!tpu.dma_semaphore, #tpu.memory_space<semaphore_mem>> -> memref<1x!tpu.dma_semaphore, #tpu.memory_space<semaphore_mem>>
    %dma_wait3A_430 = tpu.memref_squeeze %dma_wait3A_429 : memref<1x!tpu.dma_semaphore, #tpu.memory_space<semaphore_mem>> -> memref<!tpu.dma_semaphore, #tpu.memory_space<semaphore_mem>>
    %dma_wait3A_431 = arith.constant 0 : i32
    %dma_wait3A_432 = tpu.memref_slice %arg4[%add3A_425, %dma_wait3A_431] : memref<8192x1024xf32, #tpu.memory_space<hbm>> -> memref<8x1024xf32, #tpu.memory_space<hbm>>
    tpu.wait_dma2 semaphore(%dma_wait3A_430 : memref<!tpu.dma_semaphore, #tpu.memory_space<semaphore_mem>>) src(%arg10 : memref<8x1024xf32, #tpu.memory_space<vmem>>) dst(%dma_wait3A_432 : memref<8x1024xf32, #tpu.memory_space<hbm>>)
    %add3A_433 = arith.constant 96 : i32
    %add3A_434 = arith.addi %mul3A_2, %add3A_433 : i32
    %dma_start3A_435 = arith.constant 5 : i32
    %dma_start3A_436 = arith.constant 0 : i32
    %dma_start3A_437 = tpu.memref_slice %arg2[%add3A_434, %dma_start3A_436] : memref<8192x1024xf32, #tpu.memory_space<hbm>> -> memref<8x1024xf32, #tpu.memory_space<hbm>>
    %dma_start3A_438 = tpu.memref_slice %arg19[%dma_start3A_435] : memref<7x!tpu.dma_semaphore, #tpu.memory_space<semaphore_mem>> -> memref<1x!tpu.dma_semaphore, #tpu.memory_space<semaphore_mem>>
    %dma_start3A_439 = tpu.memref_squeeze %dma_start3A_438 : memref<1x!tpu.dma_semaphore, #tpu.memory_space<semaphore_mem>> -> memref<!tpu.dma_semaphore, #tpu.memory_space<semaphore_mem>>
    %dma_start3A_440 = arith.constant 0 : i32
    %dma_start3A_441 = tpu.memref_slice %arg2[%add3A_434, %dma_start3A_440] : memref<8192x1024xf32, #tpu.memory_space<hbm>> -> memref<8x1024xf32, #tpu.memory_space<hbm>>
    tpu.enqueue_dma source(%dma_start3A_441 : memref<8x1024xf32, #tpu.memory_space<hbm>>) target(%arg10 : memref<8x1024xf32, #tpu.memory_space<vmem>>) target_semaphore(%dma_start3A_439 : memref<!tpu.dma_semaphore, #tpu.memory_space<semaphore_mem>>)
    %dma_start3A_442 = arith.constant 5 : i32
    %dma_start3A_443 = arith.constant 0 : i32
    %dma_start3A_444 = tpu.memref_slice %arg3[%add3A_434, %dma_start3A_443] : memref<8192x1024xf32, #tpu.memory_space<hbm>> -> memref<8x1024xf32, #tpu.memory_space<hbm>>
    %dma_start3A_445 = tpu.memref_slice %arg19[%dma_start3A_442] : memref<7x!tpu.dma_semaphore, #tpu.memory_space<semaphore_mem>> -> memref<1x!tpu.dma_semaphore, #tpu.memory_space<semaphore_mem>>
    %dma_start3A_446 = tpu.memref_squeeze %dma_start3A_445 : memref<1x!tpu.dma_semaphore, #tpu.memory_space<semaphore_mem>> -> memref<!tpu.dma_semaphore, #tpu.memory_space<semaphore_mem>>
    %dma_start3A_447 = arith.constant 0 : i32
    %dma_start3A_448 = tpu.memref_slice %arg3[%add3A_434, %dma_start3A_447] : memref<8192x1024xf32, #tpu.memory_space<hbm>> -> memref<8x1024xf32, #tpu.memory_space<hbm>>
    tpu.enqueue_dma source(%dma_start3A_448 : memref<8x1024xf32, #tpu.memory_space<hbm>>) target(%arg17 : memref<8x1024xf32, #tpu.memory_space<vmem>>) target_semaphore(%dma_start3A_446 : memref<!tpu.dma_semaphore, #tpu.memory_space<semaphore_mem>>)
    %add3A_449 = arith.constant 48 : i32
    %add3A_450 = arith.addi %mul3A_2, %add3A_449 : i32
    %dma_start3A_451 = arith.constant 6 : i32
    %dma_start3A_452 = arith.constant 0 : i32
    %dma_start3A_453 = tpu.memref_slice %arg4[%add3A_450, %dma_start3A_452] : memref<8192x1024xf32, #tpu.memory_space<hbm>> -> memref<8x1024xf32, #tpu.memory_space<hbm>>
    %dma_start3A_454 = tpu.memref_slice %arg20[%dma_start3A_451] : memref<7x!tpu.dma_semaphore, #tpu.memory_space<semaphore_mem>> -> memref<1x!tpu.dma_semaphore, #tpu.memory_space<semaphore_mem>>
    %dma_start3A_455 = tpu.memref_squeeze %dma_start3A_454 : memref<1x!tpu.dma_semaphore, #tpu.memory_space<semaphore_mem>> -> memref<!tpu.dma_semaphore, #tpu.memory_space<semaphore_mem>>
    %dma_start3A_456 = arith.constant 0 : i32
    %dma_start3A_457 = tpu.memref_slice %arg4[%add3A_450, %dma_start3A_456] : memref<8192x1024xf32, #tpu.memory_space<hbm>> -> memref<8x1024xf32, #tpu.memory_space<hbm>>
    tpu.enqueue_dma source(%arg11 : memref<8x1024xf32, #tpu.memory_space<vmem>>) target(%dma_start3A_457 : memref<8x1024xf32, #tpu.memory_space<hbm>>) target_semaphore(%dma_start3A_455 : memref<!tpu.dma_semaphore, #tpu.memory_space<semaphore_mem>>)
    %add3A_458 = arith.constant 56 : i32
    %add3A_459 = arith.addi %mul3A_2, %add3A_458 : i32
    %dma_wait3A_460 = arith.constant 0 : i32
    %dma_wait3A_461 = arith.constant 0 : i32
    %dma_wait3A_462 = tpu.memref_slice %arg2[%add3A_459, %dma_wait3A_461] : memref<8192x1024xf32, #tpu.memory_space<hbm>> -> memref<8x1024xf32, #tpu.memory_space<hbm>>
    %dma_wait3A_463 = tpu.memref_slice %arg19[%dma_wait3A_460] : memref<7x!tpu.dma_semaphore, #tpu.memory_space<semaphore_mem>> -> memref<1x!tpu.dma_semaphore, #tpu.memory_space<semaphore_mem>>
    %dma_wait3A_464 = tpu.memref_squeeze %dma_wait3A_463 : memref<1x!tpu.dma_semaphore, #tpu.memory_space<semaphore_mem>> -> memref<!tpu.dma_semaphore, #tpu.memory_space<semaphore_mem>>
    %dma_wait3A_465 = arith.constant 0 : i32
    %dma_wait3A_466 = tpu.memref_slice %arg2[%add3A_459, %dma_wait3A_465] : memref<8192x1024xf32, #tpu.memory_space<hbm>> -> memref<8x1024xf32, #tpu.memory_space<hbm>>
    tpu.wait_dma2 semaphore(%dma_wait3A_464 : memref<!tpu.dma_semaphore, #tpu.memory_space<semaphore_mem>>) src(%dma_wait3A_466 : memref<8x1024xf32, #tpu.memory_space<hbm>>) dst(%arg5 : memref<8x1024xf32, #tpu.memory_space<vmem>>)
    %dma_wait3A_467 = arith.constant 0 : i32
    %dma_wait3A_468 = arith.constant 0 : i32
    %dma_wait3A_469 = tpu.memref_slice %arg3[%add3A_459, %dma_wait3A_468] : memref<8192x1024xf32, #tpu.memory_space<hbm>> -> memref<8x1024xf32, #tpu.memory_space<hbm>>
    %dma_wait3A_470 = tpu.memref_slice %arg19[%dma_wait3A_467] : memref<7x!tpu.dma_semaphore, #tpu.memory_space<semaphore_mem>> -> memref<1x!tpu.dma_semaphore, #tpu.memory_space<semaphore_mem>>
    %dma_wait3A_471 = tpu.memref_squeeze %dma_wait3A_470 : memref<1x!tpu.dma_semaphore, #tpu.memory_space<semaphore_mem>> -> memref<!tpu.dma_semaphore, #tpu.memory_space<semaphore_mem>>
    %dma_wait3A_472 = arith.constant 0 : i32
    %dma_wait3A_473 = tpu.memref_slice %arg3[%add3A_459, %dma_wait3A_472] : memref<8192x1024xf32, #tpu.memory_space<hbm>> -> memref<8x1024xf32, #tpu.memory_space<hbm>>
    tpu.wait_dma2 semaphore(%dma_wait3A_471 : memref<!tpu.dma_semaphore, #tpu.memory_space<semaphore_mem>>) src(%dma_wait3A_473 : memref<8x1024xf32, #tpu.memory_space<hbm>>) dst(%arg12 : memref<8x1024xf32, #tpu.memory_space<vmem>>)
    %parallel_loop3A_474 = arith.constant 0 : i32
    %parallel_loop3A_475 = arith.constant 8 : i32
    %parallel_loop3A_476 = arith.constant 1 : i32
    scf.for %parallel_loop3A_1696 = %parallel_loop3A_474 to %parallel_loop3A_475 step %parallel_loop3A_476  : i32 {
      %parallel_loop3A_1697 = arith.constant 0 : i32
      %parallel_loop3A_1698 = arith.constant 1024 : i32
      %parallel_loop3A_1699 = arith.constant 16 : i32
      scf.for %parallel_loop3A_1700 = %parallel_loop3A_1697 to %parallel_loop3A_1698 step %parallel_loop3A_1699  : i32 {
        %parallel_loop3A_1701 = arith.index_cast %parallel_loop3A_1696 : i32 to index
        %parallel_loop3A_1702 = arith.index_cast %parallel_loop3A_1700 : i32 to index
        %parallel_loop3A_1703 = tpu.vector_load %arg12[%parallel_loop3A_1701, %parallel_loop3A_1702] {strides = array<i32>} : memref<8x1024xf32, #tpu.memory_space<vmem>>, vector<1x16xf32>,
        %parallel_loop3A_1704 = vector.shape_cast %parallel_loop3A_1703 : vector<1x16xf32> to vector<16xf32>
        %parallel_loop3A_1705 = arith.index_cast %parallel_loop3A_1696 : i32 to index
        %parallel_loop3A_1706 = arith.index_cast %parallel_loop3A_1700 : i32 to index
        %parallel_loop3A_1707 = tpu.vector_load %arg5[%parallel_loop3A_1705, %parallel_loop3A_1706] {strides = array<i32>} : memref<8x1024xf32, #tpu.memory_space<vmem>>, vector<1x16xf32>,
        %parallel_loop3A_1708 = vector.shape_cast %parallel_loop3A_1707 : vector<1x16xf32> to vector<16xf32>
        %parallel_loop3A_1709 = vector.shape_cast %parallel_loop3A_1704 : vector<16xf32> to vector<1x16xf32>
        tpu.vector_store %arg5[%parallel_loop3A_1705, %parallel_loop3A_1706], %parallel_loop3A_1709 {add = true, strides = array<i32>} : memref<8x1024xf32, #tpu.memory_space<vmem>>, vector<1x16xf32>,
      } {sc.loop_unroll_factor = 8 : i64, sc.parallel_access}
    } {sc.loop_unroll_factor = 1 : i64, sc.parallel_access}
    %add3A_477 = arith.constant 48 : i32
    %add3A_478 = arith.addi %mul3A_2, %add3A_477 : i32
    %dma_wait3A_479 = arith.constant 6 : i32
    %dma_wait3A_480 = arith.constant 0 : i32
    %dma_wait3A_481 = tpu.memref_slice %arg4[%add3A_478, %dma_wait3A_480] : memref<8192x1024xf32, #tpu.memory_space<hbm>> -> memref<8x1024xf32, #tpu.memory_space<hbm>>
    %dma_wait3A_482 = tpu.memref_slice %arg20[%dma_wait3A_479] : memref<7x!tpu.dma_semaphore, #tpu.memory_space<semaphore_mem>> -> memref<1x!tpu.dma_semaphore, #tpu.memory_space<semaphore_mem>>
    %dma_wait3A_483 = tpu.memref_squeeze %dma_wait3A_482 : memref<1x!tpu.dma_semaphore, #tpu.memory_space<semaphore_mem>> -> memref<!tpu.dma_semaphore, #tpu.memory_space<semaphore_mem>>
    %dma_wait3A_484 = arith.constant 0 : i32
    %dma_wait3A_485 = tpu.memref_slice %arg4[%add3A_478, %dma_wait3A_484] : memref<8192x1024xf32, #tpu.memory_space<hbm>> -> memref<8x1024xf32, #tpu.memory_space<hbm>>
    tpu.wait_dma2 semaphore(%dma_wait3A_483 : memref<!tpu.dma_semaphore, #tpu.memory_space<semaphore_mem>>) src(%arg11 : memref<8x1024xf32, #tpu.memory_space<vmem>>) dst(%dma_wait3A_485 : memref<8x1024xf32, #tpu.memory_space<hbm>>)
    %add3A_486 = arith.constant 104 : i32
    %add3A_487 = arith.addi %mul3A_2, %add3A_486 : i32
    %dma_start3A_488 = arith.constant 6 : i32
    %dma_start3A_489 = arith.constant 0 : i32
    %dma_start3A_490 = tpu.memref_slice %arg2[%add3A_487, %dma_start3A_489] : memref<8192x1024xf32, #tpu.memory_space<hbm>> -> memref<8x1024xf32, #tpu.memory_space<hbm>>
    %dma_start3A_491 = tpu.memref_slice %arg19[%dma_start3A_488] : memref<7x!tpu.dma_semaphore, #tpu.memory_space<semaphore_mem>> -> memref<1x!tpu.dma_semaphore, #tpu.memory_space<semaphore_mem>>
    %dma_start3A_492 = tpu.memref_squeeze %dma_start3A_491 : memref<1x!tpu.dma_semaphore, #tpu.memory_space<semaphore_mem>> -> memref<!tpu.dma_semaphore, #tpu.memory_space<semaphore_mem>>
    %dma_start3A_493 = arith.constant 0 : i32
    %dma_start3A_494 = tpu.memref_slice %arg2[%add3A_487, %dma_start3A_493] : memref<8192x1024xf32, #tpu.memory_space<hbm>> -> memref<8x1024xf32, #tpu.memory_space<hbm>>
    tpu.enqueue_dma source(%dma_start3A_494 : memref<8x1024xf32, #tpu.memory_space<hbm>>) target(%arg11 : memref<8x1024xf32, #tpu.memory_space<vmem>>) target_semaphore(%dma_start3A_492 : memref<!tpu.dma_semaphore, #tpu.memory_space<semaphore_mem>>)
    %dma_start3A_495 = arith.constant 6 : i32
    %dma_start3A_496 = arith.constant 0 : i32
    %dma_start3A_497 = tpu.memref_slice %arg3[%add3A_487, %dma_start3A_496] : memref<8192x1024xf32, #tpu.memory_space<hbm>> -> memref<8x1024xf32, #tpu.memory_space<hbm>>
    %dma_start3A_498 = tpu.memref_slice %arg19[%dma_start3A_495] : memref<7x!tpu.dma_semaphore, #tpu.memory_space<semaphore_mem>> -> memref<1x!tpu.dma_semaphore, #tpu.memory_space<semaphore_mem>>
    %dma_start3A_499 = tpu.memref_squeeze %dma_start3A_498 : memref<1x!tpu.dma_semaphore, #tpu.memory_space<semaphore_mem>> -> memref<!tpu.dma_semaphore, #tpu.memory_space<semaphore_mem>>
    %dma_start3A_500 = arith.constant 0 : i32
    %dma_start3A_501 = tpu.memref_slice %arg3[%add3A_487, %dma_start3A_500] : memref<8192x1024xf32, #tpu.memory_space<hbm>> -> memref<8x1024xf32, #tpu.memory_space<hbm>>
    tpu.enqueue_dma source(%dma_start3A_501 : memref<8x1024xf32, #tpu.memory_space<hbm>>) target(%arg18 : memref<8x1024xf32, #tpu.memory_space<vmem>>) target_semaphore(%dma_start3A_499 : memref<!tpu.dma_semaphore, #tpu.memory_space<semaphore_mem>>)
    %add3A_502 = arith.constant 56 : i32
    %add3A_503 = arith.addi %mul3A_2, %add3A_502 : i32
    %dma_start3A_504 = arith.constant 0 : i32
    %dma_start3A_505 = arith.constant 0 : i32
    %dma_start3A_506 = tpu.memref_slice %arg4[%add3A_503, %dma_start3A_505] : memref<8192x1024xf32, #tpu.memory_space<hbm>> -> memref<8x1024xf32, #tpu.memory_space<hbm>>
    %dma_start3A_507 = tpu.memref_slice %arg20[%dma_start3A_504] : memref<7x!tpu.dma_semaphore, #tpu.memory_space<semaphore_mem>> -> memref<1x!tpu.dma_semaphore, #tpu.memory_space<semaphore_mem>>
    %dma_start3A_508 = tpu.memref_squeeze %dma_start3A_507 : memref<1x!tpu.dma_semaphore, #tpu.memory_space<semaphore_mem>> -> memref<!tpu.dma_semaphore, #tpu.memory_space<semaphore_mem>>
    %dma_start3A_509 = arith.constant 0 : i32
    %dma_start3A_510 = tpu.memref_slice %arg4[%add3A_503, %dma_start3A_509] : memref<8192x1024xf32, #tpu.memory_space<hbm>> -> memref<8x1024xf32, #tpu.memory_space<hbm>>
    tpu.enqueue_dma source(%arg5 : memref<8x1024xf32, #tpu.memory_space<vmem>>) target(%dma_start3A_510 : memref<8x1024xf32, #tpu.memory_space<hbm>>) target_semaphore(%dma_start3A_508 : memref<!tpu.dma_semaphore, #tpu.memory_space<semaphore_mem>>)
    %add3A_511 = arith.constant 64 : i32
    %add3A_512 = arith.addi %mul3A_2, %add3A_511 : i32
    %dma_wait3A_513 = arith.constant 1 : i32
    %dma_wait3A_514 = arith.constant 0 : i32
    %dma_wait3A_515 = tpu.memref_slice %arg2[%add3A_512, %dma_wait3A_514] : memref<8192x1024xf32, #tpu.memory_space<hbm>> -> memref<8x1024xf32, #tpu.memory_space<hbm>>
    %dma_wait3A_516 = tpu.memref_slice %arg19[%dma_wait3A_513] : memref<7x!tpu.dma_semaphore, #tpu.memory_space<semaphore_mem>> -> memref<1x!tpu.dma_semaphore, #tpu.memory_space<semaphore_mem>>
    %dma_wait3A_517 = tpu.memref_squeeze %dma_wait3A_516 : memref<1x!tpu.dma_semaphore, #tpu.memory_space<semaphore_mem>> -> memref<!tpu.dma_semaphore, #tpu.memory_space<semaphore_mem>>
    %dma_wait3A_518 = arith.constant 0 : i32
    %dma_wait3A_519 = tpu.memref_slice %arg2[%add3A_512, %dma_wait3A_518] : memref<8192x1024xf32, #tpu.memory_space<hbm>> -> memref<8x1024xf32, #tpu.memory_space<hbm>>
    tpu.wait_dma2 semaphore(%dma_wait3A_517 : memref<!tpu.dma_semaphore, #tpu.memory_space<semaphore_mem>>) src(%dma_wait3A_519 : memref<8x1024xf32, #tpu.memory_space<hbm>>) dst(%arg6 : memref<8x1024xf32, #tpu.memory_space<vmem>>)
    %dma_wait3A_520 = arith.constant 1 : i32
    %dma_wait3A_521 = arith.constant 0 : i32
    %dma_wait3A_522 = tpu.memref_slice %arg3[%add3A_512, %dma_wait3A_521] : memref<8192x1024xf32, #tpu.memory_space<hbm>> -> memref<8x1024xf32, #tpu.memory_space<hbm>>
    %dma_wait3A_523 = tpu.memref_slice %arg19[%dma_wait3A_520] : memref<7x!tpu.dma_semaphore, #tpu.memory_space<semaphore_mem>> -> memref<1x!tpu.dma_semaphore, #tpu.memory_space<semaphore_mem>>
    %dma_wait3A_524 = tpu.memref_squeeze %dma_wait3A_523 : memref<1x!tpu.dma_semaphore, #tpu.memory_space<semaphore_mem>> -> memref<!tpu.dma_semaphore, #tpu.memory_space<semaphore_mem>>
    %dma_wait3A_525 = arith.constant 0 : i32
    %dma_wait3A_526 = tpu.memref_slice %arg3[%add3A_512, %dma_wait3A_525] : memref<8192x1024xf32, #tpu.memory_space<hbm>> -> memref<8x1024xf32, #tpu.memory_space<hbm>>
    tpu.wait_dma2 semaphore(%dma_wait3A_524 : memref<!tpu.dma_semaphore, #tpu.memory_space<semaphore_mem>>) src(%dma_wait3A_526 : memref<8x1024xf32, #tpu.memory_space<hbm>>) dst(%arg13 : memref<8x1024xf32, #tpu.memory_space<vmem>>)
    %parallel_loop3A_527 = arith.constant 0 : i32
    %parallel_loop3A_528 = arith.constant 8 : i32
    %parallel_loop3A_529 = arith.constant 1 : i32
    scf.for %parallel_loop3A_1696 = %parallel_loop3A_527 to %parallel_loop3A_528 step %parallel_loop3A_529  : i32 {
      %parallel_loop3A_1697 = arith.constant 0 : i32
      %parallel_loop3A_1698 = arith.constant 1024 : i32
      %parallel_loop3A_1699 = arith.constant 16 : i32
      scf.for %parallel_loop3A_1700 = %parallel_loop3A_1697 to %parallel_loop3A_1698 step %parallel_loop3A_1699  : i32 {
        %parallel_loop3A_1701 = arith.index_cast %parallel_loop3A_1696 : i32 to index
        %parallel_loop3A_1702 = arith.index_cast %parallel_loop3A_1700 : i32 to index
        %parallel_loop3A_1703 = tpu.vector_load %arg13[%parallel_loop3A_1701, %parallel_loop3A_1702] {strides = array<i32>} : memref<8x1024xf32, #tpu.memory_space<vmem>>, vector<1x16xf32>,
        %parallel_loop3A_1704 = vector.shape_cast %parallel_loop3A_1703 : vector<1x16xf32> to vector<16xf32>
        %parallel_loop3A_1705 = arith.index_cast %parallel_loop3A_1696 : i32 to index
        %parallel_loop3A_1706 = arith.index_cast %parallel_loop3A_1700 : i32 to index
        %parallel_loop3A_1707 = tpu.vector_load %arg6[%parallel_loop3A_1705, %parallel_loop3A_1706] {strides = array<i32>} : memref<8x1024xf32, #tpu.memory_space<vmem>>, vector<1x16xf32>,
        %parallel_loop3A_1708 = vector.shape_cast %parallel_loop3A_1707 : vector<1x16xf32> to vector<16xf32>
        %parallel_loop3A_1709 = vector.shape_cast %parallel_loop3A_1704 : vector<16xf32> to vector<1x16xf32>
        tpu.vector_store %arg6[%parallel_loop3A_1705, %parallel_loop3A_1706], %parallel_loop3A_1709 {add = true, strides = array<i32>} : memref<8x1024xf32, #tpu.memory_space<vmem>>, vector<1x16xf32>,
      } {sc.loop_unroll_factor = 8 : i64, sc.parallel_access}
    } {sc.loop_unroll_factor = 1 : i64, sc.parallel_access}
    %add3A_530 = arith.constant 56 : i32
    %add3A_531 = arith.addi %mul3A_2, %add3A_530 : i32
    %dma_wait3A_532 = arith.constant 0 : i32
    %dma_wait3A_533 = arith.constant 0 : i32
    %dma_wait3A_534 = tpu.memref_slice %arg4[%add3A_531, %dma_wait3A_533] : memref<8192x1024xf32, #tpu.memory_space<hbm>> -> memref<8x1024xf32, #tpu.memory_space<hbm>>
    %dma_wait3A_535 = tpu.memref_slice %arg20[%dma_wait3A_532] : memref<7x!tpu.dma_semaphore, #tpu.memory_space<semaphore_mem>> -> memref<1x!tpu.dma_semaphore, #tpu.memory_space<semaphore_mem>>
    %dma_wait3A_536 = tpu.memref_squeeze %dma_wait3A_535 : memref<1x!tpu.dma_semaphore, #tpu.memory_space<semaphore_mem>> -> memref<!tpu.dma_semaphore, #tpu.memory_space<semaphore_mem>>
    %dma_wait3A_537 = arith.constant 0 : i32
    %dma_wait3A_538 = tpu.memref_slice %arg4[%add3A_531, %dma_wait3A_537] : memref<8192x1024xf32, #tpu.memory_space<hbm>> -> memref<8x1024xf32, #tpu.memory_space<hbm>>
    tpu.wait_dma2 semaphore(%dma_wait3A_536 : memref<!tpu.dma_semaphore, #tpu.memory_space<semaphore_mem>>) src(%arg5 : memref<8x1024xf32, #tpu.memory_space<vmem>>) dst(%dma_wait3A_538 : memref<8x1024xf32, #tpu.memory_space<hbm>>)
    %add3A_539 = arith.constant 112 : i32
    %add3A_540 = arith.addi %mul3A_2, %add3A_539 : i32
    %dma_start3A_541 = arith.constant 0 : i32
    %dma_start3A_542 = arith.constant 0 : i32
    %dma_start3A_543 = tpu.memref_slice %arg2[%add3A_540, %dma_start3A_542] : memref<8192x1024xf32, #tpu.memory_space<hbm>> -> memref<8x1024xf32, #tpu.memory_space<hbm>>
    %dma_start3A_544 = tpu.memref_slice %arg19[%dma_start3A_541] : memref<7x!tpu.dma_semaphore, #tpu.memory_space<semaphore_mem>> -> memref<1x!tpu.dma_semaphore, #tpu.memory_space<semaphore_mem>>
    %dma_start3A_545 = tpu.memref_squeeze %dma_start3A_544 : memref<1x!tpu.dma_semaphore, #tpu.memory_space<semaphore_mem>> -> memref<!tpu.dma_semaphore, #tpu.memory_space<semaphore_mem>>
    %dma_start3A_546 = arith.constant 0 : i32
    %dma_start3A_547 = tpu.memref_slice %arg2[%add3A_540, %dma_start3A_546] : memref<8192x1024xf32, #tpu.memory_space<hbm>> -> memref<8x1024xf32, #tpu.memory_space<hbm>>
    tpu.enqueue_dma source(%dma_start3A_547 : memref<8x1024xf32, #tpu.memory_space<hbm>>) target(%arg5 : memref<8x1024xf32, #tpu.memory_space<vmem>>) target_semaphore(%dma_start3A_545 : memref<!tpu.dma_semaphore, #tpu.memory_space<semaphore_mem>>)
    %dma_start3A_548 = arith.constant 0 : i32
    %dma_start3A_549 = arith.constant 0 : i32
    %dma_start3A_550 = tpu.memref_slice %arg3[%add3A_540, %dma_start3A_549] : memref<8192x1024xf32, #tpu.memory_space<hbm>> -> memref<8x1024xf32, #tpu.memory_space<hbm>>
    %dma_start3A_551 = tpu.memref_slice %arg19[%dma_start3A_548] : memref<7x!tpu.dma_semaphore, #tpu.memory_space<semaphore_mem>> -> memref<1x!tpu.dma_semaphore, #tpu.memory_space<semaphore_mem>>
    %dma_start3A_552 = tpu.memref_squeeze %dma_start3A_551 : memref<1x!tpu.dma_semaphore, #tpu.memory_space<semaphore_mem>> -> memref<!tpu.dma_semaphore, #tpu.memory_space<semaphore_mem>>
    %dma_start3A_553 = arith.constant 0 : i32
    %dma_start3A_554 = tpu.memref_slice %arg3[%add3A_540, %dma_start3A_553] : memref<8192x1024xf32, #tpu.memory_space<hbm>> -> memref<8x1024xf32, #tpu.memory_space<hbm>>
    tpu.enqueue_dma source(%dma_start3A_554 : memref<8x1024xf32, #tpu.memory_space<hbm>>) target(%arg12 : memref<8x1024xf32, #tpu.memory_space<vmem>>) target_semaphore(%dma_start3A_552 : memref<!tpu.dma_semaphore, #tpu.memory_space<semaphore_mem>>)
    %add3A_555 = arith.constant 64 : i32
    %add3A_556 = arith.addi %mul3A_2, %add3A_555 : i32
    %dma_start3A_557 = arith.constant 1 : i32
    %dma_start3A_558 = arith.constant 0 : i32
    %dma_start3A_559 = tpu.memref_slice %arg4[%add3A_556, %dma_start3A_558] : memref<8192x1024xf32, #tpu.memory_space<hbm>> -> memref<8x1024xf32, #tpu.memory_space<hbm>>
    %dma_start3A_560 = tpu.memref_slice %arg20[%dma_start3A_557] : memref<7x!tpu.dma_semaphore, #tpu.memory_space<semaphore_mem>> -> memref<1x!tpu.dma_semaphore, #tpu.memory_space<semaphore_mem>>
    %dma_start3A_561 = tpu.memref_squeeze %dma_start3A_560 : memref<1x!tpu.dma_semaphore, #tpu.memory_space<semaphore_mem>> -> memref<!tpu.dma_semaphore, #tpu.memory_space<semaphore_mem>>
    %dma_start3A_562 = arith.constant 0 : i32
    %dma_start3A_563 = tpu.memref_slice %arg4[%add3A_556, %dma_start3A_562] : memref<8192x1024xf32, #tpu.memory_space<hbm>> -> memref<8x1024xf32, #tpu.memory_space<hbm>>
    tpu.enqueue_dma source(%arg6 : memref<8x1024xf32, #tpu.memory_space<vmem>>) target(%dma_start3A_563 : memref<8x1024xf32, #tpu.memory_space<hbm>>) target_semaphore(%dma_start3A_561 : memref<!tpu.dma_semaphore, #tpu.memory_space<semaphore_mem>>)
    %add3A_564 = arith.constant 72 : i32
    %add3A_565 = arith.addi %mul3A_2, %add3A_564 : i32
    %dma_wait3A_566 = arith.constant 2 : i32
    %dma_wait3A_567 = arith.constant 0 : i32
    %dma_wait3A_568 = tpu.memref_slice %arg2[%add3A_565, %dma_wait3A_567] : memref<8192x1024xf32, #tpu.memory_space<hbm>> -> memref<8x1024xf32, #tpu.memory_space<hbm>>
    %dma_wait3A_569 = tpu.memref_slice %arg19[%dma_wait3A_566] : memref<7x!tpu.dma_semaphore, #tpu.memory_space<semaphore_mem>> -> memref<1x!tpu.dma_semaphore, #tpu.memory_space<semaphore_mem>>
    %dma_wait3A_570 = tpu.memref_squeeze %dma_wait3A_569 : memref<1x!tpu.dma_semaphore, #tpu.memory_space<semaphore_mem>> -> memref<!tpu.dma_semaphore, #tpu.memory_space<semaphore_mem>>
    %dma_wait3A_571 = arith.constant 0 : i32
    %dma_wait3A_572 = tpu.memref_slice %arg2[%add3A_565, %dma_wait3A_571] : memref<8192x1024xf32, #tpu.memory_space<hbm>> -> memref<8x1024xf32, #tpu.memory_space<hbm>>
    tpu.wait_dma2 semaphore(%dma_wait3A_570 : memref<!tpu.dma_semaphore, #tpu.memory_space<semaphore_mem>>) src(%dma_wait3A_572 : memref<8x1024xf32, #tpu.memory_space<hbm>>) dst(%arg7 : memref<8x1024xf32, #tpu.memory_space<vmem>>)
    %dma_wait3A_573 = arith.constant 2 : i32
    %dma_wait3A_574 = arith.constant 0 : i32
    %dma_wait3A_575 = tpu.memref_slice %arg3[%add3A_565, %dma_wait3A_574] : memref<8192x1024xf32, #tpu.memory_space<hbm>> -> memref<8x1024xf32, #tpu.memory_space<hbm>>
    %dma_wait3A_576 = tpu.memref_slice %arg19[%dma_wait3A_573] : memref<7x!tpu.dma_semaphore, #tpu.memory_space<semaphore_mem>> -> memref<1x!tpu.dma_semaphore, #tpu.memory_space<semaphore_mem>>
    %dma_wait3A_577 = tpu.memref_squeeze %dma_wait3A_576 : memref<1x!tpu.dma_semaphore, #tpu.memory_space<semaphore_mem>> -> memref<!tpu.dma_semaphore, #tpu.memory_space<semaphore_mem>>
    %dma_wait3A_578 = arith.constant 0 : i32
    %dma_wait3A_579 = tpu.memref_slice %arg3[%add3A_565, %dma_wait3A_578] : memref<8192x1024xf32, #tpu.memory_space<hbm>> -> memref<8x1024xf32, #tpu.memory_space<hbm>>
    tpu.wait_dma2 semaphore(%dma_wait3A_577 : memref<!tpu.dma_semaphore, #tpu.memory_space<semaphore_mem>>) src(%dma_wait3A_579 : memref<8x1024xf32, #tpu.memory_space<hbm>>) dst(%arg14 : memref<8x1024xf32, #tpu.memory_space<vmem>>)
    %parallel_loop3A_580 = arith.constant 0 : i32
    %parallel_loop3A_581 = arith.constant 8 : i32
    %parallel_loop3A_582 = arith.constant 1 : i32
    scf.for %parallel_loop3A_1696 = %parallel_loop3A_580 to %parallel_loop3A_581 step %parallel_loop3A_582  : i32 {
      %parallel_loop3A_1697 = arith.constant 0 : i32
      %parallel_loop3A_1698 = arith.constant 1024 : i32
      %parallel_loop3A_1699 = arith.constant 16 : i32
      scf.for %parallel_loop3A_1700 = %parallel_loop3A_1697 to %parallel_loop3A_1698 step %parallel_loop3A_1699  : i32 {
        %parallel_loop3A_1701 = arith.index_cast %parallel_loop3A_1696 : i32 to index
        %parallel_loop3A_1702 = arith.index_cast %parallel_loop3A_1700 : i32 to index
        %parallel_loop3A_1703 = tpu.vector_load %arg14[%parallel_loop3A_1701, %parallel_loop3A_1702] {strides = array<i32>} : memref<8x1024xf32, #tpu.memory_space<vmem>>, vector<1x16xf32>,
        %parallel_loop3A_1704 = vector.shape_cast %parallel_loop3A_1703 : vector<1x16xf32> to vector<16xf32>
        %parallel_loop3A_1705 = arith.index_cast %parallel_loop3A_1696 : i32 to index
        %parallel_loop3A_1706 = arith.index_cast %parallel_loop3A_1700 : i32 to index
        %parallel_loop3A_1707 = tpu.vector_load %arg7[%parallel_loop3A_1705, %parallel_loop3A_1706] {strides = array<i32>} : memref<8x1024xf32, #tpu.memory_space<vmem>>, vector<1x16xf32>,
        %parallel_loop3A_1708 = vector.shape_cast %parallel_loop3A_1707 : vector<1x16xf32> to vector<16xf32>
        %parallel_loop3A_1709 = vector.shape_cast %parallel_loop3A_1704 : vector<16xf32> to vector<1x16xf32>
        tpu.vector_store %arg7[%parallel_loop3A_1705, %parallel_loop3A_1706], %parallel_loop3A_1709 {add = true, strides = array<i32>} : memref<8x1024xf32, #tpu.memory_space<vmem>>, vector<1x16xf32>,
      } {sc.loop_unroll_factor = 8 : i64, sc.parallel_access}
    } {sc.loop_unroll_factor = 1 : i64, sc.parallel_access}
    %add3A_583 = arith.constant 64 : i32
    %add3A_584 = arith.addi %mul3A_2, %add3A_583 : i32
    %dma_wait3A_585 = arith.constant 1 : i32
    %dma_wait3A_586 = arith.constant 0 : i32
    %dma_wait3A_587 = tpu.memref_slice %arg4[%add3A_584, %dma_wait3A_586] : memref<8192x1024xf32, #tpu.memory_space<hbm>> -> memref<8x1024xf32, #tpu.memory_space<hbm>>
    %dma_wait3A_588 = tpu.memref_slice %arg20[%dma_wait3A_585] : memref<7x!tpu.dma_semaphore, #tpu.memory_space<semaphore_mem>> -> memref<1x!tpu.dma_semaphore, #tpu.memory_space<semaphore_mem>>
    %dma_wait3A_589 = tpu.memref_squeeze %dma_wait3A_588 : memref<1x!tpu.dma_semaphore, #tpu.memory_space<semaphore_mem>> -> memref<!tpu.dma_semaphore, #tpu.memory_space<semaphore_mem>>
    %dma_wait3A_590 = arith.constant 0 : i32
    %dma_wait3A_591 = tpu.memref_slice %arg4[%add3A_584, %dma_wait3A_590] : memref<8192x1024xf32, #tpu.memory_space<hbm>> -> memref<8x1024xf32, #tpu.memory_space<hbm>>
    tpu.wait_dma2 semaphore(%dma_wait3A_589 : memref<!tpu.dma_semaphore, #tpu.memory_space<semaphore_mem>>) src(%arg6 : memref<8x1024xf32, #tpu.memory_space<vmem>>) dst(%dma_wait3A_591 : memref<8x1024xf32, #tpu.memory_space<hbm>>)
    %add3A_592 = arith.constant 120 : i32
    %add3A_593 = arith.addi %mul3A_2, %add3A_592 : i32
    %dma_start3A_594 = arith.constant 1 : i32
    %dma_start3A_595 = arith.constant 0 : i32
    %dma_start3A_596 = tpu.memref_slice %arg2[%add3A_593, %dma_start3A_595] : memref<8192x1024xf32, #tpu.memory_space<hbm>> -> memref<8x1024xf32, #tpu.memory_space<hbm>>
    %dma_start3A_597 = tpu.memref_slice %arg19[%dma_start3A_594] : memref<7x!tpu.dma_semaphore, #tpu.memory_space<semaphore_mem>> -> memref<1x!tpu.dma_semaphore, #tpu.memory_space<semaphore_mem>>
    %dma_start3A_598 = tpu.memref_squeeze %dma_start3A_597 : memref<1x!tpu.dma_semaphore, #tpu.memory_space<semaphore_mem>> -> memref<!tpu.dma_semaphore, #tpu.memory_space<semaphore_mem>>
    %dma_start3A_599 = arith.constant 0 : i32
    %dma_start3A_600 = tpu.memref_slice %arg2[%add3A_593, %dma_start3A_599] : memref<8192x1024xf32, #tpu.memory_space<hbm>> -> memref<8x1024xf32, #tpu.memory_space<hbm>>
    tpu.enqueue_dma source(%dma_start3A_600 : memref<8x1024xf32, #tpu.memory_space<hbm>>) target(%arg6 : memref<8x1024xf32, #tpu.memory_space<vmem>>) target_semaphore(%dma_start3A_598 : memref<!tpu.dma_semaphore, #tpu.memory_space<semaphore_mem>>)
    %dma_start3A_601 = arith.constant 1 : i32
    %dma_start3A_602 = arith.constant 0 : i32
    %dma_start3A_603 = tpu.memref_slice %arg3[%add3A_593, %dma_start3A_602] : memref<8192x1024xf32, #tpu.memory_space<hbm>> -> memref<8x1024xf32, #tpu.memory_space<hbm>>
    %dma_start3A_604 = tpu.memref_slice %arg19[%dma_start3A_601] : memref<7x!tpu.dma_semaphore, #tpu.memory_space<semaphore_mem>> -> memref<1x!tpu.dma_semaphore, #tpu.memory_space<semaphore_mem>>
    %dma_start3A_605 = tpu.memref_squeeze %dma_start3A_604 : memref<1x!tpu.dma_semaphore, #tpu.memory_space<semaphore_mem>> -> memref<!tpu.dma_semaphore, #tpu.memory_space<semaphore_mem>>
    %dma_start3A_606 = arith.constant 0 : i32
    %dma_start3A_607 = tpu.memref_slice %arg3[%add3A_593, %dma_start3A_606] : memref<8192x1024xf32, #tpu.memory_space<hbm>> -> memref<8x1024xf32, #tpu.memory_space<hbm>>
    tpu.enqueue_dma source(%dma_start3A_607 : memref<8x1024xf32, #tpu.memory_space<hbm>>) target(%arg13 : memref<8x1024xf32, #tpu.memory_space<vmem>>) target_semaphore(%dma_start3A_605 : memref<!tpu.dma_semaphore, #tpu.memory_space<semaphore_mem>>)
    %add3A_608 = arith.constant 72 : i32
    %add3A_609 = arith.addi %mul3A_2, %add3A_608 : i32
    %dma_start3A_610 = arith.constant 2 : i32
    %dma_start3A_611 = arith.constant 0 : i32
    %dma_start3A_612 = tpu.memref_slice %arg4[%add3A_609, %dma_start3A_611] : memref<8192x1024xf32, #tpu.memory_space<hbm>> -> memref<8x1024xf32, #tpu.memory_space<hbm>>
    %dma_start3A_613 = tpu.memref_slice %arg20[%dma_start3A_610] : memref<7x!tpu.dma_semaphore, #tpu.memory_space<semaphore_mem>> -> memref<1x!tpu.dma_semaphore, #tpu.memory_space<semaphore_mem>>
    %dma_start3A_614 = tpu.memref_squeeze %dma_start3A_613 : memref<1x!tpu.dma_semaphore, #tpu.memory_space<semaphore_mem>> -> memref<!tpu.dma_semaphore, #tpu.memory_space<semaphore_mem>>
    %dma_start3A_615 = arith.constant 0 : i32
    %dma_start3A_616 = tpu.memref_slice %arg4[%add3A_609, %dma_start3A_615] : memref<8192x1024xf32, #tpu.memory_space<hbm>> -> memref<8x1024xf32, #tpu.memory_space<hbm>>
    tpu.enqueue_dma source(%arg7 : memref<8x1024xf32, #tpu.memory_space<vmem>>) target(%dma_start3A_616 : memref<8x1024xf32, #tpu.memory_space<hbm>>) target_semaphore(%dma_start3A_614 : memref<!tpu.dma_semaphore, #tpu.memory_space<semaphore_mem>>)
    %add3A_617 = arith.constant 80 : i32
    %add3A_618 = arith.addi %mul3A_2, %add3A_617 : i32
    %dma_wait3A_619 = arith.constant 3 : i32
    %dma_wait3A_620 = arith.constant 0 : i32
    %dma_wait3A_621 = tpu.memref_slice %arg2[%add3A_618, %dma_wait3A_620] : memref<8192x1024xf32, #tpu.memory_space<hbm>> -> memref<8x1024xf32, #tpu.memory_space<hbm>>
    %dma_wait3A_622 = tpu.memref_slice %arg19[%dma_wait3A_619] : memref<7x!tpu.dma_semaphore, #tpu.memory_space<semaphore_mem>> -> memref<1x!tpu.dma_semaphore, #tpu.memory_space<semaphore_mem>>
    %dma_wait3A_623 = tpu.memref_squeeze %dma_wait3A_622 : memref<1x!tpu.dma_semaphore, #tpu.memory_space<semaphore_mem>> -> memref<!tpu.dma_semaphore, #tpu.memory_space<semaphore_mem>>
    %dma_wait3A_624 = arith.constant 0 : i32
    %dma_wait3A_625 = tpu.memref_slice %arg2[%add3A_618, %dma_wait3A_624] : memref<8192x1024xf32, #tpu.memory_space<hbm>> -> memref<8x1024xf32, #tpu.memory_space<hbm>>
    tpu.wait_dma2 semaphore(%dma_wait3A_623 : memref<!tpu.dma_semaphore, #tpu.memory_space<semaphore_mem>>) src(%dma_wait3A_625 : memref<8x1024xf32, #tpu.memory_space<hbm>>) dst(%arg8 : memref<8x1024xf32, #tpu.memory_space<vmem>>)
    %dma_wait3A_626 = arith.constant 3 : i32
    %dma_wait3A_627 = arith.constant 0 : i32
    %dma_wait3A_628 = tpu.memref_slice %arg3[%add3A_618, %dma_wait3A_627] : memref<8192x1024xf32, #tpu.memory_space<hbm>> -> memref<8x1024xf32, #tpu.memory_space<hbm>>
    %dma_wait3A_629 = tpu.memref_slice %arg19[%dma_wait3A_626] : memref<7x!tpu.dma_semaphore, #tpu.memory_space<semaphore_mem>> -> memref<1x!tpu.dma_semaphore, #tpu.memory_space<semaphore_mem>>
    %dma_wait3A_630 = tpu.memref_squeeze %dma_wait3A_629 : memref<1x!tpu.dma_semaphore, #tpu.memory_space<semaphore_mem>> -> memref<!tpu.dma_semaphore, #tpu.memory_space<semaphore_mem>>
    %dma_wait3A_631 = arith.constant 0 : i32
    %dma_wait3A_632 = tpu.memref_slice %arg3[%add3A_618, %dma_wait3A_631] : memref<8192x1024xf32, #tpu.memory_space<hbm>> -> memref<8x1024xf32, #tpu.memory_space<hbm>>
    tpu.wait_dma2 semaphore(%dma_wait3A_630 : memref<!tpu.dma_semaphore, #tpu.memory_space<semaphore_mem>>) src(%dma_wait3A_632 : memref<8x1024xf32, #tpu.memory_space<hbm>>) dst(%arg15 : memref<8x1024xf32, #tpu.memory_space<vmem>>)
    %parallel_loop3A_633 = arith.constant 0 : i32
    %parallel_loop3A_634 = arith.constant 8 : i32
    %parallel_loop3A_635 = arith.constant 1 : i32
    scf.for %parallel_loop3A_1696 = %parallel_loop3A_633 to %parallel_loop3A_634 step %parallel_loop3A_635  : i32 {
      %parallel_loop3A_1697 = arith.constant 0 : i32
      %parallel_loop3A_1698 = arith.constant 1024 : i32
      %parallel_loop3A_1699 = arith.constant 16 : i32
      scf.for %parallel_loop3A_1700 = %parallel_loop3A_1697 to %parallel_loop3A_1698 step %parallel_loop3A_1699  : i32 {
        %parallel_loop3A_1701 = arith.index_cast %parallel_loop3A_1696 : i32 to index
        %parallel_loop3A_1702 = arith.index_cast %parallel_loop3A_1700 : i32 to index
        %parallel_loop3A_1703 = tpu.vector_load %arg15[%parallel_loop3A_1701, %parallel_loop3A_1702] {strides = array<i32>} : memref<8x1024xf32, #tpu.memory_space<vmem>>, vector<1x16xf32>,
        %parallel_loop3A_1704 = vector.shape_cast %parallel_loop3A_1703 : vector<1x16xf32> to vector<16xf32>
        %parallel_loop3A_1705 = arith.index_cast %parallel_loop3A_1696 : i32 to index
        %parallel_loop3A_1706 = arith.index_cast %parallel_loop3A_1700 : i32 to index
        %parallel_loop3A_1707 = tpu.vector_load %arg8[%parallel_loop3A_1705, %parallel_loop3A_1706] {strides = array<i32>} : memref<8x1024xf32, #tpu.memory_space<vmem>>, vector<1x16xf32>,
        %parallel_loop3A_1708 = vector.shape_cast %parallel_loop3A_1707 : vector<1x16xf32> to vector<16xf32>
        %parallel_loop3A_1709 = vector.shape_cast %parallel_loop3A_1704 : vector<16xf32> to vector<1x16xf32>
        tpu.vector_store %arg8[%parallel_loop3A_1705, %parallel_loop3A_1706], %parallel_loop3A_1709 {add = true, strides = array<i32>} : memref<8x1024xf32, #tpu.memory_space<vmem>>, vector<1x16xf32>,
      } {sc.loop_unroll_factor = 8 : i64, sc.parallel_access}
    } {sc.loop_unroll_factor = 1 : i64, sc.parallel_access}
    %add3A_636 = arith.constant 72 : i32
    %add3A_637 = arith.addi %mul3A_2, %add3A_636 : i32
    %dma_wait3A_638 = arith.constant 2 : i32
    %dma_wait3A_639 = arith.constant 0 : i32
    %dma_wait3A_640 = tpu.memref_slice %arg4[%add3A_637, %dma_wait3A_639] : memref<8192x1024xf32, #tpu.memory_space<hbm>> -> memref<8x1024xf32, #tpu.memory_space<hbm>>
    %dma_wait3A_641 = tpu.memref_slice %arg20[%dma_wait3A_638] : memref<7x!tpu.dma_semaphore, #tpu.memory_space<semaphore_mem>> -> memref<1x!tpu.dma_semaphore, #tpu.memory_space<semaphore_mem>>
    %dma_wait3A_642 = tpu.memref_squeeze %dma_wait3A_641 : memref<1x!tpu.dma_semaphore, #tpu.memory_space<semaphore_mem>> -> memref<!tpu.dma_semaphore, #tpu.memory_space<semaphore_mem>>
    %dma_wait3A_643 = arith.constant 0 : i32
    %dma_wait3A_644 = tpu.memref_slice %arg4[%add3A_637, %dma_wait3A_643] : memref<8192x1024xf32, #tpu.memory_space<hbm>> -> memref<8x1024xf32, #tpu.memory_space<hbm>>
    tpu.wait_dma2 semaphore(%dma_wait3A_642 : memref<!tpu.dma_semaphore, #tpu.memory_space<semaphore_mem>>) src(%arg7 : memref<8x1024xf32, #tpu.memory_space<vmem>>) dst(%dma_wait3A_644 : memref<8x1024xf32, #tpu.memory_space<hbm>>)
    %add3A_645 = arith.constant 128 : i32
    %add3A_646 = arith.addi %mul3A_2, %add3A_645 : i32
    %dma_start3A_647 = arith.constant 2 : i32
    %dma_start3A_648 = arith.constant 0 : i32
    %dma_start3A_649 = tpu.memref_slice %arg2[%add3A_646, %dma_start3A_648] : memref<8192x1024xf32, #tpu.memory_space<hbm>> -> memref<8x1024xf32, #tpu.memory_space<hbm>>
    %dma_start3A_650 = tpu.memref_slice %arg19[%dma_start3A_647] : memref<7x!tpu.dma_semaphore, #tpu.memory_space<semaphore_mem>> -> memref<1x!tpu.dma_semaphore, #tpu.memory_space<semaphore_mem>>
    %dma_start3A_651 = tpu.memref_squeeze %dma_start3A_650 : memref<1x!tpu.dma_semaphore, #tpu.memory_space<semaphore_mem>> -> memref<!tpu.dma_semaphore, #tpu.memory_space<semaphore_mem>>
    %dma_start3A_652 = arith.constant 0 : i32
    %dma_start3A_653 = tpu.memref_slice %arg2[%add3A_646, %dma_start3A_652] : memref<8192x1024xf32, #tpu.memory_space<hbm>> -> memref<8x1024xf32, #tpu.memory_space<hbm>>
    tpu.enqueue_dma source(%dma_start3A_653 : memref<8x1024xf32, #tpu.memory_space<hbm>>) target(%arg7 : memref<8x1024xf32, #tpu.memory_space<vmem>>) target_semaphore(%dma_start3A_651 : memref<!tpu.dma_semaphore, #tpu.memory_space<semaphore_mem>>)
    %dma_start3A_654 = arith.constant 2 : i32
    %dma_start3A_655 = arith.constant 0 : i32
    %dma_start3A_656 = tpu.memref_slice %arg3[%add3A_646, %dma_start3A_655] : memref<8192x1024xf32, #tpu.memory_space<hbm>> -> memref<8x1024xf32, #tpu.memory_space<hbm>>
    %dma_start3A_657 = tpu.memref_slice %arg19[%dma_start3A_654] : memref<7x!tpu.dma_semaphore, #tpu.memory_space<semaphore_mem>> -> memref<1x!tpu.dma_semaphore, #tpu.memory_space<semaphore_mem>>
    %dma_start3A_658 = tpu.memref_squeeze %dma_start3A_657 : memref<1x!tpu.dma_semaphore, #tpu.memory_space<semaphore_mem>> -> memref<!tpu.dma_semaphore, #tpu.memory_space<semaphore_mem>>
    %dma_start3A_659 = arith.constant 0 : i32
    %dma_start3A_660 = tpu.memref_slice %arg3[%add3A_646, %dma_start3A_659] : memref<8192x1024xf32, #tpu.memory_space<hbm>> -> memref<8x1024xf32, #tpu.memory_space<hbm>>
    tpu.enqueue_dma source(%dma_start3A_660 : memref<8x1024xf32, #tpu.memory_space<hbm>>) target(%arg14 : memref<8x1024xf32, #tpu.memory_space<vmem>>) target_semaphore(%dma_start3A_658 : memref<!tpu.dma_semaphore, #tpu.memory_space<semaphore_mem>>)
    %add3A_661 = arith.constant 80 : i32
    %add3A_662 = arith.addi %mul3A_2, %add3A_661 : i32
    %dma_start3A_663 = arith.constant 3 : i32
    %dma_start3A_664 = arith.constant 0 : i32
    %dma_start3A_665 = tpu.memref_slice %arg4[%add3A_662, %dma_start3A_664] : memref<8192x1024xf32, #tpu.memory_space<hbm>> -> memref<8x1024xf32, #tpu.memory_space<hbm>>
    %dma_start3A_666 = tpu.memref_slice %arg20[%dma_start3A_663] : memref<7x!tpu.dma_semaphore, #tpu.memory_space<semaphore_mem>> -> memref<1x!tpu.dma_semaphore, #tpu.memory_space<semaphore_mem>>
    %dma_start3A_667 = tpu.memref_squeeze %dma_start3A_666 : memref<1x!tpu.dma_semaphore, #tpu.memory_space<semaphore_mem>> -> memref<!tpu.dma_semaphore, #tpu.memory_space<semaphore_mem>>
    %dma_start3A_668 = arith.constant 0 : i32
    %dma_start3A_669 = tpu.memref_slice %arg4[%add3A_662, %dma_start3A_668] : memref<8192x1024xf32, #tpu.memory_space<hbm>> -> memref<8x1024xf32, #tpu.memory_space<hbm>>
    tpu.enqueue_dma source(%arg8 : memref<8x1024xf32, #tpu.memory_space<vmem>>) target(%dma_start3A_669 : memref<8x1024xf32, #tpu.memory_space<hbm>>) target_semaphore(%dma_start3A_667 : memref<!tpu.dma_semaphore, #tpu.memory_space<semaphore_mem>>)
    %add3A_670 = arith.constant 88 : i32
    %add3A_671 = arith.addi %mul3A_2, %add3A_670 : i32
    %dma_wait3A_672 = arith.constant 4 : i32
    %dma_wait3A_673 = arith.constant 0 : i32
    %dma_wait3A_674 = tpu.memref_slice %arg2[%add3A_671, %dma_wait3A_673] : memref<8192x1024xf32, #tpu.memory_space<hbm>> -> memref<8x1024xf32, #tpu.memory_space<hbm>>
    %dma_wait3A_675 = tpu.memref_slice %arg19[%dma_wait3A_672] : memref<7x!tpu.dma_semaphore, #tpu.memory_space<semaphore_mem>> -> memref<1x!tpu.dma_semaphore, #tpu.memory_space<semaphore_mem>>
    %dma_wait3A_676 = tpu.memref_squeeze %dma_wait3A_675 : memref<1x!tpu.dma_semaphore, #tpu.memory_space<semaphore_mem>> -> memref<!tpu.dma_semaphore, #tpu.memory_space<semaphore_mem>>
    %dma_wait3A_677 = arith.constant 0 : i32
    %dma_wait3A_678 = tpu.memref_slice %arg2[%add3A_671, %dma_wait3A_677] : memref<8192x1024xf32, #tpu.memory_space<hbm>> -> memref<8x1024xf32, #tpu.memory_space<hbm>>
    tpu.wait_dma2 semaphore(%dma_wait3A_676 : memref<!tpu.dma_semaphore, #tpu.memory_space<semaphore_mem>>) src(%dma_wait3A_678 : memref<8x1024xf32, #tpu.memory_space<hbm>>) dst(%arg9 : memref<8x1024xf32, #tpu.memory_space<vmem>>)
    %dma_wait3A_679 = arith.constant 4 : i32
    %dma_wait3A_680 = arith.constant 0 : i32
    %dma_wait3A_681 = tpu.memref_slice %arg3[%add3A_671, %dma_wait3A_680] : memref<8192x1024xf32, #tpu.memory_space<hbm>> -> memref<8x1024xf32, #tpu.memory_space<hbm>>
    %dma_wait3A_682 = tpu.memref_slice %arg19[%dma_wait3A_679] : memref<7x!tpu.dma_semaphore, #tpu.memory_space<semaphore_mem>> -> memref<1x!tpu.dma_semaphore, #tpu.memory_space<semaphore_mem>>
    %dma_wait3A_683 = tpu.memref_squeeze %dma_wait3A_682 : memref<1x!tpu.dma_semaphore, #tpu.memory_space<semaphore_mem>> -> memref<!tpu.dma_semaphore, #tpu.memory_space<semaphore_mem>>
    %dma_wait3A_684 = arith.constant 0 : i32
    %dma_wait3A_685 = tpu.memref_slice %arg3[%add3A_671, %dma_wait3A_684] : memref<8192x1024xf32, #tpu.memory_space<hbm>> -> memref<8x1024xf32, #tpu.memory_space<hbm>>
    tpu.wait_dma2 semaphore(%dma_wait3A_683 : memref<!tpu.dma_semaphore, #tpu.memory_space<semaphore_mem>>) src(%dma_wait3A_685 : memref<8x1024xf32, #tpu.memory_space<hbm>>) dst(%arg16 : memref<8x1024xf32, #tpu.memory_space<vmem>>)
    %parallel_loop3A_686 = arith.constant 0 : i32
    %parallel_loop3A_687 = arith.constant 8 : i32
    %parallel_loop3A_688 = arith.constant 1 : i32
    scf.for %parallel_loop3A_1696 = %parallel_loop3A_686 to %parallel_loop3A_687 step %parallel_loop3A_688  : i32 {
      %parallel_loop3A_1697 = arith.constant 0 : i32
      %parallel_loop3A_1698 = arith.constant 1024 : i32
      %parallel_loop3A_1699 = arith.constant 16 : i32
      scf.for %parallel_loop3A_1700 = %parallel_loop3A_1697 to %parallel_loop3A_1698 step %parallel_loop3A_1699  : i32 {
        %parallel_loop3A_1701 = arith.index_cast %parallel_loop3A_1696 : i32 to index
        %parallel_loop3A_1702 = arith.index_cast %parallel_loop3A_1700 : i32 to index
        %parallel_loop3A_1703 = tpu.vector_load %arg16[%parallel_loop3A_1701, %parallel_loop3A_1702] {strides = array<i32>} : memref<8x1024xf32, #tpu.memory_space<vmem>>, vector<1x16xf32>,
        %parallel_loop3A_1704 = vector.shape_cast %parallel_loop3A_1703 : vector<1x16xf32> to vector<16xf32>
        %parallel_loop3A_1705 = arith.index_cast %parallel_loop3A_1696 : i32 to index
        %parallel_loop3A_1706 = arith.index_cast %parallel_loop3A_1700 : i32 to index
        %parallel_loop3A_1707 = tpu.vector_load %arg9[%parallel_loop3A_1705, %parallel_loop3A_1706] {strides = array<i32>} : memref<8x1024xf32, #tpu.memory_space<vmem>>, vector<1x16xf32>,
        %parallel_loop3A_1708 = vector.shape_cast %parallel_loop3A_1707 : vector<1x16xf32> to vector<16xf32>
        %parallel_loop3A_1709 = vector.shape_cast %parallel_loop3A_1704 : vector<16xf32> to vector<1x16xf32>
        tpu.vector_store %arg9[%parallel_loop3A_1705, %parallel_loop3A_1706], %parallel_loop3A_1709 {add = true, strides = array<i32>} : memref<8x1024xf32, #tpu.memory_space<vmem>>, vector<1x16xf32>,
      } {sc.loop_unroll_factor = 8 : i64, sc.parallel_access}
    } {sc.loop_unroll_factor = 1 : i64, sc.parallel_access}
    %add3A_689 = arith.constant 80 : i32
    %add3A_690 = arith.addi %mul3A_2, %add3A_689 : i32
    %dma_wait3A_691 = arith.constant 3 : i32
    %dma_wait3A_692 = arith.constant 0 : i32
    %dma_wait3A_693 = tpu.memref_slice %arg4[%add3A_690, %dma_wait3A_692] : memref<8192x1024xf32, #tpu.memory_space<hbm>> -> memref<8x1024xf32, #tpu.memory_space<hbm>>
    %dma_wait3A_694 = tpu.memref_slice %arg20[%dma_wait3A_691] : memref<7x!tpu.dma_semaphore, #tpu.memory_space<semaphore_mem>> -> memref<1x!tpu.dma_semaphore, #tpu.memory_space<semaphore_mem>>
    %dma_wait3A_695 = tpu.memref_squeeze %dma_wait3A_694 : memref<1x!tpu.dma_semaphore, #tpu.memory_space<semaphore_mem>> -> memref<!tpu.dma_semaphore, #tpu.memory_space<semaphore_mem>>
    %dma_wait3A_696 = arith.constant 0 : i32
    %dma_wait3A_697 = tpu.memref_slice %arg4[%add3A_690, %dma_wait3A_696] : memref<8192x1024xf32, #tpu.memory_space<hbm>> -> memref<8x1024xf32, #tpu.memory_space<hbm>>
    tpu.wait_dma2 semaphore(%dma_wait3A_695 : memref<!tpu.dma_semaphore, #tpu.memory_space<semaphore_mem>>) src(%arg8 : memref<8x1024xf32, #tpu.memory_space<vmem>>) dst(%dma_wait3A_697 : memref<8x1024xf32, #tpu.memory_space<hbm>>)
    %add3A_698 = arith.constant 136 : i32
    %add3A_699 = arith.addi %mul3A_2, %add3A_698 : i32
    %dma_start3A_700 = arith.constant 3 : i32
    %dma_start3A_701 = arith.constant 0 : i32
    %dma_start3A_702 = tpu.memref_slice %arg2[%add3A_699, %dma_start3A_701] : memref<8192x1024xf32, #tpu.memory_space<hbm>> -> memref<8x1024xf32, #tpu.memory_space<hbm>>
    %dma_start3A_703 = tpu.memref_slice %arg19[%dma_start3A_700] : memref<7x!tpu.dma_semaphore, #tpu.memory_space<semaphore_mem>> -> memref<1x!tpu.dma_semaphore, #tpu.memory_space<semaphore_mem>>
    %dma_start3A_704 = tpu.memref_squeeze %dma_start3A_703 : memref<1x!tpu.dma_semaphore, #tpu.memory_space<semaphore_mem>> -> memref<!tpu.dma_semaphore, #tpu.memory_space<semaphore_mem>>
    %dma_start3A_705 = arith.constant 0 : i32
    %dma_start3A_706 = tpu.memref_slice %arg2[%add3A_699, %dma_start3A_705] : memref<8192x1024xf32, #tpu.memory_space<hbm>> -> memref<8x1024xf32, #tpu.memory_space<hbm>>
    tpu.enqueue_dma source(%dma_start3A_706 : memref<8x1024xf32, #tpu.memory_space<hbm>>) target(%arg8 : memref<8x1024xf32, #tpu.memory_space<vmem>>) target_semaphore(%dma_start3A_704 : memref<!tpu.dma_semaphore, #tpu.memory_space<semaphore_mem>>)
    %dma_start3A_707 = arith.constant 3 : i32
    %dma_start3A_708 = arith.constant 0 : i32
    %dma_start3A_709 = tpu.memref_slice %arg3[%add3A_699, %dma_start3A_708] : memref<8192x1024xf32, #tpu.memory_space<hbm>> -> memref<8x1024xf32, #tpu.memory_space<hbm>>
    %dma_start3A_710 = tpu.memref_slice %arg19[%dma_start3A_707] : memref<7x!tpu.dma_semaphore, #tpu.memory_space<semaphore_mem>> -> memref<1x!tpu.dma_semaphore, #tpu.memory_space<semaphore_mem>>
    %dma_start3A_711 = tpu.memref_squeeze %dma_start3A_710 : memref<1x!tpu.dma_semaphore, #tpu.memory_space<semaphore_mem>> -> memref<!tpu.dma_semaphore, #tpu.memory_space<semaphore_mem>>
    %dma_start3A_712 = arith.constant 0 : i32
    %dma_start3A_713 = tpu.memref_slice %arg3[%add3A_699, %dma_start3A_712] : memref<8192x1024xf32, #tpu.memory_space<hbm>> -> memref<8x1024xf32, #tpu.memory_space<hbm>>
    tpu.enqueue_dma source(%dma_start3A_713 : memref<8x1024xf32, #tpu.memory_space<hbm>>) target(%arg15 : memref<8x1024xf32, #tpu.memory_space<vmem>>) target_semaphore(%dma_start3A_711 : memref<!tpu.dma_semaphore, #tpu.memory_space<semaphore_mem>>)
    %add3A_714 = arith.constant 88 : i32
    %add3A_715 = arith.addi %mul3A_2, %add3A_714 : i32
    %dma_start3A_716 = arith.constant 4 : i32
    %dma_start3A_717 = arith.constant 0 : i32
    %dma_start3A_718 = tpu.memref_slice %arg4[%add3A_715, %dma_start3A_717] : memref<8192x1024xf32, #tpu.memory_space<hbm>> -> memref<8x1024xf32, #tpu.memory_space<hbm>>
    %dma_start3A_719 = tpu.memref_slice %arg20[%dma_start3A_716] : memref<7x!tpu.dma_semaphore, #tpu.memory_space<semaphore_mem>> -> memref<1x!tpu.dma_semaphore, #tpu.memory_space<semaphore_mem>>
    %dma_start3A_720 = tpu.memref_squeeze %dma_start3A_719 : memref<1x!tpu.dma_semaphore, #tpu.memory_space<semaphore_mem>> -> memref<!tpu.dma_semaphore, #tpu.memory_space<semaphore_mem>>
    %dma_start3A_721 = arith.constant 0 : i32
    %dma_start3A_722 = tpu.memref_slice %arg4[%add3A_715, %dma_start3A_721] : memref<8192x1024xf32, #tpu.memory_space<hbm>> -> memref<8x1024xf32, #tpu.memory_space<hbm>>
    tpu.enqueue_dma source(%arg9 : memref<8x1024xf32, #tpu.memory_space<vmem>>) target(%dma_start3A_722 : memref<8x1024xf32, #tpu.memory_space<hbm>>) target_semaphore(%dma_start3A_720 : memref<!tpu.dma_semaphore, #tpu.memory_space<semaphore_mem>>)
    %add3A_723 = arith.constant 96 : i32
    %add3A_724 = arith.addi %mul3A_2, %add3A_723 : i32
    %dma_wait3A_725 = arith.constant 5 : i32
    %dma_wait3A_726 = arith.constant 0 : i32
    %dma_wait3A_727 = tpu.memref_slice %arg2[%add3A_724, %dma_wait3A_726] : memref<8192x1024xf32, #tpu.memory_space<hbm>> -> memref<8x1024xf32, #tpu.memory_space<hbm>>
    %dma_wait3A_728 = tpu.memref_slice %arg19[%dma_wait3A_725] : memref<7x!tpu.dma_semaphore, #tpu.memory_space<semaphore_mem>> -> memref<1x!tpu.dma_semaphore, #tpu.memory_space<semaphore_mem>>
    %dma_wait3A_729 = tpu.memref_squeeze %dma_wait3A_728 : memref<1x!tpu.dma_semaphore, #tpu.memory_space<semaphore_mem>> -> memref<!tpu.dma_semaphore, #tpu.memory_space<semaphore_mem>>
    %dma_wait3A_730 = arith.constant 0 : i32
    %dma_wait3A_731 = tpu.memref_slice %arg2[%add3A_724, %dma_wait3A_730] : memref<8192x1024xf32, #tpu.memory_space<hbm>> -> memref<8x1024xf32, #tpu.memory_space<hbm>>
    tpu.wait_dma2 semaphore(%dma_wait3A_729 : memref<!tpu.dma_semaphore, #tpu.memory_space<semaphore_mem>>) src(%dma_wait3A_731 : memref<8x1024xf32, #tpu.memory_space<hbm>>) dst(%arg10 : memref<8x1024xf32, #tpu.memory_space<vmem>>)
    %dma_wait3A_732 = arith.constant 5 : i32
    %dma_wait3A_733 = arith.constant 0 : i32
    %dma_wait3A_734 = tpu.memref_slice %arg3[%add3A_724, %dma_wait3A_733] : memref<8192x1024xf32, #tpu.memory_space<hbm>> -> memref<8x1024xf32, #tpu.memory_space<hbm>>
    %dma_wait3A_735 = tpu.memref_slice %arg19[%dma_wait3A_732] : memref<7x!tpu.dma_semaphore, #tpu.memory_space<semaphore_mem>> -> memref<1x!tpu.dma_semaphore, #tpu.memory_space<semaphore_mem>>
    %dma_wait3A_736 = tpu.memref_squeeze %dma_wait3A_735 : memref<1x!tpu.dma_semaphore, #tpu.memory_space<semaphore_mem>> -> memref<!tpu.dma_semaphore, #tpu.memory_space<semaphore_mem>>
    %dma_wait3A_737 = arith.constant 0 : i32
    %dma_wait3A_738 = tpu.memref_slice %arg3[%add3A_724, %dma_wait3A_737] : memref<8192x1024xf32, #tpu.memory_space<hbm>> -> memref<8x1024xf32, #tpu.memory_space<hbm>>
    tpu.wait_dma2 semaphore(%dma_wait3A_736 : memref<!tpu.dma_semaphore, #tpu.memory_space<semaphore_mem>>) src(%dma_wait3A_738 : memref<8x1024xf32, #tpu.memory_space<hbm>>) dst(%arg17 : memref<8x1024xf32, #tpu.memory_space<vmem>>)
    %parallel_loop3A_739 = arith.constant 0 : i32
    %parallel_loop3A_740 = arith.constant 8 : i32
    %parallel_loop3A_741 = arith.constant 1 : i32
    scf.for %parallel_loop3A_1696 = %parallel_loop3A_739 to %parallel_loop3A_740 step %parallel_loop3A_741  : i32 {
      %parallel_loop3A_1697 = arith.constant 0 : i32
      %parallel_loop3A_1698 = arith.constant 1024 : i32
      %parallel_loop3A_1699 = arith.constant 16 : i32
      scf.for %parallel_loop3A_1700 = %parallel_loop3A_1697 to %parallel_loop3A_1698 step %parallel_loop3A_1699  : i32 {
        %parallel_loop3A_1701 = arith.index_cast %parallel_loop3A_1696 : i32 to index
        %parallel_loop3A_1702 = arith.index_cast %parallel_loop3A_1700 : i32 to index
        %parallel_loop3A_1703 = tpu.vector_load %arg17[%parallel_loop3A_1701, %parallel_loop3A_1702] {strides = array<i32>} : memref<8x1024xf32, #tpu.memory_space<vmem>>, vector<1x16xf32>,
        %parallel_loop3A_1704 = vector.shape_cast %parallel_loop3A_1703 : vector<1x16xf32> to vector<16xf32>
        %parallel_loop3A_1705 = arith.index_cast %parallel_loop3A_1696 : i32 to index
        %parallel_loop3A_1706 = arith.index_cast %parallel_loop3A_1700 : i32 to index
        %parallel_loop3A_1707 = tpu.vector_load %arg10[%parallel_loop3A_1705, %parallel_loop3A_1706] {strides = array<i32>} : memref<8x1024xf32, #tpu.memory_space<vmem>>, vector<1x16xf32>,
        %parallel_loop3A_1708 = vector.shape_cast %parallel_loop3A_1707 : vector<1x16xf32> to vector<16xf32>
        %parallel_loop3A_1709 = vector.shape_cast %parallel_loop3A_1704 : vector<16xf32> to vector<1x16xf32>
        tpu.vector_store %arg10[%parallel_loop3A_1705, %parallel_loop3A_1706], %parallel_loop3A_1709 {add = true, strides = array<i32>} : memref<8x1024xf32, #tpu.memory_space<vmem>>, vector<1x16xf32>,
      } {sc.loop_unroll_factor = 8 : i64, sc.parallel_access}
    } {sc.loop_unroll_factor = 1 : i64, sc.parallel_access}
    %add3A_742 = arith.constant 88 : i32
    %add3A_743 = arith.addi %mul3A_2, %add3A_742 : i32
    %dma_wait3A_744 = arith.constant 4 : i32
    %dma_wait3A_745 = arith.constant 0 : i32
    %dma_wait3A_746 = tpu.memref_slice %arg4[%add3A_743, %dma_wait3A_745] : memref<8192x1024xf32, #tpu.memory_space<hbm>> -> memref<8x1024xf32, #tpu.memory_space<hbm>>
    %dma_wait3A_747 = tpu.memref_slice %arg20[%dma_wait3A_744] : memref<7x!tpu.dma_semaphore, #tpu.memory_space<semaphore_mem>> -> memref<1x!tpu.dma_semaphore, #tpu.memory_space<semaphore_mem>>
    %dma_wait3A_748 = tpu.memref_squeeze %dma_wait3A_747 : memref<1x!tpu.dma_semaphore, #tpu.memory_space<semaphore_mem>> -> memref<!tpu.dma_semaphore, #tpu.memory_space<semaphore_mem>>
    %dma_wait3A_749 = arith.constant 0 : i32
    %dma_wait3A_750 = tpu.memref_slice %arg4[%add3A_743, %dma_wait3A_749] : memref<8192x1024xf32, #tpu.memory_space<hbm>> -> memref<8x1024xf32, #tpu.memory_space<hbm>>
    tpu.wait_dma2 semaphore(%dma_wait3A_748 : memref<!tpu.dma_semaphore, #tpu.memory_space<semaphore_mem>>) src(%arg9 : memref<8x1024xf32, #tpu.memory_space<vmem>>) dst(%dma_wait3A_750 : memref<8x1024xf32, #tpu.memory_space<hbm>>)
    %add3A_751 = arith.constant 144 : i32
    %add3A_752 = arith.addi %mul3A_2, %add3A_751 : i32
    %dma_start3A_753 = arith.constant 4 : i32
    %dma_start3A_754 = arith.constant 0 : i32
    %dma_start3A_755 = tpu.memref_slice %arg2[%add3A_752, %dma_start3A_754] : memref<8192x1024xf32, #tpu.memory_space<hbm>> -> memref<8x1024xf32, #tpu.memory_space<hbm>>
    %dma_start3A_756 = tpu.memref_slice %arg19[%dma_start3A_753] : memref<7x!tpu.dma_semaphore, #tpu.memory_space<semaphore_mem>> -> memref<1x!tpu.dma_semaphore, #tpu.memory_space<semaphore_mem>>
    %dma_start3A_757 = tpu.memref_squeeze %dma_start3A_756 : memref<1x!tpu.dma_semaphore, #tpu.memory_space<semaphore_mem>> -> memref<!tpu.dma_semaphore, #tpu.memory_space<semaphore_mem>>
    %dma_start3A_758 = arith.constant 0 : i32
    %dma_start3A_759 = tpu.memref_slice %arg2[%add3A_752, %dma_start3A_758] : memref<8192x1024xf32, #tpu.memory_space<hbm>> -> memref<8x1024xf32, #tpu.memory_space<hbm>>
    tpu.enqueue_dma source(%dma_start3A_759 : memref<8x1024xf32, #tpu.memory_space<hbm>>) target(%arg9 : memref<8x1024xf32, #tpu.memory_space<vmem>>) target_semaphore(%dma_start3A_757 : memref<!tpu.dma_semaphore, #tpu.memory_space<semaphore_mem>>)
    %dma_start3A_760 = arith.constant 4 : i32
    %dma_start3A_761 = arith.constant 0 : i32
    %dma_start3A_762 = tpu.memref_slice %arg3[%add3A_752, %dma_start3A_761] : memref<8192x1024xf32, #tpu.memory_space<hbm>> -> memref<8x1024xf32, #tpu.memory_space<hbm>>
    %dma_start3A_763 = tpu.memref_slice %arg19[%dma_start3A_760] : memref<7x!tpu.dma_semaphore, #tpu.memory_space<semaphore_mem>> -> memref<1x!tpu.dma_semaphore, #tpu.memory_space<semaphore_mem>>
    %dma_start3A_764 = tpu.memref_squeeze %dma_start3A_763 : memref<1x!tpu.dma_semaphore, #tpu.memory_space<semaphore_mem>> -> memref<!tpu.dma_semaphore, #tpu.memory_space<semaphore_mem>>
    %dma_start3A_765 = arith.constant 0 : i32
    %dma_start3A_766 = tpu.memref_slice %arg3[%add3A_752, %dma_start3A_765] : memref<8192x1024xf32, #tpu.memory_space<hbm>> -> memref<8x1024xf32, #tpu.memory_space<hbm>>
    tpu.enqueue_dma source(%dma_start3A_766 : memref<8x1024xf32, #tpu.memory_space<hbm>>) target(%arg16 : memref<8x1024xf32, #tpu.memory_space<vmem>>) target_semaphore(%dma_start3A_764 : memref<!tpu.dma_semaphore, #tpu.memory_space<semaphore_mem>>)
    %add3A_767 = arith.constant 96 : i32
    %add3A_768 = arith.addi %mul3A_2, %add3A_767 : i32
    %dma_start3A_769 = arith.constant 5 : i32
    %dma_start3A_770 = arith.constant 0 : i32
    %dma_start3A_771 = tpu.memref_slice %arg4[%add3A_768, %dma_start3A_770] : memref<8192x1024xf32, #tpu.memory_space<hbm>> -> memref<8x1024xf32, #tpu.memory_space<hbm>>
    %dma_start3A_772 = tpu.memref_slice %arg20[%dma_start3A_769] : memref<7x!tpu.dma_semaphore, #tpu.memory_space<semaphore_mem>> -> memref<1x!tpu.dma_semaphore, #tpu.memory_space<semaphore_mem>>
    %dma_start3A_773 = tpu.memref_squeeze %dma_start3A_772 : memref<1x!tpu.dma_semaphore, #tpu.memory_space<semaphore_mem>> -> memref<!tpu.dma_semaphore, #tpu.memory_space<semaphore_mem>>
    %dma_start3A_774 = arith.constant 0 : i32
    %dma_start3A_775 = tpu.memref_slice %arg4[%add3A_768, %dma_start3A_774] : memref<8192x1024xf32, #tpu.memory_space<hbm>> -> memref<8x1024xf32, #tpu.memory_space<hbm>>
    tpu.enqueue_dma source(%arg10 : memref<8x1024xf32, #tpu.memory_space<vmem>>) target(%dma_start3A_775 : memref<8x1024xf32, #tpu.memory_space<hbm>>) target_semaphore(%dma_start3A_773 : memref<!tpu.dma_semaphore, #tpu.memory_space<semaphore_mem>>)
    %add3A_776 = arith.constant 104 : i32
    %add3A_777 = arith.addi %mul3A_2, %add3A_776 : i32
    %dma_wait3A_778 = arith.constant 6 : i32
    %dma_wait3A_779 = arith.constant 0 : i32
    %dma_wait3A_780 = tpu.memref_slice %arg2[%add3A_777, %dma_wait3A_779] : memref<8192x1024xf32, #tpu.memory_space<hbm>> -> memref<8x1024xf32, #tpu.memory_space<hbm>>
    %dma_wait3A_781 = tpu.memref_slice %arg19[%dma_wait3A_778] : memref<7x!tpu.dma_semaphore, #tpu.memory_space<semaphore_mem>> -> memref<1x!tpu.dma_semaphore, #tpu.memory_space<semaphore_mem>>
    %dma_wait3A_782 = tpu.memref_squeeze %dma_wait3A_781 : memref<1x!tpu.dma_semaphore, #tpu.memory_space<semaphore_mem>> -> memref<!tpu.dma_semaphore, #tpu.memory_space<semaphore_mem>>
    %dma_wait3A_783 = arith.constant 0 : i32
    %dma_wait3A_784 = tpu.memref_slice %arg2[%add3A_777, %dma_wait3A_783] : memref<8192x1024xf32, #tpu.memory_space<hbm>> -> memref<8x1024xf32, #tpu.memory_space<hbm>>
    tpu.wait_dma2 semaphore(%dma_wait3A_782 : memref<!tpu.dma_semaphore, #tpu.memory_space<semaphore_mem>>) src(%dma_wait3A_784 : memref<8x1024xf32, #tpu.memory_space<hbm>>) dst(%arg11 : memref<8x1024xf32, #tpu.memory_space<vmem>>)
    %dma_wait3A_785 = arith.constant 6 : i32
    %dma_wait3A_786 = arith.constant 0 : i32
    %dma_wait3A_787 = tpu.memref_slice %arg3[%add3A_777, %dma_wait3A_786] : memref<8192x1024xf32, #tpu.memory_space<hbm>> -> memref<8x1024xf32, #tpu.memory_space<hbm>>
    %dma_wait3A_788 = tpu.memref_slice %arg19[%dma_wait3A_785] : memref<7x!tpu.dma_semaphore, #tpu.memory_space<semaphore_mem>> -> memref<1x!tpu.dma_semaphore, #tpu.memory_space<semaphore_mem>>
    %dma_wait3A_789 = tpu.memref_squeeze %dma_wait3A_788 : memref<1x!tpu.dma_semaphore, #tpu.memory_space<semaphore_mem>> -> memref<!tpu.dma_semaphore, #tpu.memory_space<semaphore_mem>>
    %dma_wait3A_790 = arith.constant 0 : i32
    %dma_wait3A_791 = tpu.memref_slice %arg3[%add3A_777, %dma_wait3A_790] : memref<8192x1024xf32, #tpu.memory_space<hbm>> -> memref<8x1024xf32, #tpu.memory_space<hbm>>
    tpu.wait_dma2 semaphore(%dma_wait3A_789 : memref<!tpu.dma_semaphore, #tpu.memory_space<semaphore_mem>>) src(%dma_wait3A_791 : memref<8x1024xf32, #tpu.memory_space<hbm>>) dst(%arg18 : memref<8x1024xf32, #tpu.memory_space<vmem>>)
    %parallel_loop3A_792 = arith.constant 0 : i32
    %parallel_loop3A_793 = arith.constant 8 : i32
    %parallel_loop3A_794 = arith.constant 1 : i32
    scf.for %parallel_loop3A_1696 = %parallel_loop3A_792 to %parallel_loop3A_793 step %parallel_loop3A_794  : i32 {
      %parallel_loop3A_1697 = arith.constant 0 : i32
      %parallel_loop3A_1698 = arith.constant 1024 : i32
      %parallel_loop3A_1699 = arith.constant 16 : i32
      scf.for %parallel_loop3A_1700 = %parallel_loop3A_1697 to %parallel_loop3A_1698 step %parallel_loop3A_1699  : i32 {
        %parallel_loop3A_1701 = arith.index_cast %parallel_loop3A_1696 : i32 to index
        %parallel_loop3A_1702 = arith.index_cast %parallel_loop3A_1700 : i32 to index
        %parallel_loop3A_1703 = tpu.vector_load %arg18[%parallel_loop3A_1701, %parallel_loop3A_1702] {strides = array<i32>} : memref<8x1024xf32, #tpu.memory_space<vmem>>, vector<1x16xf32>,
        %parallel_loop3A_1704 = vector.shape_cast %parallel_loop3A_1703 : vector<1x16xf32> to vector<16xf32>
        %parallel_loop3A_1705 = arith.index_cast %parallel_loop3A_1696 : i32 to index
        %parallel_loop3A_1706 = arith.index_cast %parallel_loop3A_1700 : i32 to index
        %parallel_loop3A_1707 = tpu.vector_load %arg11[%parallel_loop3A_1705, %parallel_loop3A_1706] {strides = array<i32>} : memref<8x1024xf32, #tpu.memory_space<vmem>>, vector<1x16xf32>,
        %parallel_loop3A_1708 = vector.shape_cast %parallel_loop3A_1707 : vector<1x16xf32> to vector<16xf32>
        %parallel_loop3A_1709 = vector.shape_cast %parallel_loop3A_1704 : vector<16xf32> to vector<1x16xf32>
        tpu.vector_store %arg11[%parallel_loop3A_1705, %parallel_loop3A_1706], %parallel_loop3A_1709 {add = true, strides = array<i32>} : memref<8x1024xf32, #tpu.memory_space<vmem>>, vector<1x16xf32>,
      } {sc.loop_unroll_factor = 8 : i64, sc.parallel_access}
    } {sc.loop_unroll_factor = 1 : i64, sc.parallel_access}
    %add3A_795 = arith.constant 96 : i32
    %add3A_796 = arith.addi %mul3A_2, %add3A_795 : i32
    %dma_wait3A_797 = arith.constant 5 : i32
    %dma_wait3A_798 = arith.constant 0 : i32
    %dma_wait3A_799 = tpu.memref_slice %arg4[%add3A_796, %dma_wait3A_798] : memref<8192x1024xf32, #tpu.memory_space<hbm>> -> memref<8x1024xf32, #tpu.memory_space<hbm>>
    %dma_wait3A_800 = tpu.memref_slice %arg20[%dma_wait3A_797] : memref<7x!tpu.dma_semaphore, #tpu.memory_space<semaphore_mem>> -> memref<1x!tpu.dma_semaphore, #tpu.memory_space<semaphore_mem>>
    %dma_wait3A_801 = tpu.memref_squeeze %dma_wait3A_800 : memref<1x!tpu.dma_semaphore, #tpu.memory_space<semaphore_mem>> -> memref<!tpu.dma_semaphore, #tpu.memory_space<semaphore_mem>>
    %dma_wait3A_802 = arith.constant 0 : i32
    %dma_wait3A_803 = tpu.memref_slice %arg4[%add3A_796, %dma_wait3A_802] : memref<8192x1024xf32, #tpu.memory_space<hbm>> -> memref<8x1024xf32, #tpu.memory_space<hbm>>
    tpu.wait_dma2 semaphore(%dma_wait3A_801 : memref<!tpu.dma_semaphore, #tpu.memory_space<semaphore_mem>>) src(%arg10 : memref<8x1024xf32, #tpu.memory_space<vmem>>) dst(%dma_wait3A_803 : memref<8x1024xf32, #tpu.memory_space<hbm>>)
    %add3A_804 = arith.constant 152 : i32
    %add3A_805 = arith.addi %mul3A_2, %add3A_804 : i32
    %dma_start3A_806 = arith.constant 5 : i32
    %dma_start3A_807 = arith.constant 0 : i32
    %dma_start3A_808 = tpu.memref_slice %arg2[%add3A_805, %dma_start3A_807] : memref<8192x1024xf32, #tpu.memory_space<hbm>> -> memref<8x1024xf32, #tpu.memory_space<hbm>>
    %dma_start3A_809 = tpu.memref_slice %arg19[%dma_start3A_806] : memref<7x!tpu.dma_semaphore, #tpu.memory_space<semaphore_mem>> -> memref<1x!tpu.dma_semaphore, #tpu.memory_space<semaphore_mem>>
    %dma_start3A_810 = tpu.memref_squeeze %dma_start3A_809 : memref<1x!tpu.dma_semaphore, #tpu.memory_space<semaphore_mem>> -> memref<!tpu.dma_semaphore, #tpu.memory_space<semaphore_mem>>
    %dma_start3A_811 = arith.constant 0 : i32
    %dma_start3A_812 = tpu.memref_slice %arg2[%add3A_805, %dma_start3A_811] : memref<8192x1024xf32, #tpu.memory_space<hbm>> -> memref<8x1024xf32, #tpu.memory_space<hbm>>
    tpu.enqueue_dma source(%dma_start3A_812 : memref<8x1024xf32, #tpu.memory_space<hbm>>) target(%arg10 : memref<8x1024xf32, #tpu.memory_space<vmem>>) target_semaphore(%dma_start3A_810 : memref<!tpu.dma_semaphore, #tpu.memory_space<semaphore_mem>>)
    %dma_start3A_813 = arith.constant 5 : i32
    %dma_start3A_814 = arith.constant 0 : i32
    %dma_start3A_815 = tpu.memref_slice %arg3[%add3A_805, %dma_start3A_814] : memref<8192x1024xf32, #tpu.memory_space<hbm>> -> memref<8x1024xf32, #tpu.memory_space<hbm>>
    %dma_start3A_816 = tpu.memref_slice %arg19[%dma_start3A_813] : memref<7x!tpu.dma_semaphore, #tpu.memory_space<semaphore_mem>> -> memref<1x!tpu.dma_semaphore, #tpu.memory_space<semaphore_mem>>
    %dma_start3A_817 = tpu.memref_squeeze %dma_start3A_816 : memref<1x!tpu.dma_semaphore, #tpu.memory_space<semaphore_mem>> -> memref<!tpu.dma_semaphore, #tpu.memory_space<semaphore_mem>>
    %dma_start3A_818 = arith.constant 0 : i32
    %dma_start3A_819 = tpu.memref_slice %arg3[%add3A_805, %dma_start3A_818] : memref<8192x1024xf32, #tpu.memory_space<hbm>> -> memref<8x1024xf32, #tpu.memory_space<hbm>>
    tpu.enqueue_dma source(%dma_start3A_819 : memref<8x1024xf32, #tpu.memory_space<hbm>>) target(%arg17 : memref<8x1024xf32, #tpu.memory_space<vmem>>) target_semaphore(%dma_start3A_817 : memref<!tpu.dma_semaphore, #tpu.memory_space<semaphore_mem>>)
    %add3A_820 = arith.constant 104 : i32
    %add3A_821 = arith.addi %mul3A_2, %add3A_820 : i32
    %dma_start3A_822 = arith.constant 6 : i32
    %dma_start3A_823 = arith.constant 0 : i32
    %dma_start3A_824 = tpu.memref_slice %arg4[%add3A_821, %dma_start3A_823] : memref<8192x1024xf32, #tpu.memory_space<hbm>> -> memref<8x1024xf32, #tpu.memory_space<hbm>>
    %dma_start3A_825 = tpu.memref_slice %arg20[%dma_start3A_822] : memref<7x!tpu.dma_semaphore, #tpu.memory_space<semaphore_mem>> -> memref<1x!tpu.dma_semaphore, #tpu.memory_space<semaphore_mem>>
    %dma_start3A_826 = tpu.memref_squeeze %dma_start3A_825 : memref<1x!tpu.dma_semaphore, #tpu.memory_space<semaphore_mem>> -> memref<!tpu.dma_semaphore, #tpu.memory_space<semaphore_mem>>
    %dma_start3A_827 = arith.constant 0 : i32
    %dma_start3A_828 = tpu.memref_slice %arg4[%add3A_821, %dma_start3A_827] : memref<8192x1024xf32, #tpu.memory_space<hbm>> -> memref<8x1024xf32, #tpu.memory_space<hbm>>
    tpu.enqueue_dma source(%arg11 : memref<8x1024xf32, #tpu.memory_space<vmem>>) target(%dma_start3A_828 : memref<8x1024xf32, #tpu.memory_space<hbm>>) target_semaphore(%dma_start3A_826 : memref<!tpu.dma_semaphore, #tpu.memory_space<semaphore_mem>>)
    %add3A_829 = arith.constant 112 : i32
    %add3A_830 = arith.addi %mul3A_2, %add3A_829 : i32
    %dma_wait3A_831 = arith.constant 0 : i32
    %dma_wait3A_832 = arith.constant 0 : i32
    %dma_wait3A_833 = tpu.memref_slice %arg2[%add3A_830, %dma_wait3A_832] : memref<8192x1024xf32, #tpu.memory_space<hbm>> -> memref<8x1024xf32, #tpu.memory_space<hbm>>
    %dma_wait3A_834 = tpu.memref_slice %arg19[%dma_wait3A_831] : memref<7x!tpu.dma_semaphore, #tpu.memory_space<semaphore_mem>> -> memref<1x!tpu.dma_semaphore, #tpu.memory_space<semaphore_mem>>
    %dma_wait3A_835 = tpu.memref_squeeze %dma_wait3A_834 : memref<1x!tpu.dma_semaphore, #tpu.memory_space<semaphore_mem>> -> memref<!tpu.dma_semaphore, #tpu.memory_space<semaphore_mem>>
    %dma_wait3A_836 = arith.constant 0 : i32
    %dma_wait3A_837 = tpu.memref_slice %arg2[%add3A_830, %dma_wait3A_836] : memref<8192x1024xf32, #tpu.memory_space<hbm>> -> memref<8x1024xf32, #tpu.memory_space<hbm>>
    tpu.wait_dma2 semaphore(%dma_wait3A_835 : memref<!tpu.dma_semaphore, #tpu.memory_space<semaphore_mem>>) src(%dma_wait3A_837 : memref<8x1024xf32, #tpu.memory_space<hbm>>) dst(%arg5 : memref<8x1024xf32, #tpu.memory_space<vmem>>)
    %dma_wait3A_838 = arith.constant 0 : i32
    %dma_wait3A_839 = arith.constant 0 : i32
    %dma_wait3A_840 = tpu.memref_slice %arg3[%add3A_830, %dma_wait3A_839] : memref<8192x1024xf32, #tpu.memory_space<hbm>> -> memref<8x1024xf32, #tpu.memory_space<hbm>>
    %dma_wait3A_841 = tpu.memref_slice %arg19[%dma_wait3A_838] : memref<7x!tpu.dma_semaphore, #tpu.memory_space<semaphore_mem>> -> memref<1x!tpu.dma_semaphore, #tpu.memory_space<semaphore_mem>>
    %dma_wait3A_842 = tpu.memref_squeeze %dma_wait3A_841 : memref<1x!tpu.dma_semaphore, #tpu.memory_space<semaphore_mem>> -> memref<!tpu.dma_semaphore, #tpu.memory_space<semaphore_mem>>
    %dma_wait3A_843 = arith.constant 0 : i32
    %dma_wait3A_844 = tpu.memref_slice %arg3[%add3A_830, %dma_wait3A_843] : memref<8192x1024xf32, #tpu.memory_space<hbm>> -> memref<8x1024xf32, #tpu.memory_space<hbm>>
    tpu.wait_dma2 semaphore(%dma_wait3A_842 : memref<!tpu.dma_semaphore, #tpu.memory_space<semaphore_mem>>) src(%dma_wait3A_844 : memref<8x1024xf32, #tpu.memory_space<hbm>>) dst(%arg12 : memref<8x1024xf32, #tpu.memory_space<vmem>>)
    %parallel_loop3A_845 = arith.constant 0 : i32
    %parallel_loop3A_846 = arith.constant 8 : i32
    %parallel_loop3A_847 = arith.constant 1 : i32
    scf.for %parallel_loop3A_1696 = %parallel_loop3A_845 to %parallel_loop3A_846 step %parallel_loop3A_847  : i32 {
      %parallel_loop3A_1697 = arith.constant 0 : i32
      %parallel_loop3A_1698 = arith.constant 1024 : i32
      %parallel_loop3A_1699 = arith.constant 16 : i32
      scf.for %parallel_loop3A_1700 = %parallel_loop3A_1697 to %parallel_loop3A_1698 step %parallel_loop3A_1699  : i32 {
        %parallel_loop3A_1701 = arith.index_cast %parallel_loop3A_1696 : i32 to index
        %parallel_loop3A_1702 = arith.index_cast %parallel_loop3A_1700 : i32 to index
        %parallel_loop3A_1703 = tpu.vector_load %arg12[%parallel_loop3A_1701, %parallel_loop3A_1702] {strides = array<i32>} : memref<8x1024xf32, #tpu.memory_space<vmem>>, vector<1x16xf32>,
        %parallel_loop3A_1704 = vector.shape_cast %parallel_loop3A_1703 : vector<1x16xf32> to vector<16xf32>
        %parallel_loop3A_1705 = arith.index_cast %parallel_loop3A_1696 : i32 to index
        %parallel_loop3A_1706 = arith.index_cast %parallel_loop3A_1700 : i32 to index
        %parallel_loop3A_1707 = tpu.vector_load %arg5[%parallel_loop3A_1705, %parallel_loop3A_1706] {strides = array<i32>} : memref<8x1024xf32, #tpu.memory_space<vmem>>, vector<1x16xf32>,
        %parallel_loop3A_1708 = vector.shape_cast %parallel_loop3A_1707 : vector<1x16xf32> to vector<16xf32>
        %parallel_loop3A_1709 = vector.shape_cast %parallel_loop3A_1704 : vector<16xf32> to vector<1x16xf32>
        tpu.vector_store %arg5[%parallel_loop3A_1705, %parallel_loop3A_1706], %parallel_loop3A_1709 {add = true, strides = array<i32>} : memref<8x1024xf32, #tpu.memory_space<vmem>>, vector<1x16xf32>,
      } {sc.loop_unroll_factor = 8 : i64, sc.parallel_access}
    } {sc.loop_unroll_factor = 1 : i64, sc.parallel_access}
    %add3A_848 = arith.constant 104 : i32
    %add3A_849 = arith.addi %mul3A_2, %add3A_848 : i32
    %dma_wait3A_850 = arith.constant 6 : i32
    %dma_wait3A_851 = arith.constant 0 : i32
    %dma_wait3A_852 = tpu.memref_slice %arg4[%add3A_849, %dma_wait3A_851] : memref<8192x1024xf32, #tpu.memory_space<hbm>> -> memref<8x1024xf32, #tpu.memory_space<hbm>>
    %dma_wait3A_853 = tpu.memref_slice %arg20[%dma_wait3A_850] : memref<7x!tpu.dma_semaphore, #tpu.memory_space<semaphore_mem>> -> memref<1x!tpu.dma_semaphore, #tpu.memory_space<semaphore_mem>>
    %dma_wait3A_854 = tpu.memref_squeeze %dma_wait3A_853 : memref<1x!tpu.dma_semaphore, #tpu.memory_space<semaphore_mem>> -> memref<!tpu.dma_semaphore, #tpu.memory_space<semaphore_mem>>
    %dma_wait3A_855 = arith.constant 0 : i32
    %dma_wait3A_856 = tpu.memref_slice %arg4[%add3A_849, %dma_wait3A_855] : memref<8192x1024xf32, #tpu.memory_space<hbm>> -> memref<8x1024xf32, #tpu.memory_space<hbm>>
    tpu.wait_dma2 semaphore(%dma_wait3A_854 : memref<!tpu.dma_semaphore, #tpu.memory_space<semaphore_mem>>) src(%arg11 : memref<8x1024xf32, #tpu.memory_space<vmem>>) dst(%dma_wait3A_856 : memref<8x1024xf32, #tpu.memory_space<hbm>>)
    %add3A_857 = arith.constant 160 : i32
    %add3A_858 = arith.addi %mul3A_2, %add3A_857 : i32
    %dma_start3A_859 = arith.constant 6 : i32
    %dma_start3A_860 = arith.constant 0 : i32
    %dma_start3A_861 = tpu.memref_slice %arg2[%add3A_858, %dma_start3A_860] : memref<8192x1024xf32, #tpu.memory_space<hbm>> -> memref<8x1024xf32, #tpu.memory_space<hbm>>
    %dma_start3A_862 = tpu.memref_slice %arg19[%dma_start3A_859] : memref<7x!tpu.dma_semaphore, #tpu.memory_space<semaphore_mem>> -> memref<1x!tpu.dma_semaphore, #tpu.memory_space<semaphore_mem>>
    %dma_start3A_863 = tpu.memref_squeeze %dma_start3A_862 : memref<1x!tpu.dma_semaphore, #tpu.memory_space<semaphore_mem>> -> memref<!tpu.dma_semaphore, #tpu.memory_space<semaphore_mem>>
    %dma_start3A_864 = arith.constant 0 : i32
    %dma_start3A_865 = tpu.memref_slice %arg2[%add3A_858, %dma_start3A_864] : memref<8192x1024xf32, #tpu.memory_space<hbm>> -> memref<8x1024xf32, #tpu.memory_space<hbm>>
    tpu.enqueue_dma source(%dma_start3A_865 : memref<8x1024xf32, #tpu.memory_space<hbm>>) target(%arg11 : memref<8x1024xf32, #tpu.memory_space<vmem>>) target_semaphore(%dma_start3A_863 : memref<!tpu.dma_semaphore, #tpu.memory_space<semaphore_mem>>)
    %dma_start3A_866 = arith.constant 6 : i32
    %dma_start3A_867 = arith.constant 0 : i32
    %dma_start3A_868 = tpu.memref_slice %arg3[%add3A_858, %dma_start3A_867] : memref<8192x1024xf32, #tpu.memory_space<hbm>> -> memref<8x1024xf32, #tpu.memory_space<hbm>>
    %dma_start3A_869 = tpu.memref_slice %arg19[%dma_start3A_866] : memref<7x!tpu.dma_semaphore, #tpu.memory_space<semaphore_mem>> -> memref<1x!tpu.dma_semaphore, #tpu.memory_space<semaphore_mem>>
    %dma_start3A_870 = tpu.memref_squeeze %dma_start3A_869 : memref<1x!tpu.dma_semaphore, #tpu.memory_space<semaphore_mem>> -> memref<!tpu.dma_semaphore, #tpu.memory_space<semaphore_mem>>
    %dma_start3A_871 = arith.constant 0 : i32
    %dma_start3A_872 = tpu.memref_slice %arg3[%add3A_858, %dma_start3A_871] : memref<8192x1024xf32, #tpu.memory_space<hbm>> -> memref<8x1024xf32, #tpu.memory_space<hbm>>
    tpu.enqueue_dma source(%dma_start3A_872 : memref<8x1024xf32, #tpu.memory_space<hbm>>) target(%arg18 : memref<8x1024xf32, #tpu.memory_space<vmem>>) target_semaphore(%dma_start3A_870 : memref<!tpu.dma_semaphore, #tpu.memory_space<semaphore_mem>>)
    %add3A_873 = arith.constant 112 : i32
    %add3A_874 = arith.addi %mul3A_2, %add3A_873 : i32
    %dma_start3A_875 = arith.constant 0 : i32
    %dma_start3A_876 = arith.constant 0 : i32
    %dma_start3A_877 = tpu.memref_slice %arg4[%add3A_874, %dma_start3A_876] : memref<8192x1024xf32, #tpu.memory_space<hbm>> -> memref<8x1024xf32, #tpu.memory_space<hbm>>
    %dma_start3A_878 = tpu.memref_slice %arg20[%dma_start3A_875] : memref<7x!tpu.dma_semaphore, #tpu.memory_space<semaphore_mem>> -> memref<1x!tpu.dma_semaphore, #tpu.memory_space<semaphore_mem>>
    %dma_start3A_879 = tpu.memref_squeeze %dma_start3A_878 : memref<1x!tpu.dma_semaphore, #tpu.memory_space<semaphore_mem>> -> memref<!tpu.dma_semaphore, #tpu.memory_space<semaphore_mem>>
    %dma_start3A_880 = arith.constant 0 : i32
    %dma_start3A_881 = tpu.memref_slice %arg4[%add3A_874, %dma_start3A_880] : memref<8192x1024xf32, #tpu.memory_space<hbm>> -> memref<8x1024xf32, #tpu.memory_space<hbm>>
    tpu.enqueue_dma source(%arg5 : memref<8x1024xf32, #tpu.memory_space<vmem>>) target(%dma_start3A_881 : memref<8x1024xf32, #tpu.memory_space<hbm>>) target_semaphore(%dma_start3A_879 : memref<!tpu.dma_semaphore, #tpu.memory_space<semaphore_mem>>)
    %add3A_882 = arith.constant 120 : i32
    %add3A_883 = arith.addi %mul3A_2, %add3A_882 : i32
    %dma_wait3A_884 = arith.constant 1 : i32
    %dma_wait3A_885 = arith.constant 0 : i32
    %dma_wait3A_886 = tpu.memref_slice %arg2[%add3A_883, %dma_wait3A_885] : memref<8192x1024xf32, #tpu.memory_space<hbm>> -> memref<8x1024xf32, #tpu.memory_space<hbm>>
    %dma_wait3A_887 = tpu.memref_slice %arg19[%dma_wait3A_884] : memref<7x!tpu.dma_semaphore, #tpu.memory_space<semaphore_mem>> -> memref<1x!tpu.dma_semaphore, #tpu.memory_space<semaphore_mem>>
    %dma_wait3A_888 = tpu.memref_squeeze %dma_wait3A_887 : memref<1x!tpu.dma_semaphore, #tpu.memory_space<semaphore_mem>> -> memref<!tpu.dma_semaphore, #tpu.memory_space<semaphore_mem>>
    %dma_wait3A_889 = arith.constant 0 : i32
    %dma_wait3A_890 = tpu.memref_slice %arg2[%add3A_883, %dma_wait3A_889] : memref<8192x1024xf32, #tpu.memory_space<hbm>> -> memref<8x1024xf32, #tpu.memory_space<hbm>>
    tpu.wait_dma2 semaphore(%dma_wait3A_888 : memref<!tpu.dma_semaphore, #tpu.memory_space<semaphore_mem>>) src(%dma_wait3A_890 : memref<8x1024xf32, #tpu.memory_space<hbm>>) dst(%arg6 : memref<8x1024xf32, #tpu.memory_space<vmem>>)
    %dma_wait3A_891 = arith.constant 1 : i32
    %dma_wait3A_892 = arith.constant 0 : i32
    %dma_wait3A_893 = tpu.memref_slice %arg3[%add3A_883, %dma_wait3A_892] : memref<8192x1024xf32, #tpu.memory_space<hbm>> -> memref<8x1024xf32, #tpu.memory_space<hbm>>
    %dma_wait3A_894 = tpu.memref_slice %arg19[%dma_wait3A_891] : memref<7x!tpu.dma_semaphore, #tpu.memory_space<semaphore_mem>> -> memref<1x!tpu.dma_semaphore, #tpu.memory_space<semaphore_mem>>
    %dma_wait3A_895 = tpu.memref_squeeze %dma_wait3A_894 : memref<1x!tpu.dma_semaphore, #tpu.memory_space<semaphore_mem>> -> memref<!tpu.dma_semaphore, #tpu.memory_space<semaphore_mem>>
    %dma_wait3A_896 = arith.constant 0 : i32
    %dma_wait3A_897 = tpu.memref_slice %arg3[%add3A_883, %dma_wait3A_896] : memref<8192x1024xf32, #tpu.memory_space<hbm>> -> memref<8x1024xf32, #tpu.memory_space<hbm>>
    tpu.wait_dma2 semaphore(%dma_wait3A_895 : memref<!tpu.dma_semaphore, #tpu.memory_space<semaphore_mem>>) src(%dma_wait3A_897 : memref<8x1024xf32, #tpu.memory_space<hbm>>) dst(%arg13 : memref<8x1024xf32, #tpu.memory_space<vmem>>)
    %parallel_loop3A_898 = arith.constant 0 : i32
    %parallel_loop3A_899 = arith.constant 8 : i32
    %parallel_loop3A_900 = arith.constant 1 : i32
    scf.for %parallel_loop3A_1696 = %parallel_loop3A_898 to %parallel_loop3A_899 step %parallel_loop3A_900  : i32 {
      %parallel_loop3A_1697 = arith.constant 0 : i32
      %parallel_loop3A_1698 = arith.constant 1024 : i32
      %parallel_loop3A_1699 = arith.constant 16 : i32
      scf.for %parallel_loop3A_1700 = %parallel_loop3A_1697 to %parallel_loop3A_1698 step %parallel_loop3A_1699  : i32 {
        %parallel_loop3A_1701 = arith.index_cast %parallel_loop3A_1696 : i32 to index
        %parallel_loop3A_1702 = arith.index_cast %parallel_loop3A_1700 : i32 to index
        %parallel_loop3A_1703 = tpu.vector_load %arg13[%parallel_loop3A_1701, %parallel_loop3A_1702] {strides = array<i32>} : memref<8x1024xf32, #tpu.memory_space<vmem>>, vector<1x16xf32>,
        %parallel_loop3A_1704 = vector.shape_cast %parallel_loop3A_1703 : vector<1x16xf32> to vector<16xf32>
        %parallel_loop3A_1705 = arith.index_cast %parallel_loop3A_1696 : i32 to index
        %parallel_loop3A_1706 = arith.index_cast %parallel_loop3A_1700 : i32 to index
        %parallel_loop3A_1707 = tpu.vector_load %arg6[%parallel_loop3A_1705, %parallel_loop3A_1706] {strides = array<i32>} : memref<8x1024xf32, #tpu.memory_space<vmem>>, vector<1x16xf32>,
        %parallel_loop3A_1708 = vector.shape_cast %parallel_loop3A_1707 : vector<1x16xf32> to vector<16xf32>
        %parallel_loop3A_1709 = vector.shape_cast %parallel_loop3A_1704 : vector<16xf32> to vector<1x16xf32>
        tpu.vector_store %arg6[%parallel_loop3A_1705, %parallel_loop3A_1706], %parallel_loop3A_1709 {add = true, strides = array<i32>} : memref<8x1024xf32, #tpu.memory_space<vmem>>, vector<1x16xf32>,
      } {sc.loop_unroll_factor = 8 : i64, sc.parallel_access}
    } {sc.loop_unroll_factor = 1 : i64, sc.parallel_access}
    %add3A_901 = arith.constant 112 : i32
    %add3A_902 = arith.addi %mul3A_2, %add3A_901 : i32
    %dma_wait3A_903 = arith.constant 0 : i32
    %dma_wait3A_904 = arith.constant 0 : i32
    %dma_wait3A_905 = tpu.memref_slice %arg4[%add3A_902, %dma_wait3A_904] : memref<8192x1024xf32, #tpu.memory_space<hbm>> -> memref<8x1024xf32, #tpu.memory_space<hbm>>
    %dma_wait3A_906 = tpu.memref_slice %arg20[%dma_wait3A_903] : memref<7x!tpu.dma_semaphore, #tpu.memory_space<semaphore_mem>> -> memref<1x!tpu.dma_semaphore, #tpu.memory_space<semaphore_mem>>
    %dma_wait3A_907 = tpu.memref_squeeze %dma_wait3A_906 : memref<1x!tpu.dma_semaphore, #tpu.memory_space<semaphore_mem>> -> memref<!tpu.dma_semaphore, #tpu.memory_space<semaphore_mem>>
    %dma_wait3A_908 = arith.constant 0 : i32
    %dma_wait3A_909 = tpu.memref_slice %arg4[%add3A_902, %dma_wait3A_908] : memref<8192x1024xf32, #tpu.memory_space<hbm>> -> memref<8x1024xf32, #tpu.memory_space<hbm>>
    tpu.wait_dma2 semaphore(%dma_wait3A_907 : memref<!tpu.dma_semaphore, #tpu.memory_space<semaphore_mem>>) src(%arg5 : memref<8x1024xf32, #tpu.memory_space<vmem>>) dst(%dma_wait3A_909 : memref<8x1024xf32, #tpu.memory_space<hbm>>)
    %add3A_910 = arith.constant 168 : i32
    %add3A_911 = arith.addi %mul3A_2, %add3A_910 : i32
    %dma_start3A_912 = arith.constant 0 : i32
    %dma_start3A_913 = arith.constant 0 : i32
    %dma_start3A_914 = tpu.memref_slice %arg2[%add3A_911, %dma_start3A_913] : memref<8192x1024xf32, #tpu.memory_space<hbm>> -> memref<8x1024xf32, #tpu.memory_space<hbm>>
    %dma_start3A_915 = tpu.memref_slice %arg19[%dma_start3A_912] : memref<7x!tpu.dma_semaphore, #tpu.memory_space<semaphore_mem>> -> memref<1x!tpu.dma_semaphore, #tpu.memory_space<semaphore_mem>>
    %dma_start3A_916 = tpu.memref_squeeze %dma_start3A_915 : memref<1x!tpu.dma_semaphore, #tpu.memory_space<semaphore_mem>> -> memref<!tpu.dma_semaphore, #tpu.memory_space<semaphore_mem>>
    %dma_start3A_917 = arith.constant 0 : i32
    %dma_start3A_918 = tpu.memref_slice %arg2[%add3A_911, %dma_start3A_917] : memref<8192x1024xf32, #tpu.memory_space<hbm>> -> memref<8x1024xf32, #tpu.memory_space<hbm>>
    tpu.enqueue_dma source(%dma_start3A_918 : memref<8x1024xf32, #tpu.memory_space<hbm>>) target(%arg5 : memref<8x1024xf32, #tpu.memory_space<vmem>>) target_semaphore(%dma_start3A_916 : memref<!tpu.dma_semaphore, #tpu.memory_space<semaphore_mem>>)
    %dma_start3A_919 = arith.constant 0 : i32
    %dma_start3A_920 = arith.constant 0 : i32
    %dma_start3A_921 = tpu.memref_slice %arg3[%add3A_911, %dma_start3A_920] : memref<8192x1024xf32, #tpu.memory_space<hbm>> -> memref<8x1024xf32, #tpu.memory_space<hbm>>
    %dma_start3A_922 = tpu.memref_slice %arg19[%dma_start3A_919] : memref<7x!tpu.dma_semaphore, #tpu.memory_space<semaphore_mem>> -> memref<1x!tpu.dma_semaphore, #tpu.memory_space<semaphore_mem>>
    %dma_start3A_923 = tpu.memref_squeeze %dma_start3A_922 : memref<1x!tpu.dma_semaphore, #tpu.memory_space<semaphore_mem>> -> memref<!tpu.dma_semaphore, #tpu.memory_space<semaphore_mem>>
    %dma_start3A_924 = arith.constant 0 : i32
    %dma_start3A_925 = tpu.memref_slice %arg3[%add3A_911, %dma_start3A_924] : memref<8192x1024xf32, #tpu.memory_space<hbm>> -> memref<8x1024xf32, #tpu.memory_space<hbm>>
    tpu.enqueue_dma source(%dma_start3A_925 : memref<8x1024xf32, #tpu.memory_space<hbm>>) target(%arg12 : memref<8x1024xf32, #tpu.memory_space<vmem>>) target_semaphore(%dma_start3A_923 : memref<!tpu.dma_semaphore, #tpu.memory_space<semaphore_mem>>)
    %add3A_926 = arith.constant 120 : i32
    %add3A_927 = arith.addi %mul3A_2, %add3A_926 : i32
    %dma_start3A_928 = arith.constant 1 : i32
    %dma_start3A_929 = arith.constant 0 : i32
    %dma_start3A_930 = tpu.memref_slice %arg4[%add3A_927, %dma_start3A_929] : memref<8192x1024xf32, #tpu.memory_space<hbm>> -> memref<8x1024xf32, #tpu.memory_space<hbm>>
    %dma_start3A_931 = tpu.memref_slice %arg20[%dma_start3A_928] : memref<7x!tpu.dma_semaphore, #tpu.memory_space<semaphore_mem>> -> memref<1x!tpu.dma_semaphore, #tpu.memory_space<semaphore_mem>>
    %dma_start3A_932 = tpu.memref_squeeze %dma_start3A_931 : memref<1x!tpu.dma_semaphore, #tpu.memory_space<semaphore_mem>> -> memref<!tpu.dma_semaphore, #tpu.memory_space<semaphore_mem>>
    %dma_start3A_933 = arith.constant 0 : i32
    %dma_start3A_934 = tpu.memref_slice %arg4[%add3A_927, %dma_start3A_933] : memref<8192x1024xf32, #tpu.memory_space<hbm>> -> memref<8x1024xf32, #tpu.memory_space<hbm>>
    tpu.enqueue_dma source(%arg6 : memref<8x1024xf32, #tpu.memory_space<vmem>>) target(%dma_start3A_934 : memref<8x1024xf32, #tpu.memory_space<hbm>>) target_semaphore(%dma_start3A_932 : memref<!tpu.dma_semaphore, #tpu.memory_space<semaphore_mem>>)
    %add3A_935 = arith.constant 128 : i32
    %add3A_936 = arith.addi %mul3A_2, %add3A_935 : i32
    %dma_wait3A_937 = arith.constant 2 : i32
    %dma_wait3A_938 = arith.constant 0 : i32
    %dma_wait3A_939 = tpu.memref_slice %arg2[%add3A_936, %dma_wait3A_938] : memref<8192x1024xf32, #tpu.memory_space<hbm>> -> memref<8x1024xf32, #tpu.memory_space<hbm>>
    %dma_wait3A_940 = tpu.memref_slice %arg19[%dma_wait3A_937] : memref<7x!tpu.dma_semaphore, #tpu.memory_space<semaphore_mem>> -> memref<1x!tpu.dma_semaphore, #tpu.memory_space<semaphore_mem>>
    %dma_wait3A_941 = tpu.memref_squeeze %dma_wait3A_940 : memref<1x!tpu.dma_semaphore, #tpu.memory_space<semaphore_mem>> -> memref<!tpu.dma_semaphore, #tpu.memory_space<semaphore_mem>>
    %dma_wait3A_942 = arith.constant 0 : i32
    %dma_wait3A_943 = tpu.memref_slice %arg2[%add3A_936, %dma_wait3A_942] : memref<8192x1024xf32, #tpu.memory_space<hbm>> -> memref<8x1024xf32, #tpu.memory_space<hbm>>
    tpu.wait_dma2 semaphore(%dma_wait3A_941 : memref<!tpu.dma_semaphore, #tpu.memory_space<semaphore_mem>>) src(%dma_wait3A_943 : memref<8x1024xf32, #tpu.memory_space<hbm>>) dst(%arg7 : memref<8x1024xf32, #tpu.memory_space<vmem>>)
    %dma_wait3A_944 = arith.constant 2 : i32
    %dma_wait3A_945 = arith.constant 0 : i32
    %dma_wait3A_946 = tpu.memref_slice %arg3[%add3A_936, %dma_wait3A_945] : memref<8192x1024xf32, #tpu.memory_space<hbm>> -> memref<8x1024xf32, #tpu.memory_space<hbm>>
    %dma_wait3A_947 = tpu.memref_slice %arg19[%dma_wait3A_944] : memref<7x!tpu.dma_semaphore, #tpu.memory_space<semaphore_mem>> -> memref<1x!tpu.dma_semaphore, #tpu.memory_space<semaphore_mem>>
    %dma_wait3A_948 = tpu.memref_squeeze %dma_wait3A_947 : memref<1x!tpu.dma_semaphore, #tpu.memory_space<semaphore_mem>> -> memref<!tpu.dma_semaphore, #tpu.memory_space<semaphore_mem>>
    %dma_wait3A_949 = arith.constant 0 : i32
    %dma_wait3A_950 = tpu.memref_slice %arg3[%add3A_936, %dma_wait3A_949] : memref<8192x1024xf32, #tpu.memory_space<hbm>> -> memref<8x1024xf32, #tpu.memory_space<hbm>>
    tpu.wait_dma2 semaphore(%dma_wait3A_948 : memref<!tpu.dma_semaphore, #tpu.memory_space<semaphore_mem>>) src(%dma_wait3A_950 : memref<8x1024xf32, #tpu.memory_space<hbm>>) dst(%arg14 : memref<8x1024xf32, #tpu.memory_space<vmem>>)
    %parallel_loop3A_951 = arith.constant 0 : i32
    %parallel_loop3A_952 = arith.constant 8 : i32
    %parallel_loop3A_953 = arith.constant 1 : i32
    scf.for %parallel_loop3A_1696 = %parallel_loop3A_951 to %parallel_loop3A_952 step %parallel_loop3A_953  : i32 {
      %parallel_loop3A_1697 = arith.constant 0 : i32
      %parallel_loop3A_1698 = arith.constant 1024 : i32
      %parallel_loop3A_1699 = arith.constant 16 : i32
      scf.for %parallel_loop3A_1700 = %parallel_loop3A_1697 to %parallel_loop3A_1698 step %parallel_loop3A_1699  : i32 {
        %parallel_loop3A_1701 = arith.index_cast %parallel_loop3A_1696 : i32 to index
        %parallel_loop3A_1702 = arith.index_cast %parallel_loop3A_1700 : i32 to index
        %parallel_loop3A_1703 = tpu.vector_load %arg14[%parallel_loop3A_1701, %parallel_loop3A_1702] {strides = array<i32>} : memref<8x1024xf32, #tpu.memory_space<vmem>>, vector<1x16xf32>,
        %parallel_loop3A_1704 = vector.shape_cast %parallel_loop3A_1703 : vector<1x16xf32> to vector<16xf32>
        %parallel_loop3A_1705 = arith.index_cast %parallel_loop3A_1696 : i32 to index
        %parallel_loop3A_1706 = arith.index_cast %parallel_loop3A_1700 : i32 to index
        %parallel_loop3A_1707 = tpu.vector_load %arg7[%parallel_loop3A_1705, %parallel_loop3A_1706] {strides = array<i32>} : memref<8x1024xf32, #tpu.memory_space<vmem>>, vector<1x16xf32>,
        %parallel_loop3A_1708 = vector.shape_cast %parallel_loop3A_1707 : vector<1x16xf32> to vector<16xf32>
        %parallel_loop3A_1709 = vector.shape_cast %parallel_loop3A_1704 : vector<16xf32> to vector<1x16xf32>
        tpu.vector_store %arg7[%parallel_loop3A_1705, %parallel_loop3A_1706], %parallel_loop3A_1709 {add = true, strides = array<i32>} : memref<8x1024xf32, #tpu.memory_space<vmem>>, vector<1x16xf32>,
      } {sc.loop_unroll_factor = 8 : i64, sc.parallel_access}
    } {sc.loop_unroll_factor = 1 : i64, sc.parallel_access}
    %add3A_954 = arith.constant 120 : i32
    %add3A_955 = arith.addi %mul3A_2, %add3A_954 : i32
    %dma_wait3A_956 = arith.constant 1 : i32
    %dma_wait3A_957 = arith.constant 0 : i32
    %dma_wait3A_958 = tpu.memref_slice %arg4[%add3A_955, %dma_wait3A_957] : memref<8192x1024xf32, #tpu.memory_space<hbm>> -> memref<8x1024xf32, #tpu.memory_space<hbm>>
    %dma_wait3A_959 = tpu.memref_slice %arg20[%dma_wait3A_956] : memref<7x!tpu.dma_semaphore, #tpu.memory_space<semaphore_mem>> -> memref<1x!tpu.dma_semaphore, #tpu.memory_space<semaphore_mem>>
    %dma_wait3A_960 = tpu.memref_squeeze %dma_wait3A_959 : memref<1x!tpu.dma_semaphore, #tpu.memory_space<semaphore_mem>> -> memref<!tpu.dma_semaphore, #tpu.memory_space<semaphore_mem>>
    %dma_wait3A_961 = arith.constant 0 : i32
    %dma_wait3A_962 = tpu.memref_slice %arg4[%add3A_955, %dma_wait3A_961] : memref<8192x1024xf32, #tpu.memory_space<hbm>> -> memref<8x1024xf32, #tpu.memory_space<hbm>>
    tpu.wait_dma2 semaphore(%dma_wait3A_960 : memref<!tpu.dma_semaphore, #tpu.memory_space<semaphore_mem>>) src(%arg6 : memref<8x1024xf32, #tpu.memory_space<vmem>>) dst(%dma_wait3A_962 : memref<8x1024xf32, #tpu.memory_space<hbm>>)
    %add3A_963 = arith.constant 176 : i32
    %add3A_964 = arith.addi %mul3A_2, %add3A_963 : i32
    %dma_start3A_965 = arith.constant 1 : i32
    %dma_start3A_966 = arith.constant 0 : i32
    %dma_start3A_967 = tpu.memref_slice %arg2[%add3A_964, %dma_start3A_966] : memref<8192x1024xf32, #tpu.memory_space<hbm>> -> memref<8x1024xf32, #tpu.memory_space<hbm>>
    %dma_start3A_968 = tpu.memref_slice %arg19[%dma_start3A_965] : memref<7x!tpu.dma_semaphore, #tpu.memory_space<semaphore_mem>> -> memref<1x!tpu.dma_semaphore, #tpu.memory_space<semaphore_mem>>
    %dma_start3A_969 = tpu.memref_squeeze %dma_start3A_968 : memref<1x!tpu.dma_semaphore, #tpu.memory_space<semaphore_mem>> -> memref<!tpu.dma_semaphore, #tpu.memory_space<semaphore_mem>>
    %dma_start3A_970 = arith.constant 0 : i32
    %dma_start3A_971 = tpu.memref_slice %arg2[%add3A_964, %dma_start3A_970] : memref<8192x1024xf32, #tpu.memory_space<hbm>> -> memref<8x1024xf32, #tpu.memory_space<hbm>>
    tpu.enqueue_dma source(%dma_start3A_971 : memref<8x1024xf32, #tpu.memory_space<hbm>>) target(%arg6 : memref<8x1024xf32, #tpu.memory_space<vmem>>) target_semaphore(%dma_start3A_969 : memref<!tpu.dma_semaphore, #tpu.memory_space<semaphore_mem>>)
    %dma_start3A_972 = arith.constant 1 : i32
    %dma_start3A_973 = arith.constant 0 : i32
    %dma_start3A_974 = tpu.memref_slice %arg3[%add3A_964, %dma_start3A_973] : memref<8192x1024xf32, #tpu.memory_space<hbm>> -> memref<8x1024xf32, #tpu.memory_space<hbm>>
    %dma_start3A_975 = tpu.memref_slice %arg19[%dma_start3A_972] : memref<7x!tpu.dma_semaphore, #tpu.memory_space<semaphore_mem>> -> memref<1x!tpu.dma_semaphore, #tpu.memory_space<semaphore_mem>>
    %dma_start3A_976 = tpu.memref_squeeze %dma_start3A_975 : memref<1x!tpu.dma_semaphore, #tpu.memory_space<semaphore_mem>> -> memref<!tpu.dma_semaphore, #tpu.memory_space<semaphore_mem>>
    %dma_start3A_977 = arith.constant 0 : i32
    %dma_start3A_978 = tpu.memref_slice %arg3[%add3A_964, %dma_start3A_977] : memref<8192x1024xf32, #tpu.memory_space<hbm>> -> memref<8x1024xf32, #tpu.memory_space<hbm>>
    tpu.enqueue_dma source(%dma_start3A_978 : memref<8x1024xf32, #tpu.memory_space<hbm>>) target(%arg13 : memref<8x1024xf32, #tpu.memory_space<vmem>>) target_semaphore(%dma_start3A_976 : memref<!tpu.dma_semaphore, #tpu.memory_space<semaphore_mem>>)
    %add3A_979 = arith.constant 128 : i32
    %add3A_980 = arith.addi %mul3A_2, %add3A_979 : i32
    %dma_start3A_981 = arith.constant 2 : i32
    %dma_start3A_982 = arith.constant 0 : i32
    %dma_start3A_983 = tpu.memref_slice %arg4[%add3A_980, %dma_start3A_982] : memref<8192x1024xf32, #tpu.memory_space<hbm>> -> memref<8x1024xf32, #tpu.memory_space<hbm>>
    %dma_start3A_984 = tpu.memref_slice %arg20[%dma_start3A_981] : memref<7x!tpu.dma_semaphore, #tpu.memory_space<semaphore_mem>> -> memref<1x!tpu.dma_semaphore, #tpu.memory_space<semaphore_mem>>
    %dma_start3A_985 = tpu.memref_squeeze %dma_start3A_984 : memref<1x!tpu.dma_semaphore, #tpu.memory_space<semaphore_mem>> -> memref<!tpu.dma_semaphore, #tpu.memory_space<semaphore_mem>>
    %dma_start3A_986 = arith.constant 0 : i32
    %dma_start3A_987 = tpu.memref_slice %arg4[%add3A_980, %dma_start3A_986] : memref<8192x1024xf32, #tpu.memory_space<hbm>> -> memref<8x1024xf32, #tpu.memory_space<hbm>>
    tpu.enqueue_dma source(%arg7 : memref<8x1024xf32, #tpu.memory_space<vmem>>) target(%dma_start3A_987 : memref<8x1024xf32, #tpu.memory_space<hbm>>) target_semaphore(%dma_start3A_985 : memref<!tpu.dma_semaphore, #tpu.memory_space<semaphore_mem>>)
    %add3A_988 = arith.constant 136 : i32
    %add3A_989 = arith.addi %mul3A_2, %add3A_988 : i32
    %dma_wait3A_990 = arith.constant 3 : i32
    %dma_wait3A_991 = arith.constant 0 : i32
    %dma_wait3A_992 = tpu.memref_slice %arg2[%add3A_989, %dma_wait3A_991] : memref<8192x1024xf32, #tpu.memory_space<hbm>> -> memref<8x1024xf32, #tpu.memory_space<hbm>>
    %dma_wait3A_993 = tpu.memref_slice %arg19[%dma_wait3A_990] : memref<7x!tpu.dma_semaphore, #tpu.memory_space<semaphore_mem>> -> memref<1x!tpu.dma_semaphore, #tpu.memory_space<semaphore_mem>>
    %dma_wait3A_994 = tpu.memref_squeeze %dma_wait3A_993 : memref<1x!tpu.dma_semaphore, #tpu.memory_space<semaphore_mem>> -> memref<!tpu.dma_semaphore, #tpu.memory_space<semaphore_mem>>
    %dma_wait3A_995 = arith.constant 0 : i32
    %dma_wait3A_996 = tpu.memref_slice %arg2[%add3A_989, %dma_wait3A_995] : memref<8192x1024xf32, #tpu.memory_space<hbm>> -> memref<8x1024xf32, #tpu.memory_space<hbm>>
    tpu.wait_dma2 semaphore(%dma_wait3A_994 : memref<!tpu.dma_semaphore, #tpu.memory_space<semaphore_mem>>) src(%dma_wait3A_996 : memref<8x1024xf32, #tpu.memory_space<hbm>>) dst(%arg8 : memref<8x1024xf32, #tpu.memory_space<vmem>>)
    %dma_wait3A_997 = arith.constant 3 : i32
    %dma_wait3A_998 = arith.constant 0 : i32
    %dma_wait3A_999 = tpu.memref_slice %arg3[%add3A_989, %dma_wait3A_998] : memref<8192x1024xf32, #tpu.memory_space<hbm>> -> memref<8x1024xf32, #tpu.memory_space<hbm>>
    %dma_wait3A_1000 = tpu.memref_slice %arg19[%dma_wait3A_997] : memref<7x!tpu.dma_semaphore, #tpu.memory_space<semaphore_mem>> -> memref<1x!tpu.dma_semaphore, #tpu.memory_space<semaphore_mem>>
    %dma_wait3A_1001 = tpu.memref_squeeze %dma_wait3A_1000 : memref<1x!tpu.dma_semaphore, #tpu.memory_space<semaphore_mem>> -> memref<!tpu.dma_semaphore, #tpu.memory_space<semaphore_mem>>
    %dma_wait3A_1002 = arith.constant 0 : i32
    %dma_wait3A_1003 = tpu.memref_slice %arg3[%add3A_989, %dma_wait3A_1002] : memref<8192x1024xf32, #tpu.memory_space<hbm>> -> memref<8x1024xf32, #tpu.memory_space<hbm>>
    tpu.wait_dma2 semaphore(%dma_wait3A_1001 : memref<!tpu.dma_semaphore, #tpu.memory_space<semaphore_mem>>) src(%dma_wait3A_1003 : memref<8x1024xf32, #tpu.memory_space<hbm>>) dst(%arg15 : memref<8x1024xf32, #tpu.memory_space<vmem>>)
    %parallel_loop3A_1004 = arith.constant 0 : i32
    %parallel_loop3A_1005 = arith.constant 8 : i32
    %parallel_loop3A_1006 = arith.constant 1 : i32
    scf.for %parallel_loop3A_1696 = %parallel_loop3A_1004 to %parallel_loop3A_1005 step %parallel_loop3A_1006  : i32 {
      %parallel_loop3A_1697 = arith.constant 0 : i32
      %parallel_loop3A_1698 = arith.constant 1024 : i32
      %parallel_loop3A_1699 = arith.constant 16 : i32
      scf.for %parallel_loop3A_1700 = %parallel_loop3A_1697 to %parallel_loop3A_1698 step %parallel_loop3A_1699  : i32 {
        %parallel_loop3A_1701 = arith.index_cast %parallel_loop3A_1696 : i32 to index
        %parallel_loop3A_1702 = arith.index_cast %parallel_loop3A_1700 : i32 to index
        %parallel_loop3A_1703 = tpu.vector_load %arg15[%parallel_loop3A_1701, %parallel_loop3A_1702] {strides = array<i32>} : memref<8x1024xf32, #tpu.memory_space<vmem>>, vector<1x16xf32>,
        %parallel_loop3A_1704 = vector.shape_cast %parallel_loop3A_1703 : vector<1x16xf32> to vector<16xf32>
        %parallel_loop3A_1705 = arith.index_cast %parallel_loop3A_1696 : i32 to index
        %parallel_loop3A_1706 = arith.index_cast %parallel_loop3A_1700 : i32 to index
        %parallel_loop3A_1707 = tpu.vector_load %arg8[%parallel_loop3A_1705, %parallel_loop3A_1706] {strides = array<i32>} : memref<8x1024xf32, #tpu.memory_space<vmem>>, vector<1x16xf32>,
        %parallel_loop3A_1708 = vector.shape_cast %parallel_loop3A_1707 : vector<1x16xf32> to vector<16xf32>
        %parallel_loop3A_1709 = vector.shape_cast %parallel_loop3A_1704 : vector<16xf32> to vector<1x16xf32>
        tpu.vector_store %arg8[%parallel_loop3A_1705, %parallel_loop3A_1706], %parallel_loop3A_1709 {add = true, strides = array<i32>} : memref<8x1024xf32, #tpu.memory_space<vmem>>, vector<1x16xf32>,
      } {sc.loop_unroll_factor = 8 : i64, sc.parallel_access}
    } {sc.loop_unroll_factor = 1 : i64, sc.parallel_access}
    %add3A_1007 = arith.constant 128 : i32
    %add3A_1008 = arith.addi %mul3A_2, %add3A_1007 : i32
    %dma_wait3A_1009 = arith.constant 2 : i32
    %dma_wait3A_1010 = arith.constant 0 : i32
    %dma_wait3A_1011 = tpu.memref_slice %arg4[%add3A_1008, %dma_wait3A_1010] : memref<8192x1024xf32, #tpu.memory_space<hbm>> -> memref<8x1024xf32, #tpu.memory_space<hbm>>
    %dma_wait3A_1012 = tpu.memref_slice %arg20[%dma_wait3A_1009] : memref<7x!tpu.dma_semaphore, #tpu.memory_space<semaphore_mem>> -> memref<1x!tpu.dma_semaphore, #tpu.memory_space<semaphore_mem>>
    %dma_wait3A_1013 = tpu.memref_squeeze %dma_wait3A_1012 : memref<1x!tpu.dma_semaphore, #tpu.memory_space<semaphore_mem>> -> memref<!tpu.dma_semaphore, #tpu.memory_space<semaphore_mem>>
    %dma_wait3A_1014 = arith.constant 0 : i32
    %dma_wait3A_1015 = tpu.memref_slice %arg4[%add3A_1008, %dma_wait3A_1014] : memref<8192x1024xf32, #tpu.memory_space<hbm>> -> memref<8x1024xf32, #tpu.memory_space<hbm>>
    tpu.wait_dma2 semaphore(%dma_wait3A_1013 : memref<!tpu.dma_semaphore, #tpu.memory_space<semaphore_mem>>) src(%arg7 : memref<8x1024xf32, #tpu.memory_space<vmem>>) dst(%dma_wait3A_1015 : memref<8x1024xf32, #tpu.memory_space<hbm>>)
    %add3A_1016 = arith.constant 184 : i32
    %add3A_1017 = arith.addi %mul3A_2, %add3A_1016 : i32
    %dma_start3A_1018 = arith.constant 2 : i32
    %dma_start3A_1019 = arith.constant 0 : i32
    %dma_start3A_1020 = tpu.memref_slice %arg2[%add3A_1017, %dma_start3A_1019] : memref<8192x1024xf32, #tpu.memory_space<hbm>> -> memref<8x1024xf32, #tpu.memory_space<hbm>>
    %dma_start3A_1021 = tpu.memref_slice %arg19[%dma_start3A_1018] : memref<7x!tpu.dma_semaphore, #tpu.memory_space<semaphore_mem>> -> memref<1x!tpu.dma_semaphore, #tpu.memory_space<semaphore_mem>>
    %dma_start3A_1022 = tpu.memref_squeeze %dma_start3A_1021 : memref<1x!tpu.dma_semaphore, #tpu.memory_space<semaphore_mem>> -> memref<!tpu.dma_semaphore, #tpu.memory_space<semaphore_mem>>
    %dma_start3A_1023 = arith.constant 0 : i32
    %dma_start3A_1024 = tpu.memref_slice %arg2[%add3A_1017, %dma_start3A_1023] : memref<8192x1024xf32, #tpu.memory_space<hbm>> -> memref<8x1024xf32, #tpu.memory_space<hbm>>
    tpu.enqueue_dma source(%dma_start3A_1024 : memref<8x1024xf32, #tpu.memory_space<hbm>>) target(%arg7 : memref<8x1024xf32, #tpu.memory_space<vmem>>) target_semaphore(%dma_start3A_1022 : memref<!tpu.dma_semaphore, #tpu.memory_space<semaphore_mem>>)
    %dma_start3A_1025 = arith.constant 2 : i32
    %dma_start3A_1026 = arith.constant 0 : i32
    %dma_start3A_1027 = tpu.memref_slice %arg3[%add3A_1017, %dma_start3A_1026] : memref<8192x1024xf32, #tpu.memory_space<hbm>> -> memref<8x1024xf32, #tpu.memory_space<hbm>>
    %dma_start3A_1028 = tpu.memref_slice %arg19[%dma_start3A_1025] : memref<7x!tpu.dma_semaphore, #tpu.memory_space<semaphore_mem>> -> memref<1x!tpu.dma_semaphore, #tpu.memory_space<semaphore_mem>>
    %dma_start3A_1029 = tpu.memref_squeeze %dma_start3A_1028 : memref<1x!tpu.dma_semaphore, #tpu.memory_space<semaphore_mem>> -> memref<!tpu.dma_semaphore, #tpu.memory_space<semaphore_mem>>
    %dma_start3A_1030 = arith.constant 0 : i32
    %dma_start3A_1031 = tpu.memref_slice %arg3[%add3A_1017, %dma_start3A_1030] : memref<8192x1024xf32, #tpu.memory_space<hbm>> -> memref<8x1024xf32, #tpu.memory_space<hbm>>
    tpu.enqueue_dma source(%dma_start3A_1031 : memref<8x1024xf32, #tpu.memory_space<hbm>>) target(%arg14 : memref<8x1024xf32, #tpu.memory_space<vmem>>) target_semaphore(%dma_start3A_1029 : memref<!tpu.dma_semaphore, #tpu.memory_space<semaphore_mem>>)
    %add3A_1032 = arith.constant 136 : i32
    %add3A_1033 = arith.addi %mul3A_2, %add3A_1032 : i32
    %dma_start3A_1034 = arith.constant 3 : i32
    %dma_start3A_1035 = arith.constant 0 : i32
    %dma_start3A_1036 = tpu.memref_slice %arg4[%add3A_1033, %dma_start3A_1035] : memref<8192x1024xf32, #tpu.memory_space<hbm>> -> memref<8x1024xf32, #tpu.memory_space<hbm>>
    %dma_start3A_1037 = tpu.memref_slice %arg20[%dma_start3A_1034] : memref<7x!tpu.dma_semaphore, #tpu.memory_space<semaphore_mem>> -> memref<1x!tpu.dma_semaphore, #tpu.memory_space<semaphore_mem>>
    %dma_start3A_1038 = tpu.memref_squeeze %dma_start3A_1037 : memref<1x!tpu.dma_semaphore, #tpu.memory_space<semaphore_mem>> -> memref<!tpu.dma_semaphore, #tpu.memory_space<semaphore_mem>>
    %dma_start3A_1039 = arith.constant 0 : i32
    %dma_start3A_1040 = tpu.memref_slice %arg4[%add3A_1033, %dma_start3A_1039] : memref<8192x1024xf32, #tpu.memory_space<hbm>> -> memref<8x1024xf32, #tpu.memory_space<hbm>>
    tpu.enqueue_dma source(%arg8 : memref<8x1024xf32, #tpu.memory_space<vmem>>) target(%dma_start3A_1040 : memref<8x1024xf32, #tpu.memory_space<hbm>>) target_semaphore(%dma_start3A_1038 : memref<!tpu.dma_semaphore, #tpu.memory_space<semaphore_mem>>)
    %add3A_1041 = arith.constant 144 : i32
    %add3A_1042 = arith.addi %mul3A_2, %add3A_1041 : i32
    %dma_wait3A_1043 = arith.constant 4 : i32
    %dma_wait3A_1044 = arith.constant 0 : i32
    %dma_wait3A_1045 = tpu.memref_slice %arg2[%add3A_1042, %dma_wait3A_1044] : memref<8192x1024xf32, #tpu.memory_space<hbm>> -> memref<8x1024xf32, #tpu.memory_space<hbm>>
    %dma_wait3A_1046 = tpu.memref_slice %arg19[%dma_wait3A_1043] : memref<7x!tpu.dma_semaphore, #tpu.memory_space<semaphore_mem>> -> memref<1x!tpu.dma_semaphore, #tpu.memory_space<semaphore_mem>>
    %dma_wait3A_1047 = tpu.memref_squeeze %dma_wait3A_1046 : memref<1x!tpu.dma_semaphore, #tpu.memory_space<semaphore_mem>> -> memref<!tpu.dma_semaphore, #tpu.memory_space<semaphore_mem>>
    %dma_wait3A_1048 = arith.constant 0 : i32
    %dma_wait3A_1049 = tpu.memref_slice %arg2[%add3A_1042, %dma_wait3A_1048] : memref<8192x1024xf32, #tpu.memory_space<hbm>> -> memref<8x1024xf32, #tpu.memory_space<hbm>>
    tpu.wait_dma2 semaphore(%dma_wait3A_1047 : memref<!tpu.dma_semaphore, #tpu.memory_space<semaphore_mem>>) src(%dma_wait3A_1049 : memref<8x1024xf32, #tpu.memory_space<hbm>>) dst(%arg9 : memref<8x1024xf32, #tpu.memory_space<vmem>>)
    %dma_wait3A_1050 = arith.constant 4 : i32
    %dma_wait3A_1051 = arith.constant 0 : i32
    %dma_wait3A_1052 = tpu.memref_slice %arg3[%add3A_1042, %dma_wait3A_1051] : memref<8192x1024xf32, #tpu.memory_space<hbm>> -> memref<8x1024xf32, #tpu.memory_space<hbm>>
    %dma_wait3A_1053 = tpu.memref_slice %arg19[%dma_wait3A_1050] : memref<7x!tpu.dma_semaphore, #tpu.memory_space<semaphore_mem>> -> memref<1x!tpu.dma_semaphore, #tpu.memory_space<semaphore_mem>>
    %dma_wait3A_1054 = tpu.memref_squeeze %dma_wait3A_1053 : memref<1x!tpu.dma_semaphore, #tpu.memory_space<semaphore_mem>> -> memref<!tpu.dma_semaphore, #tpu.memory_space<semaphore_mem>>
    %dma_wait3A_1055 = arith.constant 0 : i32
    %dma_wait3A_1056 = tpu.memref_slice %arg3[%add3A_1042, %dma_wait3A_1055] : memref<8192x1024xf32, #tpu.memory_space<hbm>> -> memref<8x1024xf32, #tpu.memory_space<hbm>>
    tpu.wait_dma2 semaphore(%dma_wait3A_1054 : memref<!tpu.dma_semaphore, #tpu.memory_space<semaphore_mem>>) src(%dma_wait3A_1056 : memref<8x1024xf32, #tpu.memory_space<hbm>>) dst(%arg16 : memref<8x1024xf32, #tpu.memory_space<vmem>>)
    %parallel_loop3A_1057 = arith.constant 0 : i32
    %parallel_loop3A_1058 = arith.constant 8 : i32
    %parallel_loop3A_1059 = arith.constant 1 : i32
    scf.for %parallel_loop3A_1696 = %parallel_loop3A_1057 to %parallel_loop3A_1058 step %parallel_loop3A_1059  : i32 {
      %parallel_loop3A_1697 = arith.constant 0 : i32
      %parallel_loop3A_1698 = arith.constant 1024 : i32
      %parallel_loop3A_1699 = arith.constant 16 : i32
      scf.for %parallel_loop3A_1700 = %parallel_loop3A_1697 to %parallel_loop3A_1698 step %parallel_loop3A_1699  : i32 {
        %parallel_loop3A_1701 = arith.index_cast %parallel_loop3A_1696 : i32 to index
        %parallel_loop3A_1702 = arith.index_cast %parallel_loop3A_1700 : i32 to index
        %parallel_loop3A_1703 = tpu.vector_load %arg16[%parallel_loop3A_1701, %parallel_loop3A_1702] {strides = array<i32>} : memref<8x1024xf32, #tpu.memory_space<vmem>>, vector<1x16xf32>,
        %parallel_loop3A_1704 = vector.shape_cast %parallel_loop3A_1703 : vector<1x16xf32> to vector<16xf32>
        %parallel_loop3A_1705 = arith.index_cast %parallel_loop3A_1696 : i32 to index
        %parallel_loop3A_1706 = arith.index_cast %parallel_loop3A_1700 : i32 to index
        %parallel_loop3A_1707 = tpu.vector_load %arg9[%parallel_loop3A_1705, %parallel_loop3A_1706] {strides = array<i32>} : memref<8x1024xf32, #tpu.memory_space<vmem>>, vector<1x16xf32>,
        %parallel_loop3A_1708 = vector.shape_cast %parallel_loop3A_1707 : vector<1x16xf32> to vector<16xf32>
        %parallel_loop3A_1709 = vector.shape_cast %parallel_loop3A_1704 : vector<16xf32> to vector<1x16xf32>
        tpu.vector_store %arg9[%parallel_loop3A_1705, %parallel_loop3A_1706], %parallel_loop3A_1709 {add = true, strides = array<i32>} : memref<8x1024xf32, #tpu.memory_space<vmem>>, vector<1x16xf32>,
      } {sc.loop_unroll_factor = 8 : i64, sc.parallel_access}
    } {sc.loop_unroll_factor = 1 : i64, sc.parallel_access}
    %add3A_1060 = arith.constant 136 : i32
    %add3A_1061 = arith.addi %mul3A_2, %add3A_1060 : i32
    %dma_wait3A_1062 = arith.constant 3 : i32
    %dma_wait3A_1063 = arith.constant 0 : i32
    %dma_wait3A_1064 = tpu.memref_slice %arg4[%add3A_1061, %dma_wait3A_1063] : memref<8192x1024xf32, #tpu.memory_space<hbm>> -> memref<8x1024xf32, #tpu.memory_space<hbm>>
    %dma_wait3A_1065 = tpu.memref_slice %arg20[%dma_wait3A_1062] : memref<7x!tpu.dma_semaphore, #tpu.memory_space<semaphore_mem>> -> memref<1x!tpu.dma_semaphore, #tpu.memory_space<semaphore_mem>>
    %dma_wait3A_1066 = tpu.memref_squeeze %dma_wait3A_1065 : memref<1x!tpu.dma_semaphore, #tpu.memory_space<semaphore_mem>> -> memref<!tpu.dma_semaphore, #tpu.memory_space<semaphore_mem>>
    %dma_wait3A_1067 = arith.constant 0 : i32
    %dma_wait3A_1068 = tpu.memref_slice %arg4[%add3A_1061, %dma_wait3A_1067] : memref<8192x1024xf32, #tpu.memory_space<hbm>> -> memref<8x1024xf32, #tpu.memory_space<hbm>>
    tpu.wait_dma2 semaphore(%dma_wait3A_1066 : memref<!tpu.dma_semaphore, #tpu.memory_space<semaphore_mem>>) src(%arg8 : memref<8x1024xf32, #tpu.memory_space<vmem>>) dst(%dma_wait3A_1068 : memref<8x1024xf32, #tpu.memory_space<hbm>>)
    %add3A_1069 = arith.constant 192 : i32
    %add3A_1070 = arith.addi %mul3A_2, %add3A_1069 : i32
    %dma_start3A_1071 = arith.constant 3 : i32
    %dma_start3A_1072 = arith.constant 0 : i32
    %dma_start3A_1073 = tpu.memref_slice %arg2[%add3A_1070, %dma_start3A_1072] : memref<8192x1024xf32, #tpu.memory_space<hbm>> -> memref<8x1024xf32, #tpu.memory_space<hbm>>
    %dma_start3A_1074 = tpu.memref_slice %arg19[%dma_start3A_1071] : memref<7x!tpu.dma_semaphore, #tpu.memory_space<semaphore_mem>> -> memref<1x!tpu.dma_semaphore, #tpu.memory_space<semaphore_mem>>
    %dma_start3A_1075 = tpu.memref_squeeze %dma_start3A_1074 : memref<1x!tpu.dma_semaphore, #tpu.memory_space<semaphore_mem>> -> memref<!tpu.dma_semaphore, #tpu.memory_space<semaphore_mem>>
    %dma_start3A_1076 = arith.constant 0 : i32
    %dma_start3A_1077 = tpu.memref_slice %arg2[%add3A_1070, %dma_start3A_1076] : memref<8192x1024xf32, #tpu.memory_space<hbm>> -> memref<8x1024xf32, #tpu.memory_space<hbm>>
    tpu.enqueue_dma source(%dma_start3A_1077 : memref<8x1024xf32, #tpu.memory_space<hbm>>) target(%arg8 : memref<8x1024xf32, #tpu.memory_space<vmem>>) target_semaphore(%dma_start3A_1075 : memref<!tpu.dma_semaphore, #tpu.memory_space<semaphore_mem>>)
    %dma_start3A_1078 = arith.constant 3 : i32
    %dma_start3A_1079 = arith.constant 0 : i32
    %dma_start3A_1080 = tpu.memref_slice %arg3[%add3A_1070, %dma_start3A_1079] : memref<8192x1024xf32, #tpu.memory_space<hbm>> -> memref<8x1024xf32, #tpu.memory_space<hbm>>
    %dma_start3A_1081 = tpu.memref_slice %arg19[%dma_start3A_1078] : memref<7x!tpu.dma_semaphore, #tpu.memory_space<semaphore_mem>> -> memref<1x!tpu.dma_semaphore, #tpu.memory_space<semaphore_mem>>
    %dma_start3A_1082 = tpu.memref_squeeze %dma_start3A_1081 : memref<1x!tpu.dma_semaphore, #tpu.memory_space<semaphore_mem>> -> memref<!tpu.dma_semaphore, #tpu.memory_space<semaphore_mem>>
    %dma_start3A_1083 = arith.constant 0 : i32
    %dma_start3A_1084 = tpu.memref_slice %arg3[%add3A_1070, %dma_start3A_1083] : memref<8192x1024xf32, #tpu.memory_space<hbm>> -> memref<8x1024xf32, #tpu.memory_space<hbm>>
    tpu.enqueue_dma source(%dma_start3A_1084 : memref<8x1024xf32, #tpu.memory_space<hbm>>) target(%arg15 : memref<8x1024xf32, #tpu.memory_space<vmem>>) target_semaphore(%dma_start3A_1082 : memref<!tpu.dma_semaphore, #tpu.memory_space<semaphore_mem>>)
    %add3A_1085 = arith.constant 144 : i32
    %add3A_1086 = arith.addi %mul3A_2, %add3A_1085 : i32
    %dma_start3A_1087 = arith.constant 4 : i32
    %dma_start3A_1088 = arith.constant 0 : i32
    %dma_start3A_1089 = tpu.memref_slice %arg4[%add3A_1086, %dma_start3A_1088] : memref<8192x1024xf32, #tpu.memory_space<hbm>> -> memref<8x1024xf32, #tpu.memory_space<hbm>>
    %dma_start3A_1090 = tpu.memref_slice %arg20[%dma_start3A_1087] : memref<7x!tpu.dma_semaphore, #tpu.memory_space<semaphore_mem>> -> memref<1x!tpu.dma_semaphore, #tpu.memory_space<semaphore_mem>>
    %dma_start3A_1091 = tpu.memref_squeeze %dma_start3A_1090 : memref<1x!tpu.dma_semaphore, #tpu.memory_space<semaphore_mem>> -> memref<!tpu.dma_semaphore, #tpu.memory_space<semaphore_mem>>
    %dma_start3A_1092 = arith.constant 0 : i32
    %dma_start3A_1093 = tpu.memref_slice %arg4[%add3A_1086, %dma_start3A_1092] : memref<8192x1024xf32, #tpu.memory_space<hbm>> -> memref<8x1024xf32, #tpu.memory_space<hbm>>
    tpu.enqueue_dma source(%arg9 : memref<8x1024xf32, #tpu.memory_space<vmem>>) target(%dma_start3A_1093 : memref<8x1024xf32, #tpu.memory_space<hbm>>) target_semaphore(%dma_start3A_1091 : memref<!tpu.dma_semaphore, #tpu.memory_space<semaphore_mem>>)
    %add3A_1094 = arith.constant 152 : i32
    %add3A_1095 = arith.addi %mul3A_2, %add3A_1094 : i32
    %dma_wait3A_1096 = arith.constant 5 : i32
    %dma_wait3A_1097 = arith.constant 0 : i32
    %dma_wait3A_1098 = tpu.memref_slice %arg2[%add3A_1095, %dma_wait3A_1097] : memref<8192x1024xf32, #tpu.memory_space<hbm>> -> memref<8x1024xf32, #tpu.memory_space<hbm>>
    %dma_wait3A_1099 = tpu.memref_slice %arg19[%dma_wait3A_1096] : memref<7x!tpu.dma_semaphore, #tpu.memory_space<semaphore_mem>> -> memref<1x!tpu.dma_semaphore, #tpu.memory_space<semaphore_mem>>
    %dma_wait3A_1100 = tpu.memref_squeeze %dma_wait3A_1099 : memref<1x!tpu.dma_semaphore, #tpu.memory_space<semaphore_mem>> -> memref<!tpu.dma_semaphore, #tpu.memory_space<semaphore_mem>>
    %dma_wait3A_1101 = arith.constant 0 : i32
    %dma_wait3A_1102 = tpu.memref_slice %arg2[%add3A_1095, %dma_wait3A_1101] : memref<8192x1024xf32, #tpu.memory_space<hbm>> -> memref<8x1024xf32, #tpu.memory_space<hbm>>
    tpu.wait_dma2 semaphore(%dma_wait3A_1100 : memref<!tpu.dma_semaphore, #tpu.memory_space<semaphore_mem>>) src(%dma_wait3A_1102 : memref<8x1024xf32, #tpu.memory_space<hbm>>) dst(%arg10 : memref<8x1024xf32, #tpu.memory_space<vmem>>)
    %dma_wait3A_1103 = arith.constant 5 : i32
    %dma_wait3A_1104 = arith.constant 0 : i32
    %dma_wait3A_1105 = tpu.memref_slice %arg3[%add3A_1095, %dma_wait3A_1104] : memref<8192x1024xf32, #tpu.memory_space<hbm>> -> memref<8x1024xf32, #tpu.memory_space<hbm>>
    %dma_wait3A_1106 = tpu.memref_slice %arg19[%dma_wait3A_1103] : memref<7x!tpu.dma_semaphore, #tpu.memory_space<semaphore_mem>> -> memref<1x!tpu.dma_semaphore, #tpu.memory_space<semaphore_mem>>
    %dma_wait3A_1107 = tpu.memref_squeeze %dma_wait3A_1106 : memref<1x!tpu.dma_semaphore, #tpu.memory_space<semaphore_mem>> -> memref<!tpu.dma_semaphore, #tpu.memory_space<semaphore_mem>>
    %dma_wait3A_1108 = arith.constant 0 : i32
    %dma_wait3A_1109 = tpu.memref_slice %arg3[%add3A_1095, %dma_wait3A_1108] : memref<8192x1024xf32, #tpu.memory_space<hbm>> -> memref<8x1024xf32, #tpu.memory_space<hbm>>
    tpu.wait_dma2 semaphore(%dma_wait3A_1107 : memref<!tpu.dma_semaphore, #tpu.memory_space<semaphore_mem>>) src(%dma_wait3A_1109 : memref<8x1024xf32, #tpu.memory_space<hbm>>) dst(%arg17 : memref<8x1024xf32, #tpu.memory_space<vmem>>)
    %parallel_loop3A_1110 = arith.constant 0 : i32
    %parallel_loop3A_1111 = arith.constant 8 : i32
    %parallel_loop3A_1112 = arith.constant 1 : i32
    scf.for %parallel_loop3A_1696 = %parallel_loop3A_1110 to %parallel_loop3A_1111 step %parallel_loop3A_1112  : i32 {
      %parallel_loop3A_1697 = arith.constant 0 : i32
      %parallel_loop3A_1698 = arith.constant 1024 : i32
      %parallel_loop3A_1699 = arith.constant 16 : i32
      scf.for %parallel_loop3A_1700 = %parallel_loop3A_1697 to %parallel_loop3A_1698 step %parallel_loop3A_1699  : i32 {
        %parallel_loop3A_1701 = arith.index_cast %parallel_loop3A_1696 : i32 to index
        %parallel_loop3A_1702 = arith.index_cast %parallel_loop3A_1700 : i32 to index
        %parallel_loop3A_1703 = tpu.vector_load %arg17[%parallel_loop3A_1701, %parallel_loop3A_1702] {strides = array<i32>} : memref<8x1024xf32, #tpu.memory_space<vmem>>, vector<1x16xf32>,
        %parallel_loop3A_1704 = vector.shape_cast %parallel_loop3A_1703 : vector<1x16xf32> to vector<16xf32>
        %parallel_loop3A_1705 = arith.index_cast %parallel_loop3A_1696 : i32 to index
        %parallel_loop3A_1706 = arith.index_cast %parallel_loop3A_1700 : i32 to index
        %parallel_loop3A_1707 = tpu.vector_load %arg10[%parallel_loop3A_1705, %parallel_loop3A_1706] {strides = array<i32>} : memref<8x1024xf32, #tpu.memory_space<vmem>>, vector<1x16xf32>,
        %parallel_loop3A_1708 = vector.shape_cast %parallel_loop3A_1707 : vector<1x16xf32> to vector<16xf32>
        %parallel_loop3A_1709 = vector.shape_cast %parallel_loop3A_1704 : vector<16xf32> to vector<1x16xf32>
        tpu.vector_store %arg10[%parallel_loop3A_1705, %parallel_loop3A_1706], %parallel_loop3A_1709 {add = true, strides = array<i32>} : memref<8x1024xf32, #tpu.memory_space<vmem>>, vector<1x16xf32>,
      } {sc.loop_unroll_factor = 8 : i64, sc.parallel_access}
    } {sc.loop_unroll_factor = 1 : i64, sc.parallel_access}
    %add3A_1113 = arith.constant 144 : i32
    %add3A_1114 = arith.addi %mul3A_2, %add3A_1113 : i32
    %dma_wait3A_1115 = arith.constant 4 : i32
    %dma_wait3A_1116 = arith.constant 0 : i32
    %dma_wait3A_1117 = tpu.memref_slice %arg4[%add3A_1114, %dma_wait3A_1116] : memref<8192x1024xf32, #tpu.memory_space<hbm>> -> memref<8x1024xf32, #tpu.memory_space<hbm>>
    %dma_wait3A_1118 = tpu.memref_slice %arg20[%dma_wait3A_1115] : memref<7x!tpu.dma_semaphore, #tpu.memory_space<semaphore_mem>> -> memref<1x!tpu.dma_semaphore, #tpu.memory_space<semaphore_mem>>
    %dma_wait3A_1119 = tpu.memref_squeeze %dma_wait3A_1118 : memref<1x!tpu.dma_semaphore, #tpu.memory_space<semaphore_mem>> -> memref<!tpu.dma_semaphore, #tpu.memory_space<semaphore_mem>>
    %dma_wait3A_1120 = arith.constant 0 : i32
    %dma_wait3A_1121 = tpu.memref_slice %arg4[%add3A_1114, %dma_wait3A_1120] : memref<8192x1024xf32, #tpu.memory_space<hbm>> -> memref<8x1024xf32, #tpu.memory_space<hbm>>
    tpu.wait_dma2 semaphore(%dma_wait3A_1119 : memref<!tpu.dma_semaphore, #tpu.memory_space<semaphore_mem>>) src(%arg9 : memref<8x1024xf32, #tpu.memory_space<vmem>>) dst(%dma_wait3A_1121 : memref<8x1024xf32, #tpu.memory_space<hbm>>)
    %add3A_1122 = arith.constant 200 : i32
    %add3A_1123 = arith.addi %mul3A_2, %add3A_1122 : i32
    %dma_start3A_1124 = arith.constant 4 : i32
    %dma_start3A_1125 = arith.constant 0 : i32
    %dma_start3A_1126 = tpu.memref_slice %arg2[%add3A_1123, %dma_start3A_1125] : memref<8192x1024xf32, #tpu.memory_space<hbm>> -> memref<8x1024xf32, #tpu.memory_space<hbm>>
    %dma_start3A_1127 = tpu.memref_slice %arg19[%dma_start3A_1124] : memref<7x!tpu.dma_semaphore, #tpu.memory_space<semaphore_mem>> -> memref<1x!tpu.dma_semaphore, #tpu.memory_space<semaphore_mem>>
    %dma_start3A_1128 = tpu.memref_squeeze %dma_start3A_1127 : memref<1x!tpu.dma_semaphore, #tpu.memory_space<semaphore_mem>> -> memref<!tpu.dma_semaphore, #tpu.memory_space<semaphore_mem>>
    %dma_start3A_1129 = arith.constant 0 : i32
    %dma_start3A_1130 = tpu.memref_slice %arg2[%add3A_1123, %dma_start3A_1129] : memref<8192x1024xf32, #tpu.memory_space<hbm>> -> memref<8x1024xf32, #tpu.memory_space<hbm>>
    tpu.enqueue_dma source(%dma_start3A_1130 : memref<8x1024xf32, #tpu.memory_space<hbm>>) target(%arg9 : memref<8x1024xf32, #tpu.memory_space<vmem>>) target_semaphore(%dma_start3A_1128 : memref<!tpu.dma_semaphore, #tpu.memory_space<semaphore_mem>>)
    %dma_start3A_1131 = arith.constant 4 : i32
    %dma_start3A_1132 = arith.constant 0 : i32
    %dma_start3A_1133 = tpu.memref_slice %arg3[%add3A_1123, %dma_start3A_1132] : memref<8192x1024xf32, #tpu.memory_space<hbm>> -> memref<8x1024xf32, #tpu.memory_space<hbm>>
    %dma_start3A_1134 = tpu.memref_slice %arg19[%dma_start3A_1131] : memref<7x!tpu.dma_semaphore, #tpu.memory_space<semaphore_mem>> -> memref<1x!tpu.dma_semaphore, #tpu.memory_space<semaphore_mem>>
    %dma_start3A_1135 = tpu.memref_squeeze %dma_start3A_1134 : memref<1x!tpu.dma_semaphore, #tpu.memory_space<semaphore_mem>> -> memref<!tpu.dma_semaphore, #tpu.memory_space<semaphore_mem>>
    %dma_start3A_1136 = arith.constant 0 : i32
    %dma_start3A_1137 = tpu.memref_slice %arg3[%add3A_1123, %dma_start3A_1136] : memref<8192x1024xf32, #tpu.memory_space<hbm>> -> memref<8x1024xf32, #tpu.memory_space<hbm>>
    tpu.enqueue_dma source(%dma_start3A_1137 : memref<8x1024xf32, #tpu.memory_space<hbm>>) target(%arg16 : memref<8x1024xf32, #tpu.memory_space<vmem>>) target_semaphore(%dma_start3A_1135 : memref<!tpu.dma_semaphore, #tpu.memory_space<semaphore_mem>>)
    %add3A_1138 = arith.constant 152 : i32
    %add3A_1139 = arith.addi %mul3A_2, %add3A_1138 : i32
    %dma_start3A_1140 = arith.constant 5 : i32
    %dma_start3A_1141 = arith.constant 0 : i32
    %dma_start3A_1142 = tpu.memref_slice %arg4[%add3A_1139, %dma_start3A_1141] : memref<8192x1024xf32, #tpu.memory_space<hbm>> -> memref<8x1024xf32, #tpu.memory_space<hbm>>
    %dma_start3A_1143 = tpu.memref_slice %arg20[%dma_start3A_1140] : memref<7x!tpu.dma_semaphore, #tpu.memory_space<semaphore_mem>> -> memref<1x!tpu.dma_semaphore, #tpu.memory_space<semaphore_mem>>
    %dma_start3A_1144 = tpu.memref_squeeze %dma_start3A_1143 : memref<1x!tpu.dma_semaphore, #tpu.memory_space<semaphore_mem>> -> memref<!tpu.dma_semaphore, #tpu.memory_space<semaphore_mem>>
    %dma_start3A_1145 = arith.constant 0 : i32
    %dma_start3A_1146 = tpu.memref_slice %arg4[%add3A_1139, %dma_start3A_1145] : memref<8192x1024xf32, #tpu.memory_space<hbm>> -> memref<8x1024xf32, #tpu.memory_space<hbm>>
    tpu.enqueue_dma source(%arg10 : memref<8x1024xf32, #tpu.memory_space<vmem>>) target(%dma_start3A_1146 : memref<8x1024xf32, #tpu.memory_space<hbm>>) target_semaphore(%dma_start3A_1144 : memref<!tpu.dma_semaphore, #tpu.memory_space<semaphore_mem>>)
    %add3A_1147 = arith.constant 160 : i32
    %add3A_1148 = arith.addi %mul3A_2, %add3A_1147 : i32
    %dma_wait3A_1149 = arith.constant 6 : i32
    %dma_wait3A_1150 = arith.constant 0 : i32
    %dma_wait3A_1151 = tpu.memref_slice %arg2[%add3A_1148, %dma_wait3A_1150] : memref<8192x1024xf32, #tpu.memory_space<hbm>> -> memref<8x1024xf32, #tpu.memory_space<hbm>>
    %dma_wait3A_1152 = tpu.memref_slice %arg19[%dma_wait3A_1149] : memref<7x!tpu.dma_semaphore, #tpu.memory_space<semaphore_mem>> -> memref<1x!tpu.dma_semaphore, #tpu.memory_space<semaphore_mem>>
    %dma_wait3A_1153 = tpu.memref_squeeze %dma_wait3A_1152 : memref<1x!tpu.dma_semaphore, #tpu.memory_space<semaphore_mem>> -> memref<!tpu.dma_semaphore, #tpu.memory_space<semaphore_mem>>
    %dma_wait3A_1154 = arith.constant 0 : i32
    %dma_wait3A_1155 = tpu.memref_slice %arg2[%add3A_1148, %dma_wait3A_1154] : memref<8192x1024xf32, #tpu.memory_space<hbm>> -> memref<8x1024xf32, #tpu.memory_space<hbm>>
    tpu.wait_dma2 semaphore(%dma_wait3A_1153 : memref<!tpu.dma_semaphore, #tpu.memory_space<semaphore_mem>>) src(%dma_wait3A_1155 : memref<8x1024xf32, #tpu.memory_space<hbm>>) dst(%arg11 : memref<8x1024xf32, #tpu.memory_space<vmem>>)
    %dma_wait3A_1156 = arith.constant 6 : i32
    %dma_wait3A_1157 = arith.constant 0 : i32
    %dma_wait3A_1158 = tpu.memref_slice %arg3[%add3A_1148, %dma_wait3A_1157] : memref<8192x1024xf32, #tpu.memory_space<hbm>> -> memref<8x1024xf32, #tpu.memory_space<hbm>>
    %dma_wait3A_1159 = tpu.memref_slice %arg19[%dma_wait3A_1156] : memref<7x!tpu.dma_semaphore, #tpu.memory_space<semaphore_mem>> -> memref<1x!tpu.dma_semaphore, #tpu.memory_space<semaphore_mem>>
    %dma_wait3A_1160 = tpu.memref_squeeze %dma_wait3A_1159 : memref<1x!tpu.dma_semaphore, #tpu.memory_space<semaphore_mem>> -> memref<!tpu.dma_semaphore, #tpu.memory_space<semaphore_mem>>
    %dma_wait3A_1161 = arith.constant 0 : i32
    %dma_wait3A_1162 = tpu.memref_slice %arg3[%add3A_1148, %dma_wait3A_1161] : memref<8192x1024xf32, #tpu.memory_space<hbm>> -> memref<8x1024xf32, #tpu.memory_space<hbm>>
    tpu.wait_dma2 semaphore(%dma_wait3A_1160 : memref<!tpu.dma_semaphore, #tpu.memory_space<semaphore_mem>>) src(%dma_wait3A_1162 : memref<8x1024xf32, #tpu.memory_space<hbm>>) dst(%arg18 : memref<8x1024xf32, #tpu.memory_space<vmem>>)
    %parallel_loop3A_1163 = arith.constant 0 : i32
    %parallel_loop3A_1164 = arith.constant 8 : i32
    %parallel_loop3A_1165 = arith.constant 1 : i32
    scf.for %parallel_loop3A_1696 = %parallel_loop3A_1163 to %parallel_loop3A_1164 step %parallel_loop3A_1165  : i32 {
      %parallel_loop3A_1697 = arith.constant 0 : i32
      %parallel_loop3A_1698 = arith.constant 1024 : i32
      %parallel_loop3A_1699 = arith.constant 16 : i32
      scf.for %parallel_loop3A_1700 = %parallel_loop3A_1697 to %parallel_loop3A_1698 step %parallel_loop3A_1699  : i32 {
        %parallel_loop3A_1701 = arith.index_cast %parallel_loop3A_1696 : i32 to index
        %parallel_loop3A_1702 = arith.index_cast %parallel_loop3A_1700 : i32 to index
        %parallel_loop3A_1703 = tpu.vector_load %arg18[%parallel_loop3A_1701, %parallel_loop3A_1702] {strides = array<i32>} : memref<8x1024xf32, #tpu.memory_space<vmem>>, vector<1x16xf32>,
        %parallel_loop3A_1704 = vector.shape_cast %parallel_loop3A_1703 : vector<1x16xf32> to vector<16xf32>
        %parallel_loop3A_1705 = arith.index_cast %parallel_loop3A_1696 : i32 to index
        %parallel_loop3A_1706 = arith.index_cast %parallel_loop3A_1700 : i32 to index
        %parallel_loop3A_1707 = tpu.vector_load %arg11[%parallel_loop3A_1705, %parallel_loop3A_1706] {strides = array<i32>} : memref<8x1024xf32, #tpu.memory_space<vmem>>, vector<1x16xf32>,
        %parallel_loop3A_1708 = vector.shape_cast %parallel_loop3A_1707 : vector<1x16xf32> to vector<16xf32>
        %parallel_loop3A_1709 = vector.shape_cast %parallel_loop3A_1704 : vector<16xf32> to vector<1x16xf32>
        tpu.vector_store %arg11[%parallel_loop3A_1705, %parallel_loop3A_1706], %parallel_loop3A_1709 {add = true, strides = array<i32>} : memref<8x1024xf32, #tpu.memory_space<vmem>>, vector<1x16xf32>,
      } {sc.loop_unroll_factor = 8 : i64, sc.parallel_access}
    } {sc.loop_unroll_factor = 1 : i64, sc.parallel_access}
    %add3A_1166 = arith.constant 152 : i32
    %add3A_1167 = arith.addi %mul3A_2, %add3A_1166 : i32
    %dma_wait3A_1168 = arith.constant 5 : i32
    %dma_wait3A_1169 = arith.constant 0 : i32
    %dma_wait3A_1170 = tpu.memref_slice %arg4[%add3A_1167, %dma_wait3A_1169] : memref<8192x1024xf32, #tpu.memory_space<hbm>> -> memref<8x1024xf32, #tpu.memory_space<hbm>>
    %dma_wait3A_1171 = tpu.memref_slice %arg20[%dma_wait3A_1168] : memref<7x!tpu.dma_semaphore, #tpu.memory_space<semaphore_mem>> -> memref<1x!tpu.dma_semaphore, #tpu.memory_space<semaphore_mem>>
    %dma_wait3A_1172 = tpu.memref_squeeze %dma_wait3A_1171 : memref<1x!tpu.dma_semaphore, #tpu.memory_space<semaphore_mem>> -> memref<!tpu.dma_semaphore, #tpu.memory_space<semaphore_mem>>
    %dma_wait3A_1173 = arith.constant 0 : i32
    %dma_wait3A_1174 = tpu.memref_slice %arg4[%add3A_1167, %dma_wait3A_1173] : memref<8192x1024xf32, #tpu.memory_space<hbm>> -> memref<8x1024xf32, #tpu.memory_space<hbm>>
    tpu.wait_dma2 semaphore(%dma_wait3A_1172 : memref<!tpu.dma_semaphore, #tpu.memory_space<semaphore_mem>>) src(%arg10 : memref<8x1024xf32, #tpu.memory_space<vmem>>) dst(%dma_wait3A_1174 : memref<8x1024xf32, #tpu.memory_space<hbm>>)
    %add3A_1175 = arith.constant 208 : i32
    %add3A_1176 = arith.addi %mul3A_2, %add3A_1175 : i32
    %dma_start3A_1177 = arith.constant 5 : i32
    %dma_start3A_1178 = arith.constant 0 : i32
    %dma_start3A_1179 = tpu.memref_slice %arg2[%add3A_1176, %dma_start3A_1178] : memref<8192x1024xf32, #tpu.memory_space<hbm>> -> memref<8x1024xf32, #tpu.memory_space<hbm>>
    %dma_start3A_1180 = tpu.memref_slice %arg19[%dma_start3A_1177] : memref<7x!tpu.dma_semaphore, #tpu.memory_space<semaphore_mem>> -> memref<1x!tpu.dma_semaphore, #tpu.memory_space<semaphore_mem>>
    %dma_start3A_1181 = tpu.memref_squeeze %dma_start3A_1180 : memref<1x!tpu.dma_semaphore, #tpu.memory_space<semaphore_mem>> -> memref<!tpu.dma_semaphore, #tpu.memory_space<semaphore_mem>>
    %dma_start3A_1182 = arith.constant 0 : i32
    %dma_start3A_1183 = tpu.memref_slice %arg2[%add3A_1176, %dma_start3A_1182] : memref<8192x1024xf32, #tpu.memory_space<hbm>> -> memref<8x1024xf32, #tpu.memory_space<hbm>>
    tpu.enqueue_dma source(%dma_start3A_1183 : memref<8x1024xf32, #tpu.memory_space<hbm>>) target(%arg10 : memref<8x1024xf32, #tpu.memory_space<vmem>>) target_semaphore(%dma_start3A_1181 : memref<!tpu.dma_semaphore, #tpu.memory_space<semaphore_mem>>)
    %dma_start3A_1184 = arith.constant 5 : i32
    %dma_start3A_1185 = arith.constant 0 : i32
    %dma_start3A_1186 = tpu.memref_slice %arg3[%add3A_1176, %dma_start3A_1185] : memref<8192x1024xf32, #tpu.memory_space<hbm>> -> memref<8x1024xf32, #tpu.memory_space<hbm>>
    %dma_start3A_1187 = tpu.memref_slice %arg19[%dma_start3A_1184] : memref<7x!tpu.dma_semaphore, #tpu.memory_space<semaphore_mem>> -> memref<1x!tpu.dma_semaphore, #tpu.memory_space<semaphore_mem>>
    %dma_start3A_1188 = tpu.memref_squeeze %dma_start3A_1187 : memref<1x!tpu.dma_semaphore, #tpu.memory_space<semaphore_mem>> -> memref<!tpu.dma_semaphore, #tpu.memory_space<semaphore_mem>>
    %dma_start3A_1189 = arith.constant 0 : i32
    %dma_start3A_1190 = tpu.memref_slice %arg3[%add3A_1176, %dma_start3A_1189] : memref<8192x1024xf32, #tpu.memory_space<hbm>> -> memref<8x1024xf32, #tpu.memory_space<hbm>>
    tpu.enqueue_dma source(%dma_start3A_1190 : memref<8x1024xf32, #tpu.memory_space<hbm>>) target(%arg17 : memref<8x1024xf32, #tpu.memory_space<vmem>>) target_semaphore(%dma_start3A_1188 : memref<!tpu.dma_semaphore, #tpu.memory_space<semaphore_mem>>)
    %add3A_1191 = arith.constant 160 : i32
    %add3A_1192 = arith.addi %mul3A_2, %add3A_1191 : i32
    %dma_start3A_1193 = arith.constant 6 : i32
    %dma_start3A_1194 = arith.constant 0 : i32
    %dma_start3A_1195 = tpu.memref_slice %arg4[%add3A_1192, %dma_start3A_1194] : memref<8192x1024xf32, #tpu.memory_space<hbm>> -> memref<8x1024xf32, #tpu.memory_space<hbm>>
    %dma_start3A_1196 = tpu.memref_slice %arg20[%dma_start3A_1193] : memref<7x!tpu.dma_semaphore, #tpu.memory_space<semaphore_mem>> -> memref<1x!tpu.dma_semaphore, #tpu.memory_space<semaphore_mem>>
    %dma_start3A_1197 = tpu.memref_squeeze %dma_start3A_1196 : memref<1x!tpu.dma_semaphore, #tpu.memory_space<semaphore_mem>> -> memref<!tpu.dma_semaphore, #tpu.memory_space<semaphore_mem>>
    %dma_start3A_1198 = arith.constant 0 : i32
    %dma_start3A_1199 = tpu.memref_slice %arg4[%add3A_1192, %dma_start3A_1198] : memref<8192x1024xf32, #tpu.memory_space<hbm>> -> memref<8x1024xf32, #tpu.memory_space<hbm>>
    tpu.enqueue_dma source(%arg11 : memref<8x1024xf32, #tpu.memory_space<vmem>>) target(%dma_start3A_1199 : memref<8x1024xf32, #tpu.memory_space<hbm>>) target_semaphore(%dma_start3A_1197 : memref<!tpu.dma_semaphore, #tpu.memory_space<semaphore_mem>>)
    %add3A_1200 = arith.constant 168 : i32
    %add3A_1201 = arith.addi %mul3A_2, %add3A_1200 : i32
    %dma_wait3A_1202 = arith.constant 0 : i32
    %dma_wait3A_1203 = arith.constant 0 : i32
    %dma_wait3A_1204 = tpu.memref_slice %arg2[%add3A_1201, %dma_wait3A_1203] : memref<8192x1024xf32, #tpu.memory_space<hbm>> -> memref<8x1024xf32, #tpu.memory_space<hbm>>
    %dma_wait3A_1205 = tpu.memref_slice %arg19[%dma_wait3A_1202] : memref<7x!tpu.dma_semaphore, #tpu.memory_space<semaphore_mem>> -> memref<1x!tpu.dma_semaphore, #tpu.memory_space<semaphore_mem>>
    %dma_wait3A_1206 = tpu.memref_squeeze %dma_wait3A_1205 : memref<1x!tpu.dma_semaphore, #tpu.memory_space<semaphore_mem>> -> memref<!tpu.dma_semaphore, #tpu.memory_space<semaphore_mem>>
    %dma_wait3A_1207 = arith.constant 0 : i32
    %dma_wait3A_1208 = tpu.memref_slice %arg2[%add3A_1201, %dma_wait3A_1207] : memref<8192x1024xf32, #tpu.memory_space<hbm>> -> memref<8x1024xf32, #tpu.memory_space<hbm>>
    tpu.wait_dma2 semaphore(%dma_wait3A_1206 : memref<!tpu.dma_semaphore, #tpu.memory_space<semaphore_mem>>) src(%dma_wait3A_1208 : memref<8x1024xf32, #tpu.memory_space<hbm>>) dst(%arg5 : memref<8x1024xf32, #tpu.memory_space<vmem>>)
    %dma_wait3A_1209 = arith.constant 0 : i32
    %dma_wait3A_1210 = arith.constant 0 : i32
    %dma_wait3A_1211 = tpu.memref_slice %arg3[%add3A_1201, %dma_wait3A_1210] : memref<8192x1024xf32, #tpu.memory_space<hbm>> -> memref<8x1024xf32, #tpu.memory_space<hbm>>
    %dma_wait3A_1212 = tpu.memref_slice %arg19[%dma_wait3A_1209] : memref<7x!tpu.dma_semaphore, #tpu.memory_space<semaphore_mem>> -> memref<1x!tpu.dma_semaphore, #tpu.memory_space<semaphore_mem>>
    %dma_wait3A_1213 = tpu.memref_squeeze %dma_wait3A_1212 : memref<1x!tpu.dma_semaphore, #tpu.memory_space<semaphore_mem>> -> memref<!tpu.dma_semaphore, #tpu.memory_space<semaphore_mem>>
    %dma_wait3A_1214 = arith.constant 0 : i32
    %dma_wait3A_1215 = tpu.memref_slice %arg3[%add3A_1201, %dma_wait3A_1214] : memref<8192x1024xf32, #tpu.memory_space<hbm>> -> memref<8x1024xf32, #tpu.memory_space<hbm>>
    tpu.wait_dma2 semaphore(%dma_wait3A_1213 : memref<!tpu.dma_semaphore, #tpu.memory_space<semaphore_mem>>) src(%dma_wait3A_1215 : memref<8x1024xf32, #tpu.memory_space<hbm>>) dst(%arg12 : memref<8x1024xf32, #tpu.memory_space<vmem>>)
    %parallel_loop3A_1216 = arith.constant 0 : i32
    %parallel_loop3A_1217 = arith.constant 8 : i32
    %parallel_loop3A_1218 = arith.constant 1 : i32
    scf.for %parallel_loop3A_1696 = %parallel_loop3A_1216 to %parallel_loop3A_1217 step %parallel_loop3A_1218  : i32 {
      %parallel_loop3A_1697 = arith.constant 0 : i32
      %parallel_loop3A_1698 = arith.constant 1024 : i32
      %parallel_loop3A_1699 = arith.constant 16 : i32
      scf.for %parallel_loop3A_1700 = %parallel_loop3A_1697 to %parallel_loop3A_1698 step %parallel_loop3A_1699  : i32 {
        %parallel_loop3A_1701 = arith.index_cast %parallel_loop3A_1696 : i32 to index
        %parallel_loop3A_1702 = arith.index_cast %parallel_loop3A_1700 : i32 to index
        %parallel_loop3A_1703 = tpu.vector_load %arg12[%parallel_loop3A_1701, %parallel_loop3A_1702] {strides = array<i32>} : memref<8x1024xf32, #tpu.memory_space<vmem>>, vector<1x16xf32>,
        %parallel_loop3A_1704 = vector.shape_cast %parallel_loop3A_1703 : vector<1x16xf32> to vector<16xf32>
        %parallel_loop3A_1705 = arith.index_cast %parallel_loop3A_1696 : i32 to index
        %parallel_loop3A_1706 = arith.index_cast %parallel_loop3A_1700 : i32 to index
        %parallel_loop3A_1707 = tpu.vector_load %arg5[%parallel_loop3A_1705, %parallel_loop3A_1706] {strides = array<i32>} : memref<8x1024xf32, #tpu.memory_space<vmem>>, vector<1x16xf32>,
        %parallel_loop3A_1708 = vector.shape_cast %parallel_loop3A_1707 : vector<1x16xf32> to vector<16xf32>
        %parallel_loop3A_1709 = vector.shape_cast %parallel_loop3A_1704 : vector<16xf32> to vector<1x16xf32>
        tpu.vector_store %arg5[%parallel_loop3A_1705, %parallel_loop3A_1706], %parallel_loop3A_1709 {add = true, strides = array<i32>} : memref<8x1024xf32, #tpu.memory_space<vmem>>, vector<1x16xf32>,
      } {sc.loop_unroll_factor = 8 : i64, sc.parallel_access}
    } {sc.loop_unroll_factor = 1 : i64, sc.parallel_access}
    %add3A_1219 = arith.constant 160 : i32
    %add3A_1220 = arith.addi %mul3A_2, %add3A_1219 : i32
    %dma_wait3A_1221 = arith.constant 6 : i32
    %dma_wait3A_1222 = arith.constant 0 : i32
    %dma_wait3A_1223 = tpu.memref_slice %arg4[%add3A_1220, %dma_wait3A_1222] : memref<8192x1024xf32, #tpu.memory_space<hbm>> -> memref<8x1024xf32, #tpu.memory_space<hbm>>
    %dma_wait3A_1224 = tpu.memref_slice %arg20[%dma_wait3A_1221] : memref<7x!tpu.dma_semaphore, #tpu.memory_space<semaphore_mem>> -> memref<1x!tpu.dma_semaphore, #tpu.memory_space<semaphore_mem>>
    %dma_wait3A_1225 = tpu.memref_squeeze %dma_wait3A_1224 : memref<1x!tpu.dma_semaphore, #tpu.memory_space<semaphore_mem>> -> memref<!tpu.dma_semaphore, #tpu.memory_space<semaphore_mem>>
    %dma_wait3A_1226 = arith.constant 0 : i32
    %dma_wait3A_1227 = tpu.memref_slice %arg4[%add3A_1220, %dma_wait3A_1226] : memref<8192x1024xf32, #tpu.memory_space<hbm>> -> memref<8x1024xf32, #tpu.memory_space<hbm>>
    tpu.wait_dma2 semaphore(%dma_wait3A_1225 : memref<!tpu.dma_semaphore, #tpu.memory_space<semaphore_mem>>) src(%arg11 : memref<8x1024xf32, #tpu.memory_space<vmem>>) dst(%dma_wait3A_1227 : memref<8x1024xf32, #tpu.memory_space<hbm>>)
    %add3A_1228 = arith.constant 216 : i32
    %add3A_1229 = arith.addi %mul3A_2, %add3A_1228 : i32
    %dma_start3A_1230 = arith.constant 6 : i32
    %dma_start3A_1231 = arith.constant 0 : i32
    %dma_start3A_1232 = tpu.memref_slice %arg2[%add3A_1229, %dma_start3A_1231] : memref<8192x1024xf32, #tpu.memory_space<hbm>> -> memref<8x1024xf32, #tpu.memory_space<hbm>>
    %dma_start3A_1233 = tpu.memref_slice %arg19[%dma_start3A_1230] : memref<7x!tpu.dma_semaphore, #tpu.memory_space<semaphore_mem>> -> memref<1x!tpu.dma_semaphore, #tpu.memory_space<semaphore_mem>>
    %dma_start3A_1234 = tpu.memref_squeeze %dma_start3A_1233 : memref<1x!tpu.dma_semaphore, #tpu.memory_space<semaphore_mem>> -> memref<!tpu.dma_semaphore, #tpu.memory_space<semaphore_mem>>
    %dma_start3A_1235 = arith.constant 0 : i32
    %dma_start3A_1236 = tpu.memref_slice %arg2[%add3A_1229, %dma_start3A_1235] : memref<8192x1024xf32, #tpu.memory_space<hbm>> -> memref<8x1024xf32, #tpu.memory_space<hbm>>
    tpu.enqueue_dma source(%dma_start3A_1236 : memref<8x1024xf32, #tpu.memory_space<hbm>>) target(%arg11 : memref<8x1024xf32, #tpu.memory_space<vmem>>) target_semaphore(%dma_start3A_1234 : memref<!tpu.dma_semaphore, #tpu.memory_space<semaphore_mem>>)
    %dma_start3A_1237 = arith.constant 6 : i32
    %dma_start3A_1238 = arith.constant 0 : i32
    %dma_start3A_1239 = tpu.memref_slice %arg3[%add3A_1229, %dma_start3A_1238] : memref<8192x1024xf32, #tpu.memory_space<hbm>> -> memref<8x1024xf32, #tpu.memory_space<hbm>>
    %dma_start3A_1240 = tpu.memref_slice %arg19[%dma_start3A_1237] : memref<7x!tpu.dma_semaphore, #tpu.memory_space<semaphore_mem>> -> memref<1x!tpu.dma_semaphore, #tpu.memory_space<semaphore_mem>>
    %dma_start3A_1241 = tpu.memref_squeeze %dma_start3A_1240 : memref<1x!tpu.dma_semaphore, #tpu.memory_space<semaphore_mem>> -> memref<!tpu.dma_semaphore, #tpu.memory_space<semaphore_mem>>
    %dma_start3A_1242 = arith.constant 0 : i32
    %dma_start3A_1243 = tpu.memref_slice %arg3[%add3A_1229, %dma_start3A_1242] : memref<8192x1024xf32, #tpu.memory_space<hbm>> -> memref<8x1024xf32, #tpu.memory_space<hbm>>
    tpu.enqueue_dma source(%dma_start3A_1243 : memref<8x1024xf32, #tpu.memory_space<hbm>>) target(%arg18 : memref<8x1024xf32, #tpu.memory_space<vmem>>) target_semaphore(%dma_start3A_1241 : memref<!tpu.dma_semaphore, #tpu.memory_space<semaphore_mem>>)
    %add3A_1244 = arith.constant 168 : i32
    %add3A_1245 = arith.addi %mul3A_2, %add3A_1244 : i32
    %dma_start3A_1246 = arith.constant 0 : i32
    %dma_start3A_1247 = arith.constant 0 : i32
    %dma_start3A_1248 = tpu.memref_slice %arg4[%add3A_1245, %dma_start3A_1247] : memref<8192x1024xf32, #tpu.memory_space<hbm>> -> memref<8x1024xf32, #tpu.memory_space<hbm>>
    %dma_start3A_1249 = tpu.memref_slice %arg20[%dma_start3A_1246] : memref<7x!tpu.dma_semaphore, #tpu.memory_space<semaphore_mem>> -> memref<1x!tpu.dma_semaphore, #tpu.memory_space<semaphore_mem>>
    %dma_start3A_1250 = tpu.memref_squeeze %dma_start3A_1249 : memref<1x!tpu.dma_semaphore, #tpu.memory_space<semaphore_mem>> -> memref<!tpu.dma_semaphore, #tpu.memory_space<semaphore_mem>>
    %dma_start3A_1251 = arith.constant 0 : i32
    %dma_start3A_1252 = tpu.memref_slice %arg4[%add3A_1245, %dma_start3A_1251] : memref<8192x1024xf32, #tpu.memory_space<hbm>> -> memref<8x1024xf32, #tpu.memory_space<hbm>>
    tpu.enqueue_dma source(%arg5 : memref<8x1024xf32, #tpu.memory_space<vmem>>) target(%dma_start3A_1252 : memref<8x1024xf32, #tpu.memory_space<hbm>>) target_semaphore(%dma_start3A_1250 : memref<!tpu.dma_semaphore, #tpu.memory_space<semaphore_mem>>)
    %add3A_1253 = arith.constant 176 : i32
    %add3A_1254 = arith.addi %mul3A_2, %add3A_1253 : i32
    %dma_wait3A_1255 = arith.constant 1 : i32
    %dma_wait3A_1256 = arith.constant 0 : i32
    %dma_wait3A_1257 = tpu.memref_slice %arg2[%add3A_1254, %dma_wait3A_1256] : memref<8192x1024xf32, #tpu.memory_space<hbm>> -> memref<8x1024xf32, #tpu.memory_space<hbm>>
    %dma_wait3A_1258 = tpu.memref_slice %arg19[%dma_wait3A_1255] : memref<7x!tpu.dma_semaphore, #tpu.memory_space<semaphore_mem>> -> memref<1x!tpu.dma_semaphore, #tpu.memory_space<semaphore_mem>>
    %dma_wait3A_1259 = tpu.memref_squeeze %dma_wait3A_1258 : memref<1x!tpu.dma_semaphore, #tpu.memory_space<semaphore_mem>> -> memref<!tpu.dma_semaphore, #tpu.memory_space<semaphore_mem>>
    %dma_wait3A_1260 = arith.constant 0 : i32
    %dma_wait3A_1261 = tpu.memref_slice %arg2[%add3A_1254, %dma_wait3A_1260] : memref<8192x1024xf32, #tpu.memory_space<hbm>> -> memref<8x1024xf32, #tpu.memory_space<hbm>>
    tpu.wait_dma2 semaphore(%dma_wait3A_1259 : memref<!tpu.dma_semaphore, #tpu.memory_space<semaphore_mem>>) src(%dma_wait3A_1261 : memref<8x1024xf32, #tpu.memory_space<hbm>>) dst(%arg6 : memref<8x1024xf32, #tpu.memory_space<vmem>>)
    %dma_wait3A_1262 = arith.constant 1 : i32
    %dma_wait3A_1263 = arith.constant 0 : i32
    %dma_wait3A_1264 = tpu.memref_slice %arg3[%add3A_1254, %dma_wait3A_1263] : memref<8192x1024xf32, #tpu.memory_space<hbm>> -> memref<8x1024xf32, #tpu.memory_space<hbm>>
    %dma_wait3A_1265 = tpu.memref_slice %arg19[%dma_wait3A_1262] : memref<7x!tpu.dma_semaphore, #tpu.memory_space<semaphore_mem>> -> memref<1x!tpu.dma_semaphore, #tpu.memory_space<semaphore_mem>>
    %dma_wait3A_1266 = tpu.memref_squeeze %dma_wait3A_1265 : memref<1x!tpu.dma_semaphore, #tpu.memory_space<semaphore_mem>> -> memref<!tpu.dma_semaphore, #tpu.memory_space<semaphore_mem>>
    %dma_wait3A_1267 = arith.constant 0 : i32
    %dma_wait3A_1268 = tpu.memref_slice %arg3[%add3A_1254, %dma_wait3A_1267] : memref<8192x1024xf32, #tpu.memory_space<hbm>> -> memref<8x1024xf32, #tpu.memory_space<hbm>>
    tpu.wait_dma2 semaphore(%dma_wait3A_1266 : memref<!tpu.dma_semaphore, #tpu.memory_space<semaphore_mem>>) src(%dma_wait3A_1268 : memref<8x1024xf32, #tpu.memory_space<hbm>>) dst(%arg13 : memref<8x1024xf32, #tpu.memory_space<vmem>>)
    %parallel_loop3A_1269 = arith.constant 0 : i32
    %parallel_loop3A_1270 = arith.constant 8 : i32
    %parallel_loop3A_1271 = arith.constant 1 : i32
    scf.for %parallel_loop3A_1696 = %parallel_loop3A_1269 to %parallel_loop3A_1270 step %parallel_loop3A_1271  : i32 {
      %parallel_loop3A_1697 = arith.constant 0 : i32
      %parallel_loop3A_1698 = arith.constant 1024 : i32
      %parallel_loop3A_1699 = arith.constant 16 : i32
      scf.for %parallel_loop3A_1700 = %parallel_loop3A_1697 to %parallel_loop3A_1698 step %parallel_loop3A_1699  : i32 {
        %parallel_loop3A_1701 = arith.index_cast %parallel_loop3A_1696 : i32 to index
        %parallel_loop3A_1702 = arith.index_cast %parallel_loop3A_1700 : i32 to index
        %parallel_loop3A_1703 = tpu.vector_load %arg13[%parallel_loop3A_1701, %parallel_loop3A_1702] {strides = array<i32>} : memref<8x1024xf32, #tpu.memory_space<vmem>>, vector<1x16xf32>,
        %parallel_loop3A_1704 = vector.shape_cast %parallel_loop3A_1703 : vector<1x16xf32> to vector<16xf32>
        %parallel_loop3A_1705 = arith.index_cast %parallel_loop3A_1696 : i32 to index
        %parallel_loop3A_1706 = arith.index_cast %parallel_loop3A_1700 : i32 to index
        %parallel_loop3A_1707 = tpu.vector_load %arg6[%parallel_loop3A_1705, %parallel_loop3A_1706] {strides = array<i32>} : memref<8x1024xf32, #tpu.memory_space<vmem>>, vector<1x16xf32>,
        %parallel_loop3A_1708 = vector.shape_cast %parallel_loop3A_1707 : vector<1x16xf32> to vector<16xf32>
        %parallel_loop3A_1709 = vector.shape_cast %parallel_loop3A_1704 : vector<16xf32> to vector<1x16xf32>
        tpu.vector_store %arg6[%parallel_loop3A_1705, %parallel_loop3A_1706], %parallel_loop3A_1709 {add = true, strides = array<i32>} : memref<8x1024xf32, #tpu.memory_space<vmem>>, vector<1x16xf32>,
      } {sc.loop_unroll_factor = 8 : i64, sc.parallel_access}
    } {sc.loop_unroll_factor = 1 : i64, sc.parallel_access}
    %add3A_1272 = arith.constant 168 : i32
    %add3A_1273 = arith.addi %mul3A_2, %add3A_1272 : i32
    %dma_wait3A_1274 = arith.constant 0 : i32
    %dma_wait3A_1275 = arith.constant 0 : i32
    %dma_wait3A_1276 = tpu.memref_slice %arg4[%add3A_1273, %dma_wait3A_1275] : memref<8192x1024xf32, #tpu.memory_space<hbm>> -> memref<8x1024xf32, #tpu.memory_space<hbm>>
    %dma_wait3A_1277 = tpu.memref_slice %arg20[%dma_wait3A_1274] : memref<7x!tpu.dma_semaphore, #tpu.memory_space<semaphore_mem>> -> memref<1x!tpu.dma_semaphore, #tpu.memory_space<semaphore_mem>>
    %dma_wait3A_1278 = tpu.memref_squeeze %dma_wait3A_1277 : memref<1x!tpu.dma_semaphore, #tpu.memory_space<semaphore_mem>> -> memref<!tpu.dma_semaphore, #tpu.memory_space<semaphore_mem>>
    %dma_wait3A_1279 = arith.constant 0 : i32
    %dma_wait3A_1280 = tpu.memref_slice %arg4[%add3A_1273, %dma_wait3A_1279] : memref<8192x1024xf32, #tpu.memory_space<hbm>> -> memref<8x1024xf32, #tpu.memory_space<hbm>>
    tpu.wait_dma2 semaphore(%dma_wait3A_1278 : memref<!tpu.dma_semaphore, #tpu.memory_space<semaphore_mem>>) src(%arg5 : memref<8x1024xf32, #tpu.memory_space<vmem>>) dst(%dma_wait3A_1280 : memref<8x1024xf32, #tpu.memory_space<hbm>>)
    %add3A_1281 = arith.constant 224 : i32
    %add3A_1282 = arith.addi %mul3A_2, %add3A_1281 : i32
    %dma_start3A_1283 = arith.constant 0 : i32
    %dma_start3A_1284 = arith.constant 0 : i32
    %dma_start3A_1285 = tpu.memref_slice %arg2[%add3A_1282, %dma_start3A_1284] : memref<8192x1024xf32, #tpu.memory_space<hbm>> -> memref<8x1024xf32, #tpu.memory_space<hbm>>
    %dma_start3A_1286 = tpu.memref_slice %arg19[%dma_start3A_1283] : memref<7x!tpu.dma_semaphore, #tpu.memory_space<semaphore_mem>> -> memref<1x!tpu.dma_semaphore, #tpu.memory_space<semaphore_mem>>
    %dma_start3A_1287 = tpu.memref_squeeze %dma_start3A_1286 : memref<1x!tpu.dma_semaphore, #tpu.memory_space<semaphore_mem>> -> memref<!tpu.dma_semaphore, #tpu.memory_space<semaphore_mem>>
    %dma_start3A_1288 = arith.constant 0 : i32
    %dma_start3A_1289 = tpu.memref_slice %arg2[%add3A_1282, %dma_start3A_1288] : memref<8192x1024xf32, #tpu.memory_space<hbm>> -> memref<8x1024xf32, #tpu.memory_space<hbm>>
    tpu.enqueue_dma source(%dma_start3A_1289 : memref<8x1024xf32, #tpu.memory_space<hbm>>) target(%arg5 : memref<8x1024xf32, #tpu.memory_space<vmem>>) target_semaphore(%dma_start3A_1287 : memref<!tpu.dma_semaphore, #tpu.memory_space<semaphore_mem>>)
    %dma_start3A_1290 = arith.constant 0 : i32
    %dma_start3A_1291 = arith.constant 0 : i32
    %dma_start3A_1292 = tpu.memref_slice %arg3[%add3A_1282, %dma_start3A_1291] : memref<8192x1024xf32, #tpu.memory_space<hbm>> -> memref<8x1024xf32, #tpu.memory_space<hbm>>
    %dma_start3A_1293 = tpu.memref_slice %arg19[%dma_start3A_1290] : memref<7x!tpu.dma_semaphore, #tpu.memory_space<semaphore_mem>> -> memref<1x!tpu.dma_semaphore, #tpu.memory_space<semaphore_mem>>
    %dma_start3A_1294 = tpu.memref_squeeze %dma_start3A_1293 : memref<1x!tpu.dma_semaphore, #tpu.memory_space<semaphore_mem>> -> memref<!tpu.dma_semaphore, #tpu.memory_space<semaphore_mem>>
    %dma_start3A_1295 = arith.constant 0 : i32
    %dma_start3A_1296 = tpu.memref_slice %arg3[%add3A_1282, %dma_start3A_1295] : memref<8192x1024xf32, #tpu.memory_space<hbm>> -> memref<8x1024xf32, #tpu.memory_space<hbm>>
    tpu.enqueue_dma source(%dma_start3A_1296 : memref<8x1024xf32, #tpu.memory_space<hbm>>) target(%arg12 : memref<8x1024xf32, #tpu.memory_space<vmem>>) target_semaphore(%dma_start3A_1294 : memref<!tpu.dma_semaphore, #tpu.memory_space<semaphore_mem>>)
    %add3A_1297 = arith.constant 176 : i32
    %add3A_1298 = arith.addi %mul3A_2, %add3A_1297 : i32
    %dma_start3A_1299 = arith.constant 1 : i32
    %dma_start3A_1300 = arith.constant 0 : i32
    %dma_start3A_1301 = tpu.memref_slice %arg4[%add3A_1298, %dma_start3A_1300] : memref<8192x1024xf32, #tpu.memory_space<hbm>> -> memref<8x1024xf32, #tpu.memory_space<hbm>>
    %dma_start3A_1302 = tpu.memref_slice %arg20[%dma_start3A_1299] : memref<7x!tpu.dma_semaphore, #tpu.memory_space<semaphore_mem>> -> memref<1x!tpu.dma_semaphore, #tpu.memory_space<semaphore_mem>>
    %dma_start3A_1303 = tpu.memref_squeeze %dma_start3A_1302 : memref<1x!tpu.dma_semaphore, #tpu.memory_space<semaphore_mem>> -> memref<!tpu.dma_semaphore, #tpu.memory_space<semaphore_mem>>
    %dma_start3A_1304 = arith.constant 0 : i32
    %dma_start3A_1305 = tpu.memref_slice %arg4[%add3A_1298, %dma_start3A_1304] : memref<8192x1024xf32, #tpu.memory_space<hbm>> -> memref<8x1024xf32, #tpu.memory_space<hbm>>
    tpu.enqueue_dma source(%arg6 : memref<8x1024xf32, #tpu.memory_space<vmem>>) target(%dma_start3A_1305 : memref<8x1024xf32, #tpu.memory_space<hbm>>) target_semaphore(%dma_start3A_1303 : memref<!tpu.dma_semaphore, #tpu.memory_space<semaphore_mem>>)
    %add3A_1306 = arith.constant 184 : i32
    %add3A_1307 = arith.addi %mul3A_2, %add3A_1306 : i32
    %dma_wait3A_1308 = arith.constant 2 : i32
    %dma_wait3A_1309 = arith.constant 0 : i32
    %dma_wait3A_1310 = tpu.memref_slice %arg2[%add3A_1307, %dma_wait3A_1309] : memref<8192x1024xf32, #tpu.memory_space<hbm>> -> memref<8x1024xf32, #tpu.memory_space<hbm>>
    %dma_wait3A_1311 = tpu.memref_slice %arg19[%dma_wait3A_1308] : memref<7x!tpu.dma_semaphore, #tpu.memory_space<semaphore_mem>> -> memref<1x!tpu.dma_semaphore, #tpu.memory_space<semaphore_mem>>
    %dma_wait3A_1312 = tpu.memref_squeeze %dma_wait3A_1311 : memref<1x!tpu.dma_semaphore, #tpu.memory_space<semaphore_mem>> -> memref<!tpu.dma_semaphore, #tpu.memory_space<semaphore_mem>>
    %dma_wait3A_1313 = arith.constant 0 : i32
    %dma_wait3A_1314 = tpu.memref_slice %arg2[%add3A_1307, %dma_wait3A_1313] : memref<8192x1024xf32, #tpu.memory_space<hbm>> -> memref<8x1024xf32, #tpu.memory_space<hbm>>
    tpu.wait_dma2 semaphore(%dma_wait3A_1312 : memref<!tpu.dma_semaphore, #tpu.memory_space<semaphore_mem>>) src(%dma_wait3A_1314 : memref<8x1024xf32, #tpu.memory_space<hbm>>) dst(%arg7 : memref<8x1024xf32, #tpu.memory_space<vmem>>)
    %dma_wait3A_1315 = arith.constant 2 : i32
    %dma_wait3A_1316 = arith.constant 0 : i32
    %dma_wait3A_1317 = tpu.memref_slice %arg3[%add3A_1307, %dma_wait3A_1316] : memref<8192x1024xf32, #tpu.memory_space<hbm>> -> memref<8x1024xf32, #tpu.memory_space<hbm>>
    %dma_wait3A_1318 = tpu.memref_slice %arg19[%dma_wait3A_1315] : memref<7x!tpu.dma_semaphore, #tpu.memory_space<semaphore_mem>> -> memref<1x!tpu.dma_semaphore, #tpu.memory_space<semaphore_mem>>
    %dma_wait3A_1319 = tpu.memref_squeeze %dma_wait3A_1318 : memref<1x!tpu.dma_semaphore, #tpu.memory_space<semaphore_mem>> -> memref<!tpu.dma_semaphore, #tpu.memory_space<semaphore_mem>>
    %dma_wait3A_1320 = arith.constant 0 : i32
    %dma_wait3A_1321 = tpu.memref_slice %arg3[%add3A_1307, %dma_wait3A_1320] : memref<8192x1024xf32, #tpu.memory_space<hbm>> -> memref<8x1024xf32, #tpu.memory_space<hbm>>
    tpu.wait_dma2 semaphore(%dma_wait3A_1319 : memref<!tpu.dma_semaphore, #tpu.memory_space<semaphore_mem>>) src(%dma_wait3A_1321 : memref<8x1024xf32, #tpu.memory_space<hbm>>) dst(%arg14 : memref<8x1024xf32, #tpu.memory_space<vmem>>)
    %parallel_loop3A_1322 = arith.constant 0 : i32
    %parallel_loop3A_1323 = arith.constant 8 : i32
    %parallel_loop3A_1324 = arith.constant 1 : i32
    scf.for %parallel_loop3A_1696 = %parallel_loop3A_1322 to %parallel_loop3A_1323 step %parallel_loop3A_1324  : i32 {
      %parallel_loop3A_1697 = arith.constant 0 : i32
      %parallel_loop3A_1698 = arith.constant 1024 : i32
      %parallel_loop3A_1699 = arith.constant 16 : i32
      scf.for %parallel_loop3A_1700 = %parallel_loop3A_1697 to %parallel_loop3A_1698 step %parallel_loop3A_1699  : i32 {
        %parallel_loop3A_1701 = arith.index_cast %parallel_loop3A_1696 : i32 to index
        %parallel_loop3A_1702 = arith.index_cast %parallel_loop3A_1700 : i32 to index
        %parallel_loop3A_1703 = tpu.vector_load %arg14[%parallel_loop3A_1701, %parallel_loop3A_1702] {strides = array<i32>} : memref<8x1024xf32, #tpu.memory_space<vmem>>, vector<1x16xf32>,
        %parallel_loop3A_1704 = vector.shape_cast %parallel_loop3A_1703 : vector<1x16xf32> to vector<16xf32>
        %parallel_loop3A_1705 = arith.index_cast %parallel_loop3A_1696 : i32 to index
        %parallel_loop3A_1706 = arith.index_cast %parallel_loop3A_1700 : i32 to index
        %parallel_loop3A_1707 = tpu.vector_load %arg7[%parallel_loop3A_1705, %parallel_loop3A_1706] {strides = array<i32>} : memref<8x1024xf32, #tpu.memory_space<vmem>>, vector<1x16xf32>,
        %parallel_loop3A_1708 = vector.shape_cast %parallel_loop3A_1707 : vector<1x16xf32> to vector<16xf32>
        %parallel_loop3A_1709 = vector.shape_cast %parallel_loop3A_1704 : vector<16xf32> to vector<1x16xf32>
        tpu.vector_store %arg7[%parallel_loop3A_1705, %parallel_loop3A_1706], %parallel_loop3A_1709 {add = true, strides = array<i32>} : memref<8x1024xf32, #tpu.memory_space<vmem>>, vector<1x16xf32>,
      } {sc.loop_unroll_factor = 8 : i64, sc.parallel_access}
    } {sc.loop_unroll_factor = 1 : i64, sc.parallel_access}
    %add3A_1325 = arith.constant 176 : i32
    %add3A_1326 = arith.addi %mul3A_2, %add3A_1325 : i32
    %dma_wait3A_1327 = arith.constant 1 : i32
    %dma_wait3A_1328 = arith.constant 0 : i32
    %dma_wait3A_1329 = tpu.memref_slice %arg4[%add3A_1326, %dma_wait3A_1328] : memref<8192x1024xf32, #tpu.memory_space<hbm>> -> memref<8x1024xf32, #tpu.memory_space<hbm>>
    %dma_wait3A_1330 = tpu.memref_slice %arg20[%dma_wait3A_1327] : memref<7x!tpu.dma_semaphore, #tpu.memory_space<semaphore_mem>> -> memref<1x!tpu.dma_semaphore, #tpu.memory_space<semaphore_mem>>
    %dma_wait3A_1331 = tpu.memref_squeeze %dma_wait3A_1330 : memref<1x!tpu.dma_semaphore, #tpu.memory_space<semaphore_mem>> -> memref<!tpu.dma_semaphore, #tpu.memory_space<semaphore_mem>>
    %dma_wait3A_1332 = arith.constant 0 : i32
    %dma_wait3A_1333 = tpu.memref_slice %arg4[%add3A_1326, %dma_wait3A_1332] : memref<8192x1024xf32, #tpu.memory_space<hbm>> -> memref<8x1024xf32, #tpu.memory_space<hbm>>
    tpu.wait_dma2 semaphore(%dma_wait3A_1331 : memref<!tpu.dma_semaphore, #tpu.memory_space<semaphore_mem>>) src(%arg6 : memref<8x1024xf32, #tpu.memory_space<vmem>>) dst(%dma_wait3A_1333 : memref<8x1024xf32, #tpu.memory_space<hbm>>)
    %add3A_1334 = arith.constant 232 : i32
    %add3A_1335 = arith.addi %mul3A_2, %add3A_1334 : i32
    %dma_start3A_1336 = arith.constant 1 : i32
    %dma_start3A_1337 = arith.constant 0 : i32
    %dma_start3A_1338 = tpu.memref_slice %arg2[%add3A_1335, %dma_start3A_1337] : memref<8192x1024xf32, #tpu.memory_space<hbm>> -> memref<8x1024xf32, #tpu.memory_space<hbm>>
    %dma_start3A_1339 = tpu.memref_slice %arg19[%dma_start3A_1336] : memref<7x!tpu.dma_semaphore, #tpu.memory_space<semaphore_mem>> -> memref<1x!tpu.dma_semaphore, #tpu.memory_space<semaphore_mem>>
    %dma_start3A_1340 = tpu.memref_squeeze %dma_start3A_1339 : memref<1x!tpu.dma_semaphore, #tpu.memory_space<semaphore_mem>> -> memref<!tpu.dma_semaphore, #tpu.memory_space<semaphore_mem>>
    %dma_start3A_1341 = arith.constant 0 : i32
    %dma_start3A_1342 = tpu.memref_slice %arg2[%add3A_1335, %dma_start3A_1341] : memref<8192x1024xf32, #tpu.memory_space<hbm>> -> memref<8x1024xf32, #tpu.memory_space<hbm>>
    tpu.enqueue_dma source(%dma_start3A_1342 : memref<8x1024xf32, #tpu.memory_space<hbm>>) target(%arg6 : memref<8x1024xf32, #tpu.memory_space<vmem>>) target_semaphore(%dma_start3A_1340 : memref<!tpu.dma_semaphore, #tpu.memory_space<semaphore_mem>>)
    %dma_start3A_1343 = arith.constant 1 : i32
    %dma_start3A_1344 = arith.constant 0 : i32
    %dma_start3A_1345 = tpu.memref_slice %arg3[%add3A_1335, %dma_start3A_1344] : memref<8192x1024xf32, #tpu.memory_space<hbm>> -> memref<8x1024xf32, #tpu.memory_space<hbm>>
    %dma_start3A_1346 = tpu.memref_slice %arg19[%dma_start3A_1343] : memref<7x!tpu.dma_semaphore, #tpu.memory_space<semaphore_mem>> -> memref<1x!tpu.dma_semaphore, #tpu.memory_space<semaphore_mem>>
    %dma_start3A_1347 = tpu.memref_squeeze %dma_start3A_1346 : memref<1x!tpu.dma_semaphore, #tpu.memory_space<semaphore_mem>> -> memref<!tpu.dma_semaphore, #tpu.memory_space<semaphore_mem>>
    %dma_start3A_1348 = arith.constant 0 : i32
    %dma_start3A_1349 = tpu.memref_slice %arg3[%add3A_1335, %dma_start3A_1348] : memref<8192x1024xf32, #tpu.memory_space<hbm>> -> memref<8x1024xf32, #tpu.memory_space<hbm>>
    tpu.enqueue_dma source(%dma_start3A_1349 : memref<8x1024xf32, #tpu.memory_space<hbm>>) target(%arg13 : memref<8x1024xf32, #tpu.memory_space<vmem>>) target_semaphore(%dma_start3A_1347 : memref<!tpu.dma_semaphore, #tpu.memory_space<semaphore_mem>>)
    %add3A_1350 = arith.constant 184 : i32
    %add3A_1351 = arith.addi %mul3A_2, %add3A_1350 : i32
    %dma_start3A_1352 = arith.constant 2 : i32
    %dma_start3A_1353 = arith.constant 0 : i32
    %dma_start3A_1354 = tpu.memref_slice %arg4[%add3A_1351, %dma_start3A_1353] : memref<8192x1024xf32, #tpu.memory_space<hbm>> -> memref<8x1024xf32, #tpu.memory_space<hbm>>
    %dma_start3A_1355 = tpu.memref_slice %arg20[%dma_start3A_1352] : memref<7x!tpu.dma_semaphore, #tpu.memory_space<semaphore_mem>> -> memref<1x!tpu.dma_semaphore, #tpu.memory_space<semaphore_mem>>
    %dma_start3A_1356 = tpu.memref_squeeze %dma_start3A_1355 : memref<1x!tpu.dma_semaphore, #tpu.memory_space<semaphore_mem>> -> memref<!tpu.dma_semaphore, #tpu.memory_space<semaphore_mem>>
    %dma_start3A_1357 = arith.constant 0 : i32
    %dma_start3A_1358 = tpu.memref_slice %arg4[%add3A_1351, %dma_start3A_1357] : memref<8192x1024xf32, #tpu.memory_space<hbm>> -> memref<8x1024xf32, #tpu.memory_space<hbm>>
    tpu.enqueue_dma source(%arg7 : memref<8x1024xf32, #tpu.memory_space<vmem>>) target(%dma_start3A_1358 : memref<8x1024xf32, #tpu.memory_space<hbm>>) target_semaphore(%dma_start3A_1356 : memref<!tpu.dma_semaphore, #tpu.memory_space<semaphore_mem>>)
    %add3A_1359 = arith.constant 192 : i32
    %add3A_1360 = arith.addi %mul3A_2, %add3A_1359 : i32
    %dma_wait3A_1361 = arith.constant 3 : i32
    %dma_wait3A_1362 = arith.constant 0 : i32
    %dma_wait3A_1363 = tpu.memref_slice %arg2[%add3A_1360, %dma_wait3A_1362] : memref<8192x1024xf32, #tpu.memory_space<hbm>> -> memref<8x1024xf32, #tpu.memory_space<hbm>>
    %dma_wait3A_1364 = tpu.memref_slice %arg19[%dma_wait3A_1361] : memref<7x!tpu.dma_semaphore, #tpu.memory_space<semaphore_mem>> -> memref<1x!tpu.dma_semaphore, #tpu.memory_space<semaphore_mem>>
    %dma_wait3A_1365 = tpu.memref_squeeze %dma_wait3A_1364 : memref<1x!tpu.dma_semaphore, #tpu.memory_space<semaphore_mem>> -> memref<!tpu.dma_semaphore, #tpu.memory_space<semaphore_mem>>
    %dma_wait3A_1366 = arith.constant 0 : i32
    %dma_wait3A_1367 = tpu.memref_slice %arg2[%add3A_1360, %dma_wait3A_1366] : memref<8192x1024xf32, #tpu.memory_space<hbm>> -> memref<8x1024xf32, #tpu.memory_space<hbm>>
    tpu.wait_dma2 semaphore(%dma_wait3A_1365 : memref<!tpu.dma_semaphore, #tpu.memory_space<semaphore_mem>>) src(%dma_wait3A_1367 : memref<8x1024xf32, #tpu.memory_space<hbm>>) dst(%arg8 : memref<8x1024xf32, #tpu.memory_space<vmem>>)
    %dma_wait3A_1368 = arith.constant 3 : i32
    %dma_wait3A_1369 = arith.constant 0 : i32
    %dma_wait3A_1370 = tpu.memref_slice %arg3[%add3A_1360, %dma_wait3A_1369] : memref<8192x1024xf32, #tpu.memory_space<hbm>> -> memref<8x1024xf32, #tpu.memory_space<hbm>>
    %dma_wait3A_1371 = tpu.memref_slice %arg19[%dma_wait3A_1368] : memref<7x!tpu.dma_semaphore, #tpu.memory_space<semaphore_mem>> -> memref<1x!tpu.dma_semaphore, #tpu.memory_space<semaphore_mem>>
    %dma_wait3A_1372 = tpu.memref_squeeze %dma_wait3A_1371 : memref<1x!tpu.dma_semaphore, #tpu.memory_space<semaphore_mem>> -> memref<!tpu.dma_semaphore, #tpu.memory_space<semaphore_mem>>
    %dma_wait3A_1373 = arith.constant 0 : i32
    %dma_wait3A_1374 = tpu.memref_slice %arg3[%add3A_1360, %dma_wait3A_1373] : memref<8192x1024xf32, #tpu.memory_space<hbm>> -> memref<8x1024xf32, #tpu.memory_space<hbm>>
    tpu.wait_dma2 semaphore(%dma_wait3A_1372 : memref<!tpu.dma_semaphore, #tpu.memory_space<semaphore_mem>>) src(%dma_wait3A_1374 : memref<8x1024xf32, #tpu.memory_space<hbm>>) dst(%arg15 : memref<8x1024xf32, #tpu.memory_space<vmem>>)
    %parallel_loop3A_1375 = arith.constant 0 : i32
    %parallel_loop3A_1376 = arith.constant 8 : i32
    %parallel_loop3A_1377 = arith.constant 1 : i32
    scf.for %parallel_loop3A_1696 = %parallel_loop3A_1375 to %parallel_loop3A_1376 step %parallel_loop3A_1377  : i32 {
      %parallel_loop3A_1697 = arith.constant 0 : i32
      %parallel_loop3A_1698 = arith.constant 1024 : i32
      %parallel_loop3A_1699 = arith.constant 16 : i32
      scf.for %parallel_loop3A_1700 = %parallel_loop3A_1697 to %parallel_loop3A_1698 step %parallel_loop3A_1699  : i32 {
        %parallel_loop3A_1701 = arith.index_cast %parallel_loop3A_1696 : i32 to index
        %parallel_loop3A_1702 = arith.index_cast %parallel_loop3A_1700 : i32 to index
        %parallel_loop3A_1703 = tpu.vector_load %arg15[%parallel_loop3A_1701, %parallel_loop3A_1702] {strides = array<i32>} : memref<8x1024xf32, #tpu.memory_space<vmem>>, vector<1x16xf32>,
        %parallel_loop3A_1704 = vector.shape_cast %parallel_loop3A_1703 : vector<1x16xf32> to vector<16xf32>
        %parallel_loop3A_1705 = arith.index_cast %parallel_loop3A_1696 : i32 to index
        %parallel_loop3A_1706 = arith.index_cast %parallel_loop3A_1700 : i32 to index
        %parallel_loop3A_1707 = tpu.vector_load %arg8[%parallel_loop3A_1705, %parallel_loop3A_1706] {strides = array<i32>} : memref<8x1024xf32, #tpu.memory_space<vmem>>, vector<1x16xf32>,
        %parallel_loop3A_1708 = vector.shape_cast %parallel_loop3A_1707 : vector<1x16xf32> to vector<16xf32>
        %parallel_loop3A_1709 = vector.shape_cast %parallel_loop3A_1704 : vector<16xf32> to vector<1x16xf32>
        tpu.vector_store %arg8[%parallel_loop3A_1705, %parallel_loop3A_1706], %parallel_loop3A_1709 {add = true, strides = array<i32>} : memref<8x1024xf32, #tpu.memory_space<vmem>>, vector<1x16xf32>,
      } {sc.loop_unroll_factor = 8 : i64, sc.parallel_access}
    } {sc.loop_unroll_factor = 1 : i64, sc.parallel_access}
    %add3A_1378 = arith.constant 184 : i32
    %add3A_1379 = arith.addi %mul3A_2, %add3A_1378 : i32
    %dma_wait3A_1380 = arith.constant 2 : i32
    %dma_wait3A_1381 = arith.constant 0 : i32
    %dma_wait3A_1382 = tpu.memref_slice %arg4[%add3A_1379, %dma_wait3A_1381] : memref<8192x1024xf32, #tpu.memory_space<hbm>> -> memref<8x1024xf32, #tpu.memory_space<hbm>>
    %dma_wait3A_1383 = tpu.memref_slice %arg20[%dma_wait3A_1380] : memref<7x!tpu.dma_semaphore, #tpu.memory_space<semaphore_mem>> -> memref<1x!tpu.dma_semaphore, #tpu.memory_space<semaphore_mem>>
    %dma_wait3A_1384 = tpu.memref_squeeze %dma_wait3A_1383 : memref<1x!tpu.dma_semaphore, #tpu.memory_space<semaphore_mem>> -> memref<!tpu.dma_semaphore, #tpu.memory_space<semaphore_mem>>
    %dma_wait3A_1385 = arith.constant 0 : i32
    %dma_wait3A_1386 = tpu.memref_slice %arg4[%add3A_1379, %dma_wait3A_1385] : memref<8192x1024xf32, #tpu.memory_space<hbm>> -> memref<8x1024xf32, #tpu.memory_space<hbm>>
    tpu.wait_dma2 semaphore(%dma_wait3A_1384 : memref<!tpu.dma_semaphore, #tpu.memory_space<semaphore_mem>>) src(%arg7 : memref<8x1024xf32, #tpu.memory_space<vmem>>) dst(%dma_wait3A_1386 : memref<8x1024xf32, #tpu.memory_space<hbm>>)
    %add3A_1387 = arith.constant 240 : i32
    %add3A_1388 = arith.addi %mul3A_2, %add3A_1387 : i32
    %dma_start3A_1389 = arith.constant 2 : i32
    %dma_start3A_1390 = arith.constant 0 : i32
    %dma_start3A_1391 = tpu.memref_slice %arg2[%add3A_1388, %dma_start3A_1390] : memref<8192x1024xf32, #tpu.memory_space<hbm>> -> memref<8x1024xf32, #tpu.memory_space<hbm>>
    %dma_start3A_1392 = tpu.memref_slice %arg19[%dma_start3A_1389] : memref<7x!tpu.dma_semaphore, #tpu.memory_space<semaphore_mem>> -> memref<1x!tpu.dma_semaphore, #tpu.memory_space<semaphore_mem>>
    %dma_start3A_1393 = tpu.memref_squeeze %dma_start3A_1392 : memref<1x!tpu.dma_semaphore, #tpu.memory_space<semaphore_mem>> -> memref<!tpu.dma_semaphore, #tpu.memory_space<semaphore_mem>>
    %dma_start3A_1394 = arith.constant 0 : i32
    %dma_start3A_1395 = tpu.memref_slice %arg2[%add3A_1388, %dma_start3A_1394] : memref<8192x1024xf32, #tpu.memory_space<hbm>> -> memref<8x1024xf32, #tpu.memory_space<hbm>>
    tpu.enqueue_dma source(%dma_start3A_1395 : memref<8x1024xf32, #tpu.memory_space<hbm>>) target(%arg7 : memref<8x1024xf32, #tpu.memory_space<vmem>>) target_semaphore(%dma_start3A_1393 : memref<!tpu.dma_semaphore, #tpu.memory_space<semaphore_mem>>)
    %dma_start3A_1396 = arith.constant 2 : i32
    %dma_start3A_1397 = arith.constant 0 : i32
    %dma_start3A_1398 = tpu.memref_slice %arg3[%add3A_1388, %dma_start3A_1397] : memref<8192x1024xf32, #tpu.memory_space<hbm>> -> memref<8x1024xf32, #tpu.memory_space<hbm>>
    %dma_start3A_1399 = tpu.memref_slice %arg19[%dma_start3A_1396] : memref<7x!tpu.dma_semaphore, #tpu.memory_space<semaphore_mem>> -> memref<1x!tpu.dma_semaphore, #tpu.memory_space<semaphore_mem>>
    %dma_start3A_1400 = tpu.memref_squeeze %dma_start3A_1399 : memref<1x!tpu.dma_semaphore, #tpu.memory_space<semaphore_mem>> -> memref<!tpu.dma_semaphore, #tpu.memory_space<semaphore_mem>>
    %dma_start3A_1401 = arith.constant 0 : i32
    %dma_start3A_1402 = tpu.memref_slice %arg3[%add3A_1388, %dma_start3A_1401] : memref<8192x1024xf32, #tpu.memory_space<hbm>> -> memref<8x1024xf32, #tpu.memory_space<hbm>>
    tpu.enqueue_dma source(%dma_start3A_1402 : memref<8x1024xf32, #tpu.memory_space<hbm>>) target(%arg14 : memref<8x1024xf32, #tpu.memory_space<vmem>>) target_semaphore(%dma_start3A_1400 : memref<!tpu.dma_semaphore, #tpu.memory_space<semaphore_mem>>)
    %add3A_1403 = arith.constant 192 : i32
    %add3A_1404 = arith.addi %mul3A_2, %add3A_1403 : i32
    %dma_start3A_1405 = arith.constant 3 : i32
    %dma_start3A_1406 = arith.constant 0 : i32
    %dma_start3A_1407 = tpu.memref_slice %arg4[%add3A_1404, %dma_start3A_1406] : memref<8192x1024xf32, #tpu.memory_space<hbm>> -> memref<8x1024xf32, #tpu.memory_space<hbm>>
    %dma_start3A_1408 = tpu.memref_slice %arg20[%dma_start3A_1405] : memref<7x!tpu.dma_semaphore, #tpu.memory_space<semaphore_mem>> -> memref<1x!tpu.dma_semaphore, #tpu.memory_space<semaphore_mem>>
    %dma_start3A_1409 = tpu.memref_squeeze %dma_start3A_1408 : memref<1x!tpu.dma_semaphore, #tpu.memory_space<semaphore_mem>> -> memref<!tpu.dma_semaphore, #tpu.memory_space<semaphore_mem>>
    %dma_start3A_1410 = arith.constant 0 : i32
    %dma_start3A_1411 = tpu.memref_slice %arg4[%add3A_1404, %dma_start3A_1410] : memref<8192x1024xf32, #tpu.memory_space<hbm>> -> memref<8x1024xf32, #tpu.memory_space<hbm>>
    tpu.enqueue_dma source(%arg8 : memref<8x1024xf32, #tpu.memory_space<vmem>>) target(%dma_start3A_1411 : memref<8x1024xf32, #tpu.memory_space<hbm>>) target_semaphore(%dma_start3A_1409 : memref<!tpu.dma_semaphore, #tpu.memory_space<semaphore_mem>>)
    %add3A_1412 = arith.constant 200 : i32
    %add3A_1413 = arith.addi %mul3A_2, %add3A_1412 : i32
    %dma_wait3A_1414 = arith.constant 4 : i32
    %dma_wait3A_1415 = arith.constant 0 : i32
    %dma_wait3A_1416 = tpu.memref_slice %arg2[%add3A_1413, %dma_wait3A_1415] : memref<8192x1024xf32, #tpu.memory_space<hbm>> -> memref<8x1024xf32, #tpu.memory_space<hbm>>
    %dma_wait3A_1417 = tpu.memref_slice %arg19[%dma_wait3A_1414] : memref<7x!tpu.dma_semaphore, #tpu.memory_space<semaphore_mem>> -> memref<1x!tpu.dma_semaphore, #tpu.memory_space<semaphore_mem>>
    %dma_wait3A_1418 = tpu.memref_squeeze %dma_wait3A_1417 : memref<1x!tpu.dma_semaphore, #tpu.memory_space<semaphore_mem>> -> memref<!tpu.dma_semaphore, #tpu.memory_space<semaphore_mem>>
    %dma_wait3A_1419 = arith.constant 0 : i32
    %dma_wait3A_1420 = tpu.memref_slice %arg2[%add3A_1413, %dma_wait3A_1419] : memref<8192x1024xf32, #tpu.memory_space<hbm>> -> memref<8x1024xf32, #tpu.memory_space<hbm>>
    tpu.wait_dma2 semaphore(%dma_wait3A_1418 : memref<!tpu.dma_semaphore, #tpu.memory_space<semaphore_mem>>) src(%dma_wait3A_1420 : memref<8x1024xf32, #tpu.memory_space<hbm>>) dst(%arg9 : memref<8x1024xf32, #tpu.memory_space<vmem>>)
    %dma_wait3A_1421 = arith.constant 4 : i32
    %dma_wait3A_1422 = arith.constant 0 : i32
    %dma_wait3A_1423 = tpu.memref_slice %arg3[%add3A_1413, %dma_wait3A_1422] : memref<8192x1024xf32, #tpu.memory_space<hbm>> -> memref<8x1024xf32, #tpu.memory_space<hbm>>
    %dma_wait3A_1424 = tpu.memref_slice %arg19[%dma_wait3A_1421] : memref<7x!tpu.dma_semaphore, #tpu.memory_space<semaphore_mem>> -> memref<1x!tpu.dma_semaphore, #tpu.memory_space<semaphore_mem>>
    %dma_wait3A_1425 = tpu.memref_squeeze %dma_wait3A_1424 : memref<1x!tpu.dma_semaphore, #tpu.memory_space<semaphore_mem>> -> memref<!tpu.dma_semaphore, #tpu.memory_space<semaphore_mem>>
    %dma_wait3A_1426 = arith.constant 0 : i32
    %dma_wait3A_1427 = tpu.memref_slice %arg3[%add3A_1413, %dma_wait3A_1426] : memref<8192x1024xf32, #tpu.memory_space<hbm>> -> memref<8x1024xf32, #tpu.memory_space<hbm>>
    tpu.wait_dma2 semaphore(%dma_wait3A_1425 : memref<!tpu.dma_semaphore, #tpu.memory_space<semaphore_mem>>) src(%dma_wait3A_1427 : memref<8x1024xf32, #tpu.memory_space<hbm>>) dst(%arg16 : memref<8x1024xf32, #tpu.memory_space<vmem>>)
    %parallel_loop3A_1428 = arith.constant 0 : i32
    %parallel_loop3A_1429 = arith.constant 8 : i32
    %parallel_loop3A_1430 = arith.constant 1 : i32
    scf.for %parallel_loop3A_1696 = %parallel_loop3A_1428 to %parallel_loop3A_1429 step %parallel_loop3A_1430  : i32 {
      %parallel_loop3A_1697 = arith.constant 0 : i32
      %parallel_loop3A_1698 = arith.constant 1024 : i32
      %parallel_loop3A_1699 = arith.constant 16 : i32
      scf.for %parallel_loop3A_1700 = %parallel_loop3A_1697 to %parallel_loop3A_1698 step %parallel_loop3A_1699  : i32 {
        %parallel_loop3A_1701 = arith.index_cast %parallel_loop3A_1696 : i32 to index
        %parallel_loop3A_1702 = arith.index_cast %parallel_loop3A_1700 : i32 to index
        %parallel_loop3A_1703 = tpu.vector_load %arg16[%parallel_loop3A_1701, %parallel_loop3A_1702] {strides = array<i32>} : memref<8x1024xf32, #tpu.memory_space<vmem>>, vector<1x16xf32>,
        %parallel_loop3A_1704 = vector.shape_cast %parallel_loop3A_1703 : vector<1x16xf32> to vector<16xf32>
        %parallel_loop3A_1705 = arith.index_cast %parallel_loop3A_1696 : i32 to index
        %parallel_loop3A_1706 = arith.index_cast %parallel_loop3A_1700 : i32 to index
        %parallel_loop3A_1707 = tpu.vector_load %arg9[%parallel_loop3A_1705, %parallel_loop3A_1706] {strides = array<i32>} : memref<8x1024xf32, #tpu.memory_space<vmem>>, vector<1x16xf32>,
        %parallel_loop3A_1708 = vector.shape_cast %parallel_loop3A_1707 : vector<1x16xf32> to vector<16xf32>
        %parallel_loop3A_1709 = vector.shape_cast %parallel_loop3A_1704 : vector<16xf32> to vector<1x16xf32>
        tpu.vector_store %arg9[%parallel_loop3A_1705, %parallel_loop3A_1706], %parallel_loop3A_1709 {add = true, strides = array<i32>} : memref<8x1024xf32, #tpu.memory_space<vmem>>, vector<1x16xf32>,
      } {sc.loop_unroll_factor = 8 : i64, sc.parallel_access}
    } {sc.loop_unroll_factor = 1 : i64, sc.parallel_access}
    %add3A_1431 = arith.constant 192 : i32
    %add3A_1432 = arith.addi %mul3A_2, %add3A_1431 : i32
    %dma_wait3A_1433 = arith.constant 3 : i32
    %dma_wait3A_1434 = arith.constant 0 : i32
    %dma_wait3A_1435 = tpu.memref_slice %arg4[%add3A_1432, %dma_wait3A_1434] : memref<8192x1024xf32, #tpu.memory_space<hbm>> -> memref<8x1024xf32, #tpu.memory_space<hbm>>
    %dma_wait3A_1436 = tpu.memref_slice %arg20[%dma_wait3A_1433] : memref<7x!tpu.dma_semaphore, #tpu.memory_space<semaphore_mem>> -> memref<1x!tpu.dma_semaphore, #tpu.memory_space<semaphore_mem>>
    %dma_wait3A_1437 = tpu.memref_squeeze %dma_wait3A_1436 : memref<1x!tpu.dma_semaphore, #tpu.memory_space<semaphore_mem>> -> memref<!tpu.dma_semaphore, #tpu.memory_space<semaphore_mem>>
    %dma_wait3A_1438 = arith.constant 0 : i32
    %dma_wait3A_1439 = tpu.memref_slice %arg4[%add3A_1432, %dma_wait3A_1438] : memref<8192x1024xf32, #tpu.memory_space<hbm>> -> memref<8x1024xf32, #tpu.memory_space<hbm>>
    tpu.wait_dma2 semaphore(%dma_wait3A_1437 : memref<!tpu.dma_semaphore, #tpu.memory_space<semaphore_mem>>) src(%arg8 : memref<8x1024xf32, #tpu.memory_space<vmem>>) dst(%dma_wait3A_1439 : memref<8x1024xf32, #tpu.memory_space<hbm>>)
    %add3A_1440 = arith.constant 248 : i32
    %add3A_1441 = arith.addi %mul3A_2, %add3A_1440 : i32
    %dma_start3A_1442 = arith.constant 3 : i32
    %dma_start3A_1443 = arith.constant 0 : i32
    %dma_start3A_1444 = tpu.memref_slice %arg2[%add3A_1441, %dma_start3A_1443] : memref<8192x1024xf32, #tpu.memory_space<hbm>> -> memref<8x1024xf32, #tpu.memory_space<hbm>>
    %dma_start3A_1445 = tpu.memref_slice %arg19[%dma_start3A_1442] : memref<7x!tpu.dma_semaphore, #tpu.memory_space<semaphore_mem>> -> memref<1x!tpu.dma_semaphore, #tpu.memory_space<semaphore_mem>>
    %dma_start3A_1446 = tpu.memref_squeeze %dma_start3A_1445 : memref<1x!tpu.dma_semaphore, #tpu.memory_space<semaphore_mem>> -> memref<!tpu.dma_semaphore, #tpu.memory_space<semaphore_mem>>
    %dma_start3A_1447 = arith.constant 0 : i32
    %dma_start3A_1448 = tpu.memref_slice %arg2[%add3A_1441, %dma_start3A_1447] : memref<8192x1024xf32, #tpu.memory_space<hbm>> -> memref<8x1024xf32, #tpu.memory_space<hbm>>
    tpu.enqueue_dma source(%dma_start3A_1448 : memref<8x1024xf32, #tpu.memory_space<hbm>>) target(%arg8 : memref<8x1024xf32, #tpu.memory_space<vmem>>) target_semaphore(%dma_start3A_1446 : memref<!tpu.dma_semaphore, #tpu.memory_space<semaphore_mem>>)
    %dma_start3A_1449 = arith.constant 3 : i32
    %dma_start3A_1450 = arith.constant 0 : i32
    %dma_start3A_1451 = tpu.memref_slice %arg3[%add3A_1441, %dma_start3A_1450] : memref<8192x1024xf32, #tpu.memory_space<hbm>> -> memref<8x1024xf32, #tpu.memory_space<hbm>>
    %dma_start3A_1452 = tpu.memref_slice %arg19[%dma_start3A_1449] : memref<7x!tpu.dma_semaphore, #tpu.memory_space<semaphore_mem>> -> memref<1x!tpu.dma_semaphore, #tpu.memory_space<semaphore_mem>>
    %dma_start3A_1453 = tpu.memref_squeeze %dma_start3A_1452 : memref<1x!tpu.dma_semaphore, #tpu.memory_space<semaphore_mem>> -> memref<!tpu.dma_semaphore, #tpu.memory_space<semaphore_mem>>
    %dma_start3A_1454 = arith.constant 0 : i32
    %dma_start3A_1455 = tpu.memref_slice %arg3[%add3A_1441, %dma_start3A_1454] : memref<8192x1024xf32, #tpu.memory_space<hbm>> -> memref<8x1024xf32, #tpu.memory_space<hbm>>
    tpu.enqueue_dma source(%dma_start3A_1455 : memref<8x1024xf32, #tpu.memory_space<hbm>>) target(%arg15 : memref<8x1024xf32, #tpu.memory_space<vmem>>) target_semaphore(%dma_start3A_1453 : memref<!tpu.dma_semaphore, #tpu.memory_space<semaphore_mem>>)
    %add3A_1456 = arith.constant 200 : i32
    %add3A_1457 = arith.addi %mul3A_2, %add3A_1456 : i32
    %dma_start3A_1458 = arith.constant 4 : i32
    %dma_start3A_1459 = arith.constant 0 : i32
    %dma_start3A_1460 = tpu.memref_slice %arg4[%add3A_1457, %dma_start3A_1459] : memref<8192x1024xf32, #tpu.memory_space<hbm>> -> memref<8x1024xf32, #tpu.memory_space<hbm>>
    %dma_start3A_1461 = tpu.memref_slice %arg20[%dma_start3A_1458] : memref<7x!tpu.dma_semaphore, #tpu.memory_space<semaphore_mem>> -> memref<1x!tpu.dma_semaphore, #tpu.memory_space<semaphore_mem>>
    %dma_start3A_1462 = tpu.memref_squeeze %dma_start3A_1461 : memref<1x!tpu.dma_semaphore, #tpu.memory_space<semaphore_mem>> -> memref<!tpu.dma_semaphore, #tpu.memory_space<semaphore_mem>>
    %dma_start3A_1463 = arith.constant 0 : i32
    %dma_start3A_1464 = tpu.memref_slice %arg4[%add3A_1457, %dma_start3A_1463] : memref<8192x1024xf32, #tpu.memory_space<hbm>> -> memref<8x1024xf32, #tpu.memory_space<hbm>>
    tpu.enqueue_dma source(%arg9 : memref<8x1024xf32, #tpu.memory_space<vmem>>) target(%dma_start3A_1464 : memref<8x1024xf32, #tpu.memory_space<hbm>>) target_semaphore(%dma_start3A_1462 : memref<!tpu.dma_semaphore, #tpu.memory_space<semaphore_mem>>)
    %add3A_1465 = arith.constant 208 : i32
    %add3A_1466 = arith.addi %mul3A_2, %add3A_1465 : i32
    %dma_wait3A_1467 = arith.constant 5 : i32
    %dma_wait3A_1468 = arith.constant 0 : i32
    %dma_wait3A_1469 = tpu.memref_slice %arg2[%add3A_1466, %dma_wait3A_1468] : memref<8192x1024xf32, #tpu.memory_space<hbm>> -> memref<8x1024xf32, #tpu.memory_space<hbm>>
    %dma_wait3A_1470 = tpu.memref_slice %arg19[%dma_wait3A_1467] : memref<7x!tpu.dma_semaphore, #tpu.memory_space<semaphore_mem>> -> memref<1x!tpu.dma_semaphore, #tpu.memory_space<semaphore_mem>>
    %dma_wait3A_1471 = tpu.memref_squeeze %dma_wait3A_1470 : memref<1x!tpu.dma_semaphore, #tpu.memory_space<semaphore_mem>> -> memref<!tpu.dma_semaphore, #tpu.memory_space<semaphore_mem>>
    %dma_wait3A_1472 = arith.constant 0 : i32
    %dma_wait3A_1473 = tpu.memref_slice %arg2[%add3A_1466, %dma_wait3A_1472] : memref<8192x1024xf32, #tpu.memory_space<hbm>> -> memref<8x1024xf32, #tpu.memory_space<hbm>>
    tpu.wait_dma2 semaphore(%dma_wait3A_1471 : memref<!tpu.dma_semaphore, #tpu.memory_space<semaphore_mem>>) src(%dma_wait3A_1473 : memref<8x1024xf32, #tpu.memory_space<hbm>>) dst(%arg10 : memref<8x1024xf32, #tpu.memory_space<vmem>>)
    %dma_wait3A_1474 = arith.constant 5 : i32
    %dma_wait3A_1475 = arith.constant 0 : i32
    %dma_wait3A_1476 = tpu.memref_slice %arg3[%add3A_1466, %dma_wait3A_1475] : memref<8192x1024xf32, #tpu.memory_space<hbm>> -> memref<8x1024xf32, #tpu.memory_space<hbm>>
    %dma_wait3A_1477 = tpu.memref_slice %arg19[%dma_wait3A_1474] : memref<7x!tpu.dma_semaphore, #tpu.memory_space<semaphore_mem>> -> memref<1x!tpu.dma_semaphore, #tpu.memory_space<semaphore_mem>>
    %dma_wait3A_1478 = tpu.memref_squeeze %dma_wait3A_1477 : memref<1x!tpu.dma_semaphore, #tpu.memory_space<semaphore_mem>> -> memref<!tpu.dma_semaphore, #tpu.memory_space<semaphore_mem>>
    %dma_wait3A_1479 = arith.constant 0 : i32
    %dma_wait3A_1480 = tpu.memref_slice %arg3[%add3A_1466, %dma_wait3A_1479] : memref<8192x1024xf32, #tpu.memory_space<hbm>> -> memref<8x1024xf32, #tpu.memory_space<hbm>>
    tpu.wait_dma2 semaphore(%dma_wait3A_1478 : memref<!tpu.dma_semaphore, #tpu.memory_space<semaphore_mem>>) src(%dma_wait3A_1480 : memref<8x1024xf32, #tpu.memory_space<hbm>>) dst(%arg17 : memref<8x1024xf32, #tpu.memory_space<vmem>>)
    %parallel_loop3A_1481 = arith.constant 0 : i32
    %parallel_loop3A_1482 = arith.constant 8 : i32
    %parallel_loop3A_1483 = arith.constant 1 : i32
    scf.for %parallel_loop3A_1696 = %parallel_loop3A_1481 to %parallel_loop3A_1482 step %parallel_loop3A_1483  : i32 {
      %parallel_loop3A_1697 = arith.constant 0 : i32
      %parallel_loop3A_1698 = arith.constant 1024 : i32
      %parallel_loop3A_1699 = arith.constant 16 : i32
      scf.for %parallel_loop3A_1700 = %parallel_loop3A_1697 to %parallel_loop3A_1698 step %parallel_loop3A_1699  : i32 {
        %parallel_loop3A_1701 = arith.index_cast %parallel_loop3A_1696 : i32 to index
        %parallel_loop3A_1702 = arith.index_cast %parallel_loop3A_1700 : i32 to index
        %parallel_loop3A_1703 = tpu.vector_load %arg17[%parallel_loop3A_1701, %parallel_loop3A_1702] {strides = array<i32>} : memref<8x1024xf32, #tpu.memory_space<vmem>>, vector<1x16xf32>,
        %parallel_loop3A_1704 = vector.shape_cast %parallel_loop3A_1703 : vector<1x16xf32> to vector<16xf32>
        %parallel_loop3A_1705 = arith.index_cast %parallel_loop3A_1696 : i32 to index
        %parallel_loop3A_1706 = arith.index_cast %parallel_loop3A_1700 : i32 to index
        %parallel_loop3A_1707 = tpu.vector_load %arg10[%parallel_loop3A_1705, %parallel_loop3A_1706] {strides = array<i32>} : memref<8x1024xf32, #tpu.memory_space<vmem>>, vector<1x16xf32>,
        %parallel_loop3A_1708 = vector.shape_cast %parallel_loop3A_1707 : vector<1x16xf32> to vector<16xf32>
        %parallel_loop3A_1709 = vector.shape_cast %parallel_loop3A_1704 : vector<16xf32> to vector<1x16xf32>
        tpu.vector_store %arg10[%parallel_loop3A_1705, %parallel_loop3A_1706], %parallel_loop3A_1709 {add = true, strides = array<i32>} : memref<8x1024xf32, #tpu.memory_space<vmem>>, vector<1x16xf32>,
      } {sc.loop_unroll_factor = 8 : i64, sc.parallel_access}
    } {sc.loop_unroll_factor = 1 : i64, sc.parallel_access}
    %add3A_1484 = arith.constant 208 : i32
    %add3A_1485 = arith.addi %mul3A_2, %add3A_1484 : i32
    %dma_start3A_1486 = arith.constant 5 : i32
    %dma_start3A_1487 = arith.constant 0 : i32
    %dma_start3A_1488 = tpu.memref_slice %arg4[%add3A_1485, %dma_start3A_1487] : memref<8192x1024xf32, #tpu.memory_space<hbm>> -> memref<8x1024xf32, #tpu.memory_space<hbm>>
    %dma_start3A_1489 = tpu.memref_slice %arg20[%dma_start3A_1486] : memref<7x!tpu.dma_semaphore, #tpu.memory_space<semaphore_mem>> -> memref<1x!tpu.dma_semaphore, #tpu.memory_space<semaphore_mem>>
    %dma_start3A_1490 = tpu.memref_squeeze %dma_start3A_1489 : memref<1x!tpu.dma_semaphore, #tpu.memory_space<semaphore_mem>> -> memref<!tpu.dma_semaphore, #tpu.memory_space<semaphore_mem>>
    %dma_start3A_1491 = arith.constant 0 : i32
    %dma_start3A_1492 = tpu.memref_slice %arg4[%add3A_1485, %dma_start3A_1491] : memref<8192x1024xf32, #tpu.memory_space<hbm>> -> memref<8x1024xf32, #tpu.memory_space<hbm>>
    tpu.enqueue_dma source(%arg10 : memref<8x1024xf32, #tpu.memory_space<vmem>>) target(%dma_start3A_1492 : memref<8x1024xf32, #tpu.memory_space<hbm>>) target_semaphore(%dma_start3A_1490 : memref<!tpu.dma_semaphore, #tpu.memory_space<semaphore_mem>>)
    %add3A_1493 = arith.constant 216 : i32
    %add3A_1494 = arith.addi %mul3A_2, %add3A_1493 : i32
    %dma_wait3A_1495 = arith.constant 6 : i32
    %dma_wait3A_1496 = arith.constant 0 : i32
    %dma_wait3A_1497 = tpu.memref_slice %arg2[%add3A_1494, %dma_wait3A_1496] : memref<8192x1024xf32, #tpu.memory_space<hbm>> -> memref<8x1024xf32, #tpu.memory_space<hbm>>
    %dma_wait3A_1498 = tpu.memref_slice %arg19[%dma_wait3A_1495] : memref<7x!tpu.dma_semaphore, #tpu.memory_space<semaphore_mem>> -> memref<1x!tpu.dma_semaphore, #tpu.memory_space<semaphore_mem>>
    %dma_wait3A_1499 = tpu.memref_squeeze %dma_wait3A_1498 : memref<1x!tpu.dma_semaphore, #tpu.memory_space<semaphore_mem>> -> memref<!tpu.dma_semaphore, #tpu.memory_space<semaphore_mem>>
    %dma_wait3A_1500 = arith.constant 0 : i32
    %dma_wait3A_1501 = tpu.memref_slice %arg2[%add3A_1494, %dma_wait3A_1500] : memref<8192x1024xf32, #tpu.memory_space<hbm>> -> memref<8x1024xf32, #tpu.memory_space<hbm>>
    tpu.wait_dma2 semaphore(%dma_wait3A_1499 : memref<!tpu.dma_semaphore, #tpu.memory_space<semaphore_mem>>) src(%dma_wait3A_1501 : memref<8x1024xf32, #tpu.memory_space<hbm>>) dst(%arg11 : memref<8x1024xf32, #tpu.memory_space<vmem>>)
    %dma_wait3A_1502 = arith.constant 6 : i32
    %dma_wait3A_1503 = arith.constant 0 : i32
    %dma_wait3A_1504 = tpu.memref_slice %arg3[%add3A_1494, %dma_wait3A_1503] : memref<8192x1024xf32, #tpu.memory_space<hbm>> -> memref<8x1024xf32, #tpu.memory_space<hbm>>
    %dma_wait3A_1505 = tpu.memref_slice %arg19[%dma_wait3A_1502] : memref<7x!tpu.dma_semaphore, #tpu.memory_space<semaphore_mem>> -> memref<1x!tpu.dma_semaphore, #tpu.memory_space<semaphore_mem>>
    %dma_wait3A_1506 = tpu.memref_squeeze %dma_wait3A_1505 : memref<1x!tpu.dma_semaphore, #tpu.memory_space<semaphore_mem>> -> memref<!tpu.dma_semaphore, #tpu.memory_space<semaphore_mem>>
    %dma_wait3A_1507 = arith.constant 0 : i32
    %dma_wait3A_1508 = tpu.memref_slice %arg3[%add3A_1494, %dma_wait3A_1507] : memref<8192x1024xf32, #tpu.memory_space<hbm>> -> memref<8x1024xf32, #tpu.memory_space<hbm>>
    tpu.wait_dma2 semaphore(%dma_wait3A_1506 : memref<!tpu.dma_semaphore, #tpu.memory_space<semaphore_mem>>) src(%dma_wait3A_1508 : memref<8x1024xf32, #tpu.memory_space<hbm>>) dst(%arg18 : memref<8x1024xf32, #tpu.memory_space<vmem>>)
    %parallel_loop3A_1509 = arith.constant 0 : i32
    %parallel_loop3A_1510 = arith.constant 8 : i32
    %parallel_loop3A_1511 = arith.constant 1 : i32
    scf.for %parallel_loop3A_1696 = %parallel_loop3A_1509 to %parallel_loop3A_1510 step %parallel_loop3A_1511  : i32 {
      %parallel_loop3A_1697 = arith.constant 0 : i32
      %parallel_loop3A_1698 = arith.constant 1024 : i32
      %parallel_loop3A_1699 = arith.constant 16 : i32
      scf.for %parallel_loop3A_1700 = %parallel_loop3A_1697 to %parallel_loop3A_1698 step %parallel_loop3A_1699  : i32 {
        %parallel_loop3A_1701 = arith.index_cast %parallel_loop3A_1696 : i32 to index
        %parallel_loop3A_1702 = arith.index_cast %parallel_loop3A_1700 : i32 to index
        %parallel_loop3A_1703 = tpu.vector_load %arg18[%parallel_loop3A_1701, %parallel_loop3A_1702] {strides = array<i32>} : memref<8x1024xf32, #tpu.memory_space<vmem>>, vector<1x16xf32>,
        %parallel_loop3A_1704 = vector.shape_cast %parallel_loop3A_1703 : vector<1x16xf32> to vector<16xf32>
        %parallel_loop3A_1705 = arith.index_cast %parallel_loop3A_1696 : i32 to index
        %parallel_loop3A_1706 = arith.index_cast %parallel_loop3A_1700 : i32 to index
        %parallel_loop3A_1707 = tpu.vector_load %arg11[%parallel_loop3A_1705, %parallel_loop3A_1706] {strides = array<i32>} : memref<8x1024xf32, #tpu.memory_space<vmem>>, vector<1x16xf32>,
        %parallel_loop3A_1708 = vector.shape_cast %parallel_loop3A_1707 : vector<1x16xf32> to vector<16xf32>
        %parallel_loop3A_1709 = vector.shape_cast %parallel_loop3A_1704 : vector<16xf32> to vector<1x16xf32>
        tpu.vector_store %arg11[%parallel_loop3A_1705, %parallel_loop3A_1706], %parallel_loop3A_1709 {add = true, strides = array<i32>} : memref<8x1024xf32, #tpu.memory_space<vmem>>, vector<1x16xf32>,
      } {sc.loop_unroll_factor = 8 : i64, sc.parallel_access}
    } {sc.loop_unroll_factor = 1 : i64, sc.parallel_access}
    %add3A_1512 = arith.constant 216 : i32
    %add3A_1513 = arith.addi %mul3A_2, %add3A_1512 : i32
    %dma_start3A_1514 = arith.constant 6 : i32
    %dma_start3A_1515 = arith.constant 0 : i32
    %dma_start3A_1516 = tpu.memref_slice %arg4[%add3A_1513, %dma_start3A_1515] : memref<8192x1024xf32, #tpu.memory_space<hbm>> -> memref<8x1024xf32, #tpu.memory_space<hbm>>
    %dma_start3A_1517 = tpu.memref_slice %arg20[%dma_start3A_1514] : memref<7x!tpu.dma_semaphore, #tpu.memory_space<semaphore_mem>> -> memref<1x!tpu.dma_semaphore, #tpu.memory_space<semaphore_mem>>
    %dma_start3A_1518 = tpu.memref_squeeze %dma_start3A_1517 : memref<1x!tpu.dma_semaphore, #tpu.memory_space<semaphore_mem>> -> memref<!tpu.dma_semaphore, #tpu.memory_space<semaphore_mem>>
    %dma_start3A_1519 = arith.constant 0 : i32
    %dma_start3A_1520 = tpu.memref_slice %arg4[%add3A_1513, %dma_start3A_1519] : memref<8192x1024xf32, #tpu.memory_space<hbm>> -> memref<8x1024xf32, #tpu.memory_space<hbm>>
    tpu.enqueue_dma source(%arg11 : memref<8x1024xf32, #tpu.memory_space<vmem>>) target(%dma_start3A_1520 : memref<8x1024xf32, #tpu.memory_space<hbm>>) target_semaphore(%dma_start3A_1518 : memref<!tpu.dma_semaphore, #tpu.memory_space<semaphore_mem>>)
    %add3A_1521 = arith.constant 224 : i32
    %add3A_1522 = arith.addi %mul3A_2, %add3A_1521 : i32
    %dma_wait3A_1523 = arith.constant 0 : i32
    %dma_wait3A_1524 = arith.constant 0 : i32
    %dma_wait3A_1525 = tpu.memref_slice %arg2[%add3A_1522, %dma_wait3A_1524] : memref<8192x1024xf32, #tpu.memory_space<hbm>> -> memref<8x1024xf32, #tpu.memory_space<hbm>>
    %dma_wait3A_1526 = tpu.memref_slice %arg19[%dma_wait3A_1523] : memref<7x!tpu.dma_semaphore, #tpu.memory_space<semaphore_mem>> -> memref<1x!tpu.dma_semaphore, #tpu.memory_space<semaphore_mem>>
    %dma_wait3A_1527 = tpu.memref_squeeze %dma_wait3A_1526 : memref<1x!tpu.dma_semaphore, #tpu.memory_space<semaphore_mem>> -> memref<!tpu.dma_semaphore, #tpu.memory_space<semaphore_mem>>
    %dma_wait3A_1528 = arith.constant 0 : i32
    %dma_wait3A_1529 = tpu.memref_slice %arg2[%add3A_1522, %dma_wait3A_1528] : memref<8192x1024xf32, #tpu.memory_space<hbm>> -> memref<8x1024xf32, #tpu.memory_space<hbm>>
    tpu.wait_dma2 semaphore(%dma_wait3A_1527 : memref<!tpu.dma_semaphore, #tpu.memory_space<semaphore_mem>>) src(%dma_wait3A_1529 : memref<8x1024xf32, #tpu.memory_space<hbm>>) dst(%arg5 : memref<8x1024xf32, #tpu.memory_space<vmem>>)
    %dma_wait3A_1530 = arith.constant 0 : i32
    %dma_wait3A_1531 = arith.constant 0 : i32
    %dma_wait3A_1532 = tpu.memref_slice %arg3[%add3A_1522, %dma_wait3A_1531] : memref<8192x1024xf32, #tpu.memory_space<hbm>> -> memref<8x1024xf32, #tpu.memory_space<hbm>>
    %dma_wait3A_1533 = tpu.memref_slice %arg19[%dma_wait3A_1530] : memref<7x!tpu.dma_semaphore, #tpu.memory_space<semaphore_mem>> -> memref<1x!tpu.dma_semaphore, #tpu.memory_space<semaphore_mem>>
    %dma_wait3A_1534 = tpu.memref_squeeze %dma_wait3A_1533 : memref<1x!tpu.dma_semaphore, #tpu.memory_space<semaphore_mem>> -> memref<!tpu.dma_semaphore, #tpu.memory_space<semaphore_mem>>
    %dma_wait3A_1535 = arith.constant 0 : i32
    %dma_wait3A_1536 = tpu.memref_slice %arg3[%add3A_1522, %dma_wait3A_1535] : memref<8192x1024xf32, #tpu.memory_space<hbm>> -> memref<8x1024xf32, #tpu.memory_space<hbm>>
    tpu.wait_dma2 semaphore(%dma_wait3A_1534 : memref<!tpu.dma_semaphore, #tpu.memory_space<semaphore_mem>>) src(%dma_wait3A_1536 : memref<8x1024xf32, #tpu.memory_space<hbm>>) dst(%arg12 : memref<8x1024xf32, #tpu.memory_space<vmem>>)
    %parallel_loop3A_1537 = arith.constant 0 : i32
    %parallel_loop3A_1538 = arith.constant 8 : i32
    %parallel_loop3A_1539 = arith.constant 1 : i32
    scf.for %parallel_loop3A_1696 = %parallel_loop3A_1537 to %parallel_loop3A_1538 step %parallel_loop3A_1539  : i32 {
      %parallel_loop3A_1697 = arith.constant 0 : i32
      %parallel_loop3A_1698 = arith.constant 1024 : i32
      %parallel_loop3A_1699 = arith.constant 16 : i32
      scf.for %parallel_loop3A_1700 = %parallel_loop3A_1697 to %parallel_loop3A_1698 step %parallel_loop3A_1699  : i32 {
        %parallel_loop3A_1701 = arith.index_cast %parallel_loop3A_1696 : i32 to index
        %parallel_loop3A_1702 = arith.index_cast %parallel_loop3A_1700 : i32 to index
        %parallel_loop3A_1703 = tpu.vector_load %arg12[%parallel_loop3A_1701, %parallel_loop3A_1702] {strides = array<i32>} : memref<8x1024xf32, #tpu.memory_space<vmem>>, vector<1x16xf32>,
        %parallel_loop3A_1704 = vector.shape_cast %parallel_loop3A_1703 : vector<1x16xf32> to vector<16xf32>
        %parallel_loop3A_1705 = arith.index_cast %parallel_loop3A_1696 : i32 to index
        %parallel_loop3A_1706 = arith.index_cast %parallel_loop3A_1700 : i32 to index
        %parallel_loop3A_1707 = tpu.vector_load %arg5[%parallel_loop3A_1705, %parallel_loop3A_1706] {strides = array<i32>} : memref<8x1024xf32, #tpu.memory_space<vmem>>, vector<1x16xf32>,
        %parallel_loop3A_1708 = vector.shape_cast %parallel_loop3A_1707 : vector<1x16xf32> to vector<16xf32>
        %parallel_loop3A_1709 = vector.shape_cast %parallel_loop3A_1704 : vector<16xf32> to vector<1x16xf32>
        tpu.vector_store %arg5[%parallel_loop3A_1705, %parallel_loop3A_1706], %parallel_loop3A_1709 {add = true, strides = array<i32>} : memref<8x1024xf32, #tpu.memory_space<vmem>>, vector<1x16xf32>,
      } {sc.loop_unroll_factor = 8 : i64, sc.parallel_access}
    } {sc.loop_unroll_factor = 1 : i64, sc.parallel_access}
    %add3A_1540 = arith.constant 224 : i32
    %add3A_1541 = arith.addi %mul3A_2, %add3A_1540 : i32
    %dma_start3A_1542 = arith.constant 0 : i32
    %dma_start3A_1543 = arith.constant 0 : i32
    %dma_start3A_1544 = tpu.memref_slice %arg4[%add3A_1541, %dma_start3A_1543] : memref<8192x1024xf32, #tpu.memory_space<hbm>> -> memref<8x1024xf32, #tpu.memory_space<hbm>>
    %dma_start3A_1545 = tpu.memref_slice %arg20[%dma_start3A_1542] : memref<7x!tpu.dma_semaphore, #tpu.memory_space<semaphore_mem>> -> memref<1x!tpu.dma_semaphore, #tpu.memory_space<semaphore_mem>>
    %dma_start3A_1546 = tpu.memref_squeeze %dma_start3A_1545 : memref<1x!tpu.dma_semaphore, #tpu.memory_space<semaphore_mem>> -> memref<!tpu.dma_semaphore, #tpu.memory_space<semaphore_mem>>
    %dma_start3A_1547 = arith.constant 0 : i32
    %dma_start3A_1548 = tpu.memref_slice %arg4[%add3A_1541, %dma_start3A_1547] : memref<8192x1024xf32, #tpu.memory_space<hbm>> -> memref<8x1024xf32, #tpu.memory_space<hbm>>
    tpu.enqueue_dma source(%arg5 : memref<8x1024xf32, #tpu.memory_space<vmem>>) target(%dma_start3A_1548 : memref<8x1024xf32, #tpu.memory_space<hbm>>) target_semaphore(%dma_start3A_1546 : memref<!tpu.dma_semaphore, #tpu.memory_space<semaphore_mem>>)
    %add3A_1549 = arith.constant 232 : i32
    %add3A_1550 = arith.addi %mul3A_2, %add3A_1549 : i32
    %dma_wait3A_1551 = arith.constant 1 : i32
    %dma_wait3A_1552 = arith.constant 0 : i32
    %dma_wait3A_1553 = tpu.memref_slice %arg2[%add3A_1550, %dma_wait3A_1552] : memref<8192x1024xf32, #tpu.memory_space<hbm>> -> memref<8x1024xf32, #tpu.memory_space<hbm>>
    %dma_wait3A_1554 = tpu.memref_slice %arg19[%dma_wait3A_1551] : memref<7x!tpu.dma_semaphore, #tpu.memory_space<semaphore_mem>> -> memref<1x!tpu.dma_semaphore, #tpu.memory_space<semaphore_mem>>
    %dma_wait3A_1555 = tpu.memref_squeeze %dma_wait3A_1554 : memref<1x!tpu.dma_semaphore, #tpu.memory_space<semaphore_mem>> -> memref<!tpu.dma_semaphore, #tpu.memory_space<semaphore_mem>>
    %dma_wait3A_1556 = arith.constant 0 : i32
    %dma_wait3A_1557 = tpu.memref_slice %arg2[%add3A_1550, %dma_wait3A_1556] : memref<8192x1024xf32, #tpu.memory_space<hbm>> -> memref<8x1024xf32, #tpu.memory_space<hbm>>
    tpu.wait_dma2 semaphore(%dma_wait3A_1555 : memref<!tpu.dma_semaphore, #tpu.memory_space<semaphore_mem>>) src(%dma_wait3A_1557 : memref<8x1024xf32, #tpu.memory_space<hbm>>) dst(%arg6 : memref<8x1024xf32, #tpu.memory_space<vmem>>)
    %dma_wait3A_1558 = arith.constant 1 : i32
    %dma_wait3A_1559 = arith.constant 0 : i32
    %dma_wait3A_1560 = tpu.memref_slice %arg3[%add3A_1550, %dma_wait3A_1559] : memref<8192x1024xf32, #tpu.memory_space<hbm>> -> memref<8x1024xf32, #tpu.memory_space<hbm>>
    %dma_wait3A_1561 = tpu.memref_slice %arg19[%dma_wait3A_1558] : memref<7x!tpu.dma_semaphore, #tpu.memory_space<semaphore_mem>> -> memref<1x!tpu.dma_semaphore, #tpu.memory_space<semaphore_mem>>
    %dma_wait3A_1562 = tpu.memref_squeeze %dma_wait3A_1561 : memref<1x!tpu.dma_semaphore, #tpu.memory_space<semaphore_mem>> -> memref<!tpu.dma_semaphore, #tpu.memory_space<semaphore_mem>>
    %dma_wait3A_1563 = arith.constant 0 : i32
    %dma_wait3A_1564 = tpu.memref_slice %arg3[%add3A_1550, %dma_wait3A_1563] : memref<8192x1024xf32, #tpu.memory_space<hbm>> -> memref<8x1024xf32, #tpu.memory_space<hbm>>
    tpu.wait_dma2 semaphore(%dma_wait3A_1562 : memref<!tpu.dma_semaphore, #tpu.memory_space<semaphore_mem>>) src(%dma_wait3A_1564 : memref<8x1024xf32, #tpu.memory_space<hbm>>) dst(%arg13 : memref<8x1024xf32, #tpu.memory_space<vmem>>)
    %parallel_loop3A_1565 = arith.constant 0 : i32
    %parallel_loop3A_1566 = arith.constant 8 : i32
    %parallel_loop3A_1567 = arith.constant 1 : i32
    scf.for %parallel_loop3A_1696 = %parallel_loop3A_1565 to %parallel_loop3A_1566 step %parallel_loop3A_1567  : i32 {
      %parallel_loop3A_1697 = arith.constant 0 : i32
      %parallel_loop3A_1698 = arith.constant 1024 : i32
      %parallel_loop3A_1699 = arith.constant 16 : i32
      scf.for %parallel_loop3A_1700 = %parallel_loop3A_1697 to %parallel_loop3A_1698 step %parallel_loop3A_1699  : i32 {
        %parallel_loop3A_1701 = arith.index_cast %parallel_loop3A_1696 : i32 to index
        %parallel_loop3A_1702 = arith.index_cast %parallel_loop3A_1700 : i32 to index
        %parallel_loop3A_1703 = tpu.vector_load %arg13[%parallel_loop3A_1701, %parallel_loop3A_1702] {strides = array<i32>} : memref<8x1024xf32, #tpu.memory_space<vmem>>, vector<1x16xf32>,
        %parallel_loop3A_1704 = vector.shape_cast %parallel_loop3A_1703 : vector<1x16xf32> to vector<16xf32>
        %parallel_loop3A_1705 = arith.index_cast %parallel_loop3A_1696 : i32 to index
        %parallel_loop3A_1706 = arith.index_cast %parallel_loop3A_1700 : i32 to index
        %parallel_loop3A_1707 = tpu.vector_load %arg6[%parallel_loop3A_1705, %parallel_loop3A_1706] {strides = array<i32>} : memref<8x1024xf32, #tpu.memory_space<vmem>>, vector<1x16xf32>,
        %parallel_loop3A_1708 = vector.shape_cast %parallel_loop3A_1707 : vector<1x16xf32> to vector<16xf32>
        %parallel_loop3A_1709 = vector.shape_cast %parallel_loop3A_1704 : vector<16xf32> to vector<1x16xf32>
        tpu.vector_store %arg6[%parallel_loop3A_1705, %parallel_loop3A_1706], %parallel_loop3A_1709 {add = true, strides = array<i32>} : memref<8x1024xf32, #tpu.memory_space<vmem>>, vector<1x16xf32>,
      } {sc.loop_unroll_factor = 8 : i64, sc.parallel_access}
    } {sc.loop_unroll_factor = 1 : i64, sc.parallel_access}
    %add3A_1568 = arith.constant 232 : i32
    %add3A_1569 = arith.addi %mul3A_2, %add3A_1568 : i32
    %dma_start3A_1570 = arith.constant 1 : i32
    %dma_start3A_1571 = arith.constant 0 : i32
    %dma_start3A_1572 = tpu.memref_slice %arg4[%add3A_1569, %dma_start3A_1571] : memref<8192x1024xf32, #tpu.memory_space<hbm>> -> memref<8x1024xf32, #tpu.memory_space<hbm>>
    %dma_start3A_1573 = tpu.memref_slice %arg20[%dma_start3A_1570] : memref<7x!tpu.dma_semaphore, #tpu.memory_space<semaphore_mem>> -> memref<1x!tpu.dma_semaphore, #tpu.memory_space<semaphore_mem>>
    %dma_start3A_1574 = tpu.memref_squeeze %dma_start3A_1573 : memref<1x!tpu.dma_semaphore, #tpu.memory_space<semaphore_mem>> -> memref<!tpu.dma_semaphore, #tpu.memory_space<semaphore_mem>>
    %dma_start3A_1575 = arith.constant 0 : i32
    %dma_start3A_1576 = tpu.memref_slice %arg4[%add3A_1569, %dma_start3A_1575] : memref<8192x1024xf32, #tpu.memory_space<hbm>> -> memref<8x1024xf32, #tpu.memory_space<hbm>>
    tpu.enqueue_dma source(%arg6 : memref<8x1024xf32, #tpu.memory_space<vmem>>) target(%dma_start3A_1576 : memref<8x1024xf32, #tpu.memory_space<hbm>>) target_semaphore(%dma_start3A_1574 : memref<!tpu.dma_semaphore, #tpu.memory_space<semaphore_mem>>)
    %add3A_1577 = arith.constant 240 : i32
    %add3A_1578 = arith.addi %mul3A_2, %add3A_1577 : i32
    %dma_wait3A_1579 = arith.constant 2 : i32
    %dma_wait3A_1580 = arith.constant 0 : i32
    %dma_wait3A_1581 = tpu.memref_slice %arg2[%add3A_1578, %dma_wait3A_1580] : memref<8192x1024xf32, #tpu.memory_space<hbm>> -> memref<8x1024xf32, #tpu.memory_space<hbm>>
    %dma_wait3A_1582 = tpu.memref_slice %arg19[%dma_wait3A_1579] : memref<7x!tpu.dma_semaphore, #tpu.memory_space<semaphore_mem>> -> memref<1x!tpu.dma_semaphore, #tpu.memory_space<semaphore_mem>>
    %dma_wait3A_1583 = tpu.memref_squeeze %dma_wait3A_1582 : memref<1x!tpu.dma_semaphore, #tpu.memory_space<semaphore_mem>> -> memref<!tpu.dma_semaphore, #tpu.memory_space<semaphore_mem>>
    %dma_wait3A_1584 = arith.constant 0 : i32
    %dma_wait3A_1585 = tpu.memref_slice %arg2[%add3A_1578, %dma_wait3A_1584] : memref<8192x1024xf32, #tpu.memory_space<hbm>> -> memref<8x1024xf32, #tpu.memory_space<hbm>>
    tpu.wait_dma2 semaphore(%dma_wait3A_1583 : memref<!tpu.dma_semaphore, #tpu.memory_space<semaphore_mem>>) src(%dma_wait3A_1585 : memref<8x1024xf32, #tpu.memory_space<hbm>>) dst(%arg7 : memref<8x1024xf32, #tpu.memory_space<vmem>>)
    %dma_wait3A_1586 = arith.constant 2 : i32
    %dma_wait3A_1587 = arith.constant 0 : i32
    %dma_wait3A_1588 = tpu.memref_slice %arg3[%add3A_1578, %dma_wait3A_1587] : memref<8192x1024xf32, #tpu.memory_space<hbm>> -> memref<8x1024xf32, #tpu.memory_space<hbm>>
    %dma_wait3A_1589 = tpu.memref_slice %arg19[%dma_wait3A_1586] : memref<7x!tpu.dma_semaphore, #tpu.memory_space<semaphore_mem>> -> memref<1x!tpu.dma_semaphore, #tpu.memory_space<semaphore_mem>>
    %dma_wait3A_1590 = tpu.memref_squeeze %dma_wait3A_1589 : memref<1x!tpu.dma_semaphore, #tpu.memory_space<semaphore_mem>> -> memref<!tpu.dma_semaphore, #tpu.memory_space<semaphore_mem>>
    %dma_wait3A_1591 = arith.constant 0 : i32
    %dma_wait3A_1592 = tpu.memref_slice %arg3[%add3A_1578, %dma_wait3A_1591] : memref<8192x1024xf32, #tpu.memory_space<hbm>> -> memref<8x1024xf32, #tpu.memory_space<hbm>>
    tpu.wait_dma2 semaphore(%dma_wait3A_1590 : memref<!tpu.dma_semaphore, #tpu.memory_space<semaphore_mem>>) src(%dma_wait3A_1592 : memref<8x1024xf32, #tpu.memory_space<hbm>>) dst(%arg14 : memref<8x1024xf32, #tpu.memory_space<vmem>>)
    %parallel_loop3A_1593 = arith.constant 0 : i32
    %parallel_loop3A_1594 = arith.constant 8 : i32
    %parallel_loop3A_1595 = arith.constant 1 : i32
    scf.for %parallel_loop3A_1696 = %parallel_loop3A_1593 to %parallel_loop3A_1594 step %parallel_loop3A_1595  : i32 {
      %parallel_loop3A_1697 = arith.constant 0 : i32
      %parallel_loop3A_1698 = arith.constant 1024 : i32
      %parallel_loop3A_1699 = arith.constant 16 : i32
      scf.for %parallel_loop3A_1700 = %parallel_loop3A_1697 to %parallel_loop3A_1698 step %parallel_loop3A_1699  : i32 {
        %parallel_loop3A_1701 = arith.index_cast %parallel_loop3A_1696 : i32 to index
        %parallel_loop3A_1702 = arith.index_cast %parallel_loop3A_1700 : i32 to index
        %parallel_loop3A_1703 = tpu.vector_load %arg14[%parallel_loop3A_1701, %parallel_loop3A_1702] {strides = array<i32>} : memref<8x1024xf32, #tpu.memory_space<vmem>>, vector<1x16xf32>,
        %parallel_loop3A_1704 = vector.shape_cast %parallel_loop3A_1703 : vector<1x16xf32> to vector<16xf32>
        %parallel_loop3A_1705 = arith.index_cast %parallel_loop3A_1696 : i32 to index
        %parallel_loop3A_1706 = arith.index_cast %parallel_loop3A_1700 : i32 to index
        %parallel_loop3A_1707 = tpu.vector_load %arg7[%parallel_loop3A_1705, %parallel_loop3A_1706] {strides = array<i32>} : memref<8x1024xf32, #tpu.memory_space<vmem>>, vector<1x16xf32>,
        %parallel_loop3A_1708 = vector.shape_cast %parallel_loop3A_1707 : vector<1x16xf32> to vector<16xf32>
        %parallel_loop3A_1709 = vector.shape_cast %parallel_loop3A_1704 : vector<16xf32> to vector<1x16xf32>
        tpu.vector_store %arg7[%parallel_loop3A_1705, %parallel_loop3A_1706], %parallel_loop3A_1709 {add = true, strides = array<i32>} : memref<8x1024xf32, #tpu.memory_space<vmem>>, vector<1x16xf32>,
      } {sc.loop_unroll_factor = 8 : i64, sc.parallel_access}
    } {sc.loop_unroll_factor = 1 : i64, sc.parallel_access}
    %add3A_1596 = arith.constant 240 : i32
    %add3A_1597 = arith.addi %mul3A_2, %add3A_1596 : i32
    %dma_start3A_1598 = arith.constant 2 : i32
    %dma_start3A_1599 = arith.constant 0 : i32
    %dma_start3A_1600 = tpu.memref_slice %arg4[%add3A_1597, %dma_start3A_1599] : memref<8192x1024xf32, #tpu.memory_space<hbm>> -> memref<8x1024xf32, #tpu.memory_space<hbm>>
    %dma_start3A_1601 = tpu.memref_slice %arg20[%dma_start3A_1598] : memref<7x!tpu.dma_semaphore, #tpu.memory_space<semaphore_mem>> -> memref<1x!tpu.dma_semaphore, #tpu.memory_space<semaphore_mem>>
    %dma_start3A_1602 = tpu.memref_squeeze %dma_start3A_1601 : memref<1x!tpu.dma_semaphore, #tpu.memory_space<semaphore_mem>> -> memref<!tpu.dma_semaphore, #tpu.memory_space<semaphore_mem>>
    %dma_start3A_1603 = arith.constant 0 : i32
    %dma_start3A_1604 = tpu.memref_slice %arg4[%add3A_1597, %dma_start3A_1603] : memref<8192x1024xf32, #tpu.memory_space<hbm>> -> memref<8x1024xf32, #tpu.memory_space<hbm>>
    tpu.enqueue_dma source(%arg7 : memref<8x1024xf32, #tpu.memory_space<vmem>>) target(%dma_start3A_1604 : memref<8x1024xf32, #tpu.memory_space<hbm>>) target_semaphore(%dma_start3A_1602 : memref<!tpu.dma_semaphore, #tpu.memory_space<semaphore_mem>>)
    %add3A_1605 = arith.constant 248 : i32
    %add3A_1606 = arith.addi %mul3A_2, %add3A_1605 : i32
    %dma_wait3A_1607 = arith.constant 3 : i32
    %dma_wait3A_1608 = arith.constant 0 : i32
    %dma_wait3A_1609 = tpu.memref_slice %arg2[%add3A_1606, %dma_wait3A_1608] : memref<8192x1024xf32, #tpu.memory_space<hbm>> -> memref<8x1024xf32, #tpu.memory_space<hbm>>
    %dma_wait3A_1610 = tpu.memref_slice %arg19[%dma_wait3A_1607] : memref<7x!tpu.dma_semaphore, #tpu.memory_space<semaphore_mem>> -> memref<1x!tpu.dma_semaphore, #tpu.memory_space<semaphore_mem>>
    %dma_wait3A_1611 = tpu.memref_squeeze %dma_wait3A_1610 : memref<1x!tpu.dma_semaphore, #tpu.memory_space<semaphore_mem>> -> memref<!tpu.dma_semaphore, #tpu.memory_space<semaphore_mem>>
    %dma_wait3A_1612 = arith.constant 0 : i32
    %dma_wait3A_1613 = tpu.memref_slice %arg2[%add3A_1606, %dma_wait3A_1612] : memref<8192x1024xf32, #tpu.memory_space<hbm>> -> memref<8x1024xf32, #tpu.memory_space<hbm>>
    tpu.wait_dma2 semaphore(%dma_wait3A_1611 : memref<!tpu.dma_semaphore, #tpu.memory_space<semaphore_mem>>) src(%dma_wait3A_1613 : memref<8x1024xf32, #tpu.memory_space<hbm>>) dst(%arg8 : memref<8x1024xf32, #tpu.memory_space<vmem>>)
    %dma_wait3A_1614 = arith.constant 3 : i32
    %dma_wait3A_1615 = arith.constant 0 : i32
    %dma_wait3A_1616 = tpu.memref_slice %arg3[%add3A_1606, %dma_wait3A_1615] : memref<8192x1024xf32, #tpu.memory_space<hbm>> -> memref<8x1024xf32, #tpu.memory_space<hbm>>
    %dma_wait3A_1617 = tpu.memref_slice %arg19[%dma_wait3A_1614] : memref<7x!tpu.dma_semaphore, #tpu.memory_space<semaphore_mem>> -> memref<1x!tpu.dma_semaphore, #tpu.memory_space<semaphore_mem>>
    %dma_wait3A_1618 = tpu.memref_squeeze %dma_wait3A_1617 : memref<1x!tpu.dma_semaphore, #tpu.memory_space<semaphore_mem>> -> memref<!tpu.dma_semaphore, #tpu.memory_space<semaphore_mem>>
    %dma_wait3A_1619 = arith.constant 0 : i32
    %dma_wait3A_1620 = tpu.memref_slice %arg3[%add3A_1606, %dma_wait3A_1619] : memref<8192x1024xf32, #tpu.memory_space<hbm>> -> memref<8x1024xf32, #tpu.memory_space<hbm>>
    tpu.wait_dma2 semaphore(%dma_wait3A_1618 : memref<!tpu.dma_semaphore, #tpu.memory_space<semaphore_mem>>) src(%dma_wait3A_1620 : memref<8x1024xf32, #tpu.memory_space<hbm>>) dst(%arg15 : memref<8x1024xf32, #tpu.memory_space<vmem>>)
    %parallel_loop3A_1621 = arith.constant 0 : i32
    %parallel_loop3A_1622 = arith.constant 8 : i32
    %parallel_loop3A_1623 = arith.constant 1 : i32
    scf.for %parallel_loop3A_1696 = %parallel_loop3A_1621 to %parallel_loop3A_1622 step %parallel_loop3A_1623  : i32 {
      %parallel_loop3A_1697 = arith.constant 0 : i32
      %parallel_loop3A_1698 = arith.constant 1024 : i32
      %parallel_loop3A_1699 = arith.constant 16 : i32
      scf.for %parallel_loop3A_1700 = %parallel_loop3A_1697 to %parallel_loop3A_1698 step %parallel_loop3A_1699  : i32 {
        %parallel_loop3A_1701 = arith.index_cast %parallel_loop3A_1696 : i32 to index
        %parallel_loop3A_1702 = arith.index_cast %parallel_loop3A_1700 : i32 to index
        %parallel_loop3A_1703 = tpu.vector_load %arg15[%parallel_loop3A_1701, %parallel_loop3A_1702] {strides = array<i32>} : memref<8x1024xf32, #tpu.memory_space<vmem>>, vector<1x16xf32>,
        %parallel_loop3A_1704 = vector.shape_cast %parallel_loop3A_1703 : vector<1x16xf32> to vector<16xf32>
        %parallel_loop3A_1705 = arith.index_cast %parallel_loop3A_1696 : i32 to index
        %parallel_loop3A_1706 = arith.index_cast %parallel_loop3A_1700 : i32 to index
        %parallel_loop3A_1707 = tpu.vector_load %arg8[%parallel_loop3A_1705, %parallel_loop3A_1706] {strides = array<i32>} : memref<8x1024xf32, #tpu.memory_space<vmem>>, vector<1x16xf32>,
        %parallel_loop3A_1708 = vector.shape_cast %parallel_loop3A_1707 : vector<1x16xf32> to vector<16xf32>
        %parallel_loop3A_1709 = vector.shape_cast %parallel_loop3A_1704 : vector<16xf32> to vector<1x16xf32>
        tpu.vector_store %arg8[%parallel_loop3A_1705, %parallel_loop3A_1706], %parallel_loop3A_1709 {add = true, strides = array<i32>} : memref<8x1024xf32, #tpu.memory_space<vmem>>, vector<1x16xf32>,
      } {sc.loop_unroll_factor = 8 : i64, sc.parallel_access}
    } {sc.loop_unroll_factor = 1 : i64, sc.parallel_access}
    %add3A_1624 = arith.constant 248 : i32
    %add3A_1625 = arith.addi %mul3A_2, %add3A_1624 : i32
    %dma_start3A_1626 = arith.constant 3 : i32
    %dma_start3A_1627 = arith.constant 0 : i32
    %dma_start3A_1628 = tpu.memref_slice %arg4[%add3A_1625, %dma_start3A_1627] : memref<8192x1024xf32, #tpu.memory_space<hbm>> -> memref<8x1024xf32, #tpu.memory_space<hbm>>
    %dma_start3A_1629 = tpu.memref_slice %arg20[%dma_start3A_1626] : memref<7x!tpu.dma_semaphore, #tpu.memory_space<semaphore_mem>> -> memref<1x!tpu.dma_semaphore, #tpu.memory_space<semaphore_mem>>
    %dma_start3A_1630 = tpu.memref_squeeze %dma_start3A_1629 : memref<1x!tpu.dma_semaphore, #tpu.memory_space<semaphore_mem>> -> memref<!tpu.dma_semaphore, #tpu.memory_space<semaphore_mem>>
    %dma_start3A_1631 = arith.constant 0 : i32
    %dma_start3A_1632 = tpu.memref_slice %arg4[%add3A_1625, %dma_start3A_1631] : memref<8192x1024xf32, #tpu.memory_space<hbm>> -> memref<8x1024xf32, #tpu.memory_space<hbm>>
    tpu.enqueue_dma source(%arg8 : memref<8x1024xf32, #tpu.memory_space<vmem>>) target(%dma_start3A_1632 : memref<8x1024xf32, #tpu.memory_space<hbm>>) target_semaphore(%dma_start3A_1630 : memref<!tpu.dma_semaphore, #tpu.memory_space<semaphore_mem>>)
    %add3A_1633 = arith.constant 200 : i32
    %add3A_1634 = arith.addi %mul3A_2, %add3A_1633 : i32
    %dma_wait3A_1635 = arith.constant 4 : i32
    %dma_wait3A_1636 = arith.constant 0 : i32
    %dma_wait3A_1637 = tpu.memref_slice %arg4[%add3A_1634, %dma_wait3A_1636] : memref<8192x1024xf32, #tpu.memory_space<hbm>> -> memref<8x1024xf32, #tpu.memory_space<hbm>>
    %dma_wait3A_1638 = tpu.memref_slice %arg20[%dma_wait3A_1635] : memref<7x!tpu.dma_semaphore, #tpu.memory_space<semaphore_mem>> -> memref<1x!tpu.dma_semaphore, #tpu.memory_space<semaphore_mem>>
    %dma_wait3A_1639 = tpu.memref_squeeze %dma_wait3A_1638 : memref<1x!tpu.dma_semaphore, #tpu.memory_space<semaphore_mem>> -> memref<!tpu.dma_semaphore, #tpu.memory_space<semaphore_mem>>
    %dma_wait3A_1640 = arith.constant 0 : i32
    %dma_wait3A_1641 = tpu.memref_slice %arg4[%add3A_1634, %dma_wait3A_1640] : memref<8192x1024xf32, #tpu.memory_space<hbm>> -> memref<8x1024xf32, #tpu.memory_space<hbm>>
    tpu.wait_dma2 semaphore(%dma_wait3A_1639 : memref<!tpu.dma_semaphore, #tpu.memory_space<semaphore_mem>>) src(%arg9 : memref<8x1024xf32, #tpu.memory_space<vmem>>) dst(%dma_wait3A_1641 : memref<8x1024xf32, #tpu.memory_space<hbm>>)
    %add3A_1642 = arith.constant 208 : i32
    %add3A_1643 = arith.addi %mul3A_2, %add3A_1642 : i32
    %dma_wait3A_1644 = arith.constant 5 : i32
    %dma_wait3A_1645 = arith.constant 0 : i32
    %dma_wait3A_1646 = tpu.memref_slice %arg4[%add3A_1643, %dma_wait3A_1645] : memref<8192x1024xf32, #tpu.memory_space<hbm>> -> memref<8x1024xf32, #tpu.memory_space<hbm>>
    %dma_wait3A_1647 = tpu.memref_slice %arg20[%dma_wait3A_1644] : memref<7x!tpu.dma_semaphore, #tpu.memory_space<semaphore_mem>> -> memref<1x!tpu.dma_semaphore, #tpu.memory_space<semaphore_mem>>
    %dma_wait3A_1648 = tpu.memref_squeeze %dma_wait3A_1647 : memref<1x!tpu.dma_semaphore, #tpu.memory_space<semaphore_mem>> -> memref<!tpu.dma_semaphore, #tpu.memory_space<semaphore_mem>>
    %dma_wait3A_1649 = arith.constant 0 : i32
    %dma_wait3A_1650 = tpu.memref_slice %arg4[%add3A_1643, %dma_wait3A_1649] : memref<8192x1024xf32, #tpu.memory_space<hbm>> -> memref<8x1024xf32, #tpu.memory_space<hbm>>
    tpu.wait_dma2 semaphore(%dma_wait3A_1648 : memref<!tpu.dma_semaphore, #tpu.memory_space<semaphore_mem>>) src(%arg10 : memref<8x1024xf32, #tpu.memory_space<vmem>>) dst(%dma_wait3A_1650 : memref<8x1024xf32, #tpu.memory_space<hbm>>)
    %add3A_1651 = arith.constant 216 : i32
    %add3A_1652 = arith.addi %mul3A_2, %add3A_1651 : i32
    %dma_wait3A_1653 = arith.constant 6 : i32
    %dma_wait3A_1654 = arith.constant 0 : i32
    %dma_wait3A_1655 = tpu.memref_slice %arg4[%add3A_1652, %dma_wait3A_1654] : memref<8192x1024xf32, #tpu.memory_space<hbm>> -> memref<8x1024xf32, #tpu.memory_space<hbm>>
    %dma_wait3A_1656 = tpu.memref_slice %arg20[%dma_wait3A_1653] : memref<7x!tpu.dma_semaphore, #tpu.memory_space<semaphore_mem>> -> memref<1x!tpu.dma_semaphore, #tpu.memory_space<semaphore_mem>>
    %dma_wait3A_1657 = tpu.memref_squeeze %dma_wait3A_1656 : memref<1x!tpu.dma_semaphore, #tpu.memory_space<semaphore_mem>> -> memref<!tpu.dma_semaphore, #tpu.memory_space<semaphore_mem>>
    %dma_wait3A_1658 = arith.constant 0 : i32
    %dma_wait3A_1659 = tpu.memref_slice %arg4[%add3A_1652, %dma_wait3A_1658] : memref<8192x1024xf32, #tpu.memory_space<hbm>> -> memref<8x1024xf32, #tpu.memory_space<hbm>>
    tpu.wait_dma2 semaphore(%dma_wait3A_1657 : memref<!tpu.dma_semaphore, #tpu.memory_space<semaphore_mem>>) src(%arg11 : memref<8x1024xf32, #tpu.memory_space<vmem>>) dst(%dma_wait3A_1659 : memref<8x1024xf32, #tpu.memory_space<hbm>>)
    %add3A_1660 = arith.constant 224 : i32
    %add3A_1661 = arith.addi %mul3A_2, %add3A_1660 : i32
    %dma_wait3A_1662 = arith.constant 0 : i32
    %dma_wait3A_1663 = arith.constant 0 : i32
    %dma_wait3A_1664 = tpu.memref_slice %arg4[%add3A_1661, %dma_wait3A_1663] : memref<8192x1024xf32, #tpu.memory_space<hbm>> -> memref<8x1024xf32, #tpu.memory_space<hbm>>
    %dma_wait3A_1665 = tpu.memref_slice %arg20[%dma_wait3A_1662] : memref<7x!tpu.dma_semaphore, #tpu.memory_space<semaphore_mem>> -> memref<1x!tpu.dma_semaphore, #tpu.memory_space<semaphore_mem>>
    %dma_wait3A_1666 = tpu.memref_squeeze %dma_wait3A_1665 : memref<1x!tpu.dma_semaphore, #tpu.memory_space<semaphore_mem>> -> memref<!tpu.dma_semaphore, #tpu.memory_space<semaphore_mem>>
    %dma_wait3A_1667 = arith.constant 0 : i32
    %dma_wait3A_1668 = tpu.memref_slice %arg4[%add3A_1661, %dma_wait3A_1667] : memref<8192x1024xf32, #tpu.memory_space<hbm>> -> memref<8x1024xf32, #tpu.memory_space<hbm>>
    tpu.wait_dma2 semaphore(%dma_wait3A_1666 : memref<!tpu.dma_semaphore, #tpu.memory_space<semaphore_mem>>) src(%arg5 : memref<8x1024xf32, #tpu.memory_space<vmem>>) dst(%dma_wait3A_1668 : memref<8x1024xf32, #tpu.memory_space<hbm>>)
    %add3A_1669 = arith.constant 232 : i32
    %add3A_1670 = arith.addi %mul3A_2, %add3A_1669 : i32
    %dma_wait3A_1671 = arith.constant 1 : i32
    %dma_wait3A_1672 = arith.constant 0 : i32
    %dma_wait3A_1673 = tpu.memref_slice %arg4[%add3A_1670, %dma_wait3A_1672] : memref<8192x1024xf32, #tpu.memory_space<hbm>> -> memref<8x1024xf32, #tpu.memory_space<hbm>>
    %dma_wait3A_1674 = tpu.memref_slice %arg20[%dma_wait3A_1671] : memref<7x!tpu.dma_semaphore, #tpu.memory_space<semaphore_mem>> -> memref<1x!tpu.dma_semaphore, #tpu.memory_space<semaphore_mem>>
    %dma_wait3A_1675 = tpu.memref_squeeze %dma_wait3A_1674 : memref<1x!tpu.dma_semaphore, #tpu.memory_space<semaphore_mem>> -> memref<!tpu.dma_semaphore, #tpu.memory_space<semaphore_mem>>
    %dma_wait3A_1676 = arith.constant 0 : i32
    %dma_wait3A_1677 = tpu.memref_slice %arg4[%add3A_1670, %dma_wait3A_1676] : memref<8192x1024xf32, #tpu.memory_space<hbm>> -> memref<8x1024xf32, #tpu.memory_space<hbm>>
    tpu.wait_dma2 semaphore(%dma_wait3A_1675 : memref<!tpu.dma_semaphore, #tpu.memory_space<semaphore_mem>>) src(%arg6 : memref<8x1024xf32, #tpu.memory_space<vmem>>) dst(%dma_wait3A_1677 : memref<8x1024xf32, #tpu.memory_space<hbm>>)
    %add3A_1678 = arith.constant 240 : i32
    %add3A_1679 = arith.addi %mul3A_2, %add3A_1678 : i32
    %dma_wait3A_1680 = arith.constant 2 : i32
    %dma_wait3A_1681 = arith.constant 0 : i32
    %dma_wait3A_1682 = tpu.memref_slice %arg4[%add3A_1679, %dma_wait3A_1681] : memref<8192x1024xf32, #tpu.memory_space<hbm>> -> memref<8x1024xf32, #tpu.memory_space<hbm>>
    %dma_wait3A_1683 = tpu.memref_slice %arg20[%dma_wait3A_1680] : memref<7x!tpu.dma_semaphore, #tpu.memory_space<semaphore_mem>> -> memref<1x!tpu.dma_semaphore, #tpu.memory_space<semaphore_mem>>
    %dma_wait3A_1684 = tpu.memref_squeeze %dma_wait3A_1683 : memref<1x!tpu.dma_semaphore, #tpu.memory_space<semaphore_mem>> -> memref<!tpu.dma_semaphore, #tpu.memory_space<semaphore_mem>>
    %dma_wait3A_1685 = arith.constant 0 : i32
    %dma_wait3A_1686 = tpu.memref_slice %arg4[%add3A_1679, %dma_wait3A_1685] : memref<8192x1024xf32, #tpu.memory_space<hbm>> -> memref<8x1024xf32, #tpu.memory_space<hbm>>
    tpu.wait_dma2 semaphore(%dma_wait3A_1684 : memref<!tpu.dma_semaphore, #tpu.memory_space<semaphore_mem>>) src(%arg7 : memref<8x1024xf32, #tpu.memory_space<vmem>>) dst(%dma_wait3A_1686 : memref<8x1024xf32, #tpu.memory_space<hbm>>)
    %add3A_1687 = arith.constant 248 : i32
    %add3A_1688 = arith.addi %mul3A_2, %add3A_1687 : i32
    %dma_wait3A_1689 = arith.constant 3 : i32
    %dma_wait3A_1690 = arith.constant 0 : i32
    %dma_wait3A_1691 = tpu.memref_slice %arg4[%add3A_1688, %dma_wait3A_1690] : memref<8192x1024xf32, #tpu.memory_space<hbm>> -> memref<8x1024xf32, #tpu.memory_space<hbm>>
    %dma_wait3A_1692 = tpu.memref_slice %arg20[%dma_wait3A_1689] : memref<7x!tpu.dma_semaphore, #tpu.memory_space<semaphore_mem>> -> memref<1x!tpu.dma_semaphore, #tpu.memory_space<semaphore_mem>>
    %dma_wait3A_1693 = tpu.memref_squeeze %dma_wait3A_1692 : memref<1x!tpu.dma_semaphore, #tpu.memory_space<semaphore_mem>> -> memref<!tpu.dma_semaphore, #tpu.memory_space<semaphore_mem>>
    %dma_wait3A_1694 = arith.constant 0 : i32
    %dma_wait3A_1695 = tpu.memref_slice %arg4[%add3A_1688, %dma_wait3A_1694] : memref<8192x1024xf32, #tpu.memory_space<hbm>> -> memref<8x1024xf32, #tpu.memory_space<hbm>>
    tpu.wait_dma2 semaphore(%dma_wait3A_1693 : memref<!tpu.dma_semaphore, #tpu.memory_space<semaphore_mem>>) src(%arg8 : memref<8x1024xf32, #tpu.memory_space<vmem>>) dst(%dma_wait3A_1695 : memref<8x1024xf32, #tpu.memory_space<hbm>>)
    return
  }
}

</mosaic_0001>

<sc_bundles>
// kernel: kernel.3.cloned.1.call-start
scs
__scs_entry_jumppad:
0x0: {  	(pc) =	sbr.rel $0x88, $3  }
0x1: {  	(tag) =	ssettag $0x0;
	lr =	simm.s32 $0x1  }
0x2: {  	[smem:$0x3F9F] =	sst lr;
	_ =	strace $0xD0000000  }
0x3: {  	_ = 	snop  }
0x4: {  	_ = 	snop  }
0x5: {  	_ = 	snop  }
0x6: {  	_ = 	snop  }
0x7: {  	_ = 	snop  }
__scs_overlays_trampoline_lowered:
0x8: {  	[smem:$0x3FAE] =	sst s0  }
0x9: {  	[smem:$0x3FAF] =	sst s1  }
0xa: {  	[smem:$0x3FB0] =	sst s2  }
0xb: {  	[smem:$0x3FB1] =	sst s3  }
0xc: {  	[smem:$0x3FB2] =	sst s4  }
0xd: {  	[smem:$0x3FB3] =	sst s5  }
0xe: {  	[smem:$0x3FB4] =	sst s6  }
0xf: {  	[smem:$0x3FB5] =	sst s7  }
0x10: {  	[smem:$0x3FB6] =	sst s8  }
0x11: {  	[smem:$0x3FB7] =	sst s9;
	s0 =	simm.s32 @!p0 $0x0  }
0x12: {  	s1 =	sld [smem:$0x3F9D];
	s0 =	simm.s32 @p0 $0x1  }
0x13: {  	[smem:$0x3FB8] =	sst s0;
	s0 =	simm.s32 @!p1 $0x0  }
0x14: {  	s2 =	sld [smem:$0x3F9C];
	s0 =	simm.s32 @p1 $0x1  }
0x15: {  	[smem:$0x3FB9] =	sst s0;
	s0 =	simm.s32 @!p2 $0x0  }
0x16: {  	s3 =	sld [smem:$0x3FDB];
	s0 =	simm.s32 @p2 $0x1  }
0x17: {  	s4 =	simm.s32 $0x1BF5;
	[smem:$0x3FBB] =	sst s0  }
0x18: {  	s0 =	sld [smem:$0x3F9E];
	_ =	swait.ge [sflag:s4], $0x0  }
0x19: {  	s7 =	sld [smem:$0x3F9F]  }
0x1a: {  	s8 =	sadd.s32 $0xFFFFE003, lr  }
0x1b: {  	s9 =	sadd.s32 $0xFFFFFEF7, lr;
	s5 =	simm.s32 $0xFFFFFFFF;
	p2 =	slt.u32 s8, $0xFFFFF086  }
0x1c: {  	p1 =	slt.u32 s9, $0xF7A;
	s5 =	simm.s32 @!p2 $0x0  }
0x1d: {  	s5 =	simm.s32 @p1 $0x1;
	p0 =	seq.s32 s7, s2  }
0x1e: {  	s7 =	smul.u32 @!p0 $0xF7A, s2;
	p2 =	seq.s32 @!p0 s5, $0x0  }
0x1f: {  	s9 =	smul.u32 $0xF7A, s1;
	s8 =	simm.s32 @!p0 $0x1BF5;
	p2 =	por !p2, p0  }
0x20: {  	[sflag:s8] =	ssyncset.s32 @!p0 $0xFFFFF086;
	s6 =	sadd.s32 @!p0 s3, s7;
	s7 =	simm.s32 @!p0 $0x108  }
0x21: {  	s3 =	sadd.s32 s3, s9;
	s6 =	sadd.s32 @!p0 $0x88, s6;
	s7 =	simm.s32 @p2 $0x1082  }
0x22: {  	[simem:s7], [sflag:s8] =	dma.local @!p0 [hbm:s6], $0xF7A  }
0x23: {  	s9 =	sor.u32 $0xD0000000, s2;
	s6 =	simm.s32 $0x108;
	_ =	swait.ge @!p0 [sflag:s8], $0x0  }
0x24: {  	s3 =	sadd.s32 $0x88, s3;
	s6 =	simm.s32 @!p1 $0x1082;
	[sflag:s4] =	ssyncset.s32 $0xFFFFF086  }
0x25: {  	[simem:s6], [sflag:s4] =	dma.local [hbm:s3], $0xF7A  }
0x26: {  	[smem:$0x3F9F] =	sst s1;
	(tag) =	ssettag s2;
	_ =	strace s9  }
0x27: {  	s1 =	sld [smem:$0x3FAF]  }
0x28: {  	s2 =	sld [smem:$0x3FB0]  }
0x29: {  	s4 =	sld [smem:$0x3FB2]  }
0x2a: {  	p0 =	seq.s32 s5, $0x0;
	s5 =	sld [smem:$0x3FB3]  }
0x2b: {  	s6 =	sld [smem:$0x3FB4]  }
0x2c: {  	s7 =	sld [smem:$0x3FB5]  }
0x2d: {  	s3 =	simm.s32 $0x108;
	s8 =	sld [smem:$0x3FB6]  }
0x2e: {  	s3 =	simm.s32 @!p0 $0x1082;
	s9 =	sld [smem:$0x3FB7]  }
0x2f: {  	lr =	sadd.s32 s0, s3;
	s0 =	sld [smem:$0x3FAE]  }
0x30: {  	s3 =	sld [smem:$0x3FB1]  }
0x31: {  	[smem:$0x3FBA] =	sst s10  }
0x32: {  	s10 =	sld [smem:$0x3FB8];
	_ =	sdelay $0x3  }
0x33: {  	p0 =	seq.s32 s10, $0x1;
	s10 =	sld [smem:$0x3FBA];
	_ =	sdelay $0x3  }
0x34: {  	[smem:$0x3FBA] =	sst s10  }
0x35: {  	s10 =	sld [smem:$0x3FB9];
	_ =	sdelay $0x3  }
0x36: {  	p1 =	seq.s32 s10, $0x1;
	s10 =	sld [smem:$0x3FBA];
	_ =	sdelay $0x3  }
0x37: {  	[smem:$0x3FBA] =	sst s10  }
0x38: {  	s10 =	sld [smem:$0x3FBB]  }
0x39: {  	_ = 	snop;
	(pc) =	sbr.ind lr, $3  }
0x3a: {  	_ = 	snop  }
0x3b: {  	_ = 	snop  }
0x3c: {  	p2 =	seq.s32 s10, $0x1;
	s10 =	sld [smem:$0x3FBA]  }
0x3d: {  	_ =	shalt  }
0x3e: {  	_ =	shalt  }
0x3f: {  	_ =	shalt  }
0x40: {  	_ =	shalt  }
0x41: {  	_ =	shalt  }
0x42: {  	_ =	shalt  }
0x43: {  	_ =	shalt  }
0x44: {  	_ =	shalt  }
0x45: {  	_ =	shalt  }
0x46: {  	_ =	shalt  }
0x47: {  	_ =	shalt  }
0x48: {  	_ =	shalt  }
0x49: {  	_ =	shalt  }
0x4a: {  	_ =	shalt  }
0x4b: {  	_ =	shalt  }
0x4c: {  	_ =	shalt  }
0x4d: {  	_ =	shalt  }
0x4e: {  	_ =	shalt  }
0x4f: {  	_ =	shalt  }
0x50: {  	_ =	shalt  }
0x51: {  	_ =	shalt  }
0x52: {  	_ =	shalt  }
0x53: {  	_ =	shalt  }
0x54: {  	_ =	shalt  }
0x55: {  	_ =	shalt  }
0x56: {  	_ =	shalt  }
0x57: {  	_ =	shalt  }
0x58: {  	_ =	shalt  }
0x59: {  	_ =	shalt  }
0x5a: {  	_ =	shalt  }
0x5b: {  	_ =	shalt  }
0x5c: {  	_ =	shalt  }
0x5d: {  	_ =	shalt  }
0x5e: {  	_ =	shalt  }
0x5f: {  	_ =	shalt  }
0x60: {  	_ =	shalt  }
0x61: {  	_ =	shalt  }
0x62: {  	_ =	shalt  }
0x63: {  	_ =	shalt  }
0x64: {  	_ =	shalt  }
0x65: {  	_ =	shalt  }
0x66: {  	_ =	shalt  }
0x67: {  	_ =	shalt  }
0x68: {  	_ =	shalt  }
0x69: {  	_ =	shalt  }
0x6a: {  	_ =	shalt  }
0x6b: {  	_ =	shalt  }
0x6c: {  	_ =	shalt  }
0x6d: {  	_ =	shalt  }
0x6e: {  	_ =	shalt  }
0x6f: {  	_ =	shalt  }
0x70: {  	_ =	shalt  }
0x71: {  	_ =	shalt  }
0x72: {  	_ =	shalt  }
0x73: {  	_ =	shalt  }
0x74: {  	_ =	shalt  }
0x75: {  	_ =	shalt  }
0x76: {  	_ =	shalt  }
0x77: {  	_ =	shalt  }
0x78: {  	_ =	shalt  }
0x79: {  	_ =	shalt  }
0x7a: {  	_ =	shalt  }
0x7b: {  	_ =	shalt  }
0x7c: {  	_ =	shalt  }
0x7d: {  	_ =	shalt  }
0x7e: {  	_ =	shalt  }
0x7f: {  	_ =	shalt  }
0x80: {  	_ =	shalt  }
0x81: {  	_ =	shalt  }
0x82: {  	_ =	shalt  }
0x83: {  	_ =	shalt  }
0x84: {  	_ =	shalt  }
0x85: {  	_ =	shalt  }
0x86: {  	_ =	shalt  }
0x87: {  	_ =	shalt  }
.Lfunc_end0:
.L_simem_size_0:
called_computation_lowered:
.L_overlay_start_0:
0x88: {  	s2 =	sld [smem:$0x3FD9]  }
0x89: {  	s3 =	sld [smem:$0x3FFE];
	_ =	sdelay $0x1  }
0x8a: {  	s1 =	srdreg.scid  }
0x8b: {  	s0 =	sand.u32 $0x1, s1  }
0x8c: {  	s18 =	sshll.u32 s0, $0xA;
	s2 =	sadd.s32 s3, s2  }
0x8d: {  	s2 =	sadd.s32 s2, s18  }
0x8e: {  	[smem:$0x3FC6] =	sst s2  }
0x8f: {  	_ = 	snop  }
0x90: {  	s2 =	sld [smem:$0x3FC9]  }
0x91: {  	s19 =	sld [smem:$0x3FC8]  }
0x92: {  	s4 =	sld [smem:$0x3FD0];
	(tm) =	ssettm $0x1  }
0x93: {  	s5 =	sld [smem:$0x3FFB];
	_ =	sdelay $0x3  }
0x94: {  	_ =	strace s5  }
0x95: {  	s5 =	sld [smem:$0x3FFC];
	_ =	sdelay $0x3  }
0x96: {  	_ =	strace s5  }
0x97: {  	s5 =	sld [smem:$0x3FFD];
	_ =	sdelay $0x3  }
0x98: {  	_ =	strace s5  }
0x99: {  	_ =	strace $0x8FFFFFFF  }
0x9a: {  	s20 =	sld [smem:$0x3FDB];
	_ =	sdelay $0x1  }
0x9b: {  	s6 =	simm.s32 $_scs_section_size  }
0x9c: {  	s7 =	simm.s32 $_size__tile_overlayer_lowered;
	s8 =	simm.s32 $_tile_overlayer_lowered  }
0x9d: {  	s23 =	simm.s32 $0x1BFF;
	s22 =	sshll.u32 s8, $0x1;
	s5 =	sadd.s32 s6, s20  }
0x9e: {  	s9 =	simm.s32 $0x0;
	s21 =	sshll.u32 s7, $0x1;
	s7 =	sadd.s32 s22, s5  }
0x9f: {  	[timem:s9], [sflag:s23] =	dma.local [hbm:s7], s21  }
0xa0: {  	_ =	swait.ge [sflag:s23], s21  }
0xa1: {  	s6 =	ssub.s32 $0x0, s21;
	[sflag:s23] =	ssyncset.done $0x0  }
0xa2: {  	[sflag:s23] =	ssyncadd.s32 s6;
	_ =	sdelay $0x1  }
0xa3: {  	s24 =	simm.s32 $0x1B8B  }
0xa4: {  	_ =	swait.ge [sflag:s24], $0x1  }
0xa5: {  	[sflag:s24] =	ssyncset.done $0x0  }
0xa6: {  	s25 =	simm.s32 $0x1B8E;
	[sflag:s24] =	ssyncadd.s32 $0xFFFFFFFF  }
0xa7: {  	s26 =	simm.s32 $execute0_lowered;
	[smem:$0x3FD2] =	sst s25  }
0xa8: {  	s6 =	sshll.u32 s26, $0x1;
	_ =	strace $0x80000046;
	[dreg:$0x1] =	wrdreg $0xFFFFFFFF  }
0xa9: {  	s28 =	simm.s32 $_size_execute0_lowered;
	s5 =	sadd.s32 s5, s6;
	[dreg:$0x0] =	wrdreg $0x0  }
0xaa: {  	s6 =	sshll.u32 s28, $0x1;
	[dreg:$0x2] =	wrdreg s5  }
0xab: {  	[dreg:$0x3] =	wrdreg s6  }
0xac: {  	[dreg:$0x4] =	wrdreg $0xC0  }
0xad: {  	_ =	task [dreg:s9], $0x5FFFF  }
0xae: {  	[dreg:$0x1] =	wrdreg $0xFFFFFFFF  }
0xaf: {  	[dreg:$0x0] =	wrdreg $0x60  }
0xb0: {  	[dreg:$0x2] =	wrdreg s2  }
0xb1: {  	[dreg:$0x3] =	wrdreg s19  }
0xb2: {  	[dreg:$0x4] =	wrdreg s4  }
0xb3: {  	[dreg:$0x5] =	wrdreg $0x9  }
0xb4: {  	_ =	task.clear_ibuf [dreg:s9], $0x6FFFF;
	_ =	strace $0x90000046  }
0xb5: {  	s29 =	simm.s32 $0x9;
	_ =	strace $0x80000048  }
0xb6: {  	_ =	swait.ge [sflag:s29], $0x1  }
0xb7: {  	[sflag:s29] =	ssyncadd.s32 $0xFFFFFFFF  }
0xb8: {  	_ =	strace $0x90000048  }
0xb9: {  	_ =	sfence  }
0xba: {  	s30 =	sld [smem:$0x0];
	_ =	sdelay $0x2  }
0xbb: {  	s31 =	sshll.u32 s1, $0xD;
	s1 =	sshrl.u32 s1, $0x2  }
0xbc: {  	s3 =	sand.u32 $0x4000, s31;
	s1 =	sadd.s32 s1, s30  }
0xbd: {  	s0 =	sor.u32 s3, s0;
	s1 =	sshll.u32 s1, $0x11  }
0xbe: {  	s0 =	sor.u32 s1, s0  }
0xbf: {  	s0 =	sadd.s32 $0x8F2B, s0  }
0xc0: {  	[sflag:s0] =	ssyncadd.remote.s32 $0x1  }
0xc1: {  	_ =	sfence.sel $0xFFFF  }
0xc2: {  	[dreg:$0x0] =	wrdreg $0xFFFFFFFF;
	(pc) =	sbr.abs _section_cstart, $3  }
0xc3: {  	[dreg:$0x1] =	wrdreg $0xFFFFFFFF  }
0xc4: {  	_ =	task.clear_ibuf [dreg:s9], $0x2FFFF;
	_ =	strace $0x9FFFFFFF  }
0xc5: {  	(tm) =	ssettm $0x7FFFFFFF  }
tec
execute0_lowered:
.L_overlay_start_1:
0x0: {  	(tag) =	ssettag $0x1  }
0x1: {  	s3 =	srdreg.scid  }
0x2: {  	s4 =	rddreg [dreg:$0x0];
	s5 =	stileid.u32;
	s3 =	sand.u32 $0x1, s3  }
0x3: {  	s5 =	sshll.u32 s5, $0x10;
	s6 =	ssub.s32 $0x2, s3;
	s3 =	sshll.u32 s3, $0xF  }
0x4: {  	s2 =	rddreg [dreg:$0x1];
	s5 =	sor.u32 s3, s5  }
0x5: {  	s0 =	rddreg [dreg:$0x2];
	s1 =	simm.s32 $0x0;
	s13 =	sor.u32 $0x400, s5  }
0x6: {  	[smem:$0x7FF] =	sst s1;
	s8 =	sadd.s32 s4, s13  }
0x7: {  	s14 =	sor.u32 $0x800, s5;
	s15 =	sadd.s32 s2, s13;
	[dreg:$0x4] =	wrdreg s8  }
0x8: {  	s16 =	sadd.s32 s4, s14;
	[dreg:$0x5] =	wrdreg s15  }
0x9: {  	s18 =	sor.u32 $0xC00, s5;
	s17 =	sadd.s32 s2, s14;
	[dreg:$0x6] =	wrdreg s16  }
0xa: {  	s10 =	sadd.s32 s4, s18;
	[dreg:$0x7] =	wrdreg s17  }
0xb: {  	s9 =	sor.u32 $0x1000, s5;
	s19 =	sadd.s32 s2, s18;
	[dreg:$0x8] =	wrdreg s10  }
0xc: {  	s20 =	sadd.s32 s4, s9;
	[dreg:$0x9] =	wrdreg s19  }
0xd: {  	s22 =	sor.u32 $0x1400, s5;
	s21 =	sadd.s32 s2, s9;
	[dreg:$0xa] =	wrdreg s20  }
0xe: {  	s12 =	sadd.s32 s4, s22;
	[dreg:$0xb] =	wrdreg s21  }
0xf: {  	s11 =	sor.u32 $0x1800, s5;
	s23 =	sadd.s32 s2, s22;
	[dreg:$0xc] =	wrdreg s12  }
0x10: {  	s24 =	sadd.s32 s4, s11;
	[dreg:$0xd] =	wrdreg s23  }
0x11: {  	s7 =	sshrl.u32 s6, $0x1;
	s25 =	sadd.s32 s2, s11;
	[dreg:$0xe] =	wrdreg s24  }
0x12: {  	s3 =	ssub.s32 s6, s7;
	s6 =	sadd.s32 s0, s13;
	[dreg:$0xf] =	wrdreg s25  }
0x13: {  	s7 =	sadd.s32 s0, s14;
	[dreg:$0x10] =	wrdreg s6  }
0x14: {  	s13 =	sadd.s32 s0, s18;
	[dreg:$0x11] =	wrdreg s7  }
0x15: {  	s26 =	sor.u32 $0x1C00, s5;
	s14 =	sadd.s32 s0, s9;
	[dreg:$0x12] =	wrdreg s13  }
0x16: {  	s18 =	sadd.s32 s2, s26;
	[dreg:$0x13] =	wrdreg s14  }
0x17: {  	s15 =	sadd.s32 s0, s22;
	[dreg:$0x17] =	wrdreg s18  }
0x18: {  	s16 =	sadd.s32 s0, s11;
	[dreg:$0x14] =	wrdreg s15  }
0x19: {  	s17 =	sadd.s32 s4, s26;
	[dreg:$0x15] =	wrdreg s16  }
0x1a: {  	s19 =	sadd.s32 s0, s26;
	s20 =	sor.u32 $0x2000, s5;
	[dreg:$0x16] =	wrdreg s17  }
0x1b: {  	[dreg:$0x18] =	wrdreg s19;
	s21 =	sadd.s32 s4, s20  }
0x1c: {  	s22 =	sadd.s32 s2, s20;
	[dreg:$0x19] =	wrdreg s21  }
0x1d: {  	s23 =	sor.u32 $0x2400, s5;
	s6 =	sadd.s32 s0, s20;
	[dreg:$0x1a] =	wrdreg s22  }
0x1e: {  	s24 =	sadd.s32 s4, s23;
	[dreg:$0x1b] =	wrdreg s6  }
0x1f: {  	s26 =	sadd.s32 s2, s23;
	[dreg:$0x1c] =	wrdreg s24  }
0x20: {  	s25 =	sor.u32 $0x2800, s5;
	s7 =	sadd.s32 s0, s23;
	[dreg:$0x1d] =	wrdreg s26  }
0x21: {  	s9 =	sadd.s32 s4, s25;
	[dreg:$0x1e] =	wrdreg s7  }
0x22: {  	s11 =	sor.u32 $0x2C00, s5;
	s10 =	sadd.s32 s2, s25;
	[dreg:$0x1f] =	wrdreg s9  }
0x23: {  	s12 =	sadd.s32 s4, s11;
	[smem:$0x7B9] =	sst s10  }
0x24: {  	s14 =	sor.u32 $0x3000, s5;
	s13 =	sadd.s32 s2, s11;
	[smem:$0x7BB] =	sst s12  }
0x25: {  	s15 =	sadd.s32 s4, s14;
	[smem:$0x7BC] =	sst s13  }
0x26: {  	s17 =	sadd.s32 s2, s14;
	[smem:$0x7BE] =	sst s15  }
0x27: {  	s6 =	sadd.s32 s0, s25;
	[smem:$0x7BF] =	sst s17  }
0x28: {  	s16 =	sor.u32 $0x3400, s5;
	s7 =	sadd.s32 s0, s14;
	[smem:$0x7BA] =	sst s6  }
0x29: {  	s18 =	sadd.s32 s4, s16;
	[smem:$0x7C0] =	sst s7  }
0x2a: {  	s20 =	sor.u32 $0x3800, s5;
	s19 =	sadd.s32 s2, s16;
	[smem:$0x7C1] =	sst s18  }
0x2b: {  	s21 =	sadd.s32 s4, s20;
	[smem:$0x7C2] =	sst s19  }
0x2c: {  	s23 =	sor.u32 $0x3C00, s5;
	s22 =	sadd.s32 s2, s20;
	[smem:$0x7C4] =	sst s21  }
0x2d: {  	s24 =	sadd.s32 s4, s23;
	[smem:$0x7C5] =	sst s22  }
0x2e: {  	s26 =	sadd.s32 s2, s23;
	[smem:$0x7C7] =	sst s24  }
0x2f: {  	s6 =	sadd.s32 s0, s11;
	[smem:$0x7C8] =	sst s26  }
0x30: {  	s25 =	sor.u32 $0x4000, s5;
	s7 =	sadd.s32 s0, s23;
	[smem:$0x7BD] =	sst s6  }
0x31: {  	s9 =	sadd.s32 s4, s25;
	[smem:$0x7C9] =	sst s7  }
0x32: {  	s14 =	sor.u32 $0x4800, s5;
	s10 =	sadd.s32 s2, s25;
	[smem:$0x7CA] =	sst s9  }
0x33: {  	s15 =	sadd.s32 s4, s14;
	[smem:$0x7CB] =	sst s10  }
0x34: {  	s17 =	sadd.s32 s2, s14;
	[smem:$0x7D0] =	sst s15  }
0x35: {  	s11 =	sor.u32 $0x4400, s5;
	s6 =	sadd.s32 s0, s16;
	[smem:$0x7D1] =	sst s17  }
0x36: {  	s12 =	sadd.s32 s4, s11;
	[smem:$0x7C3] =	sst s6  }
0x37: {  	s13 =	sadd.s32 s2, s11;
	[smem:$0x7CD] =	sst s12  }
0x38: {  	s23 =	sor.u32 $0x5400, s5;
	s7 =	sadd.s32 s0, s14;
	[smem:$0x7CE] =	sst s13  }
0x39: {  	s24 =	sadd.s32 s4, s23;
	[smem:$0x7D2] =	sst s7  }
0x3a: {  	s26 =	sadd.s32 s2, s23;
	[smem:$0x7D9] =	sst s24  }
0x3b: {  	s17 =	sadd.s32 s4, s5;
	[smem:$0x7DA] =	sst s26  }
0x3c: {  	s16 =	sor.u32 $0x4C00, s5;
	s6 =	sadd.s32 s0, s20;
	[smem:$0x7E5] =	sst s17  }
0x3d: {  	s18 =	sadd.s32 s4, s16;
	[smem:$0x7C6] =	sst s6  }
0x3e: {  	s19 =	sadd.s32 s2, s16;
	[smem:$0x7D3] =	sst s18  }
0x3f: {  	s10 =	sor.u32 $0x5C00, s5;
	s7 =	sadd.s32 s0, s23;
	[smem:$0x7D4] =	sst s19  }
0x40: {  	s12 =	sadd.s32 s2, s10;
	[smem:$0x7DB] =	sst s7  }
0x41: {  	s20 =	sor.u32 $0x5000, s5;
	s6 =	sadd.s32 s0, s25;
	[smem:$0x7E0] =	sst s12  }
0x42: {  	s21 =	sadd.s32 s4, s20;
	[smem:$0x7CC] =	sst s6  }
0x43: {  	s13 =	sor.u32 $0x6000, s5;
	s22 =	sadd.s32 s2, s20;
	[smem:$0x7D6] =	sst s21  }
0x44: {  	s14 =	sadd.s32 s4, s13;
	[smem:$0x7D7] =	sst s22  }
0x45: {  	s15 =	sadd.s32 s2, s13;
	[smem:$0x7E2] =	sst s14  }
0x46: {  	s18 =	sadd.s32 s2, s5;
	[smem:$0x7E3] =	sst s15  }
0x47: {  	s19 =	sadd.s32 s0, s5;
	[smem:$0x7E6] =	sst s18  }
0x48: {  	s25 =	sor.u32 $0x5800, s5;
	s6 =	sadd.s32 s0, s11;
	[smem:$0x7E7] =	sst s19  }
0x49: {  	s8 =	sadd.s32 s4, s25;
	[smem:$0x7CF] =	sst s6  }
0x4a: {  	s9 =	sadd.s32 s2, s25;
	[smem:$0x7DC] =	sst s8  }
0x4b: {  	s11 =	sadd.s32 s4, s10;
	[smem:$0x7DD] =	sst s9  }
0x4c: {  	s6 =	sadd.s32 s0, s16;
	[smem:$0x7DF] =	sst s11  }
0x4d: {  	s21 =	sor.u32 $0x6800, s5;
	s16 =	sadd.s32 s0, s13;
	[smem:$0x7D5] =	sst s6  }
0x4e: {  	s23 =	sadd.s32 s4, s21;
	[smem:$0x7E4] =	sst s16  }
0x4f: {  	s28 =	simm.s32 $0x4;
	s15 =	sadd.s32 s2, s21;
	[smem:$0x7E9] =	sst s23  }
0x50: {  	s29 =	simm.s32 $0xA;
	s21 =	sadd.s32 s0, s21;
	[smem:$0x7F0] =	sst s15  }
0x51: {  	s8 =	sor.u32 $0x6C00, s5;
	s6 =	sadd.s32 s0, s20;
	[smem:$0x7F7] =	sst s21  }
0x52: {  	s11 =	sor.u32 $0x7800, s5;
	s24 =	sadd.s32 s4, s8;
	[smem:$0x7D8] =	sst s6  }
0x53: {  	s30 =	simm.s32 $0x5;
	s13 =	sadd.s32 s4, s11;
	[smem:$0x7EA] =	sst s24  }
0x54: {  	s9 =	sor.u32 $0x7000, s5;
	s16 =	sadd.s32 s2, s8;
	[smem:$0x7ED] =	sst s13  }
0x55: {  	s31 =	simm.s32 $0xB;
	s17 =	sadd.s32 s2, s9;
	[smem:$0x7F1] =	sst s16  }
0x56: {  	s12 =	simm.s32 $0x4000;
	s19 =	sadd.s32 s2, s11;
	[smem:$0x7F2] =	sst s17  }
0x57: {  	s20 =	sor.u32 $0x6400, s5;
	s23 =	sadd.s32 s0, s9;
	[smem:$0x7F4] =	sst s19  }
0x58: {  	s15 =	simm.s32 $0x14000;
	s6 =	sadd.s32 s0, s25;
	[smem:$0x7F9] =	sst s23  }
0x59: {  	s21 =	simm.s32 $0xC000;
	s22 =	sadd.s32 s4, s20;
	[smem:$0x7DE] =	sst s6  }
0x5a: {  	s25 =	sadd.s32 s4, s9;
	s14 =	sadd.s32 s2, s20;
	[smem:$0x7E8] =	sst s22  }
0x5b: {  	s20 =	sadd.s32 s0, s20;
	s9 =	simm.s32 $0xE000;
	[smem:$0x7EB] =	sst s25  }
0x5c: {  	s13 =	simm.s32 $0x12000;
	s16 =	simm.s32 $0x8000;
	[smem:$0x7EF] =	sst s14  }
0x5d: {  	s23 =	simm.s32 $0x2;
	s6 =	sadd.s32 s0, s10;
	[smem:$0x7F6] =	sst s20  }
0x5e: {  	s10 =	sor.u32 $0x7400, s5;
	s22 =	sadd.s32 s0, s8;
	[smem:$0x7E1] =	sst s6  }
0x5f: {  	s5 =	sor.u32 $0x7C00, s5;
	s25 =	sadd.s32 s0, s11;
	[smem:$0x7F8] =	sst s22  }
0x60: {  	s11 =	simm.s32 $0x10000;
	s26 =	sadd.s32 s4, s10;
	[smem:$0x7FB] =	sst s25  }
0x61: {  	s14 =	simm.s32 $0x6000;
	s4 =	sadd.s32 s4, s5;
	[smem:$0x7EC] =	sst s26  }
0x62: {  	s20 =	simm.s32 $0x1;
	s18 =	sadd.s32 s2, s10;
	[smem:$0x7EE] =	sst s4  }
0x63: {  	s2 =	sadd.s32 s2, s5;
	s24 =	sadd.s32 s0, s10;
	[smem:$0x7F3] =	sst s18  }
0x64: {  	s0 =	sadd.s32 s0, s5;
	s10 =	simm.s32 $0x2000;
	[smem:$0x7F5] =	sst s2  }
0x65: {  	s25 =	simm.s32 $0x3;
	s5 =	simm.s32 $0xE;
	[smem:$0x7FA] =	sst s24  }
0x66: {  	s6 =	simm.s32 $0x0;
	[smem:$0x7FC] =	sst s0;
	s26 =	smax.u32 s3, $0x1  }
0x67: {  	s18 =	simm.s32 $0xA000;
	s24 =	simm.s32 $0x8;
	s0 =	simm.s32 $0x6  }
0x68: {  	s2 =	simm.s32 $0xC;
	s3 =	simm.s32 $0x7;
	s4 =	simm.s32 $0xD  }
0x69: {  	_ =	strace $0x80000047;
	[smem:$0x7FD] =	sst s26;
	s26 =	simm.s32 $0x9  }
.LBB2_1:
0x6a: {  	s7 =	sld [smem:$0x7E5];
	_ =	sdelay $0x1  }
0x6b: {  	s22 =	sld [smem:$0x7E6]  }
0x6c: {  	[tilespmem:s1], [sflag:$0x1] =	stream.linear.gather [hbm4b:s7+s1], $0x2000, $0x38;
	[tilespmem:$0x1C000] =	vst v63  }
0x6d: {  	_ = 	snop  }
0x6e: {  	[tilespmem:s9], [sflag:$0x1] =	stream.linear.gather [hbm4b:s22+s1], $0x2000, $0x38;
	[tilespmem:$0x1C000] =	vst v63  }
0x6f: {  	s8 =	rddreg [dreg:$0x4]  }
0x70: {  	[tilespmem:s10], [sflag:$0x2] =	stream.linear.gather [hbm4b:s8+s1], $0x2000, $0x38;
	[tilespmem:$0x1C000] =	vst v63  }
0x71: {  	s17 =	rddreg [dreg:$0x5]  }
0x72: {  	[tilespmem:s11], [sflag:$0x2] =	stream.linear.gather [hbm4b:s17+s1], $0x2000, $0x38;
	[tilespmem:$0x1C000] =	vst v63  }
0x73: {  	s19 =	rddreg [dreg:$0x6]  }
0x74: {  	[tilespmem:s12], [sflag:$0x3] =	stream.linear.gather [hbm4b:s19+s1], $0x2000, $0x38;
	[tilespmem:$0x1C000] =	vst v63  }
0x75: {  	s22 =	rddreg [dreg:$0x7]  }
0x76: {  	[tilespmem:s13], [sflag:$0x3] =	stream.linear.gather [hbm4b:s22+s1], $0x2000, $0x38;
	[tilespmem:$0x1C000] =	vst v63  }
0x77: {  	s8 =	rddreg [dreg:$0x8]  }
0x78: {  	[tilespmem:s14], [sflag:$0x4] =	stream.linear.gather [hbm4b:s8+s1], $0x2000, $0x38;
	[tilespmem:$0x1C000] =	vst v63  }
0x79: {  	s17 =	rddreg [dreg:$0x9]  }
0x7a: {  	[tilespmem:s15], [sflag:$0x4] =	stream.linear.gather [hbm4b:s17+s1], $0x2000, $0x38;
	[tilespmem:$0x1C000] =	vst v63  }
0x7b: {  	s19 =	rddreg [dreg:$0xa]  }
0x7c: {  	[tilespmem:s16], [sflag:$0x5] =	stream.linear.gather [hbm4b:s19+s1], $0x2000, $0x38;
	[tilespmem:$0x1C000] =	vst v63  }
0x7d: {  	s22 =	rddreg [dreg:$0xb];
	s8 =	simm.s32 $0x16000  }
0x7e: {  	[tilespmem:s8], [sflag:$0x5] =	stream.linear.gather [hbm4b:s22+s1], $0x2000, $0x38;
	[tilespmem:$0x1C000] =	vst v63  }
0x7f: {  	s17 =	rddreg [dreg:$0xc]  }
0x80: {  	[tilespmem:s18], [sflag:$0x6] =	stream.linear.gather [hbm4b:s17+s1], $0x2000, $0x38;
	[tilespmem:$0x1C000] =	vst v63  }
0x81: {  	s19 =	rddreg [dreg:$0xd];
	s22 =	simm.s32 $0x18000  }
0x82: {  	[tilespmem:s22], [sflag:$0x6] =	stream.linear.gather [hbm4b:s19+s1], $0x2000, $0x38;
	[tilespmem:$0x1C000] =	vst v63  }
0x83: {  	_ =	swait.ge [sflag:s20], $0x2000  }
0x84: {  	[sflag:s20] =	ssyncset.done $0x0  }
0x85: {  	[sflag:s20] =	ssyncadd.s32 $0xFFFFE000  }
0x86: {  	_ =	swait.ge [sflag:s20], $0x2000  }
0x87: {  	[sflag:s20] =	ssyncset.done $0x0  }
0x88: {  	s7 =	simm.s32 $0x0;
	s8 =	simm.s32 $0x0;
	[sflag:s20] =	ssyncadd.s32 $0xFFFFE000  }
.LBB2_2:
0x89: {  	s17 =	sshra.s32 s7, $0x2  }
0x8a: {  	v0 =	vld [tilespmem:s17+$0xE070]  }
0x8b: {  	v1 =	vld [tilespmem:s17+$0xE000]  }
0x8c: {  	v2 =	vld [tilespmem:s17+$0xE010]  }
0x8d: {  	v3 =	vld [tilespmem:s17+$0xE020]  }
0x8e: {  	v4 =	vld [tilespmem:s17+$0xE030]  }
0x8f: {  	v5 =	vld [tilespmem:s17+$0xE040]  }
0x90: {  	v6 =	vld [tilespmem:s17+$0xE050]  }
0x91: {  	[tilespmem:s17+$0x70] =	vst.add.f32.msk $0xffff, v0  }
0x92: {  	v0 =	vld [tilespmem:s17+$0xE060]  }
0x93: {  	[tilespmem:s17+$0x0] =	vst.add.f32.msk $0xffff, v1  }
0x94: {  	[tilespmem:s17+$0x10] =	vst.add.f32.msk $0xffff, v2  }
0x95: {  	[tilespmem:s17+$0x20] =	vst.add.f32.msk $0xffff, v3  }
0x96: {  	[tilespmem:s17+$0x30] =	vst.add.f32.msk $0xffff, v4  }
0x97: {  	[tilespmem:s17+$0x40] =	vst.add.f32.msk $0xffff, v5  }
0x98: {  	s19 =	simm.s32 $0x0;
	s22 =	sadd.s32 $0x1000, s7;
	[tilespmem:s17+$0x50] =	vst.add.f32.msk $0xffff, v6  }
.LBB2_3:
0x99: {  	s19 =	sadd.s32 $0x80, s19;
	[tilespmem:s17+$0x60] =	vst.add.f32.msk $0xffff, v0;
	s17 =	sshra.s32 s22, $0x2  }
0x9a: {  	v0 =	vld [tilespmem:s17+$0xE070];
	p0 =	slt.u32 s19, $0x380  }
0x9b: {  	v1 =	vld [tilespmem:s17+$0xE000]  }
0x9c: {  	v2 =	vld [tilespmem:s17+$0xE010]  }
0x9d: {  	v3 =	vld [tilespmem:s17+$0xE020]  }
0x9e: {  	v4 =	vld [tilespmem:s17+$0xE030]  }
0x9f: {  	[tilespmem:s17+$0x70] =	vst.add.f32.msk $0xffff, v0  }
0xa0: {  	v5 =	vld [tilespmem:s17+$0xE040]  }
0xa1: {  	v6 =	vld [tilespmem:s17+$0xE050]  }
0xa2: {  	v0 =	vld [tilespmem:s17+$0xE060]  }
0xa3: {  	[tilespmem:s17+$0x0] =	vst.add.f32.msk $0xffff, v1  }
.Ltmp0:
0xa4: {  	[tilespmem:s17+$0x10] =	vst.add.f32.msk $0xffff, v2;
	(pc) =	sbr.rel @p0 .LBB2_3-.Ltmp0, $4  }
0xa5: {  	[tilespmem:s17+$0x20] =	vst.add.f32.msk $0xffff, v3  }
0xa6: {  	[tilespmem:s17+$0x30] =	vst.add.f32.msk $0xffff, v4  }
0xa7: {  	[tilespmem:s17+$0x40] =	vst.add.f32.msk $0xffff, v5  }
0xa8: {  	s22 =	sadd.s32 $0x1000, s22;
	[tilespmem:s17+$0x50] =	vst.add.f32.msk $0xffff, v6  }
0xa9: {  	s8 =	sadd.s32 $0x1, s8  }
0xaa: {  	p0 =	sne.s32 s8, $0x8  }
.Ltmp1:
0xab: {  	_ = 	snop;
	(pc) =	sbr.rel @p0 .LBB2_2-.Ltmp1, $2  }
0xac: {  	_ =	sdelay $0x2  }
0xad: {  	[tilespmem:s17+$0x60] =	vst.add.f32.msk $0xffff, v0;
	s7 =	sadd.s32 $0x200, s7  }
0xae: {  	s8 =	rddreg [dreg:$0xe]  }
0xaf: {  	s7 =	simm.s32 $0x0;
	s19 =	rddreg [dreg:$0xf]  }
0xb0: {  	[tilespmem:s21], [sflag:$0x7] =	stream.linear.gather [hbm4b:s8+s7], $0x2000, $0x38;
	[tilespmem:$0x1C000] =	vst v63  }
0xb1: {  	s17 =	simm.s32 $0x1A000;
	s22 =	sld [smem:$0x7E7]  }
0xb2: {  	[tilespmem:s17], [sflag:$0x7] =	stream.linear.gather [hbm4b:s19+s7], $0x2000, $0x38;
	[tilespmem:$0x1C000] =	vst v63  }
0xb3: {  	_ = 	snop  }
0xb4: {  	[hbm4b:s22+s7] =	stream.linear.scatter [tilespmem:s7], [sflag:$0x8], $0x2000, $0x38;
	[tilespmem:$0x1C000] =	vst v63  }
0xb5: {  	_ =	swait.ge [sflag:s23], $0x2000  }
0xb6: {  	[sflag:s23] =	ssyncset.done $0x0  }
0xb7: {  	[sflag:s23] =	ssyncadd.s32 $0xFFFFE000  }
0xb8: {  	_ =	swait.ge [sflag:s23], $0x2000  }
0xb9: {  	[sflag:s23] =	ssyncset.done $0x0  }
0xba: {  	s8 =	simm.s32 $0x0;
	[sflag:s23] =	ssyncadd.s32 $0xFFFFE000  }
.LBB2_6:
0xbb: {  	s17 =	sshra.s32 s7, $0x2  }
0xbc: {  	v0 =	vld [tilespmem:s17+$0x10070]  }
0xbd: {  	v1 =	vld [tilespmem:s17+$0x10000]  }
0xbe: {  	v2 =	vld [tilespmem:s17+$0x10010]  }
0xbf: {  	v3 =	vld [tilespmem:s17+$0x10020]  }
0xc0: {  	v4 =	vld [tilespmem:s17+$0x10030]  }
0xc1: {  	v5 =	vld [tilespmem:s17+$0x10040]  }
0xc2: {  	v6 =	vld [tilespmem:s17+$0x10050]  }
0xc3: {  	[tilespmem:s17+$0x2070] =	vst.add.f32.msk $0xffff, v0  }
0xc4: {  	v0 =	vld [tilespmem:s17+$0x10060]  }
0xc5: {  	[tilespmem:s17+$0x2000] =	vst.add.f32.msk $0xffff, v1  }
0xc6: {  	[tilespmem:s17+$0x2010] =	vst.add.f32.msk $0xffff, v2  }
0xc7: {  	[tilespmem:s17+$0x2020] =	vst.add.f32.msk $0xffff, v3  }
0xc8: {  	[tilespmem:s17+$0x2030] =	vst.add.f32.msk $0xffff, v4  }
0xc9: {  	[tilespmem:s17+$0x2040] =	vst.add.f32.msk $0xffff, v5  }
0xca: {  	s19 =	simm.s32 $0x0;
	s22 =	sadd.s32 $0x1000, s7;
	[tilespmem:s17+$0x2050] =	vst.add.f32.msk $0xffff, v6  }
.LBB2_7:
0xcb: {  	s19 =	sadd.s32 $0x80, s19;
	[tilespmem:s17+$0x2060] =	vst.add.f32.msk $0xffff, v0;
	s17 =	sshra.s32 s22, $0x2  }
0xcc: {  	v0 =	vld [tilespmem:s17+$0x10070];
	p0 =	slt.u32 s19, $0x380  }
0xcd: {  	v1 =	vld [tilespmem:s17+$0x10000]  }
0xce: {  	v2 =	vld [tilespmem:s17+$0x10010]  }
0xcf: {  	v3 =	vld [tilespmem:s17+$0x10020]  }
0xd0: {  	v4 =	vld [tilespmem:s17+$0x10030]  }
0xd1: {  	[tilespmem:s17+$0x2070] =	vst.add.f32.msk $0xffff, v0  }
0xd2: {  	v5 =	vld [tilespmem:s17+$0x10040]  }
0xd3: {  	v6 =	vld [tilespmem:s17+$0x10050]  }
0xd4: {  	v0 =	vld [tilespmem:s17+$0x10060]  }
0xd5: {  	[tilespmem:s17+$0x2000] =	vst.add.f32.msk $0xffff, v1  }
.Ltmp2:
0xd6: {  	[tilespmem:s17+$0x2010] =	vst.add.f32.msk $0xffff, v2;
	(pc) =	sbr.rel @p0 .LBB2_7-.Ltmp2, $4  }
0xd7: {  	[tilespmem:s17+$0x2020] =	vst.add.f32.msk $0xffff, v3  }
0xd8: {  	[tilespmem:s17+$0x2030] =	vst.add.f32.msk $0xffff, v4  }
0xd9: {  	[tilespmem:s17+$0x2040] =	vst.add.f32.msk $0xffff, v5  }
0xda: {  	s22 =	sadd.s32 $0x1000, s22;
	[tilespmem:s17+$0x2050] =	vst.add.f32.msk $0xffff, v6  }
0xdb: {  	s8 =	sadd.s32 $0x1, s8  }
0xdc: {  	p0 =	sne.s32 s8, $0x8  }
.Ltmp3:
0xdd: {  	_ = 	snop;
	(pc) =	sbr.rel @p0 .LBB2_6-.Ltmp3, $2  }
0xde: {  	_ =	sdelay $0x2  }
0xdf: {  	[tilespmem:s17+$0x2060] =	vst.add.f32.msk $0xffff, v0;
	s7 =	sadd.s32 $0x200, s7  }
0xe0: {  	_ =	swait.ge [sflag:s24], $0x2000  }
0xe1: {  	[sflag:s24] =	ssyncset.done $0x0  }
0xe2: {  	s7 =	simm.s32 $0x0;
	s8 =	rddreg [dreg:$0x16];
	[sflag:s24] =	ssyncadd.s32 $0xFFFFE000  }
0xe3: {  	[tilespmem:s7], [sflag:$0x1] =	stream.linear.gather [hbm4b:s8+s7], $0x2000, $0x38;
	[tilespmem:$0x1C000] =	vst v63  }
0xe4: {  	s19 =	rddreg [dreg:$0x17]  }
0xe5: {  	[tilespmem:s9], [sflag:$0x1] =	stream.linear.gather [hbm4b:s19+s7], $0x2000, $0x38;
	[tilespmem:$0x1C000] =	vst v63  }
0xe6: {  	s22 =	rddreg [dreg:$0x10]  }
0xe7: {  	[hbm4b:s22+s7] =	stream.linear.scatter [tilespmem:s10], [sflag:$0x9], $0x2000, $0x38;
	[tilespmem:$0x1C000] =	vst v63  }
0xe8: {  	_ =	swait.ge [sflag:s25], $0x2000  }
0xe9: {  	[sflag:s25] =	ssyncset.done $0x0  }
0xea: {  	[sflag:s25] =	ssyncadd.s32 $0xFFFFE000  }
0xeb: {  	_ =	swait.ge [sflag:s25], $0x2000  }
0xec: {  	[sflag:s25] =	ssyncset.done $0x0  }
0xed: {  	s8 =	simm.s32 $0x0;
	[sflag:s25] =	ssyncadd.s32 $0xFFFFE000  }
.LBB2_10:
0xee: {  	s17 =	sshra.s32 s7, $0x2  }
0xef: {  	v0 =	vld [tilespmem:s17+$0x12070]  }
0xf0: {  	v1 =	vld [tilespmem:s17+$0x12000]  }
0xf1: {  	v2 =	vld [tilespmem:s17+$0x12010]  }
0xf2: {  	v3 =	vld [tilespmem:s17+$0x12020]  }
0xf3: {  	v4 =	vld [tilespmem:s17+$0x12030]  }
0xf4: {  	v5 =	vld [tilespmem:s17+$0x12040]  }
0xf5: {  	v6 =	vld [tilespmem:s17+$0x12050]  }
0xf6: {  	[tilespmem:s17+$0x4070] =	vst.add.f32.msk $0xffff, v0  }
0xf7: {  	v0 =	vld [tilespmem:s17+$0x12060]  }
0xf8: {  	[tilespmem:s17+$0x4000] =	vst.add.f32.msk $0xffff, v1  }
0xf9: {  	[tilespmem:s17+$0x4010] =	vst.add.f32.msk $0xffff, v2  }
0xfa: {  	[tilespmem:s17+$0x4020] =	vst.add.f32.msk $0xffff, v3  }
0xfb: {  	[tilespmem:s17+$0x4030] =	vst.add.f32.msk $0xffff, v4  }
0xfc: {  	[tilespmem:s17+$0x4040] =	vst.add.f32.msk $0xffff, v5  }
0xfd: {  	s19 =	simm.s32 $0x0;
	s22 =	sadd.s32 $0x1000, s7;
	[tilespmem:s17+$0x4050] =	vst.add.f32.msk $0xffff, v6  }
.LBB2_11:
0xfe: {  	s19 =	sadd.s32 $0x80, s19;
	[tilespmem:s17+$0x4060] =	vst.add.f32.msk $0xffff, v0;
	s17 =	sshra.s32 s22, $0x2  }
0xff: {  	v0 =	vld [tilespmem:s17+$0x12070];
	p0 =	slt.u32 s19, $0x380  }
0x100: {  	v1 =	vld [tilespmem:s17+$0x12000]  }
0x101: {  	v2 =	vld [tilespmem:s17+$0x12010]  }
0x102: {  	v3 =	vld [tilespmem:s17+$0x12020]  }
0x103: {  	v4 =	vld [tilespmem:s17+$0x12030]  }
0x104: {  	[tilespmem:s17+$0x4070] =	vst.add.f32.msk $0xffff, v0  }
0x105: {  	v5 =	vld [tilespmem:s17+$0x12040]  }
0x106: {  	v6 =	vld [tilespmem:s17+$0x12050]  }
0x107: {  	v0 =	vld [tilespmem:s17+$0x12060]  }
0x108: {  	[tilespmem:s17+$0x4000] =	vst.add.f32.msk $0xffff, v1  }
.Ltmp4:
0x109: {  	[tilespmem:s17+$0x4010] =	vst.add.f32.msk $0xffff, v2;
	(pc) =	sbr.rel @p0 .LBB2_11-.Ltmp4, $4  }
0x10a: {  	[tilespmem:s17+$0x4020] =	vst.add.f32.msk $0xffff, v3  }
0x10b: {  	[tilespmem:s17+$0x4030] =	vst.add.f32.msk $0xffff, v4  }
0x10c: {  	[tilespmem:s17+$0x4040] =	vst.add.f32.msk $0xffff, v5  }
0x10d: {  	s22 =	sadd.s32 $0x1000, s22;
	[tilespmem:s17+$0x4050] =	vst.add.f32.msk $0xffff, v6  }
0x10e: {  	s8 =	sadd.s32 $0x1, s8  }
0x10f: {  	p0 =	sne.s32 s8, $0x8  }
.Ltmp5:
0x110: {  	_ = 	snop;
	(pc) =	sbr.rel @p0 .LBB2_10-.Ltmp5, $2  }
0x111: {  	_ =	sdelay $0x2  }
0x112: {  	[tilespmem:s17+$0x4060] =	vst.add.f32.msk $0xffff, v0;
	s7 =	sadd.s32 $0x200, s7  }
0x113: {  	_ =	swait.ge [sflag:s26], $0x2000  }
0x114: {  	[sflag:s26] =	ssyncset.done $0x0  }
0x115: {  	s7 =	simm.s32 $0x0;
	s8 =	rddreg [dreg:$0x19];
	[sflag:s26] =	ssyncadd.s32 $0xFFFFE000  }
0x116: {  	[tilespmem:s10], [sflag:$0x2] =	stream.linear.gather [hbm4b:s8+s7], $0x2000, $0x38;
	[tilespmem:$0x1C000] =	vst v63  }
0x117: {  	s19 =	rddreg [dreg:$0x1a]  }
0x118: {  	[tilespmem:s11], [sflag:$0x2] =	stream.linear.gather [hbm4b:s19+s7], $0x2000, $0x38;
	[tilespmem:$0x1C000] =	vst v63  }
0x119: {  	s22 =	rddreg [dreg:$0x11]  }
0x11a: {  	[hbm4b:s22+s7] =	stream.linear.scatter [tilespmem:s12], [sflag:$0xA], $0x2000, $0x38;
	[tilespmem:$0x1C000] =	vst v63  }
0x11b: {  	_ =	swait.ge [sflag:s28], $0x2000  }
0x11c: {  	[sflag:s28] =	ssyncset.done $0x0  }
0x11d: {  	[sflag:s28] =	ssyncadd.s32 $0xFFFFE000  }
0x11e: {  	_ =	swait.ge [sflag:s28], $0x2000  }
0x11f: {  	[sflag:s28] =	ssyncset.done $0x0  }
0x120: {  	s8 =	simm.s32 $0x0;
	[sflag:s28] =	ssyncadd.s32 $0xFFFFE000  }
.LBB2_14:
0x121: {  	s17 =	sshra.s32 s7, $0x2  }
0x122: {  	v0 =	vld [tilespmem:s17+$0x14070]  }
0x123: {  	v1 =	vld [tilespmem:s17+$0x14000]  }
0x124: {  	v2 =	vld [tilespmem:s17+$0x14010]  }
0x125: {  	v3 =	vld [tilespmem:s17+$0x14020]  }
0x126: {  	v4 =	vld [tilespmem:s17+$0x14030]  }
0x127: {  	v5 =	vld [tilespmem:s17+$0x14040]  }
0x128: {  	v6 =	vld [tilespmem:s17+$0x14050]  }
0x129: {  	[tilespmem:s17+$0x6070] =	vst.add.f32.msk $0xffff, v0  }
0x12a: {  	v0 =	vld [tilespmem:s17+$0x14060]  }
0x12b: {  	[tilespmem:s17+$0x6000] =	vst.add.f32.msk $0xffff, v1  }
0x12c: {  	[tilespmem:s17+$0x6010] =	vst.add.f32.msk $0xffff, v2  }
0x12d: {  	[tilespmem:s17+$0x6020] =	vst.add.f32.msk $0xffff, v3  }
0x12e: {  	[tilespmem:s17+$0x6030] =	vst.add.f32.msk $0xffff, v4  }
0x12f: {  	[tilespmem:s17+$0x6040] =	vst.add.f32.msk $0xffff, v5  }
0x130: {  	s19 =	simm.s32 $0x0;
	s22 =	sadd.s32 $0x1000, s7;
	[tilespmem:s17+$0x6050] =	vst.add.f32.msk $0xffff, v6  }
.LBB2_15:
0x131: {  	s19 =	sadd.s32 $0x80, s19;
	[tilespmem:s17+$0x6060] =	vst.add.f32.msk $0xffff, v0;
	s17 =	sshra.s32 s22, $0x2  }
0x132: {  	v0 =	vld [tilespmem:s17+$0x14070];
	p0 =	slt.u32 s19, $0x380  }
0x133: {  	v1 =	vld [tilespmem:s17+$0x14000]  }
0x134: {  	v2 =	vld [tilespmem:s17+$0x14010]  }
0x135: {  	v3 =	vld [tilespmem:s17+$0x14020]  }
0x136: {  	v4 =	vld [tilespmem:s17+$0x14030]  }
0x137: {  	[tilespmem:s17+$0x6070] =	vst.add.f32.msk $0xffff, v0  }
0x138: {  	v5 =	vld [tilespmem:s17+$0x14040]  }
0x139: {  	v6 =	vld [tilespmem:s17+$0x14050]  }
0x13a: {  	v0 =	vld [tilespmem:s17+$0x14060]  }
0x13b: {  	[tilespmem:s17+$0x6000] =	vst.add.f32.msk $0xffff, v1  }
.Ltmp6:
0x13c: {  	[tilespmem:s17+$0x6010] =	vst.add.f32.msk $0xffff, v2;
	(pc) =	sbr.rel @p0 .LBB2_15-.Ltmp6, $4  }
0x13d: {  	[tilespmem:s17+$0x6020] =	vst.add.f32.msk $0xffff, v3  }
0x13e: {  	[tilespmem:s17+$0x6030] =	vst.add.f32.msk $0xffff, v4  }
0x13f: {  	[tilespmem:s17+$0x6040] =	vst.add.f32.msk $0xffff, v5  }
0x140: {  	s22 =	sadd.s32 $0x1000, s22;
	[tilespmem:s17+$0x6050] =	vst.add.f32.msk $0xffff, v6  }
0x141: {  	s8 =	sadd.s32 $0x1, s8  }
0x142: {  	p0 =	sne.s32 s8, $0x8  }
.Ltmp7:
0x143: {  	_ = 	snop;
	(pc) =	sbr.rel @p0 .LBB2_14-.Ltmp7, $2  }
0x144: {  	_ =	sdelay $0x2  }
0x145: {  	[tilespmem:s17+$0x6060] =	vst.add.f32.msk $0xffff, v0;
	s7 =	sadd.s32 $0x200, s7  }
0x146: {  	_ =	swait.ge [sflag:s29], $0x2000  }
0x147: {  	[sflag:s29] =	ssyncset.done $0x0  }
0x148: {  	s7 =	simm.s32 $0x0;
	s8 =	rddreg [dreg:$0x1c];
	[sflag:s29] =	ssyncadd.s32 $0xFFFFE000  }
0x149: {  	[tilespmem:s12], [sflag:$0x3] =	stream.linear.gather [hbm4b:s8+s7], $0x2000, $0x38;
	[tilespmem:$0x1C000] =	vst v63  }
0x14a: {  	s19 =	rddreg [dreg:$0x1d]  }
0x14b: {  	[tilespmem:s13], [sflag:$0x3] =	stream.linear.gather [hbm4b:s19+s7], $0x2000, $0x38;
	[tilespmem:$0x1C000] =	vst v63  }
0x14c: {  	s22 =	rddreg [dreg:$0x12]  }
0x14d: {  	[hbm4b:s22+s7] =	stream.linear.scatter [tilespmem:s14], [sflag:$0xB], $0x2000, $0x38;
	[tilespmem:$0x1C000] =	vst v63  }
0x14e: {  	_ =	swait.ge [sflag:s30], $0x2000  }
0x14f: {  	[sflag:s30] =	ssyncset.done $0x0  }
0x150: {  	[sflag:s30] =	ssyncadd.s32 $0xFFFFE000  }
0x151: {  	_ =	swait.ge [sflag:s30], $0x2000  }
0x152: {  	[sflag:s30] =	ssyncset.done $0x0  }
0x153: {  	s8 =	simm.s32 $0x0;
	[sflag:s30] =	ssyncadd.s32 $0xFFFFE000  }
.LBB2_18:
0x154: {  	s17 =	sshra.s32 s7, $0x2  }
0x155: {  	v0 =	vld [tilespmem:s17+$0x16070]  }
0x156: {  	v1 =	vld [tilespmem:s17+$0x16000]  }
0x157: {  	v2 =	vld [tilespmem:s17+$0x16010]  }
0x158: {  	v3 =	vld [tilespmem:s17+$0x16020]  }
0x159: {  	v4 =	vld [tilespmem:s17+$0x16030]  }
0x15a: {  	v5 =	vld [tilespmem:s17+$0x16040]  }
0x15b: {  	v6 =	vld [tilespmem:s17+$0x16050]  }
0x15c: {  	[tilespmem:s17+$0x8070] =	vst.add.f32.msk $0xffff, v0  }
0x15d: {  	v0 =	vld [tilespmem:s17+$0x16060]  }
0x15e: {  	[tilespmem:s17+$0x8000] =	vst.add.f32.msk $0xffff, v1  }
0x15f: {  	[tilespmem:s17+$0x8010] =	vst.add.f32.msk $0xffff, v2  }
0x160: {  	[tilespmem:s17+$0x8020] =	vst.add.f32.msk $0xffff, v3  }
0x161: {  	[tilespmem:s17+$0x8030] =	vst.add.f32.msk $0xffff, v4  }
0x162: {  	[tilespmem:s17+$0x8040] =	vst.add.f32.msk $0xffff, v5  }
0x163: {  	s19 =	simm.s32 $0x0;
	s22 =	sadd.s32 $0x1000, s7;
	[tilespmem:s17+$0x8050] =	vst.add.f32.msk $0xffff, v6  }
.LBB2_19:
0x164: {  	s19 =	sadd.s32 $0x80, s19;
	[tilespmem:s17+$0x8060] =	vst.add.f32.msk $0xffff, v0;
	s17 =	sshra.s32 s22, $0x2  }
0x165: {  	v0 =	vld [tilespmem:s17+$0x16070];
	p0 =	slt.u32 s19, $0x380  }
0x166: {  	v1 =	vld [tilespmem:s17+$0x16000]  }
0x167: {  	v2 =	vld [tilespmem:s17+$0x16010]  }
0x168: {  	v3 =	vld [tilespmem:s17+$0x16020]  }
0x169: {  	v4 =	vld [tilespmem:s17+$0x16030]  }
0x16a: {  	[tilespmem:s17+$0x8070] =	vst.add.f32.msk $0xffff, v0  }
0x16b: {  	v5 =	vld [tilespmem:s17+$0x16040]  }
0x16c: {  	v6 =	vld [tilespmem:s17+$0x16050]  }
0x16d: {  	v0 =	vld [tilespmem:s17+$0x16060]  }
0x16e: {  	[tilespmem:s17+$0x8000] =	vst.add.f32.msk $0xffff, v1  }
.Ltmp8:
0x16f: {  	[tilespmem:s17+$0x8010] =	vst.add.f32.msk $0xffff, v2;
	(pc) =	sbr.rel @p0 .LBB2_19-.Ltmp8, $4  }
0x170: {  	[tilespmem:s17+$0x8020] =	vst.add.f32.msk $0xffff, v3  }
0x171: {  	[tilespmem:s17+$0x8030] =	vst.add.f32.msk $0xffff, v4  }
0x172: {  	[tilespmem:s17+$0x8040] =	vst.add.f32.msk $0xffff, v5  }
0x173: {  	s22 =	sadd.s32 $0x1000, s22;
	[tilespmem:s17+$0x8050] =	vst.add.f32.msk $0xffff, v6  }
0x174: {  	s8 =	sadd.s32 $0x1, s8  }
0x175: {  	p0 =	sne.s32 s8, $0x8  }
.Ltmp9:
0x176: {  	_ = 	snop;
	(pc) =	sbr.rel @p0 .LBB2_18-.Ltmp9, $2  }
0x177: {  	_ =	sdelay $0x2  }
0x178: {  	[tilespmem:s17+$0x8060] =	vst.add.f32.msk $0xffff, v0;
	s7 =	sadd.s32 $0x200, s7  }
0x179: {  	_ =	swait.ge [sflag:s31], $0x2000  }
0x17a: {  	[sflag:s31] =	ssyncset.done $0x0;
	s8 =	rddreg [dreg:$0x1f]  }
0x17b: {  	s7 =	simm.s32 $0x0;
	s19 =	sld [smem:$0x7B9];
	[sflag:s31] =	ssyncadd.s32 $0xFFFFE000  }
0x17c: {  	[tilespmem:s14], [sflag:$0x4] =	stream.linear.gather [hbm4b:s8+s7], $0x2000, $0x38;
	[tilespmem:$0x1C000] =	vst v63  }
0x17d: {  	_ = 	snop  }
0x17e: {  	[tilespmem:s15], [sflag:$0x4] =	stream.linear.gather [hbm4b:s19+s7], $0x2000, $0x38;
	[tilespmem:$0x1C000] =	vst v63  }
0x17f: {  	s22 =	rddreg [dreg:$0x13]  }
0x180: {  	[hbm4b:s22+s7] =	stream.linear.scatter [tilespmem:s16], [sflag:$0xC], $0x2000, $0x38;
	[tilespmem:$0x1C000] =	vst v63  }
0x181: {  	_ =	swait.ge [sflag:s0], $0x2000  }
0x182: {  	[sflag:s0] =	ssyncset.done $0x0  }
0x183: {  	[sflag:s0] =	ssyncadd.s32 $0xFFFFE000  }
0x184: {  	_ =	swait.ge [sflag:s0], $0x2000  }
0x185: {  	[sflag:s0] =	ssyncset.done $0x0  }
0x186: {  	s8 =	simm.s32 $0x0;
	[sflag:s0] =	ssyncadd.s32 $0xFFFFE000  }
.LBB2_22:
0x187: {  	s17 =	sshra.s32 s7, $0x2  }
0x188: {  	v0 =	vld [tilespmem:s17+$0x18070]  }
0x189: {  	v1 =	vld [tilespmem:s17+$0x18000]  }
0x18a: {  	v2 =	vld [tilespmem:s17+$0x18010]  }
0x18b: {  	v3 =	vld [tilespmem:s17+$0x18020]  }
0x18c: {  	v4 =	vld [tilespmem:s17+$0x18030]  }
0x18d: {  	v5 =	vld [tilespmem:s17+$0x18040]  }
0x18e: {  	v6 =	vld [tilespmem:s17+$0x18050]  }
0x18f: {  	[tilespmem:s17+$0xA070] =	vst.add.f32.msk $0xffff, v0  }
0x190: {  	v0 =	vld [tilespmem:s17+$0x18060]  }
0x191: {  	[tilespmem:s17+$0xA000] =	vst.add.f32.msk $0xffff, v1  }
0x192: {  	[tilespmem:s17+$0xA010] =	vst.add.f32.msk $0xffff, v2  }
0x193: {  	[tilespmem:s17+$0xA020] =	vst.add.f32.msk $0xffff, v3  }
0x194: {  	[tilespmem:s17+$0xA030] =	vst.add.f32.msk $0xffff, v4  }
0x195: {  	[tilespmem:s17+$0xA040] =	vst.add.f32.msk $0xffff, v5  }
0x196: {  	s19 =	simm.s32 $0x0;
	s22 =	sadd.s32 $0x1000, s7;
	[tilespmem:s17+$0xA050] =	vst.add.f32.msk $0xffff, v6  }
.LBB2_23:
0x197: {  	s19 =	sadd.s32 $0x80, s19;
	[tilespmem:s17+$0xA060] =	vst.add.f32.msk $0xffff, v0;
	s17 =	sshra.s32 s22, $0x2  }
0x198: {  	v0 =	vld [tilespmem:s17+$0x18070];
	p0 =	slt.u32 s19, $0x380  }
0x199: {  	v1 =	vld [tilespmem:s17+$0x18000]  }
0x19a: {  	v2 =	vld [tilespmem:s17+$0x18010]  }
0x19b: {  	v3 =	vld [tilespmem:s17+$0x18020]  }
0x19c: {  	v4 =	vld [tilespmem:s17+$0x18030]  }
0x19d: {  	[tilespmem:s17+$0xA070] =	vst.add.f32.msk $0xffff, v0  }
0x19e: {  	v5 =	vld [tilespmem:s17+$0x18040]  }
0x19f: {  	v6 =	vld [tilespmem:s17+$0x18050]  }
0x1a0: {  	v0 =	vld [tilespmem:s17+$0x18060]  }
0x1a1: {  	[tilespmem:s17+$0xA000] =	vst.add.f32.msk $0xffff, v1  }
.Ltmp10:
0x1a2: {  	[tilespmem:s17+$0xA010] =	vst.add.f32.msk $0xffff, v2;
	(pc) =	sbr.rel @p0 .LBB2_23-.Ltmp10, $4  }
0x1a3: {  	[tilespmem:s17+$0xA020] =	vst.add.f32.msk $0xffff, v3  }
0x1a4: {  	[tilespmem:s17+$0xA030] =	vst.add.f32.msk $0xffff, v4  }
0x1a5: {  	[tilespmem:s17+$0xA040] =	vst.add.f32.msk $0xffff, v5  }
0x1a6: {  	s22 =	sadd.s32 $0x1000, s22;
	[tilespmem:s17+$0xA050] =	vst.add.f32.msk $0xffff, v6  }
0x1a7: {  	s8 =	sadd.s32 $0x1, s8  }
0x1a8: {  	p0 =	sne.s32 s8, $0x8  }
.Ltmp11:
0x1a9: {  	_ = 	snop;
	(pc) =	sbr.rel @p0 .LBB2_22-.Ltmp11, $2  }
0x1aa: {  	_ =	sdelay $0x2  }
0x1ab: {  	[tilespmem:s17+$0xA060] =	vst.add.f32.msk $0xffff, v0;
	s7 =	sadd.s32 $0x200, s7  }
0x1ac: {  	_ =	swait.ge [sflag:s2], $0x2000  }
0x1ad: {  	s8 =	sld [smem:$0x7BB]  }
0x1ae: {  	[sflag:s2] =	ssyncset.done $0x0  }
0x1af: {  	s7 =	simm.s32 $0x0;
	s19 =	sld [smem:$0x7BC];
	[sflag:s2] =	ssyncadd.s32 $0xFFFFE000  }
0x1b0: {  	[tilespmem:s16], [sflag:$0x5] =	stream.linear.gather [hbm4b:s8+s7], $0x2000, $0x38;
	[tilespmem:$0x1C000] =	vst v63  }
0x1b1: {  	s17 =	simm.s32 $0x16000  }
0x1b2: {  	[tilespmem:s17], [sflag:$0x5] =	stream.linear.gather [hbm4b:s19+s7], $0x2000, $0x38;
	[tilespmem:$0x1C000] =	vst v63  }
0x1b3: {  	s22 =	rddreg [dreg:$0x14]  }
0x1b4: {  	[hbm4b:s22+s7] =	stream.linear.scatter [tilespmem:s18], [sflag:$0xD], $0x2000, $0x38;
	[tilespmem:$0x1C000] =	vst v63  }
0x1b5: {  	_ =	swait.ge [sflag:s3], $0x2000  }
0x1b6: {  	[sflag:s3] =	ssyncset.done $0x0  }
0x1b7: {  	[sflag:s3] =	ssyncadd.s32 $0xFFFFE000  }
0x1b8: {  	_ =	swait.ge [sflag:s3], $0x2000  }
0x1b9: {  	[sflag:s3] =	ssyncset.done $0x0  }
0x1ba: {  	s8 =	simm.s32 $0x0;
	[sflag:s3] =	ssyncadd.s32 $0xFFFFE000  }
.LBB2_26:
0x1bb: {  	s17 =	sshra.s32 s7, $0x2  }
0x1bc: {  	v0 =	vld [tilespmem:s17+$0x1A070]  }
0x1bd: {  	v1 =	vld [tilespmem:s17+$0x1A000]  }
0x1be: {  	v2 =	vld [tilespmem:s17+$0x1A010]  }
0x1bf: {  	v3 =	vld [tilespmem:s17+$0x1A020]  }
0x1c0: {  	v4 =	vld [tilespmem:s17+$0x1A030]  }
0x1c1: {  	v5 =	vld [tilespmem:s17+$0x1A040]  }
0x1c2: {  	v6 =	vld [tilespmem:s17+$0x1A050]  }
0x1c3: {  	[tilespmem:s17+$0xC070] =	vst.add.f32.msk $0xffff, v0  }
0x1c4: {  	v0 =	vld [tilespmem:s17+$0x1A060]  }
0x1c5: {  	[tilespmem:s17+$0xC000] =	vst.add.f32.msk $0xffff, v1  }
0x1c6: {  	[tilespmem:s17+$0xC010] =	vst.add.f32.msk $0xffff, v2  }
0x1c7: {  	[tilespmem:s17+$0xC020] =	vst.add.f32.msk $0xffff, v3  }
0x1c8: {  	[tilespmem:s17+$0xC030] =	vst.add.f32.msk $0xffff, v4  }
0x1c9: {  	[tilespmem:s17+$0xC040] =	vst.add.f32.msk $0xffff, v5  }
0x1ca: {  	s19 =	simm.s32 $0x0;
	s22 =	sadd.s32 $0x1000, s7;
	[tilespmem:s17+$0xC050] =	vst.add.f32.msk $0xffff, v6  }
.LBB2_27:
0x1cb: {  	s19 =	sadd.s32 $0x80, s19;
	[tilespmem:s17+$0xC060] =	vst.add.f32.msk $0xffff, v0;
	s17 =	sshra.s32 s22, $0x2  }
0x1cc: {  	v0 =	vld [tilespmem:s17+$0x1A070];
	p0 =	slt.u32 s19, $0x380  }
0x1cd: {  	v1 =	vld [tilespmem:s17+$0x1A000]  }
0x1ce: {  	v2 =	vld [tilespmem:s17+$0x1A010]  }
0x1cf: {  	v3 =	vld [tilespmem:s17+$0x1A020]  }
0x1d0: {  	v4 =	vld [tilespmem:s17+$0x1A030]  }
0x1d1: {  	[tilespmem:s17+$0xC070] =	vst.add.f32.msk $0xffff, v0  }
0x1d2: {  	v5 =	vld [tilespmem:s17+$0x1A040]  }
0x1d3: {  	v6 =	vld [tilespmem:s17+$0x1A050]  }
0x1d4: {  	v0 =	vld [tilespmem:s17+$0x1A060]  }
0x1d5: {  	[tilespmem:s17+$0xC000] =	vst.add.f32.msk $0xffff, v1  }
.Ltmp12:
0x1d6: {  	[tilespmem:s17+$0xC010] =	vst.add.f32.msk $0xffff, v2;
	(pc) =	sbr.rel @p0 .LBB2_27-.Ltmp12, $4  }
0x1d7: {  	[tilespmem:s17+$0xC020] =	vst.add.f32.msk $0xffff, v3  }
0x1d8: {  	[tilespmem:s17+$0xC030] =	vst.add.f32.msk $0xffff, v4  }
0x1d9: {  	[tilespmem:s17+$0xC040] =	vst.add.f32.msk $0xffff, v5  }
0x1da: {  	s22 =	sadd.s32 $0x1000, s22;
	[tilespmem:s17+$0xC050] =	vst.add.f32.msk $0xffff, v6  }
0x1db: {  	s8 =	sadd.s32 $0x1, s8  }
0x1dc: {  	p0 =	sne.s32 s8, $0x8  }
.Ltmp13:
0x1dd: {  	_ = 	snop;
	(pc) =	sbr.rel @p0 .LBB2_26-.Ltmp13, $2  }
0x1de: {  	_ =	sdelay $0x2  }
0x1df: {  	[tilespmem:s17+$0xC060] =	vst.add.f32.msk $0xffff, v0;
	s7 =	sadd.s32 $0x200, s7  }
0x1e0: {  	_ =	swait.ge [sflag:s4], $0x2000  }
0x1e1: {  	s8 =	sld [smem:$0x7BE]  }
0x1e2: {  	[sflag:s4] =	ssyncset.done $0x0  }
0x1e3: {  	s7 =	simm.s32 $0x0;
	s19 =	sld [smem:$0x7BF];
	[sflag:s4] =	ssyncadd.s32 $0xFFFFE000  }
0x1e4: {  	[tilespmem:s18], [sflag:$0x6] =	stream.linear.gather [hbm4b:s8+s7], $0x2000, $0x38;
	[tilespmem:$0x1C000] =	vst v63  }
0x1e5: {  	s17 =	simm.s32 $0x18000  }
0x1e6: {  	[tilespmem:s17], [sflag:$0x6] =	stream.linear.gather [hbm4b:s19+s7], $0x2000, $0x38;
	[tilespmem:$0x1C000] =	vst v63  }
0x1e7: {  	s22 =	rddreg [dreg:$0x15]  }
0x1e8: {  	[hbm4b:s22+s7] =	stream.linear.scatter [tilespmem:s21], [sflag:$0xE], $0x2000, $0x38;
	[tilespmem:$0x1C000] =	vst v63  }
0x1e9: {  	_ =	swait.ge [sflag:s20], $0x2000  }
0x1ea: {  	[sflag:s20] =	ssyncset.done $0x0  }
0x1eb: {  	[sflag:s20] =	ssyncadd.s32 $0xFFFFE000  }
0x1ec: {  	_ =	swait.ge [sflag:s20], $0x2000  }
0x1ed: {  	[sflag:s20] =	ssyncset.done $0x0  }
0x1ee: {  	s8 =	simm.s32 $0x0;
	[sflag:s20] =	ssyncadd.s32 $0xFFFFE000  }
.LBB2_30:
0x1ef: {  	s17 =	sshra.s32 s7, $0x2  }
0x1f0: {  	v0 =	vld [tilespmem:s17+$0xE070]  }
0x1f1: {  	v1 =	vld [tilespmem:s17+$0xE000]  }
0x1f2: {  	v2 =	vld [tilespmem:s17+$0xE010]  }
0x1f3: {  	v3 =	vld [tilespmem:s17+$0xE020]  }
0x1f4: {  	v4 =	vld [tilespmem:s17+$0xE030]  }
0x1f5: {  	v5 =	vld [tilespmem:s17+$0xE040]  }
0x1f6: {  	v6 =	vld [tilespmem:s17+$0xE050]  }
0x1f7: {  	[tilespmem:s17+$0x70] =	vst.add.f32.msk $0xffff, v0  }
0x1f8: {  	v0 =	vld [tilespmem:s17+$0xE060]  }
0x1f9: {  	[tilespmem:s17+$0x0] =	vst.add.f32.msk $0xffff, v1  }
0x1fa: {  	[tilespmem:s17+$0x10] =	vst.add.f32.msk $0xffff, v2  }
0x1fb: {  	[tilespmem:s17+$0x20] =	vst.add.f32.msk $0xffff, v3  }
0x1fc: {  	[tilespmem:s17+$0x30] =	vst.add.f32.msk $0xffff, v4  }
0x1fd: {  	[tilespmem:s17+$0x40] =	vst.add.f32.msk $0xffff, v5  }
0x1fe: {  	s19 =	simm.s32 $0x0;
	s22 =	sadd.s32 $0x1000, s7;
	[tilespmem:s17+$0x50] =	vst.add.f32.msk $0xffff, v6  }
.LBB2_31:
0x1ff: {  	s19 =	sadd.s32 $0x80, s19;
	[tilespmem:s17+$0x60] =	vst.add.f32.msk $0xffff, v0;
	s17 =	sshra.s32 s22, $0x2  }
0x200: {  	v0 =	vld [tilespmem:s17+$0xE070];
	p0 =	slt.u32 s19, $0x380  }
0x201: {  	v1 =	vld [tilespmem:s17+$0xE000]  }
0x202: {  	v2 =	vld [tilespmem:s17+$0xE010]  }
0x203: {  	v3 =	vld [tilespmem:s17+$0xE020]  }
0x204: {  	v4 =	vld [tilespmem:s17+$0xE030]  }
0x205: {  	[tilespmem:s17+$0x70] =	vst.add.f32.msk $0xffff, v0  }
0x206: {  	v5 =	vld [tilespmem:s17+$0xE040]  }
0x207: {  	v6 =	vld [tilespmem:s17+$0xE050]  }
0x208: {  	v0 =	vld [tilespmem:s17+$0xE060]  }
0x209: {  	[tilespmem:s17+$0x0] =	vst.add.f32.msk $0xffff, v1  }
.Ltmp14:
0x20a: {  	[tilespmem:s17+$0x10] =	vst.add.f32.msk $0xffff, v2;
	(pc) =	sbr.rel @p0 .LBB2_31-.Ltmp14, $4  }
0x20b: {  	[tilespmem:s17+$0x20] =	vst.add.f32.msk $0xffff, v3  }
0x20c: {  	[tilespmem:s17+$0x30] =	vst.add.f32.msk $0xffff, v4  }
0x20d: {  	[tilespmem:s17+$0x40] =	vst.add.f32.msk $0xffff, v5  }
0x20e: {  	s22 =	sadd.s32 $0x1000, s22;
	[tilespmem:s17+$0x50] =	vst.add.f32.msk $0xffff, v6  }
0x20f: {  	s8 =	sadd.s32 $0x1, s8  }
0x210: {  	p0 =	sne.s32 s8, $0x8  }
.Ltmp15:
0x211: {  	_ = 	snop;
	(pc) =	sbr.rel @p0 .LBB2_30-.Ltmp15, $2  }
0x212: {  	_ =	sdelay $0x2  }
0x213: {  	[tilespmem:s17+$0x60] =	vst.add.f32.msk $0xffff, v0;
	s7 =	sadd.s32 $0x200, s7  }
0x214: {  	_ =	swait.ge [sflag:s5], $0x2000  }
0x215: {  	s8 =	sld [smem:$0x7C1]  }
0x216: {  	[sflag:s5] =	ssyncset.done $0x0  }
0x217: {  	s7 =	simm.s32 $0x0;
	s19 =	sld [smem:$0x7C2];
	[sflag:s5] =	ssyncadd.s32 $0xFFFFE000  }
0x218: {  	[tilespmem:s21], [sflag:$0x7] =	stream.linear.gather [hbm4b:s8+s7], $0x2000, $0x38;
	[tilespmem:$0x1C000] =	vst v63  }
0x219: {  	s17 =	simm.s32 $0x1A000  }
0x21a: {  	[tilespmem:s17], [sflag:$0x7] =	stream.linear.gather [hbm4b:s19+s7], $0x2000, $0x38;
	[tilespmem:$0x1C000] =	vst v63  }
0x21b: {  	s22 =	rddreg [dreg:$0x18]  }
0x21c: {  	[hbm4b:s22+s7] =	stream.linear.scatter [tilespmem:s7], [sflag:$0x8], $0x2000, $0x38;
	[tilespmem:$0x1C000] =	vst v63  }
0x21d: {  	_ =	swait.ge [sflag:s23], $0x2000  }
0x21e: {  	[sflag:s23] =	ssyncset.done $0x0  }
0x21f: {  	[sflag:s23] =	ssyncadd.s32 $0xFFFFE000  }
0x220: {  	_ =	swait.ge [sflag:s23], $0x2000  }
0x221: {  	[sflag:s23] =	ssyncset.done $0x0  }
0x222: {  	s8 =	simm.s32 $0x0;
	[sflag:s23] =	ssyncadd.s32 $0xFFFFE000  }
.LBB2_34:
0x223: {  	s17 =	sshra.s32 s7, $0x2  }
0x224: {  	v0 =	vld [tilespmem:s17+$0x10070]  }
0x225: {  	v1 =	vld [tilespmem:s17+$0x10000]  }
0x226: {  	v2 =	vld [tilespmem:s17+$0x10010]  }
0x227: {  	v3 =	vld [tilespmem:s17+$0x10020]  }
0x228: {  	v4 =	vld [tilespmem:s17+$0x10030]  }
0x229: {  	v5 =	vld [tilespmem:s17+$0x10040]  }
0x22a: {  	v6 =	vld [tilespmem:s17+$0x10050]  }
0x22b: {  	[tilespmem:s17+$0x2070] =	vst.add.f32.msk $0xffff, v0  }
0x22c: {  	v0 =	vld [tilespmem:s17+$0x10060]  }
0x22d: {  	[tilespmem:s17+$0x2000] =	vst.add.f32.msk $0xffff, v1  }
0x22e: {  	[tilespmem:s17+$0x2010] =	vst.add.f32.msk $0xffff, v2  }
0x22f: {  	[tilespmem:s17+$0x2020] =	vst.add.f32.msk $0xffff, v3  }
0x230: {  	[tilespmem:s17+$0x2030] =	vst.add.f32.msk $0xffff, v4  }
0x231: {  	[tilespmem:s17+$0x2040] =	vst.add.f32.msk $0xffff, v5  }
0x232: {  	s19 =	simm.s32 $0x0;
	s22 =	sadd.s32 $0x1000, s7;
	[tilespmem:s17+$0x2050] =	vst.add.f32.msk $0xffff, v6  }
.LBB2_35:
0x233: {  	s19 =	sadd.s32 $0x80, s19;
	[tilespmem:s17+$0x2060] =	vst.add.f32.msk $0xffff, v0;
	s17 =	sshra.s32 s22, $0x2  }
0x234: {  	v0 =	vld [tilespmem:s17+$0x10070];
	p0 =	slt.u32 s19, $0x380  }
0x235: {  	v1 =	vld [tilespmem:s17+$0x10000]  }
0x236: {  	v2 =	vld [tilespmem:s17+$0x10010]  }
0x237: {  	v3 =	vld [tilespmem:s17+$0x10020]  }
0x238: {  	v4 =	vld [tilespmem:s17+$0x10030]  }
0x239: {  	[tilespmem:s17+$0x2070] =	vst.add.f32.msk $0xffff, v0  }
0x23a: {  	v5 =	vld [tilespmem:s17+$0x10040]  }
0x23b: {  	v6 =	vld [tilespmem:s17+$0x10050]  }
0x23c: {  	v0 =	vld [tilespmem:s17+$0x10060]  }
0x23d: {  	[tilespmem:s17+$0x2000] =	vst.add.f32.msk $0xffff, v1  }
.Ltmp16:
0x23e: {  	[tilespmem:s17+$0x2010] =	vst.add.f32.msk $0xffff, v2;
	(pc) =	sbr.rel @p0 .LBB2_35-.Ltmp16, $4  }
0x23f: {  	[tilespmem:s17+$0x2020] =	vst.add.f32.msk $0xffff, v3  }
0x240: {  	[tilespmem:s17+$0x2030] =	vst.add.f32.msk $0xffff, v4  }
0x241: {  	[tilespmem:s17+$0x2040] =	vst.add.f32.msk $0xffff, v5  }
0x242: {  	s22 =	sadd.s32 $0x1000, s22;
	[tilespmem:s17+$0x2050] =	vst.add.f32.msk $0xffff, v6  }
0x243: {  	s8 =	sadd.s32 $0x1, s8  }
0x244: {  	p0 =	sne.s32 s8, $0x8  }
.Ltmp17:
0x245: {  	_ = 	snop;
	(pc) =	sbr.rel @p0 .LBB2_34-.Ltmp17, $2  }
0x246: {  	_ =	sdelay $0x2  }
0x247: {  	[tilespmem:s17+$0x2060] =	vst.add.f32.msk $0xffff, v0;
	s7 =	sadd.s32 $0x200, s7  }
0x248: {  	_ =	swait.ge [sflag:s24], $0x2000  }
0x249: {  	s8 =	sld [smem:$0x7C4]  }
0x24a: {  	[sflag:s24] =	ssyncset.done $0x0  }
0x24b: {  	s7 =	simm.s32 $0x0;
	s19 =	sld [smem:$0x7C5];
	[sflag:s24] =	ssyncadd.s32 $0xFFFFE000  }
0x24c: {  	[tilespmem:s7], [sflag:$0x1] =	stream.linear.gather [hbm4b:s8+s7], $0x2000, $0x38;
	[tilespmem:$0x1C000] =	vst v63  }
0x24d: {  	_ = 	snop  }
0x24e: {  	[tilespmem:s9], [sflag:$0x1] =	stream.linear.gather [hbm4b:s19+s7], $0x2000, $0x38;
	[tilespmem:$0x1C000] =	vst v63  }
0x24f: {  	s22 =	rddreg [dreg:$0x1b]  }
0x250: {  	[hbm4b:s22+s7] =	stream.linear.scatter [tilespmem:s10], [sflag:$0x9], $0x2000, $0x38;
	[tilespmem:$0x1C000] =	vst v63  }
0x251: {  	_ =	swait.ge [sflag:s25], $0x2000  }
0x252: {  	[sflag:s25] =	ssyncset.done $0x0  }
0x253: {  	[sflag:s25] =	ssyncadd.s32 $0xFFFFE000  }
0x254: {  	_ =	swait.ge [sflag:s25], $0x2000  }
0x255: {  	[sflag:s25] =	ssyncset.done $0x0  }
0x256: {  	s8 =	simm.s32 $0x0;
	[sflag:s25] =	ssyncadd.s32 $0xFFFFE000  }
.LBB2_38:
0x257: {  	s17 =	sshra.s32 s7, $0x2  }
0x258: {  	v0 =	vld [tilespmem:s17+$0x12070]  }
0x259: {  	v1 =	vld [tilespmem:s17+$0x12000]  }
0x25a: {  	v2 =	vld [tilespmem:s17+$0x12010]  }
0x25b: {  	v3 =	vld [tilespmem:s17+$0x12020]  }
0x25c: {  	v4 =	vld [tilespmem:s17+$0x12030]  }
0x25d: {  	v5 =	vld [tilespmem:s17+$0x12040]  }
0x25e: {  	v6 =	vld [tilespmem:s17+$0x12050]  }
0x25f: {  	[tilespmem:s17+$0x4070] =	vst.add.f32.msk $0xffff, v0  }
0x260: {  	v0 =	vld [tilespmem:s17+$0x12060]  }
0x261: {  	[tilespmem:s17+$0x4000] =	vst.add.f32.msk $0xffff, v1  }
0x262: {  	[tilespmem:s17+$0x4010] =	vst.add.f32.msk $0xffff, v2  }
0x263: {  	[tilespmem:s17+$0x4020] =	vst.add.f32.msk $0xffff, v3  }
0x264: {  	[tilespmem:s17+$0x4030] =	vst.add.f32.msk $0xffff, v4  }
0x265: {  	[tilespmem:s17+$0x4040] =	vst.add.f32.msk $0xffff, v5  }
0x266: {  	s19 =	simm.s32 $0x0;
	s22 =	sadd.s32 $0x1000, s7;
	[tilespmem:s17+$0x4050] =	vst.add.f32.msk $0xffff, v6  }
.LBB2_39:
0x267: {  	s19 =	sadd.s32 $0x80, s19;
	[tilespmem:s17+$0x4060] =	vst.add.f32.msk $0xffff, v0;
	s17 =	sshra.s32 s22, $0x2  }
0x268: {  	v0 =	vld [tilespmem:s17+$0x12070];
	p0 =	slt.u32 s19, $0x380  }
0x269: {  	v1 =	vld [tilespmem:s17+$0x12000]  }
0x26a: {  	v2 =	vld [tilespmem:s17+$0x12010]  }
0x26b: {  	v3 =	vld [tilespmem:s17+$0x12020]  }
0x26c: {  	v4 =	vld [tilespmem:s17+$0x12030]  }
0x26d: {  	[tilespmem:s17+$0x4070] =	vst.add.f32.msk $0xffff, v0  }
0x26e: {  	v5 =	vld [tilespmem:s17+$0x12040]  }
0x26f: {  	v6 =	vld [tilespmem:s17+$0x12050]  }
0x270: {  	v0 =	vld [tilespmem:s17+$0x12060]  }
0x271: {  	[tilespmem:s17+$0x4000] =	vst.add.f32.msk $0xffff, v1  }
.Ltmp18:
0x272: {  	[tilespmem:s17+$0x4010] =	vst.add.f32.msk $0xffff, v2;
	(pc) =	sbr.rel @p0 .LBB2_39-.Ltmp18, $4  }
0x273: {  	[tilespmem:s17+$0x4020] =	vst.add.f32.msk $0xffff, v3  }
0x274: {  	[tilespmem:s17+$0x4030] =	vst.add.f32.msk $0xffff, v4  }
0x275: {  	[tilespmem:s17+$0x4040] =	vst.add.f32.msk $0xffff, v5  }
0x276: {  	s22 =	sadd.s32 $0x1000, s22;
	[tilespmem:s17+$0x4050] =	vst.add.f32.msk $0xffff, v6  }
0x277: {  	s8 =	sadd.s32 $0x1, s8  }
0x278: {  	p0 =	sne.s32 s8, $0x8  }
.Ltmp19:
0x279: {  	_ = 	snop;
	(pc) =	sbr.rel @p0 .LBB2_38-.Ltmp19, $2  }
0x27a: {  	_ =	sdelay $0x2  }
0x27b: {  	[tilespmem:s17+$0x4060] =	vst.add.f32.msk $0xffff, v0;
	s7 =	sadd.s32 $0x200, s7  }
0x27c: {  	_ =	swait.ge [sflag:s26], $0x2000  }
0x27d: {  	s8 =	sld [smem:$0x7C7]  }
0x27e: {  	[sflag:s26] =	ssyncset.done $0x0  }
0x27f: {  	s7 =	simm.s32 $0x0;
	s19 =	sld [smem:$0x7C8];
	[sflag:s26] =	ssyncadd.s32 $0xFFFFE000  }
0x280: {  	[tilespmem:s10], [sflag:$0x2] =	stream.linear.gather [hbm4b:s8+s7], $0x2000, $0x38;
	[tilespmem:$0x1C000] =	vst v63  }
0x281: {  	_ = 	snop  }
0x282: {  	[tilespmem:s11], [sflag:$0x2] =	stream.linear.gather [hbm4b:s19+s7], $0x2000, $0x38;
	[tilespmem:$0x1C000] =	vst v63  }
0x283: {  	s22 =	rddreg [dreg:$0x1e]  }
0x284: {  	[hbm4b:s22+s7] =	stream.linear.scatter [tilespmem:s12], [sflag:$0xA], $0x2000, $0x38;
	[tilespmem:$0x1C000] =	vst v63  }
0x285: {  	_ =	swait.ge [sflag:s28], $0x2000  }
0x286: {  	[sflag:s28] =	ssyncset.done $0x0  }
0x287: {  	[sflag:s28] =	ssyncadd.s32 $0xFFFFE000  }
0x288: {  	_ =	swait.ge [sflag:s28], $0x2000  }
0x289: {  	[sflag:s28] =	ssyncset.done $0x0  }
0x28a: {  	s8 =	simm.s32 $0x0;
	[sflag:s28] =	ssyncadd.s32 $0xFFFFE000  }
.LBB2_42:
0x28b: {  	s17 =	sshra.s32 s7, $0x2  }
0x28c: {  	v0 =	vld [tilespmem:s17+$0x14070]  }
0x28d: {  	v1 =	vld [tilespmem:s17+$0x14000]  }
0x28e: {  	v2 =	vld [tilespmem:s17+$0x14010]  }
0x28f: {  	v3 =	vld [tilespmem:s17+$0x14020]  }
0x290: {  	v4 =	vld [tilespmem:s17+$0x14030]  }
0x291: {  	v5 =	vld [tilespmem:s17+$0x14040]  }
0x292: {  	v6 =	vld [tilespmem:s17+$0x14050]  }
0x293: {  	[tilespmem:s17+$0x6070] =	vst.add.f32.msk $0xffff, v0  }
0x294: {  	v0 =	vld [tilespmem:s17+$0x14060]  }
0x295: {  	[tilespmem:s17+$0x6000] =	vst.add.f32.msk $0xffff, v1  }
0x296: {  	[tilespmem:s17+$0x6010] =	vst.add.f32.msk $0xffff, v2  }
0x297: {  	[tilespmem:s17+$0x6020] =	vst.add.f32.msk $0xffff, v3  }
0x298: {  	[tilespmem:s17+$0x6030] =	vst.add.f32.msk $0xffff, v4  }
0x299: {  	[tilespmem:s17+$0x6040] =	vst.add.f32.msk $0xffff, v5  }
0x29a: {  	s19 =	simm.s32 $0x0;
	s22 =	sadd.s32 $0x1000, s7;
	[tilespmem:s17+$0x6050] =	vst.add.f32.msk $0xffff, v6  }
.LBB2_43:
0x29b: {  	s19 =	sadd.s32 $0x80, s19;
	[tilespmem:s17+$0x6060] =	vst.add.f32.msk $0xffff, v0;
	s17 =	sshra.s32 s22, $0x2  }
0x29c: {  	v0 =	vld [tilespmem:s17+$0x14070];
	p0 =	slt.u32 s19, $0x380  }
0x29d: {  	v1 =	vld [tilespmem:s17+$0x14000]  }
0x29e: {  	v2 =	vld [tilespmem:s17+$0x14010]  }
0x29f: {  	v3 =	vld [tilespmem:s17+$0x14020]  }
0x2a0: {  	v4 =	vld [tilespmem:s17+$0x14030]  }
0x2a1: {  	[tilespmem:s17+$0x6070] =	vst.add.f32.msk $0xffff, v0  }
0x2a2: {  	v5 =	vld [tilespmem:s17+$0x14040]  }
0x2a3: {  	v6 =	vld [tilespmem:s17+$0x14050]  }
0x2a4: {  	v0 =	vld [tilespmem:s17+$0x14060]  }
0x2a5: {  	[tilespmem:s17+$0x6000] =	vst.add.f32.msk $0xffff, v1  }
.Ltmp20:
0x2a6: {  	[tilespmem:s17+$0x6010] =	vst.add.f32.msk $0xffff, v2;
	(pc) =	sbr.rel @p0 .LBB2_43-.Ltmp20, $4  }
0x2a7: {  	[tilespmem:s17+$0x6020] =	vst.add.f32.msk $0xffff, v3  }
0x2a8: {  	[tilespmem:s17+$0x6030] =	vst.add.f32.msk $0xffff, v4  }
0x2a9: {  	[tilespmem:s17+$0x6040] =	vst.add.f32.msk $0xffff, v5  }
0x2aa: {  	s22 =	sadd.s32 $0x1000, s22;
	[tilespmem:s17+$0x6050] =	vst.add.f32.msk $0xffff, v6  }
0x2ab: {  	s8 =	sadd.s32 $0x1, s8  }
0x2ac: {  	p0 =	sne.s32 s8, $0x8  }
.Ltmp21:
0x2ad: {  	_ = 	snop;
	(pc) =	sbr.rel @p0 .LBB2_42-.Ltmp21, $2  }
0x2ae: {  	_ =	sdelay $0x2  }
0x2af: {  	[tilespmem:s17+$0x6060] =	vst.add.f32.msk $0xffff, v0;
	s7 =	sadd.s32 $0x200, s7  }
0x2b0: {  	_ =	swait.ge [sflag:s29], $0x2000  }
0x2b1: {  	s8 =	sld [smem:$0x7CA]  }
0x2b2: {  	[sflag:s29] =	ssyncset.done $0x0  }
0x2b3: {  	s7 =	simm.s32 $0x0;
	s19 =	sld [smem:$0x7CB];
	[sflag:s29] =	ssyncadd.s32 $0xFFFFE000  }
0x2b4: {  	[tilespmem:s12], [sflag:$0x3] =	stream.linear.gather [hbm4b:s8+s7], $0x2000, $0x38;
	[tilespmem:$0x1C000] =	vst v63  }
0x2b5: {  	s22 =	sld [smem:$0x7BA]  }
0x2b6: {  	[tilespmem:s13], [sflag:$0x3] =	stream.linear.gather [hbm4b:s19+s7], $0x2000, $0x38;
	[tilespmem:$0x1C000] =	vst v63  }
0x2b7: {  	_ = 	snop  }
0x2b8: {  	[hbm4b:s22+s7] =	stream.linear.scatter [tilespmem:s14], [sflag:$0xB], $0x2000, $0x38;
	[tilespmem:$0x1C000] =	vst v63  }
0x2b9: {  	_ =	swait.ge [sflag:s30], $0x2000  }
0x2ba: {  	[sflag:s30] =	ssyncset.done $0x0  }
0x2bb: {  	[sflag:s30] =	ssyncadd.s32 $0xFFFFE000  }
0x2bc: {  	_ =	swait.ge [sflag:s30], $0x2000  }
0x2bd: {  	[sflag:s30] =	ssyncset.done $0x0  }
0x2be: {  	s8 =	simm.s32 $0x0;
	[sflag:s30] =	ssyncadd.s32 $0xFFFFE000  }
.LBB2_46:
0x2bf: {  	s17 =	sshra.s32 s7, $0x2  }
0x2c0: {  	v0 =	vld [tilespmem:s17+$0x16070]  }
0x2c1: {  	v1 =	vld [tilespmem:s17+$0x16000]  }
0x2c2: {  	v2 =	vld [tilespmem:s17+$0x16010]  }
0x2c3: {  	v3 =	vld [tilespmem:s17+$0x16020]  }
0x2c4: {  	v4 =	vld [tilespmem:s17+$0x16030]  }
0x2c5: {  	v5 =	vld [tilespmem:s17+$0x16040]  }
0x2c6: {  	v6 =	vld [tilespmem:s17+$0x16050]  }
0x2c7: {  	[tilespmem:s17+$0x8070] =	vst.add.f32.msk $0xffff, v0  }
0x2c8: {  	v0 =	vld [tilespmem:s17+$0x16060]  }
0x2c9: {  	[tilespmem:s17+$0x8000] =	vst.add.f32.msk $0xffff, v1  }
0x2ca: {  	[tilespmem:s17+$0x8010] =	vst.add.f32.msk $0xffff, v2  }
0x2cb: {  	[tilespmem:s17+$0x8020] =	vst.add.f32.msk $0xffff, v3  }
0x2cc: {  	[tilespmem:s17+$0x8030] =	vst.add.f32.msk $0xffff, v4  }
0x2cd: {  	[tilespmem:s17+$0x8040] =	vst.add.f32.msk $0xffff, v5  }
0x2ce: {  	s19 =	simm.s32 $0x0;
	s22 =	sadd.s32 $0x1000, s7;
	[tilespmem:s17+$0x8050] =	vst.add.f32.msk $0xffff, v6  }
.LBB2_47:
0x2cf: {  	s19 =	sadd.s32 $0x80, s19;
	[tilespmem:s17+$0x8060] =	vst.add.f32.msk $0xffff, v0;
	s17 =	sshra.s32 s22, $0x2  }
0x2d0: {  	v0 =	vld [tilespmem:s17+$0x16070];
	p0 =	slt.u32 s19, $0x380  }
0x2d1: {  	v1 =	vld [tilespmem:s17+$0x16000]  }
0x2d2: {  	v2 =	vld [tilespmem:s17+$0x16010]  }
0x2d3: {  	v3 =	vld [tilespmem:s17+$0x16020]  }
0x2d4: {  	v4 =	vld [tilespmem:s17+$0x16030]  }
0x2d5: {  	[tilespmem:s17+$0x8070] =	vst.add.f32.msk $0xffff, v0  }
0x2d6: {  	v5 =	vld [tilespmem:s17+$0x16040]  }
0x2d7: {  	v6 =	vld [tilespmem:s17+$0x16050]  }
0x2d8: {  	v0 =	vld [tilespmem:s17+$0x16060]  }
0x2d9: {  	[tilespmem:s17+$0x8000] =	vst.add.f32.msk $0xffff, v1  }
.Ltmp22:
0x2da: {  	[tilespmem:s17+$0x8010] =	vst.add.f32.msk $0xffff, v2;
	(pc) =	sbr.rel @p0 .LBB2_47-.Ltmp22, $4  }
0x2db: {  	[tilespmem:s17+$0x8020] =	vst.add.f32.msk $0xffff, v3  }
0x2dc: {  	[tilespmem:s17+$0x8030] =	vst.add.f32.msk $0xffff, v4  }
0x2dd: {  	[tilespmem:s17+$0x8040] =	vst.add.f32.msk $0xffff, v5  }
0x2de: {  	s22 =	sadd.s32 $0x1000, s22;
	[tilespmem:s17+$0x8050] =	vst.add.f32.msk $0xffff, v6  }
0x2df: {  	s8 =	sadd.s32 $0x1, s8  }
0x2e0: {  	p0 =	sne.s32 s8, $0x8  }
.Ltmp23:
0x2e1: {  	_ = 	snop;
	(pc) =	sbr.rel @p0 .LBB2_46-.Ltmp23, $2  }
0x2e2: {  	_ =	sdelay $0x2  }
0x2e3: {  	[tilespmem:s17+$0x8060] =	vst.add.f32.msk $0xffff, v0;
	s7 =	sadd.s32 $0x200, s7  }
0x2e4: {  	_ =	swait.ge [sflag:s31], $0x2000  }
0x2e5: {  	s8 =	sld [smem:$0x7CD]  }
0x2e6: {  	[sflag:s31] =	ssyncset.done $0x0  }
0x2e7: {  	s7 =	simm.s32 $0x0;
	s19 =	sld [smem:$0x7CE];
	[sflag:s31] =	ssyncadd.s32 $0xFFFFE000  }
0x2e8: {  	[tilespmem:s14], [sflag:$0x4] =	stream.linear.gather [hbm4b:s8+s7], $0x2000, $0x38;
	[tilespmem:$0x1C000] =	vst v63  }
0x2e9: {  	s22 =	sld [smem:$0x7BD]  }
0x2ea: {  	[tilespmem:s15], [sflag:$0x4] =	stream.linear.gather [hbm4b:s19+s7], $0x2000, $0x38;
	[tilespmem:$0x1C000] =	vst v63  }
0x2eb: {  	_ = 	snop  }
0x2ec: {  	[hbm4b:s22+s7] =	stream.linear.scatter [tilespmem:s16], [sflag:$0xC], $0x2000, $0x38;
	[tilespmem:$0x1C000] =	vst v63  }
0x2ed: {  	_ =	swait.ge [sflag:s0], $0x2000  }
0x2ee: {  	[sflag:s0] =	ssyncset.done $0x0  }
0x2ef: {  	[sflag:s0] =	ssyncadd.s32 $0xFFFFE000  }
0x2f0: {  	_ =	swait.ge [sflag:s0], $0x2000  }
0x2f1: {  	[sflag:s0] =	ssyncset.done $0x0  }
0x2f2: {  	s8 =	simm.s32 $0x0;
	[sflag:s0] =	ssyncadd.s32 $0xFFFFE000  }
.LBB2_50:
0x2f3: {  	s17 =	sshra.s32 s7, $0x2  }
0x2f4: {  	v0 =	vld [tilespmem:s17+$0x18070]  }
0x2f5: {  	v1 =	vld [tilespmem:s17+$0x18000]  }
0x2f6: {  	v2 =	vld [tilespmem:s17+$0x18010]  }
0x2f7: {  	v3 =	vld [tilespmem:s17+$0x18020]  }
0x2f8: {  	v4 =	vld [tilespmem:s17+$0x18030]  }
0x2f9: {  	v5 =	vld [tilespmem:s17+$0x18040]  }
0x2fa: {  	v6 =	vld [tilespmem:s17+$0x18050]  }
0x2fb: {  	[tilespmem:s17+$0xA070] =	vst.add.f32.msk $0xffff, v0  }
0x2fc: {  	v0 =	vld [tilespmem:s17+$0x18060]  }
0x2fd: {  	[tilespmem:s17+$0xA000] =	vst.add.f32.msk $0xffff, v1  }
0x2fe: {  	[tilespmem:s17+$0xA010] =	vst.add.f32.msk $0xffff, v2  }
0x2ff: {  	[tilespmem:s17+$0xA020] =	vst.add.f32.msk $0xffff, v3  }
0x300: {  	[tilespmem:s17+$0xA030] =	vst.add.f32.msk $0xffff, v4  }
0x301: {  	[tilespmem:s17+$0xA040] =	vst.add.f32.msk $0xffff, v5  }
0x302: {  	s19 =	simm.s32 $0x0;
	s22 =	sadd.s32 $0x1000, s7;
	[tilespmem:s17+$0xA050] =	vst.add.f32.msk $0xffff, v6  }
.LBB2_51:
0x303: {  	s19 =	sadd.s32 $0x80, s19;
	[tilespmem:s17+$0xA060] =	vst.add.f32.msk $0xffff, v0;
	s17 =	sshra.s32 s22, $0x2  }
0x304: {  	v0 =	vld [tilespmem:s17+$0x18070];
	p0 =	slt.u32 s19, $0x380  }
0x305: {  	v1 =	vld [tilespmem:s17+$0x18000]  }
0x306: {  	v2 =	vld [tilespmem:s17+$0x18010]  }
0x307: {  	v3 =	vld [tilespmem:s17+$0x18020]  }
0x308: {  	v4 =	vld [tilespmem:s17+$0x18030]  }
0x309: {  	[tilespmem:s17+$0xA070] =	vst.add.f32.msk $0xffff, v0  }
0x30a: {  	v5 =	vld [tilespmem:s17+$0x18040]  }
0x30b: {  	v6 =	vld [tilespmem:s17+$0x18050]  }
0x30c: {  	v0 =	vld [tilespmem:s17+$0x18060]  }
0x30d: {  	[tilespmem:s17+$0xA000] =	vst.add.f32.msk $0xffff, v1  }
.Ltmp24:
0x30e: {  	[tilespmem:s17+$0xA010] =	vst.add.f32.msk $0xffff, v2;
	(pc) =	sbr.rel @p0 .LBB2_51-.Ltmp24, $4  }
0x30f: {  	[tilespmem:s17+$0xA020] =	vst.add.f32.msk $0xffff, v3  }
0x310: {  	[tilespmem:s17+$0xA030] =	vst.add.f32.msk $0xffff, v4  }
0x311: {  	[tilespmem:s17+$0xA040] =	vst.add.f32.msk $0xffff, v5  }
0x312: {  	s22 =	sadd.s32 $0x1000, s22;
	[tilespmem:s17+$0xA050] =	vst.add.f32.msk $0xffff, v6  }
0x313: {  	s8 =	sadd.s32 $0x1, s8  }
0x314: {  	p0 =	sne.s32 s8, $0x8  }
.Ltmp25:
0x315: {  	_ = 	snop;
	(pc) =	sbr.rel @p0 .LBB2_50-.Ltmp25, $2  }
0x316: {  	_ =	sdelay $0x2  }
0x317: {  	[tilespmem:s17+$0xA060] =	vst.add.f32.msk $0xffff, v0;
	s7 =	sadd.s32 $0x200, s7  }
0x318: {  	_ =	swait.ge [sflag:s2], $0x2000  }
0x319: {  	s8 =	sld [smem:$0x7D0]  }
0x31a: {  	[sflag:s2] =	ssyncset.done $0x0  }
0x31b: {  	s7 =	simm.s32 $0x0;
	s19 =	sld [smem:$0x7D1];
	[sflag:s2] =	ssyncadd.s32 $0xFFFFE000  }
0x31c: {  	[tilespmem:s16], [sflag:$0x5] =	stream.linear.gather [hbm4b:s8+s7], $0x2000, $0x38;
	[tilespmem:$0x1C000] =	vst v63  }
0x31d: {  	s17 =	simm.s32 $0x16000;
	s22 =	sld [smem:$0x7C0]  }
0x31e: {  	[tilespmem:s17], [sflag:$0x5] =	stream.linear.gather [hbm4b:s19+s7], $0x2000, $0x38;
	[tilespmem:$0x1C000] =	vst v63  }
0x31f: {  	_ = 	snop  }
0x320: {  	[hbm4b:s22+s7] =	stream.linear.scatter [tilespmem:s18], [sflag:$0xD], $0x2000, $0x38;
	[tilespmem:$0x1C000] =	vst v63  }
0x321: {  	_ =	swait.ge [sflag:s3], $0x2000  }
0x322: {  	[sflag:s3] =	ssyncset.done $0x0  }
0x323: {  	[sflag:s3] =	ssyncadd.s32 $0xFFFFE000  }
0x324: {  	_ =	swait.ge [sflag:s3], $0x2000  }
0x325: {  	[sflag:s3] =	ssyncset.done $0x0  }
0x326: {  	s8 =	simm.s32 $0x0;
	[sflag:s3] =	ssyncadd.s32 $0xFFFFE000  }
.LBB2_54:
0x327: {  	s17 =	sshra.s32 s7, $0x2  }
0x328: {  	v0 =	vld [tilespmem:s17+$0x1A070]  }
0x329: {  	v1 =	vld [tilespmem:s17+$0x1A000]  }
0x32a: {  	v2 =	vld [tilespmem:s17+$0x1A010]  }
0x32b: {  	v3 =	vld [tilespmem:s17+$0x1A020]  }
0x32c: {  	v4 =	vld [tilespmem:s17+$0x1A030]  }
0x32d: {  	v5 =	vld [tilespmem:s17+$0x1A040]  }
0x32e: {  	v6 =	vld [tilespmem:s17+$0x1A050]  }
0x32f: {  	[tilespmem:s17+$0xC070] =	vst.add.f32.msk $0xffff, v0  }
0x330: {  	v0 =	vld [tilespmem:s17+$0x1A060]  }
0x331: {  	[tilespmem:s17+$0xC000] =	vst.add.f32.msk $0xffff, v1  }
0x332: {  	[tilespmem:s17+$0xC010] =	vst.add.f32.msk $0xffff, v2  }
0x333: {  	[tilespmem:s17+$0xC020] =	vst.add.f32.msk $0xffff, v3  }
0x334: {  	[tilespmem:s17+$0xC030] =	vst.add.f32.msk $0xffff, v4  }
0x335: {  	[tilespmem:s17+$0xC040] =	vst.add.f32.msk $0xffff, v5  }
0x336: {  	s19 =	simm.s32 $0x0;
	s22 =	sadd.s32 $0x1000, s7;
	[tilespmem:s17+$0xC050] =	vst.add.f32.msk $0xffff, v6  }
.LBB2_55:
0x337: {  	s19 =	sadd.s32 $0x80, s19;
	[tilespmem:s17+$0xC060] =	vst.add.f32.msk $0xffff, v0;
	s17 =	sshra.s32 s22, $0x2  }
0x338: {  	v0 =	vld [tilespmem:s17+$0x1A070];
	p0 =	slt.u32 s19, $0x380  }
0x339: {  	v1 =	vld [tilespmem:s17+$0x1A000]  }
0x33a: {  	v2 =	vld [tilespmem:s17+$0x1A010]  }
0x33b: {  	v3 =	vld [tilespmem:s17+$0x1A020]  }
0x33c: {  	v4 =	vld [tilespmem:s17+$0x1A030]  }
0x33d: {  	[tilespmem:s17+$0xC070] =	vst.add.f32.msk $0xffff, v0  }
0x33e: {  	v5 =	vld [tilespmem:s17+$0x1A040]  }
0x33f: {  	v6 =	vld [tilespmem:s17+$0x1A050]  }
0x340: {  	v0 =	vld [tilespmem:s17+$0x1A060]  }
0x341: {  	[tilespmem:s17+$0xC000] =	vst.add.f32.msk $0xffff, v1  }
.Ltmp26:
0x342: {  	[tilespmem:s17+$0xC010] =	vst.add.f32.msk $0xffff, v2;
	(pc) =	sbr.rel @p0 .LBB2_55-.Ltmp26, $4  }
0x343: {  	[tilespmem:s17+$0xC020] =	vst.add.f32.msk $0xffff, v3  }
0x344: {  	[tilespmem:s17+$0xC030] =	vst.add.f32.msk $0xffff, v4  }
0x345: {  	[tilespmem:s17+$0xC040] =	vst.add.f32.msk $0xffff, v5  }
0x346: {  	s22 =	sadd.s32 $0x1000, s22;
	[tilespmem:s17+$0xC050] =	vst.add.f32.msk $0xffff, v6  }
0x347: {  	s8 =	sadd.s32 $0x1, s8  }
0x348: {  	p0 =	sne.s32 s8, $0x8  }
.Ltmp27:
0x349: {  	_ = 	snop;
	(pc) =	sbr.rel @p0 .LBB2_54-.Ltmp27, $2  }
0x34a: {  	_ =	sdelay $0x2  }
0x34b: {  	[tilespmem:s17+$0xC060] =	vst.add.f32.msk $0xffff, v0;
	s7 =	sadd.s32 $0x200, s7  }
0x34c: {  	_ =	swait.ge [sflag:s4], $0x2000  }
0x34d: {  	s8 =	sld [smem:$0x7D3]  }
0x34e: {  	[sflag:s4] =	ssyncset.done $0x0  }
0x34f: {  	s7 =	simm.s32 $0x0;
	s19 =	sld [smem:$0x7D4];
	[sflag:s4] =	ssyncadd.s32 $0xFFFFE000  }
0x350: {  	[tilespmem:s18], [sflag:$0x6] =	stream.linear.gather [hbm4b:s8+s7], $0x2000, $0x38;
	[tilespmem:$0x1C000] =	vst v63  }
0x351: {  	s17 =	simm.s32 $0x18000;
	s22 =	sld [smem:$0x7C3]  }
0x352: {  	[tilespmem:s17], [sflag:$0x6] =	stream.linear.gather [hbm4b:s19+s7], $0x2000, $0x38;
	[tilespmem:$0x1C000] =	vst v63  }
0x353: {  	_ = 	snop  }
0x354: {  	[hbm4b:s22+s7] =	stream.linear.scatter [tilespmem:s21], [sflag:$0xE], $0x2000, $0x38;
	[tilespmem:$0x1C000] =	vst v63  }
0x355: {  	_ =	swait.ge [sflag:s20], $0x2000  }
0x356: {  	[sflag:s20] =	ssyncset.done $0x0  }
0x357: {  	[sflag:s20] =	ssyncadd.s32 $0xFFFFE000  }
0x358: {  	_ =	swait.ge [sflag:s20], $0x2000  }
0x359: {  	[sflag:s20] =	ssyncset.done $0x0  }
0x35a: {  	s8 =	simm.s32 $0x0;
	[sflag:s20] =	ssyncadd.s32 $0xFFFFE000  }
.LBB2_58:
0x35b: {  	s17 =	sshra.s32 s7, $0x2  }
0x35c: {  	v0 =	vld [tilespmem:s17+$0xE070]  }
0x35d: {  	v1 =	vld [tilespmem:s17+$0xE000]  }
0x35e: {  	v2 =	vld [tilespmem:s17+$0xE010]  }
0x35f: {  	v3 =	vld [tilespmem:s17+$0xE020]  }
0x360: {  	v4 =	vld [tilespmem:s17+$0xE030]  }
0x361: {  	v5 =	vld [tilespmem:s17+$0xE040]  }
0x362: {  	v6 =	vld [tilespmem:s17+$0xE050]  }
0x363: {  	[tilespmem:s17+$0x70] =	vst.add.f32.msk $0xffff, v0  }
0x364: {  	v0 =	vld [tilespmem:s17+$0xE060]  }
0x365: {  	[tilespmem:s17+$0x0] =	vst.add.f32.msk $0xffff, v1  }
0x366: {  	[tilespmem:s17+$0x10] =	vst.add.f32.msk $0xffff, v2  }
0x367: {  	[tilespmem:s17+$0x20] =	vst.add.f32.msk $0xffff, v3  }
0x368: {  	[tilespmem:s17+$0x30] =	vst.add.f32.msk $0xffff, v4  }
0x369: {  	[tilespmem:s17+$0x40] =	vst.add.f32.msk $0xffff, v5  }
0x36a: {  	s19 =	simm.s32 $0x0;
	s22 =	sadd.s32 $0x1000, s7;
	[tilespmem:s17+$0x50] =	vst.add.f32.msk $0xffff, v6  }
.LBB2_59:
0x36b: {  	s19 =	sadd.s32 $0x80, s19;
	[tilespmem:s17+$0x60] =	vst.add.f32.msk $0xffff, v0;
	s17 =	sshra.s32 s22, $0x2  }
0x36c: {  	v0 =	vld [tilespmem:s17+$0xE070];
	p0 =	slt.u32 s19, $0x380  }
0x36d: {  	v1 =	vld [tilespmem:s17+$0xE000]  }
0x36e: {  	v2 =	vld [tilespmem:s17+$0xE010]  }
0x36f: {  	v3 =	vld [tilespmem:s17+$0xE020]  }
0x370: {  	v4 =	vld [tilespmem:s17+$0xE030]  }
0x371: {  	[tilespmem:s17+$0x70] =	vst.add.f32.msk $0xffff, v0  }
0x372: {  	v5 =	vld [tilespmem:s17+$0xE040]  }
0x373: {  	v6 =	vld [tilespmem:s17+$0xE050]  }
0x374: {  	v0 =	vld [tilespmem:s17+$0xE060]  }
0x375: {  	[tilespmem:s17+$0x0] =	vst.add.f32.msk $0xffff, v1  }
.Ltmp28:
0x376: {  	[tilespmem:s17+$0x10] =	vst.add.f32.msk $0xffff, v2;
	(pc) =	sbr.rel @p0 .LBB2_59-.Ltmp28, $4  }
0x377: {  	[tilespmem:s17+$0x20] =	vst.add.f32.msk $0xffff, v3  }
0x378: {  	[tilespmem:s17+$0x30] =	vst.add.f32.msk $0xffff, v4  }
0x379: {  	[tilespmem:s17+$0x40] =	vst.add.f32.msk $0xffff, v5  }
0x37a: {  	s22 =	sadd.s32 $0x1000, s22;
	[tilespmem:s17+$0x50] =	vst.add.f32.msk $0xffff, v6  }
0x37b: {  	s8 =	sadd.s32 $0x1, s8  }
0x37c: {  	p0 =	sne.s32 s8, $0x8  }
.Ltmp29:
0x37d: {  	_ = 	snop;
	(pc) =	sbr.rel @p0 .LBB2_58-.Ltmp29, $2  }
0x37e: {  	_ =	sdelay $0x2  }
0x37f: {  	[tilespmem:s17+$0x60] =	vst.add.f32.msk $0xffff, v0;
	s7 =	sadd.s32 $0x200, s7  }
0x380: {  	_ =	swait.ge [sflag:s5], $0x2000  }
0x381: {  	s8 =	sld [smem:$0x7D6]  }
0x382: {  	[sflag:s5] =	ssyncset.done $0x0  }
0x383: {  	s7 =	simm.s32 $0x0;
	s19 =	sld [smem:$0x7D7];
	[sflag:s5] =	ssyncadd.s32 $0xFFFFE000  }
0x384: {  	[tilespmem:s21], [sflag:$0x7] =	stream.linear.gather [hbm4b:s8+s7], $0x2000, $0x38;
	[tilespmem:$0x1C000] =	vst v63  }
0x385: {  	s17 =	simm.s32 $0x1A000;
	s22 =	sld [smem:$0x7C6]  }
0x386: {  	[tilespmem:s17], [sflag:$0x7] =	stream.linear.gather [hbm4b:s19+s7], $0x2000, $0x38;
	[tilespmem:$0x1C000] =	vst v63  }
0x387: {  	_ = 	snop  }
0x388: {  	[hbm4b:s22+s7] =	stream.linear.scatter [tilespmem:s7], [sflag:$0x8], $0x2000, $0x38;
	[tilespmem:$0x1C000] =	vst v63  }
0x389: {  	_ =	swait.ge [sflag:s23], $0x2000  }
0x38a: {  	[sflag:s23] =	ssyncset.done $0x0  }
0x38b: {  	[sflag:s23] =	ssyncadd.s32 $0xFFFFE000  }
0x38c: {  	_ =	swait.ge [sflag:s23], $0x2000  }
0x38d: {  	[sflag:s23] =	ssyncset.done $0x0  }
0x38e: {  	s8 =	simm.s32 $0x0;
	[sflag:s23] =	ssyncadd.s32 $0xFFFFE000  }
.LBB2_62:
0x38f: {  	s17 =	sshra.s32 s7, $0x2  }
0x390: {  	v0 =	vld [tilespmem:s17+$0x10070]  }
0x391: {  	v1 =	vld [tilespmem:s17+$0x10000]  }
0x392: {  	v2 =	vld [tilespmem:s17+$0x10010]  }
0x393: {  	v3 =	vld [tilespmem:s17+$0x10020]  }
0x394: {  	v4 =	vld [tilespmem:s17+$0x10030]  }
0x395: {  	v5 =	vld [tilespmem:s17+$0x10040]  }
0x396: {  	v6 =	vld [tilespmem:s17+$0x10050]  }
0x397: {  	[tilespmem:s17+$0x2070] =	vst.add.f32.msk $0xffff, v0  }
0x398: {  	v0 =	vld [tilespmem:s17+$0x10060]  }
0x399: {  	[tilespmem:s17+$0x2000] =	vst.add.f32.msk $0xffff, v1  }
0x39a: {  	[tilespmem:s17+$0x2010] =	vst.add.f32.msk $0xffff, v2  }
0x39b: {  	[tilespmem:s17+$0x2020] =	vst.add.f32.msk $0xffff, v3  }
0x39c: {  	[tilespmem:s17+$0x2030] =	vst.add.f32.msk $0xffff, v4  }
0x39d: {  	[tilespmem:s17+$0x2040] =	vst.add.f32.msk $0xffff, v5  }
0x39e: {  	s19 =	simm.s32 $0x0;
	s22 =	sadd.s32 $0x1000, s7;
	[tilespmem:s17+$0x2050] =	vst.add.f32.msk $0xffff, v6  }
.LBB2_63:
0x39f: {  	s19 =	sadd.s32 $0x80, s19;
	[tilespmem:s17+$0x2060] =	vst.add.f32.msk $0xffff, v0;
	s17 =	sshra.s32 s22, $0x2  }
0x3a0: {  	v0 =	vld [tilespmem:s17+$0x10070];
	p0 =	slt.u32 s19, $0x380  }
0x3a1: {  	v1 =	vld [tilespmem:s17+$0x10000]  }
0x3a2: {  	v2 =	vld [tilespmem:s17+$0x10010]  }
0x3a3: {  	v3 =	vld [tilespmem:s17+$0x10020]  }
0x3a4: {  	v4 =	vld [tilespmem:s17+$0x10030]  }
0x3a5: {  	[tilespmem:s17+$0x2070] =	vst.add.f32.msk $0xffff, v0  }
0x3a6: {  	v5 =	vld [tilespmem:s17+$0x10040]  }
0x3a7: {  	v6 =	vld [tilespmem:s17+$0x10050]  }
0x3a8: {  	v0 =	vld [tilespmem:s17+$0x10060]  }
0x3a9: {  	[tilespmem:s17+$0x2000] =	vst.add.f32.msk $0xffff, v1  }
.Ltmp30:
0x3aa: {  	[tilespmem:s17+$0x2010] =	vst.add.f32.msk $0xffff, v2;
	(pc) =	sbr.rel @p0 .LBB2_63-.Ltmp30, $4  }
0x3ab: {  	[tilespmem:s17+$0x2020] =	vst.add.f32.msk $0xffff, v3  }
0x3ac: {  	[tilespmem:s17+$0x2030] =	vst.add.f32.msk $0xffff, v4  }
0x3ad: {  	[tilespmem:s17+$0x2040] =	vst.add.f32.msk $0xffff, v5  }
0x3ae: {  	s22 =	sadd.s32 $0x1000, s22;
	[tilespmem:s17+$0x2050] =	vst.add.f32.msk $0xffff, v6  }
0x3af: {  	s8 =	sadd.s32 $0x1, s8  }
0x3b0: {  	p0 =	sne.s32 s8, $0x8  }
.Ltmp31:
0x3b1: {  	_ = 	snop;
	(pc) =	sbr.rel @p0 .LBB2_62-.Ltmp31, $2  }
0x3b2: {  	_ =	sdelay $0x2  }
0x3b3: {  	[tilespmem:s17+$0x2060] =	vst.add.f32.msk $0xffff, v0;
	s7 =	sadd.s32 $0x200, s7  }
0x3b4: {  	_ =	swait.ge [sflag:s24], $0x2000  }
0x3b5: {  	s8 =	sld [smem:$0x7D9]  }
0x3b6: {  	[sflag:s24] =	ssyncset.done $0x0  }
0x3b7: {  	s7 =	simm.s32 $0x0;
	s19 =	sld [smem:$0x7DA];
	[sflag:s24] =	ssyncadd.s32 $0xFFFFE000  }
0x3b8: {  	[tilespmem:s7], [sflag:$0x1] =	stream.linear.gather [hbm4b:s8+s7], $0x2000, $0x38;
	[tilespmem:$0x1C000] =	vst v63  }
0x3b9: {  	s22 =	sld [smem:$0x7C9]  }
0x3ba: {  	[tilespmem:s9], [sflag:$0x1] =	stream.linear.gather [hbm4b:s19+s7], $0x2000, $0x38;
	[tilespmem:$0x1C000] =	vst v63  }
0x3bb: {  	_ = 	snop  }
0x3bc: {  	[hbm4b:s22+s7] =	stream.linear.scatter [tilespmem:s10], [sflag:$0x9], $0x2000, $0x38;
	[tilespmem:$0x1C000] =	vst v63  }
0x3bd: {  	_ =	swait.ge [sflag:s25], $0x2000  }
0x3be: {  	[sflag:s25] =	ssyncset.done $0x0  }
0x3bf: {  	[sflag:s25] =	ssyncadd.s32 $0xFFFFE000  }
0x3c0: {  	_ =	swait.ge [sflag:s25], $0x2000  }
0x3c1: {  	[sflag:s25] =	ssyncset.done $0x0  }
0x3c2: {  	s8 =	simm.s32 $0x0;
	[sflag:s25] =	ssyncadd.s32 $0xFFFFE000  }
.LBB2_66:
0x3c3: {  	s17 =	sshra.s32 s7, $0x2  }
0x3c4: {  	v0 =	vld [tilespmem:s17+$0x12070]  }
0x3c5: {  	v1 =	vld [tilespmem:s17+$0x12000]  }
0x3c6: {  	v2 =	vld [tilespmem:s17+$0x12010]  }
0x3c7: {  	v3 =	vld [tilespmem:s17+$0x12020]  }
0x3c8: {  	v4 =	vld [tilespmem:s17+$0x12030]  }
0x3c9: {  	v5 =	vld [tilespmem:s17+$0x12040]  }
0x3ca: {  	v6 =	vld [tilespmem:s17+$0x12050]  }
0x3cb: {  	[tilespmem:s17+$0x4070] =	vst.add.f32.msk $0xffff, v0  }
0x3cc: {  	v0 =	vld [tilespmem:s17+$0x12060]  }
0x3cd: {  	[tilespmem:s17+$0x4000] =	vst.add.f32.msk $0xffff, v1  }
0x3ce: {  	[tilespmem:s17+$0x4010] =	vst.add.f32.msk $0xffff, v2  }
0x3cf: {  	[tilespmem:s17+$0x4020] =	vst.add.f32.msk $0xffff, v3  }
0x3d0: {  	[tilespmem:s17+$0x4030] =	vst.add.f32.msk $0xffff, v4  }
0x3d1: {  	[tilespmem:s17+$0x4040] =	vst.add.f32.msk $0xffff, v5  }
0x3d2: {  	s19 =	simm.s32 $0x0;
	s22 =	sadd.s32 $0x1000, s7;
	[tilespmem:s17+$0x4050] =	vst.add.f32.msk $0xffff, v6  }
.LBB2_67:
0x3d3: {  	s19 =	sadd.s32 $0x80, s19;
	[tilespmem:s17+$0x4060] =	vst.add.f32.msk $0xffff, v0;
	s17 =	sshra.s32 s22, $0x2  }
0x3d4: {  	v0 =	vld [tilespmem:s17+$0x12070];
	p0 =	slt.u32 s19, $0x380  }
0x3d5: {  	v1 =	vld [tilespmem:s17+$0x12000]  }
0x3d6: {  	v2 =	vld [tilespmem:s17+$0x12010]  }
0x3d7: {  	v3 =	vld [tilespmem:s17+$0x12020]  }
0x3d8: {  	v4 =	vld [tilespmem:s17+$0x12030]  }
0x3d9: {  	[tilespmem:s17+$0x4070] =	vst.add.f32.msk $0xffff, v0  }
0x3da: {  	v5 =	vld [tilespmem:s17+$0x12040]  }
0x3db: {  	v6 =	vld [tilespmem:s17+$0x12050]  }
0x3dc: {  	v0 =	vld [tilespmem:s17+$0x12060]  }
0x3dd: {  	[tilespmem:s17+$0x4000] =	vst.add.f32.msk $0xffff, v1  }
.Ltmp32:
0x3de: {  	[tilespmem:s17+$0x4010] =	vst.add.f32.msk $0xffff, v2;
	(pc) =	sbr.rel @p0 .LBB2_67-.Ltmp32, $4  }
0x3df: {  	[tilespmem:s17+$0x4020] =	vst.add.f32.msk $0xffff, v3  }
0x3e0: {  	[tilespmem:s17+$0x4030] =	vst.add.f32.msk $0xffff, v4  }
0x3e1: {  	[tilespmem:s17+$0x4040] =	vst.add.f32.msk $0xffff, v5  }
0x3e2: {  	s22 =	sadd.s32 $0x1000, s22;
	[tilespmem:s17+$0x4050] =	vst.add.f32.msk $0xffff, v6  }
0x3e3: {  	s8 =	sadd.s32 $0x1, s8  }
0x3e4: {  	p0 =	sne.s32 s8, $0x8  }
.Ltmp33:
0x3e5: {  	_ = 	snop;
	(pc) =	sbr.rel @p0 .LBB2_66-.Ltmp33, $2  }
0x3e6: {  	_ =	sdelay $0x2  }
0x3e7: {  	[tilespmem:s17+$0x4060] =	vst.add.f32.msk $0xffff, v0;
	s7 =	sadd.s32 $0x200, s7  }
0x3e8: {  	_ =	swait.ge [sflag:s26], $0x2000  }
0x3e9: {  	s8 =	sld [smem:$0x7DC]  }
0x3ea: {  	[sflag:s26] =	ssyncset.done $0x0  }
0x3eb: {  	s7 =	simm.s32 $0x0;
	s19 =	sld [smem:$0x7DD];
	[sflag:s26] =	ssyncadd.s32 $0xFFFFE000  }
0x3ec: {  	[tilespmem:s10], [sflag:$0x2] =	stream.linear.gather [hbm4b:s8+s7], $0x2000, $0x38;
	[tilespmem:$0x1C000] =	vst v63  }
0x3ed: {  	s22 =	sld [smem:$0x7CC]  }
0x3ee: {  	[tilespmem:s11], [sflag:$0x2] =	stream.linear.gather [hbm4b:s19+s7], $0x2000, $0x38;
	[tilespmem:$0x1C000] =	vst v63  }
0x3ef: {  	_ = 	snop  }
0x3f0: {  	[hbm4b:s22+s7] =	stream.linear.scatter [tilespmem:s12], [sflag:$0xA], $0x2000, $0x38;
	[tilespmem:$0x1C000] =	vst v63  }
0x3f1: {  	_ =	swait.ge [sflag:s28], $0x2000  }
0x3f2: {  	[sflag:s28] =	ssyncset.done $0x0  }
0x3f3: {  	[sflag:s28] =	ssyncadd.s32 $0xFFFFE000  }
0x3f4: {  	_ =	swait.ge [sflag:s28], $0x2000  }
0x3f5: {  	[sflag:s28] =	ssyncset.done $0x0  }
0x3f6: {  	s8 =	simm.s32 $0x0;
	[sflag:s28] =	ssyncadd.s32 $0xFFFFE000  }
.LBB2_70:
0x3f7: {  	s17 =	sshra.s32 s7, $0x2  }
0x3f8: {  	v0 =	vld [tilespmem:s17+$0x14070]  }
0x3f9: {  	v1 =	vld [tilespmem:s17+$0x14000]  }
0x3fa: {  	v2 =	vld [tilespmem:s17+$0x14010]  }
0x3fb: {  	v3 =	vld [tilespmem:s17+$0x14020]  }
0x3fc: {  	v4 =	vld [tilespmem:s17+$0x14030]  }
0x3fd: {  	v5 =	vld [tilespmem:s17+$0x14040]  }
0x3fe: {  	v6 =	vld [tilespmem:s17+$0x14050]  }
0x3ff: {  	[tilespmem:s17+$0x6070] =	vst.add.f32.msk $0xffff, v0  }
0x400: {  	v0 =	vld [tilespmem:s17+$0x14060]  }
0x401: {  	[tilespmem:s17+$0x6000] =	vst.add.f32.msk $0xffff, v1  }
0x402: {  	[tilespmem:s17+$0x6010] =	vst.add.f32.msk $0xffff, v2  }
0x403: {  	[tilespmem:s17+$0x6020] =	vst.add.f32.msk $0xffff, v3  }
0x404: {  	[tilespmem:s17+$0x6030] =	vst.add.f32.msk $0xffff, v4  }
0x405: {  	[tilespmem:s17+$0x6040] =	vst.add.f32.msk $0xffff, v5  }
0x406: {  	s19 =	simm.s32 $0x0;
	s22 =	sadd.s32 $0x1000, s7;
	[tilespmem:s17+$0x6050] =	vst.add.f32.msk $0xffff, v6  }
.LBB2_71:
0x407: {  	s19 =	sadd.s32 $0x80, s19;
	[tilespmem:s17+$0x6060] =	vst.add.f32.msk $0xffff, v0;
	s17 =	sshra.s32 s22, $0x2  }
0x408: {  	v0 =	vld [tilespmem:s17+$0x14070];
	p0 =	slt.u32 s19, $0x380  }
0x409: {  	v1 =	vld [tilespmem:s17+$0x14000]  }
0x40a: {  	v2 =	vld [tilespmem:s17+$0x14010]  }
0x40b: {  	v3 =	vld [tilespmem:s17+$0x14020]  }
0x40c: {  	v4 =	vld [tilespmem:s17+$0x14030]  }
0x40d: {  	[tilespmem:s17+$0x6070] =	vst.add.f32.msk $0xffff, v0  }
0x40e: {  	v5 =	vld [tilespmem:s17+$0x14040]  }
0x40f: {  	v6 =	vld [tilespmem:s17+$0x14050]  }
0x410: {  	v0 =	vld [tilespmem:s17+$0x14060]  }
0x411: {  	[tilespmem:s17+$0x6000] =	vst.add.f32.msk $0xffff, v1  }
.Ltmp34:
0x412: {  	[tilespmem:s17+$0x6010] =	vst.add.f32.msk $0xffff, v2;
	(pc) =	sbr.rel @p0 .LBB2_71-.Ltmp34, $4  }
0x413: {  	[tilespmem:s17+$0x6020] =	vst.add.f32.msk $0xffff, v3  }
0x414: {  	[tilespmem:s17+$0x6030] =	vst.add.f32.msk $0xffff, v4  }
0x415: {  	[tilespmem:s17+$0x6040] =	vst.add.f32.msk $0xffff, v5  }
0x416: {  	s22 =	sadd.s32 $0x1000, s22;
	[tilespmem:s17+$0x6050] =	vst.add.f32.msk $0xffff, v6  }
0x417: {  	s8 =	sadd.s32 $0x1, s8  }
0x418: {  	p0 =	sne.s32 s8, $0x8  }
.Ltmp35:
0x419: {  	_ = 	snop;
	(pc) =	sbr.rel @p0 .LBB2_70-.Ltmp35, $2  }
0x41a: {  	_ =	sdelay $0x2  }
0x41b: {  	[tilespmem:s17+$0x6060] =	vst.add.f32.msk $0xffff, v0;
	s7 =	sadd.s32 $0x200, s7  }
0x41c: {  	_ =	swait.ge [sflag:s29], $0x2000  }
0x41d: {  	s8 =	sld [smem:$0x7DF]  }
0x41e: {  	[sflag:s29] =	ssyncset.done $0x0  }
0x41f: {  	s7 =	simm.s32 $0x0;
	s19 =	sld [smem:$0x7E0];
	[sflag:s29] =	ssyncadd.s32 $0xFFFFE000  }
0x420: {  	[tilespmem:s12], [sflag:$0x3] =	stream.linear.gather [hbm4b:s8+s7], $0x2000, $0x38;
	[tilespmem:$0x1C000] =	vst v63  }
0x421: {  	s22 =	sld [smem:$0x7CF]  }
0x422: {  	[tilespmem:s13], [sflag:$0x3] =	stream.linear.gather [hbm4b:s19+s7], $0x2000, $0x38;
	[tilespmem:$0x1C000] =	vst v63  }
0x423: {  	_ = 	snop  }
0x424: {  	[hbm4b:s22+s7] =	stream.linear.scatter [tilespmem:s14], [sflag:$0xB], $0x2000, $0x38;
	[tilespmem:$0x1C000] =	vst v63  }
0x425: {  	_ =	swait.ge [sflag:s30], $0x2000  }
0x426: {  	[sflag:s30] =	ssyncset.done $0x0  }
0x427: {  	[sflag:s30] =	ssyncadd.s32 $0xFFFFE000  }
0x428: {  	_ =	swait.ge [sflag:s30], $0x2000  }
0x429: {  	[sflag:s30] =	ssyncset.done $0x0  }
0x42a: {  	s8 =	simm.s32 $0x0;
	[sflag:s30] =	ssyncadd.s32 $0xFFFFE000  }
.LBB2_74:
0x42b: {  	s17 =	sshra.s32 s7, $0x2  }
0x42c: {  	v0 =	vld [tilespmem:s17+$0x16070]  }
0x42d: {  	v1 =	vld [tilespmem:s17+$0x16000]  }
0x42e: {  	v2 =	vld [tilespmem:s17+$0x16010]  }
0x42f: {  	v3 =	vld [tilespmem:s17+$0x16020]  }
0x430: {  	v4 =	vld [tilespmem:s17+$0x16030]  }
0x431: {  	v5 =	vld [tilespmem:s17+$0x16040]  }
0x432: {  	v6 =	vld [tilespmem:s17+$0x16050]  }
0x433: {  	[tilespmem:s17+$0x8070] =	vst.add.f32.msk $0xffff, v0  }
0x434: {  	v0 =	vld [tilespmem:s17+$0x16060]  }
0x435: {  	[tilespmem:s17+$0x8000] =	vst.add.f32.msk $0xffff, v1  }
0x436: {  	[tilespmem:s17+$0x8010] =	vst.add.f32.msk $0xffff, v2  }
0x437: {  	[tilespmem:s17+$0x8020] =	vst.add.f32.msk $0xffff, v3  }
0x438: {  	[tilespmem:s17+$0x8030] =	vst.add.f32.msk $0xffff, v4  }
0x439: {  	[tilespmem:s17+$0x8040] =	vst.add.f32.msk $0xffff, v5  }
0x43a: {  	s19 =	simm.s32 $0x0;
	s22 =	sadd.s32 $0x1000, s7;
	[tilespmem:s17+$0x8050] =	vst.add.f32.msk $0xffff, v6  }
.LBB2_75:
0x43b: {  	s19 =	sadd.s32 $0x80, s19;
	[tilespmem:s17+$0x8060] =	vst.add.f32.msk $0xffff, v0;
	s17 =	sshra.s32 s22, $0x2  }
0x43c: {  	v0 =	vld [tilespmem:s17+$0x16070];
	p0 =	slt.u32 s19, $0x380  }
0x43d: {  	v1 =	vld [tilespmem:s17+$0x16000]  }
0x43e: {  	v2 =	vld [tilespmem:s17+$0x16010]  }
0x43f: {  	v3 =	vld [tilespmem:s17+$0x16020]  }
0x440: {  	v4 =	vld [tilespmem:s17+$0x16030]  }
0x441: {  	[tilespmem:s17+$0x8070] =	vst.add.f32.msk $0xffff, v0  }
0x442: {  	v5 =	vld [tilespmem:s17+$0x16040]  }
0x443: {  	v6 =	vld [tilespmem:s17+$0x16050]  }
0x444: {  	v0 =	vld [tilespmem:s17+$0x16060]  }
0x445: {  	[tilespmem:s17+$0x8000] =	vst.add.f32.msk $0xffff, v1  }
.Ltmp36:
0x446: {  	[tilespmem:s17+$0x8010] =	vst.add.f32.msk $0xffff, v2;
	(pc) =	sbr.rel @p0 .LBB2_75-.Ltmp36, $4  }
0x447: {  	[tilespmem:s17+$0x8020] =	vst.add.f32.msk $0xffff, v3  }
0x448: {  	[tilespmem:s17+$0x8030] =	vst.add.f32.msk $0xffff, v4  }
0x449: {  	[tilespmem:s17+$0x8040] =	vst.add.f32.msk $0xffff, v5  }
0x44a: {  	s22 =	sadd.s32 $0x1000, s22;
	[tilespmem:s17+$0x8050] =	vst.add.f32.msk $0xffff, v6  }
0x44b: {  	s8 =	sadd.s32 $0x1, s8  }
0x44c: {  	p0 =	sne.s32 s8, $0x8  }
.Ltmp37:
0x44d: {  	_ = 	snop;
	(pc) =	sbr.rel @p0 .LBB2_74-.Ltmp37, $2  }
0x44e: {  	_ =	sdelay $0x2  }
0x44f: {  	[tilespmem:s17+$0x8060] =	vst.add.f32.msk $0xffff, v0;
	s7 =	sadd.s32 $0x200, s7  }
0x450: {  	_ =	swait.ge [sflag:s31], $0x2000  }
0x451: {  	s8 =	sld [smem:$0x7E2]  }
0x452: {  	[sflag:s31] =	ssyncset.done $0x0  }
0x453: {  	s7 =	simm.s32 $0x0;
	s19 =	sld [smem:$0x7E3];
	[sflag:s31] =	ssyncadd.s32 $0xFFFFE000  }
0x454: {  	[tilespmem:s14], [sflag:$0x4] =	stream.linear.gather [hbm4b:s8+s7], $0x2000, $0x38;
	[tilespmem:$0x1C000] =	vst v63  }
0x455: {  	s22 =	sld [smem:$0x7D2]  }
0x456: {  	[tilespmem:s15], [sflag:$0x4] =	stream.linear.gather [hbm4b:s19+s7], $0x2000, $0x38;
	[tilespmem:$0x1C000] =	vst v63  }
0x457: {  	_ = 	snop  }
0x458: {  	[hbm4b:s22+s7] =	stream.linear.scatter [tilespmem:s16], [sflag:$0xC], $0x2000, $0x38;
	[tilespmem:$0x1C000] =	vst v63  }
0x459: {  	_ =	swait.ge [sflag:s0], $0x2000  }
0x45a: {  	[sflag:s0] =	ssyncset.done $0x0  }
0x45b: {  	[sflag:s0] =	ssyncadd.s32 $0xFFFFE000  }
0x45c: {  	_ =	swait.ge [sflag:s0], $0x2000  }
0x45d: {  	[sflag:s0] =	ssyncset.done $0x0  }
0x45e: {  	s8 =	simm.s32 $0x0;
	[sflag:s0] =	ssyncadd.s32 $0xFFFFE000  }
.LBB2_78:
0x45f: {  	s17 =	sshra.s32 s7, $0x2  }
0x460: {  	v0 =	vld [tilespmem:s17+$0x18070]  }
0x461: {  	v1 =	vld [tilespmem:s17+$0x18000]  }
0x462: {  	v2 =	vld [tilespmem:s17+$0x18010]  }
0x463: {  	v3 =	vld [tilespmem:s17+$0x18020]  }
0x464: {  	v4 =	vld [tilespmem:s17+$0x18030]  }
0x465: {  	v5 =	vld [tilespmem:s17+$0x18040]  }
0x466: {  	v6 =	vld [tilespmem:s17+$0x18050]  }
0x467: {  	[tilespmem:s17+$0xA070] =	vst.add.f32.msk $0xffff, v0  }
0x468: {  	v0 =	vld [tilespmem:s17+$0x18060]  }
0x469: {  	[tilespmem:s17+$0xA000] =	vst.add.f32.msk $0xffff, v1  }
0x46a: {  	[tilespmem:s17+$0xA010] =	vst.add.f32.msk $0xffff, v2  }
0x46b: {  	[tilespmem:s17+$0xA020] =	vst.add.f32.msk $0xffff, v3  }
0x46c: {  	[tilespmem:s17+$0xA030] =	vst.add.f32.msk $0xffff, v4  }
0x46d: {  	[tilespmem:s17+$0xA040] =	vst.add.f32.msk $0xffff, v5  }
0x46e: {  	s19 =	simm.s32 $0x0;
	s22 =	sadd.s32 $0x1000, s7;
	[tilespmem:s17+$0xA050] =	vst.add.f32.msk $0xffff, v6  }
.LBB2_79:
0x46f: {  	s19 =	sadd.s32 $0x80, s19;
	[tilespmem:s17+$0xA060] =	vst.add.f32.msk $0xffff, v0;
	s17 =	sshra.s32 s22, $0x2  }
0x470: {  	v0 =	vld [tilespmem:s17+$0x18070];
	p0 =	slt.u32 s19, $0x380  }
0x471: {  	v1 =	vld [tilespmem:s17+$0x18000]  }
0x472: {  	v2 =	vld [tilespmem:s17+$0x18010]  }
0x473: {  	v3 =	vld [tilespmem:s17+$0x18020]  }
0x474: {  	v4 =	vld [tilespmem:s17+$0x18030]  }
0x475: {  	[tilespmem:s17+$0xA070] =	vst.add.f32.msk $0xffff, v0  }
0x476: {  	v5 =	vld [tilespmem:s17+$0x18040]  }
0x477: {  	v6 =	vld [tilespmem:s17+$0x18050]  }
0x478: {  	v0 =	vld [tilespmem:s17+$0x18060]  }
0x479: {  	[tilespmem:s17+$0xA000] =	vst.add.f32.msk $0xffff, v1  }
.Ltmp38:
0x47a: {  	[tilespmem:s17+$0xA010] =	vst.add.f32.msk $0xffff, v2;
	(pc) =	sbr.rel @p0 .LBB2_79-.Ltmp38, $4  }
0x47b: {  	[tilespmem:s17+$0xA020] =	vst.add.f32.msk $0xffff, v3  }
0x47c: {  	[tilespmem:s17+$0xA030] =	vst.add.f32.msk $0xffff, v4  }
0x47d: {  	[tilespmem:s17+$0xA040] =	vst.add.f32.msk $0xffff, v5  }
0x47e: {  	s22 =	sadd.s32 $0x1000, s22;
	[tilespmem:s17+$0xA050] =	vst.add.f32.msk $0xffff, v6  }
0x47f: {  	s8 =	sadd.s32 $0x1, s8  }
0x480: {  	p0 =	sne.s32 s8, $0x8  }
.Ltmp39:
0x481: {  	_ = 	snop;
	(pc) =	sbr.rel @p0 .LBB2_78-.Ltmp39, $2  }
0x482: {  	_ =	sdelay $0x2  }
0x483: {  	[tilespmem:s17+$0xA060] =	vst.add.f32.msk $0xffff, v0;
	s7 =	sadd.s32 $0x200, s7  }
0x484: {  	_ =	swait.ge [sflag:s2], $0x2000  }
0x485: {  	s8 =	sld [smem:$0x7E8]  }
0x486: {  	[sflag:s2] =	ssyncset.done $0x0  }
0x487: {  	s7 =	simm.s32 $0x0;
	s19 =	sld [smem:$0x7EF];
	[sflag:s2] =	ssyncadd.s32 $0xFFFFE000  }
0x488: {  	[tilespmem:s16], [sflag:$0x5] =	stream.linear.gather [hbm4b:s8+s7], $0x2000, $0x38;
	[tilespmem:$0x1C000] =	vst v63  }
0x489: {  	s17 =	simm.s32 $0x16000;
	s22 =	sld [smem:$0x7D5]  }
0x48a: {  	[tilespmem:s17], [sflag:$0x5] =	stream.linear.gather [hbm4b:s19+s7], $0x2000, $0x38;
	[tilespmem:$0x1C000] =	vst v63  }
0x48b: {  	_ = 	snop  }
0x48c: {  	[hbm4b:s22+s7] =	stream.linear.scatter [tilespmem:s18], [sflag:$0xD], $0x2000, $0x38;
	[tilespmem:$0x1C000] =	vst v63  }
0x48d: {  	_ =	swait.ge [sflag:s3], $0x2000  }
0x48e: {  	[sflag:s3] =	ssyncset.done $0x0  }
0x48f: {  	[sflag:s3] =	ssyncadd.s32 $0xFFFFE000  }
0x490: {  	_ =	swait.ge [sflag:s3], $0x2000  }
0x491: {  	[sflag:s3] =	ssyncset.done $0x0  }
0x492: {  	s8 =	simm.s32 $0x0;
	[sflag:s3] =	ssyncadd.s32 $0xFFFFE000  }
.LBB2_82:
0x493: {  	s17 =	sshra.s32 s7, $0x2  }
0x494: {  	v0 =	vld [tilespmem:s17+$0x1A070]  }
0x495: {  	v1 =	vld [tilespmem:s17+$0x1A000]  }
0x496: {  	v2 =	vld [tilespmem:s17+$0x1A010]  }
0x497: {  	v3 =	vld [tilespmem:s17+$0x1A020]  }
0x498: {  	v4 =	vld [tilespmem:s17+$0x1A030]  }
0x499: {  	v5 =	vld [tilespmem:s17+$0x1A040]  }
0x49a: {  	v6 =	vld [tilespmem:s17+$0x1A050]  }
0x49b: {  	[tilespmem:s17+$0xC070] =	vst.add.f32.msk $0xffff, v0  }
0x49c: {  	v0 =	vld [tilespmem:s17+$0x1A060]  }
0x49d: {  	[tilespmem:s17+$0xC000] =	vst.add.f32.msk $0xffff, v1  }
0x49e: {  	[tilespmem:s17+$0xC010] =	vst.add.f32.msk $0xffff, v2  }
0x49f: {  	[tilespmem:s17+$0xC020] =	vst.add.f32.msk $0xffff, v3  }
0x4a0: {  	[tilespmem:s17+$0xC030] =	vst.add.f32.msk $0xffff, v4  }
0x4a1: {  	[tilespmem:s17+$0xC040] =	vst.add.f32.msk $0xffff, v5  }
0x4a2: {  	s19 =	simm.s32 $0x0;
	s22 =	sadd.s32 $0x1000, s7;
	[tilespmem:s17+$0xC050] =	vst.add.f32.msk $0xffff, v6  }
.LBB2_83:
0x4a3: {  	s19 =	sadd.s32 $0x80, s19;
	[tilespmem:s17+$0xC060] =	vst.add.f32.msk $0xffff, v0;
	s17 =	sshra.s32 s22, $0x2  }
0x4a4: {  	v0 =	vld [tilespmem:s17+$0x1A070];
	p0 =	slt.u32 s19, $0x380  }
0x4a5: {  	v1 =	vld [tilespmem:s17+$0x1A000]  }
0x4a6: {  	v2 =	vld [tilespmem:s17+$0x1A010]  }
0x4a7: {  	v3 =	vld [tilespmem:s17+$0x1A020]  }
0x4a8: {  	v4 =	vld [tilespmem:s17+$0x1A030]  }
0x4a9: {  	[tilespmem:s17+$0xC070] =	vst.add.f32.msk $0xffff, v0  }
0x4aa: {  	v5 =	vld [tilespmem:s17+$0x1A040]  }
0x4ab: {  	v6 =	vld [tilespmem:s17+$0x1A050]  }
0x4ac: {  	v0 =	vld [tilespmem:s17+$0x1A060]  }
0x4ad: {  	[tilespmem:s17+$0xC000] =	vst.add.f32.msk $0xffff, v1  }
.Ltmp40:
0x4ae: {  	[tilespmem:s17+$0xC010] =	vst.add.f32.msk $0xffff, v2;
	(pc) =	sbr.rel @p0 .LBB2_83-.Ltmp40, $4  }
0x4af: {  	[tilespmem:s17+$0xC020] =	vst.add.f32.msk $0xffff, v3  }
0x4b0: {  	[tilespmem:s17+$0xC030] =	vst.add.f32.msk $0xffff, v4  }
0x4b1: {  	[tilespmem:s17+$0xC040] =	vst.add.f32.msk $0xffff, v5  }
0x4b2: {  	s22 =	sadd.s32 $0x1000, s22;
	[tilespmem:s17+$0xC050] =	vst.add.f32.msk $0xffff, v6  }
0x4b3: {  	s8 =	sadd.s32 $0x1, s8  }
0x4b4: {  	p0 =	sne.s32 s8, $0x8  }
.Ltmp41:
0x4b5: {  	_ = 	snop;
	(pc) =	sbr.rel @p0 .LBB2_82-.Ltmp41, $2  }
0x4b6: {  	_ =	sdelay $0x2  }
0x4b7: {  	[tilespmem:s17+$0xC060] =	vst.add.f32.msk $0xffff, v0;
	s7 =	sadd.s32 $0x200, s7  }
0x4b8: {  	_ =	swait.ge [sflag:s4], $0x2000  }
0x4b9: {  	s8 =	sld [smem:$0x7E9]  }
0x4ba: {  	[sflag:s4] =	ssyncset.done $0x0  }
0x4bb: {  	s7 =	simm.s32 $0x0;
	s19 =	sld [smem:$0x7F0];
	[sflag:s4] =	ssyncadd.s32 $0xFFFFE000  }
0x4bc: {  	[tilespmem:s18], [sflag:$0x6] =	stream.linear.gather [hbm4b:s8+s7], $0x2000, $0x38;
	[tilespmem:$0x1C000] =	vst v63  }
0x4bd: {  	s17 =	simm.s32 $0x18000;
	s22 =	sld [smem:$0x7D8]  }
0x4be: {  	[tilespmem:s17], [sflag:$0x6] =	stream.linear.gather [hbm4b:s19+s7], $0x2000, $0x38;
	[tilespmem:$0x1C000] =	vst v63  }
0x4bf: {  	_ = 	snop  }
0x4c0: {  	[hbm4b:s22+s7] =	stream.linear.scatter [tilespmem:s21], [sflag:$0xE], $0x2000, $0x38;
	[tilespmem:$0x1C000] =	vst v63  }
0x4c1: {  	_ =	swait.ge [sflag:s20], $0x2000  }
0x4c2: {  	[sflag:s20] =	ssyncset.done $0x0  }
0x4c3: {  	[sflag:s20] =	ssyncadd.s32 $0xFFFFE000  }
0x4c4: {  	_ =	swait.ge [sflag:s20], $0x2000  }
0x4c5: {  	[sflag:s20] =	ssyncset.done $0x0  }
0x4c6: {  	s8 =	simm.s32 $0x0;
	[sflag:s20] =	ssyncadd.s32 $0xFFFFE000  }
.LBB2_86:
0x4c7: {  	s17 =	sshra.s32 s7, $0x2  }
0x4c8: {  	v0 =	vld [tilespmem:s17+$0xE070]  }
0x4c9: {  	v1 =	vld [tilespmem:s17+$0xE000]  }
0x4ca: {  	v2 =	vld [tilespmem:s17+$0xE010]  }
0x4cb: {  	v3 =	vld [tilespmem:s17+$0xE020]  }
0x4cc: {  	v4 =	vld [tilespmem:s17+$0xE030]  }
0x4cd: {  	v5 =	vld [tilespmem:s17+$0xE040]  }
0x4ce: {  	v6 =	vld [tilespmem:s17+$0xE050]  }
0x4cf: {  	[tilespmem:s17+$0x70] =	vst.add.f32.msk $0xffff, v0  }
0x4d0: {  	v0 =	vld [tilespmem:s17+$0xE060]  }
0x4d1: {  	[tilespmem:s17+$0x0] =	vst.add.f32.msk $0xffff, v1  }
0x4d2: {  	[tilespmem:s17+$0x10] =	vst.add.f32.msk $0xffff, v2  }
0x4d3: {  	[tilespmem:s17+$0x20] =	vst.add.f32.msk $0xffff, v3  }
0x4d4: {  	[tilespmem:s17+$0x30] =	vst.add.f32.msk $0xffff, v4  }
0x4d5: {  	[tilespmem:s17+$0x40] =	vst.add.f32.msk $0xffff, v5  }
0x4d6: {  	s19 =	simm.s32 $0x0;
	s22 =	sadd.s32 $0x1000, s7;
	[tilespmem:s17+$0x50] =	vst.add.f32.msk $0xffff, v6  }
.LBB2_87:
0x4d7: {  	s19 =	sadd.s32 $0x80, s19;
	[tilespmem:s17+$0x60] =	vst.add.f32.msk $0xffff, v0;
	s17 =	sshra.s32 s22, $0x2  }
0x4d8: {  	v0 =	vld [tilespmem:s17+$0xE070];
	p0 =	slt.u32 s19, $0x380  }
0x4d9: {  	v1 =	vld [tilespmem:s17+$0xE000]  }
0x4da: {  	v2 =	vld [tilespmem:s17+$0xE010]  }
0x4db: {  	v3 =	vld [tilespmem:s17+$0xE020]  }
0x4dc: {  	v4 =	vld [tilespmem:s17+$0xE030]  }
0x4dd: {  	[tilespmem:s17+$0x70] =	vst.add.f32.msk $0xffff, v0  }
0x4de: {  	v5 =	vld [tilespmem:s17+$0xE040]  }
0x4df: {  	v6 =	vld [tilespmem:s17+$0xE050]  }
0x4e0: {  	v0 =	vld [tilespmem:s17+$0xE060]  }
0x4e1: {  	[tilespmem:s17+$0x0] =	vst.add.f32.msk $0xffff, v1  }
.Ltmp42:
0x4e2: {  	[tilespmem:s17+$0x10] =	vst.add.f32.msk $0xffff, v2;
	(pc) =	sbr.rel @p0 .LBB2_87-.Ltmp42, $4  }
0x4e3: {  	[tilespmem:s17+$0x20] =	vst.add.f32.msk $0xffff, v3  }
0x4e4: {  	[tilespmem:s17+$0x30] =	vst.add.f32.msk $0xffff, v4  }
0x4e5: {  	[tilespmem:s17+$0x40] =	vst.add.f32.msk $0xffff, v5  }
0x4e6: {  	s22 =	sadd.s32 $0x1000, s22;
	[tilespmem:s17+$0x50] =	vst.add.f32.msk $0xffff, v6  }
0x4e7: {  	s8 =	sadd.s32 $0x1, s8  }
0x4e8: {  	p0 =	sne.s32 s8, $0x8  }
.Ltmp43:
0x4e9: {  	_ = 	snop;
	(pc) =	sbr.rel @p0 .LBB2_86-.Ltmp43, $2  }
0x4ea: {  	_ =	sdelay $0x2  }
0x4eb: {  	[tilespmem:s17+$0x60] =	vst.add.f32.msk $0xffff, v0;
	s7 =	sadd.s32 $0x200, s7  }
0x4ec: {  	_ =	swait.ge [sflag:s5], $0x2000  }
0x4ed: {  	s8 =	sld [smem:$0x7EA]  }
0x4ee: {  	[sflag:s5] =	ssyncset.done $0x0  }
0x4ef: {  	s7 =	simm.s32 $0x0;
	s19 =	sld [smem:$0x7F1];
	[sflag:s5] =	ssyncadd.s32 $0xFFFFE000  }
0x4f0: {  	[tilespmem:s21], [sflag:$0x7] =	stream.linear.gather [hbm4b:s8+s7], $0x2000, $0x38;
	[tilespmem:$0x1C000] =	vst v63  }
0x4f1: {  	s17 =	simm.s32 $0x1A000;
	s22 =	sld [smem:$0x7DB]  }
0x4f2: {  	[tilespmem:s17], [sflag:$0x7] =	stream.linear.gather [hbm4b:s19+s7], $0x2000, $0x38;
	[tilespmem:$0x1C000] =	vst v63  }
0x4f3: {  	_ = 	snop  }
0x4f4: {  	[hbm4b:s22+s7] =	stream.linear.scatter [tilespmem:s7], [sflag:$0x8], $0x2000, $0x38;
	[tilespmem:$0x1C000] =	vst v63  }
0x4f5: {  	_ =	swait.ge [sflag:s23], $0x2000  }
0x4f6: {  	[sflag:s23] =	ssyncset.done $0x0  }
0x4f7: {  	[sflag:s23] =	ssyncadd.s32 $0xFFFFE000  }
0x4f8: {  	_ =	swait.ge [sflag:s23], $0x2000  }
0x4f9: {  	[sflag:s23] =	ssyncset.done $0x0  }
0x4fa: {  	s8 =	simm.s32 $0x0;
	[sflag:s23] =	ssyncadd.s32 $0xFFFFE000  }
.LBB2_90:
0x4fb: {  	s17 =	sshra.s32 s7, $0x2  }
0x4fc: {  	v0 =	vld [tilespmem:s17+$0x10070]  }
0x4fd: {  	v1 =	vld [tilespmem:s17+$0x10000]  }
0x4fe: {  	v2 =	vld [tilespmem:s17+$0x10010]  }
0x4ff: {  	v3 =	vld [tilespmem:s17+$0x10020]  }
0x500: {  	v4 =	vld [tilespmem:s17+$0x10030]  }
0x501: {  	v5 =	vld [tilespmem:s17+$0x10040]  }
0x502: {  	v6 =	vld [tilespmem:s17+$0x10050]  }
0x503: {  	[tilespmem:s17+$0x2070] =	vst.add.f32.msk $0xffff, v0  }
0x504: {  	v0 =	vld [tilespmem:s17+$0x10060]  }
0x505: {  	[tilespmem:s17+$0x2000] =	vst.add.f32.msk $0xffff, v1  }
0x506: {  	[tilespmem:s17+$0x2010] =	vst.add.f32.msk $0xffff, v2  }
0x507: {  	[tilespmem:s17+$0x2020] =	vst.add.f32.msk $0xffff, v3  }
0x508: {  	[tilespmem:s17+$0x2030] =	vst.add.f32.msk $0xffff, v4  }
0x509: {  	[tilespmem:s17+$0x2040] =	vst.add.f32.msk $0xffff, v5  }
0x50a: {  	s19 =	simm.s32 $0x0;
	s22 =	sadd.s32 $0x1000, s7;
	[tilespmem:s17+$0x2050] =	vst.add.f32.msk $0xffff, v6  }
.LBB2_91:
0x50b: {  	s19 =	sadd.s32 $0x80, s19;
	[tilespmem:s17+$0x2060] =	vst.add.f32.msk $0xffff, v0;
	s17 =	sshra.s32 s22, $0x2  }
0x50c: {  	v0 =	vld [tilespmem:s17+$0x10070];
	p0 =	slt.u32 s19, $0x380  }
0x50d: {  	v1 =	vld [tilespmem:s17+$0x10000]  }
0x50e: {  	v2 =	vld [tilespmem:s17+$0x10010]  }
0x50f: {  	v3 =	vld [tilespmem:s17+$0x10020]  }
0x510: {  	v4 =	vld [tilespmem:s17+$0x10030]  }
0x511: {  	[tilespmem:s17+$0x2070] =	vst.add.f32.msk $0xffff, v0  }
0x512: {  	v5 =	vld [tilespmem:s17+$0x10040]  }
0x513: {  	v6 =	vld [tilespmem:s17+$0x10050]  }
0x514: {  	v0 =	vld [tilespmem:s17+$0x10060]  }
0x515: {  	[tilespmem:s17+$0x2000] =	vst.add.f32.msk $0xffff, v1  }
.Ltmp44:
0x516: {  	[tilespmem:s17+$0x2010] =	vst.add.f32.msk $0xffff, v2;
	(pc) =	sbr.rel @p0 .LBB2_91-.Ltmp44, $4  }
0x517: {  	[tilespmem:s17+$0x2020] =	vst.add.f32.msk $0xffff, v3  }
0x518: {  	[tilespmem:s17+$0x2030] =	vst.add.f32.msk $0xffff, v4  }
0x519: {  	[tilespmem:s17+$0x2040] =	vst.add.f32.msk $0xffff, v5  }
0x51a: {  	s22 =	sadd.s32 $0x1000, s22;
	[tilespmem:s17+$0x2050] =	vst.add.f32.msk $0xffff, v6  }
0x51b: {  	s8 =	sadd.s32 $0x1, s8  }
0x51c: {  	p0 =	sne.s32 s8, $0x8  }
.Ltmp45:
0x51d: {  	_ = 	snop;
	(pc) =	sbr.rel @p0 .LBB2_90-.Ltmp45, $2  }
0x51e: {  	_ =	sdelay $0x2  }
0x51f: {  	[tilespmem:s17+$0x2060] =	vst.add.f32.msk $0xffff, v0;
	s7 =	sadd.s32 $0x200, s7  }
0x520: {  	_ =	swait.ge [sflag:s24], $0x2000  }
0x521: {  	s8 =	sld [smem:$0x7EB]  }
0x522: {  	[sflag:s24] =	ssyncset.done $0x0  }
0x523: {  	s7 =	simm.s32 $0x0;
	s19 =	sld [smem:$0x7F2];
	[sflag:s24] =	ssyncadd.s32 $0xFFFFE000  }
0x524: {  	[tilespmem:s7], [sflag:$0x1] =	stream.linear.gather [hbm4b:s8+s7], $0x2000, $0x38;
	[tilespmem:$0x1C000] =	vst v63  }
0x525: {  	s22 =	sld [smem:$0x7DE]  }
0x526: {  	[tilespmem:s9], [sflag:$0x1] =	stream.linear.gather [hbm4b:s19+s7], $0x2000, $0x38;
	[tilespmem:$0x1C000] =	vst v63  }
0x527: {  	_ = 	snop  }
0x528: {  	[hbm4b:s22+s7] =	stream.linear.scatter [tilespmem:s10], [sflag:$0x9], $0x2000, $0x38;
	[tilespmem:$0x1C000] =	vst v63  }
0x529: {  	_ =	swait.ge [sflag:s25], $0x2000  }
0x52a: {  	[sflag:s25] =	ssyncset.done $0x0  }
0x52b: {  	[sflag:s25] =	ssyncadd.s32 $0xFFFFE000  }
0x52c: {  	_ =	swait.ge [sflag:s25], $0x2000  }
0x52d: {  	[sflag:s25] =	ssyncset.done $0x0  }
0x52e: {  	s8 =	simm.s32 $0x0;
	[sflag:s25] =	ssyncadd.s32 $0xFFFFE000  }
.LBB2_94:
0x52f: {  	s17 =	sshra.s32 s7, $0x2  }
0x530: {  	v0 =	vld [tilespmem:s17+$0x12070]  }
0x531: {  	v1 =	vld [tilespmem:s17+$0x12000]  }
0x532: {  	v2 =	vld [tilespmem:s17+$0x12010]  }
0x533: {  	v3 =	vld [tilespmem:s17+$0x12020]  }
0x534: {  	v4 =	vld [tilespmem:s17+$0x12030]  }
0x535: {  	v5 =	vld [tilespmem:s17+$0x12040]  }
0x536: {  	v6 =	vld [tilespmem:s17+$0x12050]  }
0x537: {  	[tilespmem:s17+$0x4070] =	vst.add.f32.msk $0xffff, v0  }
0x538: {  	v0 =	vld [tilespmem:s17+$0x12060]  }
0x539: {  	[tilespmem:s17+$0x4000] =	vst.add.f32.msk $0xffff, v1  }
0x53a: {  	[tilespmem:s17+$0x4010] =	vst.add.f32.msk $0xffff, v2  }
0x53b: {  	[tilespmem:s17+$0x4020] =	vst.add.f32.msk $0xffff, v3  }
0x53c: {  	[tilespmem:s17+$0x4030] =	vst.add.f32.msk $0xffff, v4  }
0x53d: {  	[tilespmem:s17+$0x4040] =	vst.add.f32.msk $0xffff, v5  }
0x53e: {  	s19 =	simm.s32 $0x0;
	s22 =	sadd.s32 $0x1000, s7;
	[tilespmem:s17+$0x4050] =	vst.add.f32.msk $0xffff, v6  }
.LBB2_95:
0x53f: {  	s19 =	sadd.s32 $0x80, s19;
	[tilespmem:s17+$0x4060] =	vst.add.f32.msk $0xffff, v0;
	s17 =	sshra.s32 s22, $0x2  }
0x540: {  	v0 =	vld [tilespmem:s17+$0x12070];
	p0 =	slt.u32 s19, $0x380  }
0x541: {  	v1 =	vld [tilespmem:s17+$0x12000]  }
0x542: {  	v2 =	vld [tilespmem:s17+$0x12010]  }
0x543: {  	v3 =	vld [tilespmem:s17+$0x12020]  }
0x544: {  	v4 =	vld [tilespmem:s17+$0x12030]  }
0x545: {  	[tilespmem:s17+$0x4070] =	vst.add.f32.msk $0xffff, v0  }
0x546: {  	v5 =	vld [tilespmem:s17+$0x12040]  }
0x547: {  	v6 =	vld [tilespmem:s17+$0x12050]  }
0x548: {  	v0 =	vld [tilespmem:s17+$0x12060]  }
0x549: {  	[tilespmem:s17+$0x4000] =	vst.add.f32.msk $0xffff, v1  }
.Ltmp46:
0x54a: {  	[tilespmem:s17+$0x4010] =	vst.add.f32.msk $0xffff, v2;
	(pc) =	sbr.rel @p0 .LBB2_95-.Ltmp46, $4  }
0x54b: {  	[tilespmem:s17+$0x4020] =	vst.add.f32.msk $0xffff, v3  }
0x54c: {  	[tilespmem:s17+$0x4030] =	vst.add.f32.msk $0xffff, v4  }
0x54d: {  	[tilespmem:s17+$0x4040] =	vst.add.f32.msk $0xffff, v5  }
0x54e: {  	s22 =	sadd.s32 $0x1000, s22;
	[tilespmem:s17+$0x4050] =	vst.add.f32.msk $0xffff, v6  }
0x54f: {  	s8 =	sadd.s32 $0x1, s8  }
0x550: {  	p0 =	sne.s32 s8, $0x8  }
.Ltmp47:
0x551: {  	_ = 	snop;
	(pc) =	sbr.rel @p0 .LBB2_94-.Ltmp47, $2  }
0x552: {  	_ =	sdelay $0x2  }
0x553: {  	[tilespmem:s17+$0x4060] =	vst.add.f32.msk $0xffff, v0;
	s7 =	sadd.s32 $0x200, s7  }
0x554: {  	_ =	swait.ge [sflag:s26], $0x2000  }
0x555: {  	s8 =	sld [smem:$0x7EC]  }
0x556: {  	[sflag:s26] =	ssyncset.done $0x0  }
0x557: {  	s7 =	simm.s32 $0x0;
	s19 =	sld [smem:$0x7F3];
	[sflag:s26] =	ssyncadd.s32 $0xFFFFE000  }
0x558: {  	[tilespmem:s10], [sflag:$0x2] =	stream.linear.gather [hbm4b:s8+s7], $0x2000, $0x38;
	[tilespmem:$0x1C000] =	vst v63  }
0x559: {  	s22 =	sld [smem:$0x7E1]  }
0x55a: {  	[tilespmem:s11], [sflag:$0x2] =	stream.linear.gather [hbm4b:s19+s7], $0x2000, $0x38;
	[tilespmem:$0x1C000] =	vst v63  }
0x55b: {  	_ = 	snop  }
0x55c: {  	[hbm4b:s22+s7] =	stream.linear.scatter [tilespmem:s12], [sflag:$0xA], $0x2000, $0x38;
	[tilespmem:$0x1C000] =	vst v63  }
0x55d: {  	_ =	swait.ge [sflag:s28], $0x2000  }
0x55e: {  	[sflag:s28] =	ssyncset.done $0x0  }
0x55f: {  	[sflag:s28] =	ssyncadd.s32 $0xFFFFE000  }
0x560: {  	_ =	swait.ge [sflag:s28], $0x2000  }
0x561: {  	[sflag:s28] =	ssyncset.done $0x0  }
0x562: {  	s8 =	simm.s32 $0x0;
	[sflag:s28] =	ssyncadd.s32 $0xFFFFE000  }
.LBB2_98:
0x563: {  	s17 =	sshra.s32 s7, $0x2  }
0x564: {  	v0 =	vld [tilespmem:s17+$0x14070]  }
0x565: {  	v1 =	vld [tilespmem:s17+$0x14000]  }
0x566: {  	v2 =	vld [tilespmem:s17+$0x14010]  }
0x567: {  	v3 =	vld [tilespmem:s17+$0x14020]  }
0x568: {  	v4 =	vld [tilespmem:s17+$0x14030]  }
0x569: {  	v5 =	vld [tilespmem:s17+$0x14040]  }
0x56a: {  	v6 =	vld [tilespmem:s17+$0x14050]  }
0x56b: {  	[tilespmem:s17+$0x6070] =	vst.add.f32.msk $0xffff, v0  }
0x56c: {  	v0 =	vld [tilespmem:s17+$0x14060]  }
0x56d: {  	[tilespmem:s17+$0x6000] =	vst.add.f32.msk $0xffff, v1  }
0x56e: {  	[tilespmem:s17+$0x6010] =	vst.add.f32.msk $0xffff, v2  }
0x56f: {  	[tilespmem:s17+$0x6020] =	vst.add.f32.msk $0xffff, v3  }
0x570: {  	[tilespmem:s17+$0x6030] =	vst.add.f32.msk $0xffff, v4  }
0x571: {  	[tilespmem:s17+$0x6040] =	vst.add.f32.msk $0xffff, v5  }
0x572: {  	s19 =	simm.s32 $0x0;
	s22 =	sadd.s32 $0x1000, s7;
	[tilespmem:s17+$0x6050] =	vst.add.f32.msk $0xffff, v6  }
.LBB2_99:
0x573: {  	s19 =	sadd.s32 $0x80, s19;
	[tilespmem:s17+$0x6060] =	vst.add.f32.msk $0xffff, v0;
	s17 =	sshra.s32 s22, $0x2  }
0x574: {  	v0 =	vld [tilespmem:s17+$0x14070];
	p0 =	slt.u32 s19, $0x380  }
0x575: {  	v1 =	vld [tilespmem:s17+$0x14000]  }
0x576: {  	v2 =	vld [tilespmem:s17+$0x14010]  }
0x577: {  	v3 =	vld [tilespmem:s17+$0x14020]  }
0x578: {  	v4 =	vld [tilespmem:s17+$0x14030]  }
0x579: {  	[tilespmem:s17+$0x6070] =	vst.add.f32.msk $0xffff, v0  }
0x57a: {  	v5 =	vld [tilespmem:s17+$0x14040]  }
0x57b: {  	v6 =	vld [tilespmem:s17+$0x14050]  }
0x57c: {  	v0 =	vld [tilespmem:s17+$0x14060]  }
0x57d: {  	[tilespmem:s17+$0x6000] =	vst.add.f32.msk $0xffff, v1  }
.Ltmp48:
0x57e: {  	[tilespmem:s17+$0x6010] =	vst.add.f32.msk $0xffff, v2;
	(pc) =	sbr.rel @p0 .LBB2_99-.Ltmp48, $4  }
0x57f: {  	[tilespmem:s17+$0x6020] =	vst.add.f32.msk $0xffff, v3  }
0x580: {  	[tilespmem:s17+$0x6030] =	vst.add.f32.msk $0xffff, v4  }
0x581: {  	[tilespmem:s17+$0x6040] =	vst.add.f32.msk $0xffff, v5  }
0x582: {  	s22 =	sadd.s32 $0x1000, s22;
	[tilespmem:s17+$0x6050] =	vst.add.f32.msk $0xffff, v6  }
0x583: {  	s8 =	sadd.s32 $0x1, s8  }
0x584: {  	p0 =	sne.s32 s8, $0x8  }
.Ltmp49:
0x585: {  	_ = 	snop;
	(pc) =	sbr.rel @p0 .LBB2_98-.Ltmp49, $2  }
0x586: {  	_ =	sdelay $0x2  }
0x587: {  	[tilespmem:s17+$0x6060] =	vst.add.f32.msk $0xffff, v0;
	s7 =	sadd.s32 $0x200, s7  }
0x588: {  	_ =	swait.ge [sflag:s29], $0x2000  }
0x589: {  	s8 =	sld [smem:$0x7ED]  }
0x58a: {  	[sflag:s29] =	ssyncset.done $0x0  }
0x58b: {  	s7 =	simm.s32 $0x0;
	s19 =	sld [smem:$0x7F4];
	[sflag:s29] =	ssyncadd.s32 $0xFFFFE000  }
0x58c: {  	[tilespmem:s12], [sflag:$0x3] =	stream.linear.gather [hbm4b:s8+s7], $0x2000, $0x38;
	[tilespmem:$0x1C000] =	vst v63  }
0x58d: {  	s22 =	sld [smem:$0x7E4]  }
0x58e: {  	[tilespmem:s13], [sflag:$0x3] =	stream.linear.gather [hbm4b:s19+s7], $0x2000, $0x38;
	[tilespmem:$0x1C000] =	vst v63  }
0x58f: {  	_ = 	snop  }
0x590: {  	[hbm4b:s22+s7] =	stream.linear.scatter [tilespmem:s14], [sflag:$0xB], $0x2000, $0x38;
	[tilespmem:$0x1C000] =	vst v63  }
0x591: {  	_ =	swait.ge [sflag:s30], $0x2000  }
0x592: {  	[sflag:s30] =	ssyncset.done $0x0  }
0x593: {  	[sflag:s30] =	ssyncadd.s32 $0xFFFFE000  }
0x594: {  	_ =	swait.ge [sflag:s30], $0x2000  }
0x595: {  	[sflag:s30] =	ssyncset.done $0x0  }
0x596: {  	s8 =	simm.s32 $0x0;
	[sflag:s30] =	ssyncadd.s32 $0xFFFFE000  }
.LBB2_102:
0x597: {  	s17 =	sshra.s32 s7, $0x2  }
0x598: {  	v0 =	vld [tilespmem:s17+$0x16070]  }
0x599: {  	v1 =	vld [tilespmem:s17+$0x16000]  }
0x59a: {  	v2 =	vld [tilespmem:s17+$0x16010]  }
0x59b: {  	v3 =	vld [tilespmem:s17+$0x16020]  }
0x59c: {  	v4 =	vld [tilespmem:s17+$0x16030]  }
0x59d: {  	v5 =	vld [tilespmem:s17+$0x16040]  }
0x59e: {  	v6 =	vld [tilespmem:s17+$0x16050]  }
0x59f: {  	[tilespmem:s17+$0x8070] =	vst.add.f32.msk $0xffff, v0  }
0x5a0: {  	v0 =	vld [tilespmem:s17+$0x16060]  }
0x5a1: {  	[tilespmem:s17+$0x8000] =	vst.add.f32.msk $0xffff, v1  }
0x5a2: {  	[tilespmem:s17+$0x8010] =	vst.add.f32.msk $0xffff, v2  }
0x5a3: {  	[tilespmem:s17+$0x8020] =	vst.add.f32.msk $0xffff, v3  }
0x5a4: {  	[tilespmem:s17+$0x8030] =	vst.add.f32.msk $0xffff, v4  }
0x5a5: {  	[tilespmem:s17+$0x8040] =	vst.add.f32.msk $0xffff, v5  }
0x5a6: {  	s19 =	simm.s32 $0x0;
	s22 =	sadd.s32 $0x1000, s7;
	[tilespmem:s17+$0x8050] =	vst.add.f32.msk $0xffff, v6  }
.LBB2_103:
0x5a7: {  	s19 =	sadd.s32 $0x80, s19;
	[tilespmem:s17+$0x8060] =	vst.add.f32.msk $0xffff, v0;
	s17 =	sshra.s32 s22, $0x2  }
0x5a8: {  	v0 =	vld [tilespmem:s17+$0x16070];
	p0 =	slt.u32 s19, $0x380  }
0x5a9: {  	v1 =	vld [tilespmem:s17+$0x16000]  }
0x5aa: {  	v2 =	vld [tilespmem:s17+$0x16010]  }
0x5ab: {  	v3 =	vld [tilespmem:s17+$0x16020]  }
0x5ac: {  	v4 =	vld [tilespmem:s17+$0x16030]  }
0x5ad: {  	[tilespmem:s17+$0x8070] =	vst.add.f32.msk $0xffff, v0  }
0x5ae: {  	v5 =	vld [tilespmem:s17+$0x16040]  }
0x5af: {  	v6 =	vld [tilespmem:s17+$0x16050]  }
0x5b0: {  	v0 =	vld [tilespmem:s17+$0x16060]  }
0x5b1: {  	[tilespmem:s17+$0x8000] =	vst.add.f32.msk $0xffff, v1  }
.Ltmp50:
0x5b2: {  	[tilespmem:s17+$0x8010] =	vst.add.f32.msk $0xffff, v2;
	(pc) =	sbr.rel @p0 .LBB2_103-.Ltmp50, $4  }
0x5b3: {  	[tilespmem:s17+$0x8020] =	vst.add.f32.msk $0xffff, v3  }
0x5b4: {  	[tilespmem:s17+$0x8030] =	vst.add.f32.msk $0xffff, v4  }
0x5b5: {  	[tilespmem:s17+$0x8040] =	vst.add.f32.msk $0xffff, v5  }
0x5b6: {  	s22 =	sadd.s32 $0x1000, s22;
	[tilespmem:s17+$0x8050] =	vst.add.f32.msk $0xffff, v6  }
0x5b7: {  	s8 =	sadd.s32 $0x1, s8  }
0x5b8: {  	p0 =	sne.s32 s8, $0x8  }
.Ltmp51:
0x5b9: {  	_ = 	snop;
	(pc) =	sbr.rel @p0 .LBB2_102-.Ltmp51, $2  }
0x5ba: {  	_ =	sdelay $0x2  }
0x5bb: {  	[tilespmem:s17+$0x8060] =	vst.add.f32.msk $0xffff, v0;
	s7 =	sadd.s32 $0x200, s7  }
0x5bc: {  	_ =	swait.ge [sflag:s31], $0x2000  }
0x5bd: {  	s8 =	sld [smem:$0x7EE]  }
0x5be: {  	[sflag:s31] =	ssyncset.done $0x0  }
0x5bf: {  	s7 =	simm.s32 $0x0;
	s19 =	sld [smem:$0x7F5];
	[sflag:s31] =	ssyncadd.s32 $0xFFFFE000  }
0x5c0: {  	[tilespmem:s14], [sflag:$0x4] =	stream.linear.gather [hbm4b:s8+s7], $0x2000, $0x38;
	[tilespmem:$0x1C000] =	vst v63  }
0x5c1: {  	s22 =	sld [smem:$0x7F6]  }
0x5c2: {  	[tilespmem:s15], [sflag:$0x4] =	stream.linear.gather [hbm4b:s19+s7], $0x2000, $0x38;
	[tilespmem:$0x1C000] =	vst v63  }
0x5c3: {  	_ = 	snop  }
0x5c4: {  	[hbm4b:s22+s7] =	stream.linear.scatter [tilespmem:s16], [sflag:$0xC], $0x2000, $0x38;
	[tilespmem:$0x1C000] =	vst v63  }
0x5c5: {  	_ =	swait.ge [sflag:s0], $0x2000  }
0x5c6: {  	[sflag:s0] =	ssyncset.done $0x0  }
0x5c7: {  	[sflag:s0] =	ssyncadd.s32 $0xFFFFE000  }
0x5c8: {  	_ =	swait.ge [sflag:s0], $0x2000  }
0x5c9: {  	[sflag:s0] =	ssyncset.done $0x0  }
0x5ca: {  	s8 =	simm.s32 $0x0;
	[sflag:s0] =	ssyncadd.s32 $0xFFFFE000  }
.LBB2_106:
0x5cb: {  	s17 =	sshra.s32 s7, $0x2  }
0x5cc: {  	v0 =	vld [tilespmem:s17+$0x18070]  }
0x5cd: {  	v1 =	vld [tilespmem:s17+$0x18000]  }
0x5ce: {  	v2 =	vld [tilespmem:s17+$0x18010]  }
0x5cf: {  	v3 =	vld [tilespmem:s17+$0x18020]  }
0x5d0: {  	v4 =	vld [tilespmem:s17+$0x18030]  }
0x5d1: {  	v5 =	vld [tilespmem:s17+$0x18040]  }
0x5d2: {  	v6 =	vld [tilespmem:s17+$0x18050]  }
0x5d3: {  	[tilespmem:s17+$0xA070] =	vst.add.f32.msk $0xffff, v0  }
0x5d4: {  	v0 =	vld [tilespmem:s17+$0x18060]  }
0x5d5: {  	[tilespmem:s17+$0xA000] =	vst.add.f32.msk $0xffff, v1  }
0x5d6: {  	[tilespmem:s17+$0xA010] =	vst.add.f32.msk $0xffff, v2  }
0x5d7: {  	[tilespmem:s17+$0xA020] =	vst.add.f32.msk $0xffff, v3  }
0x5d8: {  	[tilespmem:s17+$0xA030] =	vst.add.f32.msk $0xffff, v4  }
0x5d9: {  	[tilespmem:s17+$0xA040] =	vst.add.f32.msk $0xffff, v5  }
0x5da: {  	s19 =	simm.s32 $0x0;
	s22 =	sadd.s32 $0x1000, s7;
	[tilespmem:s17+$0xA050] =	vst.add.f32.msk $0xffff, v6  }
.LBB2_107:
0x5db: {  	s19 =	sadd.s32 $0x80, s19;
	[tilespmem:s17+$0xA060] =	vst.add.f32.msk $0xffff, v0;
	s17 =	sshra.s32 s22, $0x2  }
0x5dc: {  	v0 =	vld [tilespmem:s17+$0x18070];
	p0 =	slt.u32 s19, $0x380  }
0x5dd: {  	v1 =	vld [tilespmem:s17+$0x18000]  }
0x5de: {  	v2 =	vld [tilespmem:s17+$0x18010]  }
0x5df: {  	v3 =	vld [tilespmem:s17+$0x18020]  }
0x5e0: {  	v4 =	vld [tilespmem:s17+$0x18030]  }
0x5e1: {  	[tilespmem:s17+$0xA070] =	vst.add.f32.msk $0xffff, v0  }
0x5e2: {  	v5 =	vld [tilespmem:s17+$0x18040]  }
0x5e3: {  	v6 =	vld [tilespmem:s17+$0x18050]  }
0x5e4: {  	v0 =	vld [tilespmem:s17+$0x18060]  }
0x5e5: {  	[tilespmem:s17+$0xA000] =	vst.add.f32.msk $0xffff, v1  }
.Ltmp52:
0x5e6: {  	[tilespmem:s17+$0xA010] =	vst.add.f32.msk $0xffff, v2;
	(pc) =	sbr.rel @p0 .LBB2_107-.Ltmp52, $4  }
0x5e7: {  	[tilespmem:s17+$0xA020] =	vst.add.f32.msk $0xffff, v3  }
0x5e8: {  	[tilespmem:s17+$0xA030] =	vst.add.f32.msk $0xffff, v4  }
0x5e9: {  	[tilespmem:s17+$0xA040] =	vst.add.f32.msk $0xffff, v5  }
0x5ea: {  	s22 =	sadd.s32 $0x1000, s22;
	[tilespmem:s17+$0xA050] =	vst.add.f32.msk $0xffff, v6  }
0x5eb: {  	s8 =	sadd.s32 $0x1, s8  }
0x5ec: {  	p0 =	sne.s32 s8, $0x8  }
.Ltmp53:
0x5ed: {  	_ = 	snop;
	(pc) =	sbr.rel @p0 .LBB2_106-.Ltmp53, $2  }
0x5ee: {  	_ =	sdelay $0x2  }
0x5ef: {  	[tilespmem:s17+$0xA060] =	vst.add.f32.msk $0xffff, v0;
	s7 =	sadd.s32 $0x200, s7  }
0x5f0: {  	s8 =	sld [smem:$0x7F7];
	_ =	sdelay $0x1  }
0x5f1: {  	s7 =	simm.s32 $0x0  }
0x5f2: {  	[hbm4b:s8+s7] =	stream.linear.scatter [tilespmem:s18], [sflag:$0xD], $0x2000, $0x38;
	[tilespmem:$0x1C000] =	vst v63  }
0x5f3: {  	_ =	swait.ge [sflag:s3], $0x2000  }
0x5f4: {  	[sflag:s3] =	ssyncset.done $0x0  }
0x5f5: {  	[sflag:s3] =	ssyncadd.s32 $0xFFFFE000  }
0x5f6: {  	_ =	swait.ge [sflag:s3], $0x2000  }
0x5f7: {  	[sflag:s3] =	ssyncset.done $0x0  }
0x5f8: {  	s8 =	simm.s32 $0x0;
	[sflag:s3] =	ssyncadd.s32 $0xFFFFE000  }
.LBB2_110:
0x5f9: {  	s17 =	sshra.s32 s7, $0x2  }
0x5fa: {  	v0 =	vld [tilespmem:s17+$0x1A070]  }
0x5fb: {  	v1 =	vld [tilespmem:s17+$0x1A000]  }
0x5fc: {  	v2 =	vld [tilespmem:s17+$0x1A010]  }
0x5fd: {  	v3 =	vld [tilespmem:s17+$0x1A020]  }
0x5fe: {  	v4 =	vld [tilespmem:s17+$0x1A030]  }
0x5ff: {  	v5 =	vld [tilespmem:s17+$0x1A040]  }
0x600: {  	v6 =	vld [tilespmem:s17+$0x1A050]  }
0x601: {  	[tilespmem:s17+$0xC070] =	vst.add.f32.msk $0xffff, v0  }
0x602: {  	v0 =	vld [tilespmem:s17+$0x1A060]  }
0x603: {  	[tilespmem:s17+$0xC000] =	vst.add.f32.msk $0xffff, v1  }
0x604: {  	[tilespmem:s17+$0xC010] =	vst.add.f32.msk $0xffff, v2  }
0x605: {  	[tilespmem:s17+$0xC020] =	vst.add.f32.msk $0xffff, v3  }
0x606: {  	[tilespmem:s17+$0xC030] =	vst.add.f32.msk $0xffff, v4  }
0x607: {  	[tilespmem:s17+$0xC040] =	vst.add.f32.msk $0xffff, v5  }
0x608: {  	s19 =	simm.s32 $0x0;
	s22 =	sadd.s32 $0x1000, s7;
	[tilespmem:s17+$0xC050] =	vst.add.f32.msk $0xffff, v6  }
.LBB2_111:
0x609: {  	s19 =	sadd.s32 $0x80, s19;
	[tilespmem:s17+$0xC060] =	vst.add.f32.msk $0xffff, v0;
	s17 =	sshra.s32 s22, $0x2  }
0x60a: {  	v0 =	vld [tilespmem:s17+$0x1A070];
	p0 =	slt.u32 s19, $0x380  }
0x60b: {  	v1 =	vld [tilespmem:s17+$0x1A000]  }
0x60c: {  	v2 =	vld [tilespmem:s17+$0x1A010]  }
0x60d: {  	v3 =	vld [tilespmem:s17+$0x1A020]  }
0x60e: {  	v4 =	vld [tilespmem:s17+$0x1A030]  }
0x60f: {  	[tilespmem:s17+$0xC070] =	vst.add.f32.msk $0xffff, v0  }
0x610: {  	v5 =	vld [tilespmem:s17+$0x1A040]  }
0x611: {  	v6 =	vld [tilespmem:s17+$0x1A050]  }
0x612: {  	v0 =	vld [tilespmem:s17+$0x1A060]  }
0x613: {  	[tilespmem:s17+$0xC000] =	vst.add.f32.msk $0xffff, v1  }
.Ltmp54:
0x614: {  	[tilespmem:s17+$0xC010] =	vst.add.f32.msk $0xffff, v2;
	(pc) =	sbr.rel @p0 .LBB2_111-.Ltmp54, $4  }
0x615: {  	[tilespmem:s17+$0xC020] =	vst.add.f32.msk $0xffff, v3  }
0x616: {  	[tilespmem:s17+$0xC030] =	vst.add.f32.msk $0xffff, v4  }
0x617: {  	[tilespmem:s17+$0xC040] =	vst.add.f32.msk $0xffff, v5  }
0x618: {  	s22 =	sadd.s32 $0x1000, s22;
	[tilespmem:s17+$0xC050] =	vst.add.f32.msk $0xffff, v6  }
0x619: {  	s8 =	sadd.s32 $0x1, s8  }
0x61a: {  	p0 =	sne.s32 s8, $0x8  }
.Ltmp55:
0x61b: {  	_ = 	snop;
	(pc) =	sbr.rel @p0 .LBB2_110-.Ltmp55, $2  }
0x61c: {  	_ =	sdelay $0x2  }
0x61d: {  	[tilespmem:s17+$0xC060] =	vst.add.f32.msk $0xffff, v0;
	s7 =	sadd.s32 $0x200, s7  }
0x61e: {  	s8 =	sld [smem:$0x7F8];
	_ =	sdelay $0x1  }
0x61f: {  	s7 =	simm.s32 $0x0  }
0x620: {  	[hbm4b:s8+s7] =	stream.linear.scatter [tilespmem:s21], [sflag:$0xE], $0x2000, $0x38;
	[tilespmem:$0x1C000] =	vst v63  }
0x621: {  	_ =	swait.ge [sflag:s20], $0x2000  }
0x622: {  	[sflag:s20] =	ssyncset.done $0x0  }
0x623: {  	[sflag:s20] =	ssyncadd.s32 $0xFFFFE000  }
0x624: {  	_ =	swait.ge [sflag:s20], $0x2000  }
0x625: {  	[sflag:s20] =	ssyncset.done $0x0  }
0x626: {  	s8 =	simm.s32 $0x0;
	[sflag:s20] =	ssyncadd.s32 $0xFFFFE000  }
.LBB2_114:
0x627: {  	s17 =	sshra.s32 s7, $0x2  }
0x628: {  	v0 =	vld [tilespmem:s17+$0xE070]  }
0x629: {  	v1 =	vld [tilespmem:s17+$0xE000]  }
0x62a: {  	v2 =	vld [tilespmem:s17+$0xE010]  }
0x62b: {  	v3 =	vld [tilespmem:s17+$0xE020]  }
0x62c: {  	v4 =	vld [tilespmem:s17+$0xE030]  }
0x62d: {  	v5 =	vld [tilespmem:s17+$0xE040]  }
0x62e: {  	v6 =	vld [tilespmem:s17+$0xE050]  }
0x62f: {  	[tilespmem:s17+$0x70] =	vst.add.f32.msk $0xffff, v0  }
0x630: {  	v0 =	vld [tilespmem:s17+$0xE060]  }
0x631: {  	[tilespmem:s17+$0x0] =	vst.add.f32.msk $0xffff, v1  }
0x632: {  	[tilespmem:s17+$0x10] =	vst.add.f32.msk $0xffff, v2  }
0x633: {  	[tilespmem:s17+$0x20] =	vst.add.f32.msk $0xffff, v3  }
0x634: {  	[tilespmem:s17+$0x30] =	vst.add.f32.msk $0xffff, v4  }
0x635: {  	[tilespmem:s17+$0x40] =	vst.add.f32.msk $0xffff, v5  }
0x636: {  	s19 =	simm.s32 $0x0;
	s22 =	sadd.s32 $0x1000, s7;
	[tilespmem:s17+$0x50] =	vst.add.f32.msk $0xffff, v6  }
.LBB2_115:
0x637: {  	s19 =	sadd.s32 $0x80, s19;
	[tilespmem:s17+$0x60] =	vst.add.f32.msk $0xffff, v0;
	s17 =	sshra.s32 s22, $0x2  }
0x638: {  	v0 =	vld [tilespmem:s17+$0xE070];
	p0 =	slt.u32 s19, $0x380  }
0x639: {  	v1 =	vld [tilespmem:s17+$0xE000]  }
0x63a: {  	v2 =	vld [tilespmem:s17+$0xE010]  }
0x63b: {  	v3 =	vld [tilespmem:s17+$0xE020]  }
0x63c: {  	v4 =	vld [tilespmem:s17+$0xE030]  }
0x63d: {  	[tilespmem:s17+$0x70] =	vst.add.f32.msk $0xffff, v0  }
0x63e: {  	v5 =	vld [tilespmem:s17+$0xE040]  }
0x63f: {  	v6 =	vld [tilespmem:s17+$0xE050]  }
0x640: {  	v0 =	vld [tilespmem:s17+$0xE060]  }
0x641: {  	[tilespmem:s17+$0x0] =	vst.add.f32.msk $0xffff, v1  }
.Ltmp56:
0x642: {  	[tilespmem:s17+$0x10] =	vst.add.f32.msk $0xffff, v2;
	(pc) =	sbr.rel @p0 .LBB2_115-.Ltmp56, $4  }
0x643: {  	[tilespmem:s17+$0x20] =	vst.add.f32.msk $0xffff, v3  }
0x644: {  	[tilespmem:s17+$0x30] =	vst.add.f32.msk $0xffff, v4  }
0x645: {  	[tilespmem:s17+$0x40] =	vst.add.f32.msk $0xffff, v5  }
0x646: {  	s22 =	sadd.s32 $0x1000, s22;
	[tilespmem:s17+$0x50] =	vst.add.f32.msk $0xffff, v6  }
0x647: {  	s8 =	sadd.s32 $0x1, s8  }
0x648: {  	p0 =	sne.s32 s8, $0x8  }
.Ltmp57:
0x649: {  	_ = 	snop;
	(pc) =	sbr.rel @p0 .LBB2_114-.Ltmp57, $2  }
0x64a: {  	_ =	sdelay $0x2  }
0x64b: {  	[tilespmem:s17+$0x60] =	vst.add.f32.msk $0xffff, v0;
	s7 =	sadd.s32 $0x200, s7  }
0x64c: {  	s8 =	sld [smem:$0x7F9];
	_ =	sdelay $0x1  }
0x64d: {  	s7 =	simm.s32 $0x0  }
0x64e: {  	[hbm4b:s8+s7] =	stream.linear.scatter [tilespmem:s7], [sflag:$0x8], $0x2000, $0x38;
	[tilespmem:$0x1C000] =	vst v63  }
0x64f: {  	_ =	swait.ge [sflag:s23], $0x2000  }
0x650: {  	[sflag:s23] =	ssyncset.done $0x0  }
0x651: {  	[sflag:s23] =	ssyncadd.s32 $0xFFFFE000  }
0x652: {  	_ =	swait.ge [sflag:s23], $0x2000  }
0x653: {  	[sflag:s23] =	ssyncset.done $0x0  }
0x654: {  	s8 =	simm.s32 $0x0;
	[sflag:s23] =	ssyncadd.s32 $0xFFFFE000  }
.LBB2_118:
0x655: {  	s17 =	sshra.s32 s7, $0x2  }
0x656: {  	v0 =	vld [tilespmem:s17+$0x10070]  }
0x657: {  	v1 =	vld [tilespmem:s17+$0x10000]  }
0x658: {  	v2 =	vld [tilespmem:s17+$0x10010]  }
0x659: {  	v3 =	vld [tilespmem:s17+$0x10020]  }
0x65a: {  	v4 =	vld [tilespmem:s17+$0x10030]  }
0x65b: {  	v5 =	vld [tilespmem:s17+$0x10040]  }
0x65c: {  	v6 =	vld [tilespmem:s17+$0x10050]  }
0x65d: {  	[tilespmem:s17+$0x2070] =	vst.add.f32.msk $0xffff, v0  }
0x65e: {  	v0 =	vld [tilespmem:s17+$0x10060]  }
0x65f: {  	[tilespmem:s17+$0x2000] =	vst.add.f32.msk $0xffff, v1  }
0x660: {  	[tilespmem:s17+$0x2010] =	vst.add.f32.msk $0xffff, v2  }
0x661: {  	[tilespmem:s17+$0x2020] =	vst.add.f32.msk $0xffff, v3  }
0x662: {  	[tilespmem:s17+$0x2030] =	vst.add.f32.msk $0xffff, v4  }
0x663: {  	[tilespmem:s17+$0x2040] =	vst.add.f32.msk $0xffff, v5  }
0x664: {  	s19 =	simm.s32 $0x0;
	s22 =	sadd.s32 $0x1000, s7;
	[tilespmem:s17+$0x2050] =	vst.add.f32.msk $0xffff, v6  }
.LBB2_119:
0x665: {  	s19 =	sadd.s32 $0x80, s19;
	[tilespmem:s17+$0x2060] =	vst.add.f32.msk $0xffff, v0;
	s17 =	sshra.s32 s22, $0x2  }
0x666: {  	v0 =	vld [tilespmem:s17+$0x10070];
	p0 =	slt.u32 s19, $0x380  }
0x667: {  	v1 =	vld [tilespmem:s17+$0x10000]  }
0x668: {  	v2 =	vld [tilespmem:s17+$0x10010]  }
0x669: {  	v3 =	vld [tilespmem:s17+$0x10020]  }
0x66a: {  	v4 =	vld [tilespmem:s17+$0x10030]  }
0x66b: {  	[tilespmem:s17+$0x2070] =	vst.add.f32.msk $0xffff, v0  }
0x66c: {  	v5 =	vld [tilespmem:s17+$0x10040]  }
0x66d: {  	v6 =	vld [tilespmem:s17+$0x10050]  }
0x66e: {  	v0 =	vld [tilespmem:s17+$0x10060]  }
0x66f: {  	[tilespmem:s17+$0x2000] =	vst.add.f32.msk $0xffff, v1  }
.Ltmp58:
0x670: {  	[tilespmem:s17+$0x2010] =	vst.add.f32.msk $0xffff, v2;
	(pc) =	sbr.rel @p0 .LBB2_119-.Ltmp58, $4  }
0x671: {  	[tilespmem:s17+$0x2020] =	vst.add.f32.msk $0xffff, v3  }
0x672: {  	[tilespmem:s17+$0x2030] =	vst.add.f32.msk $0xffff, v4  }
0x673: {  	[tilespmem:s17+$0x2040] =	vst.add.f32.msk $0xffff, v5  }
0x674: {  	s22 =	sadd.s32 $0x1000, s22;
	[tilespmem:s17+$0x2050] =	vst.add.f32.msk $0xffff, v6  }
0x675: {  	s8 =	sadd.s32 $0x1, s8  }
0x676: {  	p0 =	sne.s32 s8, $0x8  }
.Ltmp59:
0x677: {  	_ = 	snop;
	(pc) =	sbr.rel @p0 .LBB2_118-.Ltmp59, $2  }
0x678: {  	_ =	sdelay $0x2  }
0x679: {  	[tilespmem:s17+$0x2060] =	vst.add.f32.msk $0xffff, v0;
	s7 =	sadd.s32 $0x200, s7  }
0x67a: {  	s8 =	sld [smem:$0x7FA];
	_ =	sdelay $0x1  }
0x67b: {  	s7 =	simm.s32 $0x0  }
0x67c: {  	[hbm4b:s8+s7] =	stream.linear.scatter [tilespmem:s10], [sflag:$0x9], $0x2000, $0x38;
	[tilespmem:$0x1C000] =	vst v63  }
0x67d: {  	_ =	swait.ge [sflag:s25], $0x2000  }
0x67e: {  	[sflag:s25] =	ssyncset.done $0x0  }
0x67f: {  	[sflag:s25] =	ssyncadd.s32 $0xFFFFE000  }
0x680: {  	_ =	swait.ge [sflag:s25], $0x2000  }
0x681: {  	[sflag:s25] =	ssyncset.done $0x0  }
0x682: {  	s8 =	simm.s32 $0x0;
	[sflag:s25] =	ssyncadd.s32 $0xFFFFE000  }
.LBB2_122:
0x683: {  	s17 =	sshra.s32 s7, $0x2  }
0x684: {  	v0 =	vld [tilespmem:s17+$0x12070]  }
0x685: {  	v1 =	vld [tilespmem:s17+$0x12000]  }
0x686: {  	v2 =	vld [tilespmem:s17+$0x12010]  }
0x687: {  	v3 =	vld [tilespmem:s17+$0x12020]  }
0x688: {  	v4 =	vld [tilespmem:s17+$0x12030]  }
0x689: {  	v5 =	vld [tilespmem:s17+$0x12040]  }
0x68a: {  	v6 =	vld [tilespmem:s17+$0x12050]  }
0x68b: {  	[tilespmem:s17+$0x4070] =	vst.add.f32.msk $0xffff, v0  }
0x68c: {  	v0 =	vld [tilespmem:s17+$0x12060]  }
0x68d: {  	[tilespmem:s17+$0x4000] =	vst.add.f32.msk $0xffff, v1  }
0x68e: {  	[tilespmem:s17+$0x4010] =	vst.add.f32.msk $0xffff, v2  }
0x68f: {  	[tilespmem:s17+$0x4020] =	vst.add.f32.msk $0xffff, v3  }
0x690: {  	[tilespmem:s17+$0x4030] =	vst.add.f32.msk $0xffff, v4  }
0x691: {  	[tilespmem:s17+$0x4040] =	vst.add.f32.msk $0xffff, v5  }
0x692: {  	s19 =	simm.s32 $0x0;
	s22 =	sadd.s32 $0x1000, s7;
	[tilespmem:s17+$0x4050] =	vst.add.f32.msk $0xffff, v6  }
.LBB2_123:
0x693: {  	s19 =	sadd.s32 $0x80, s19;
	[tilespmem:s17+$0x4060] =	vst.add.f32.msk $0xffff, v0;
	s17 =	sshra.s32 s22, $0x2  }
0x694: {  	v0 =	vld [tilespmem:s17+$0x12070];
	p0 =	slt.u32 s19, $0x380  }
0x695: {  	v1 =	vld [tilespmem:s17+$0x12000]  }
0x696: {  	v2 =	vld [tilespmem:s17+$0x12010]  }
0x697: {  	v3 =	vld [tilespmem:s17+$0x12020]  }
0x698: {  	v4 =	vld [tilespmem:s17+$0x12030]  }
0x699: {  	[tilespmem:s17+$0x4070] =	vst.add.f32.msk $0xffff, v0  }
0x69a: {  	v5 =	vld [tilespmem:s17+$0x12040]  }
0x69b: {  	v6 =	vld [tilespmem:s17+$0x12050]  }
0x69c: {  	v0 =	vld [tilespmem:s17+$0x12060]  }
0x69d: {  	[tilespmem:s17+$0x4000] =	vst.add.f32.msk $0xffff, v1  }
.Ltmp60:
0x69e: {  	[tilespmem:s17+$0x4010] =	vst.add.f32.msk $0xffff, v2;
	(pc) =	sbr.rel @p0 .LBB2_123-.Ltmp60, $4  }
0x69f: {  	[tilespmem:s17+$0x4020] =	vst.add.f32.msk $0xffff, v3  }
0x6a0: {  	[tilespmem:s17+$0x4030] =	vst.add.f32.msk $0xffff, v4  }
0x6a1: {  	[tilespmem:s17+$0x4040] =	vst.add.f32.msk $0xffff, v5  }
0x6a2: {  	s22 =	sadd.s32 $0x1000, s22;
	[tilespmem:s17+$0x4050] =	vst.add.f32.msk $0xffff, v6  }
0x6a3: {  	s8 =	sadd.s32 $0x1, s8  }
0x6a4: {  	p0 =	sne.s32 s8, $0x8  }
.Ltmp61:
0x6a5: {  	_ = 	snop;
	(pc) =	sbr.rel @p0 .LBB2_122-.Ltmp61, $2  }
0x6a6: {  	_ =	sdelay $0x2  }
0x6a7: {  	[tilespmem:s17+$0x4060] =	vst.add.f32.msk $0xffff, v0;
	s7 =	sadd.s32 $0x200, s7  }
0x6a8: {  	s8 =	sld [smem:$0x7FB];
	_ =	sdelay $0x1  }
0x6a9: {  	s7 =	simm.s32 $0x0  }
0x6aa: {  	[hbm4b:s8+s7] =	stream.linear.scatter [tilespmem:s12], [sflag:$0xA], $0x2000, $0x38;
	[tilespmem:$0x1C000] =	vst v63  }
0x6ab: {  	_ =	swait.ge [sflag:s28], $0x2000  }
0x6ac: {  	[sflag:s28] =	ssyncset.done $0x0  }
0x6ad: {  	[sflag:s28] =	ssyncadd.s32 $0xFFFFE000  }
0x6ae: {  	_ =	swait.ge [sflag:s28], $0x2000  }
0x6af: {  	[sflag:s28] =	ssyncset.done $0x0  }
0x6b0: {  	s8 =	simm.s32 $0x0;
	[sflag:s28] =	ssyncadd.s32 $0xFFFFE000  }
.LBB2_126:
0x6b1: {  	s17 =	sshra.s32 s7, $0x2  }
0x6b2: {  	v0 =	vld [tilespmem:s17+$0x14070]  }
0x6b3: {  	v1 =	vld [tilespmem:s17+$0x14000]  }
0x6b4: {  	v2 =	vld [tilespmem:s17+$0x14010]  }
0x6b5: {  	v3 =	vld [tilespmem:s17+$0x14020]  }
0x6b6: {  	v4 =	vld [tilespmem:s17+$0x14030]  }
0x6b7: {  	v5 =	vld [tilespmem:s17+$0x14040]  }
0x6b8: {  	v6 =	vld [tilespmem:s17+$0x14050]  }
0x6b9: {  	[tilespmem:s17+$0x6070] =	vst.add.f32.msk $0xffff, v0  }
0x6ba: {  	v0 =	vld [tilespmem:s17+$0x14060]  }
0x6bb: {  	[tilespmem:s17+$0x6000] =	vst.add.f32.msk $0xffff, v1  }
0x6bc: {  	[tilespmem:s17+$0x6010] =	vst.add.f32.msk $0xffff, v2  }
0x6bd: {  	[tilespmem:s17+$0x6020] =	vst.add.f32.msk $0xffff, v3  }
0x6be: {  	[tilespmem:s17+$0x6030] =	vst.add.f32.msk $0xffff, v4  }
0x6bf: {  	[tilespmem:s17+$0x6040] =	vst.add.f32.msk $0xffff, v5  }
0x6c0: {  	s19 =	simm.s32 $0x0;
	s22 =	sadd.s32 $0x1000, s7;
	[tilespmem:s17+$0x6050] =	vst.add.f32.msk $0xffff, v6  }
.LBB2_127:
0x6c1: {  	s19 =	sadd.s32 $0x80, s19;
	[tilespmem:s17+$0x6060] =	vst.add.f32.msk $0xffff, v0;
	s17 =	sshra.s32 s22, $0x2  }
0x6c2: {  	v0 =	vld [tilespmem:s17+$0x14070];
	p0 =	slt.u32 s19, $0x380  }
0x6c3: {  	v1 =	vld [tilespmem:s17+$0x14000]  }
0x6c4: {  	v2 =	vld [tilespmem:s17+$0x14010]  }
0x6c5: {  	v3 =	vld [tilespmem:s17+$0x14020]  }
0x6c6: {  	v4 =	vld [tilespmem:s17+$0x14030]  }
0x6c7: {  	[tilespmem:s17+$0x6070] =	vst.add.f32.msk $0xffff, v0  }
0x6c8: {  	v5 =	vld [tilespmem:s17+$0x14040]  }
0x6c9: {  	v6 =	vld [tilespmem:s17+$0x14050]  }
0x6ca: {  	v0 =	vld [tilespmem:s17+$0x14060]  }
0x6cb: {  	[tilespmem:s17+$0x6000] =	vst.add.f32.msk $0xffff, v1  }
.Ltmp62:
0x6cc: {  	[tilespmem:s17+$0x6010] =	vst.add.f32.msk $0xffff, v2;
	(pc) =	sbr.rel @p0 .LBB2_127-.Ltmp62, $4  }
0x6cd: {  	[tilespmem:s17+$0x6020] =	vst.add.f32.msk $0xffff, v3  }
0x6ce: {  	[tilespmem:s17+$0x6030] =	vst.add.f32.msk $0xffff, v4  }
0x6cf: {  	[tilespmem:s17+$0x6040] =	vst.add.f32.msk $0xffff, v5  }
0x6d0: {  	s22 =	sadd.s32 $0x1000, s22;
	[tilespmem:s17+$0x6050] =	vst.add.f32.msk $0xffff, v6  }
0x6d1: {  	s8 =	sadd.s32 $0x1, s8  }
0x6d2: {  	p0 =	sne.s32 s8, $0x8  }
.Ltmp63:
0x6d3: {  	_ = 	snop;
	(pc) =	sbr.rel @p0 .LBB2_126-.Ltmp63, $2  }
0x6d4: {  	_ =	sdelay $0x2  }
0x6d5: {  	[tilespmem:s17+$0x6060] =	vst.add.f32.msk $0xffff, v0;
	s7 =	sadd.s32 $0x200, s7  }
0x6d6: {  	s7 =	sld [smem:$0x7FC];
	_ =	sdelay $0x2  }
0x6d7: {  	[hbm4b:s7+s1] =	stream.linear.scatter [tilespmem:s14], [sflag:$0xB], $0x2000, $0x38;
	[tilespmem:$0x1C000] =	vst v63  }
0x6d8: {  	_ =	swait.ge [sflag:s2], $0x2000  }
0x6d9: {  	[sflag:s2] =	ssyncset.done $0x0  }
0x6da: {  	[sflag:s2] =	ssyncadd.s32 $0xFFFFE000  }
0x6db: {  	_ =	swait.ge [sflag:s4], $0x2000  }
0x6dc: {  	[sflag:s4] =	ssyncset.done $0x0  }
0x6dd: {  	[sflag:s4] =	ssyncadd.s32 $0xFFFFE000  }
0x6de: {  	_ =	swait.ge [sflag:s5], $0x2000  }
0x6df: {  	[sflag:s5] =	ssyncset.done $0x0  }
0x6e0: {  	[sflag:s5] =	ssyncadd.s32 $0xFFFFE000  }
0x6e1: {  	_ =	swait.ge [sflag:s24], $0x2000  }
0x6e2: {  	[sflag:s24] =	ssyncset.done $0x0  }
0x6e3: {  	[sflag:s24] =	ssyncadd.s32 $0xFFFFE000  }
0x6e4: {  	_ =	swait.ge [sflag:s26], $0x2000  }
0x6e5: {  	[sflag:s26] =	ssyncset.done $0x0  }
0x6e6: {  	[sflag:s26] =	ssyncadd.s32 $0xFFFFE000  }
0x6e7: {  	_ =	swait.ge [sflag:s29], $0x2000  }
0x6e8: {  	[sflag:s29] =	ssyncset.done $0x0  }
0x6e9: {  	[sflag:s29] =	ssyncadd.s32 $0xFFFFE000  }
0x6ea: {  	_ =	swait.ge [sflag:s31], $0x2000  }
0x6eb: {  	s22 =	sld [smem:$0x7FD];
	_ =	sdelay $0x1  }
0x6ec: {  	s6 =	sadd.s32 $0x1, s6  }
0x6ed: {  	p0 =	sne.s32 s6, s22  }
.Ltmp64:
0x6ee: {  	_ = 	snop;
	(pc) =	sbr.rel @p0 .LBB2_1-.Ltmp64, $3  }
0x6ef: {  	_ =	sdelay $0x1  }
0x6f0: {  	[sflag:s31] =	ssyncset.done $0x0  }
0x6f1: {  	[sflag:s31] =	ssyncadd.s32 $0xFFFFE000  }
0x6f2: {  	_ =	sfence.sel $0x180000  }
0x6f3: {  	[bflag:$0x0] =	sbarrier.arrive $0xFFFF  }
0x6f4: {  	_ =	strace $0x90000047  }
0x6f5: {  	s0 =	stileid.u32;
	[bflag:$0x2] =	sbarrier.arrive $0xFFFF  }
0x6f6: {  	p0 =	sne.s32 s0, $0x0;
	s0 =	rddreg [dreg:$0x3]  }
0x6f7: {  	s0 =	sadd.s32 @!p0 $0x100000, s0  }
0x6f8: {  	[sflag:s0] =	ssyncadd.tile.s32 @!p0 $0x1;
	_ =	shalt  }
.Lfunc_end2:
_tile_overlayer_lowered:
.L_overlay_start_2:
0x6f9: {  	(tag) =	ssettag $0x2  }
0x6fa: {  	s0 =	rddreg [dreg:$0x0];
	s2 =	stileid.u32  }
0x6fb: {  	s1 =	rddreg [dreg:$0x1];
	p0 =	sne.s32 s2, $0x0  }
0x6fc: {  	s3 =	rddreg [dreg:$0x2];
	[bflag:$0x3] =	sbarrier.arrive $0xFFFF;
	s2 =	simm.s32 @!p0 $0x1C0F  }
0x6fd: {  	[timem:s3], [sflag:s2] =	dma.local @!p0 [hbm:s0], s1  }
0x6fe: {  	s0 =	simm.s32 @!p0 $0xF  }
0x6ff: {  	_ =	swait.ge @!p0 [sflag:s0], s1  }
0x700: {  	s1 =	ssub.s32 @!p0 $0x0, s1;
	[sflag:s0] =	ssyncset.done @!p0 $0x0  }
0x701: {  	[sflag:s0] =	ssyncadd.s32 @!p0 s1  }
0x702: {  	[bflag:$0x3] =	sbarrier.arrive $0xFFFF  }
0x703: {  	_ =	shalt  }

</sc_bundles>
